<compile_context>
chip_gen: v7x
topology: tpu7x:2x2x1
jax: 0.10.2.dev20260603
libtpu: 0.0.44.dev20260713+nightly
codegen_flags: <defaults>
</compile_context>

<pallas_src>
import functools

import jax
import jax.numpy as jnp
from jax import lax
from jax.experimental import pallas as pl
from jax.experimental.pallas import tpu as pltpu
from jax.experimental.pallas import tpu_sc as plsc

N = 1 << 20
NC = 2
NS = 16
NW = NC * NS
CH = N // NW
VPC = CH // 16
HV = VPC // 2
BINS = 14336
SLICE = 512
NSL = BINS // SLICE
SVR = SLICE // 16
BSCALE = (BINS - 1.0) / float(1 << 24)

INV_N = 1.0 / N
HALF_M = (N - 1.0) / (2.0 * N)
CORR_SCALE = 12.0 * N / (N * N - 1.0)

_MESH = plsc.VectorSubcoreMesh(core_axis_name="c", subcore_axis_name="s")


def _wid():
    return lax.axis_index("s") * NC + lax.axis_index("c")


def _bucket(v):
    u = plsc.bitcast(v, jnp.uint32)
    k = jnp.where(u >= jnp.uint32(0x80000000), ~u, u | jnp.uint32(0x80000000))
    k24 = (k >> jnp.uint32(8)).astype(jnp.int32)
    return (k24.astype(jnp.float32) * jnp.float32(BSCALE)).astype(jnp.int32)


def _scan_one_based():
    occ, _ = plsc.scan_count(jnp.zeros((16,), jnp.int32))
    total = jnp.sum(occ)
    return (total - 120) // 16


def _k1_body(preds_hbm, targets_hbm, histp_hbm, histt_hbm, msep_hbm,
             bufp, buft, hp_v, ht_v, out16):
    w = _wid()
    base = w * CH
    pltpu.sync_copy(preds_hbm.at[pl.ds(base, CH)], bufp)
    pltpu.sync_copy(targets_hbm.at[pl.ds(base, CH)], buft)

    @plsc.parallel_loop(0, BINS // 16, unroll=8)
    def zero(i):
        hp_v[pl.ds(i * 16, 16)] = jnp.zeros((16,), jnp.int32)
        ht_v[pl.ds(i * 16, 16)] = jnp.zeros((16,), jnp.int32)

    one_based = _scan_one_based()
    cnt_bias = 1 - one_based

    @plsc.parallel_loop(0, VPC, unroll=4,
                        carry=jnp.zeros((16,), jnp.float32))
    def hist_loop(i, mse_acc):
        vp = bufp[pl.ds(i * 16, 16)]
        vt = buft[pl.ds(i * 16, 16)]
        hp = _bucket(vp)
        ht = _bucket(vt)
        occp, lastp = plsc.scan_count(hp)
        occt, lastt = plsc.scan_count(ht)
        plsc.addupdate_scatter(hp_v, [hp], occp + cnt_bias, mask=lastp)
        plsc.addupdate_scatter(ht_v, [ht], occt + cnt_bias, mask=lastt)
        d = vp - vt
        return mse_acc + d * d

    mse_acc = hist_loop
    out16[...] = mse_acc
    pltpu.sync_copy(hp_v, histp_hbm.at[w])
    pltpu.sync_copy(ht_v, histt_hbm.at[w])
    pltpu.sync_copy(out16, msep_hbm.at[w])


_k1 = pl.kernel(
    _k1_body,
    out_type=(
        jax.ShapeDtypeStruct((NW, BINS), jnp.int32),
        jax.ShapeDtypeStruct((NW, BINS), jnp.int32),
        jax.ShapeDtypeStruct((NW, 16), jnp.float32),
    ),
    mesh=_MESH,
    compiler_params=pltpu.CompilerParams(needs_layout_passes=False),
    scratch_types=[
        pltpu.VMEM((CH,), jnp.float32),
        pltpu.VMEM((CH,), jnp.float32),
        pltpu.VMEM((BINS,), jnp.int32),
        pltpu.VMEM((BINS,), jnp.int32),
        pltpu.VMEM((16,), jnp.float32),
    ],
)


def _k2_body(histp_hbm, histt_hbm,
             colp_hbm, stotp_hbm,
             colt_hbm, stott_hbm,
             hcols, colpre, btot, binpre, out128):
    s = _wid()
    s_eff = jnp.minimum(s, NSL - 1)
    for hist_hbm, col_hbm, stot_hbm in (
        (histp_hbm, colp_hbm, stotp_hbm),
        (histt_hbm, colt_hbm, stott_hbm),
    ):
        pltpu.sync_copy(hist_hbm.at[:, pl.ds(s_eff * SLICE, SLICE)], hcols)

        def cols(jv, carry):
            acc = jnp.zeros((16,), jnp.int32)
            for w_ in range(NW):
                colpre[w_, pl.ds(jv * 16, 16)] = acc
                acc = acc + hcols[w_, pl.ds(jv * 16, 16)]
            btot[pl.ds(jv * 16, 16)] = acc
            return carry

        lax.fori_loop(0, SVR, cols, 0)

        def binscan(jv, carry):
            c = btot[pl.ds(jv * 16, 16)]
            cs = plsc.cumsum(c)
            binpre[pl.ds(jv * 16, 16)] = cs - c + carry
            return carry + jnp.sum(c)

        total = lax.fori_loop(0, SVR, binscan, jnp.int32(0))

        def fold(jv, carry):
            b = binpre[pl.ds(jv * 16, 16)]
            for w_ in range(NW):
                colpre[w_, pl.ds(jv * 16, 16)] = (
                    colpre[w_, pl.ds(jv * 16, 16)] + b
                )
            return carry

        lax.fori_loop(0, SVR, fold, 0)

        for v_ in range(8):
            out128[pl.ds(v_ * 16, 16)] = jnp.full((16,), total, jnp.int32)
        pltpu.sync_copy(colpre, col_hbm.at[:, pl.ds(s_eff * SLICE, SLICE)])
        pltpu.sync_copy(out128, stot_hbm.at[pl.ds(s * 128, 128)])


_k2 = pl.kernel(
    _k2_body,
    out_type=(
        jax.ShapeDtypeStruct((NW, BINS), jnp.int32),
        jax.ShapeDtypeStruct((NW * 128,), jnp.int32),
        jax.ShapeDtypeStruct((NW, BINS), jnp.int32),
        jax.ShapeDtypeStruct((NW * 128,), jnp.int32),
    ),
    mesh=_MESH,
    compiler_params=pltpu.CompilerParams(needs_layout_passes=False),
    scratch_types=[
        pltpu.VMEM((NW, SLICE), jnp.int32),
        pltpu.VMEM((NW, SLICE), jnp.int32),
        pltpu.VMEM((SLICE,), jnp.int32),
        pltpu.VMEM((SLICE,), jnp.int32),
        pltpu.VMEM((128,), jnp.int32),
    ],
)


def _k3_body(preds_hbm, targets_hbm,
             colp_hbm, stotp_hbm,
             colt_hbm, stott_hbm,
             spart_hbm,
             bufp, buft, cp1, cp2, ct1, ct2, combo, out16):
    w = _wid()
    i16 = lax.broadcasted_iota(jnp.int32, (16,), 0)
    z16 = jnp.zeros((16,), jnp.int32)
    base = w * CH
    pltpu.sync_copy(preds_hbm.at[pl.ds(base, CH)], bufp)
    pltpu.sync_copy(targets_hbm.at[pl.ds(base, CH)], buft)

    one_based = _scan_one_based()
    cnt_bias = 1 - one_based

    for col_hbm, stot_hbm, c1, c2 in (
        (colp_hbm, stotp_hbm, cp1, cp2),
        (colt_hbm, stott_hbm, ct1, ct2),
    ):
        pltpu.sync_copy(stot_hbm, c1.at[pl.ds(0, NW * 128)])
        g0 = plsc.load_gather(c1, [i16 * 128])
        g1 = plsc.load_gather(c1, [(i16 + 16) * 128])
        off0 = plsc.cumsum(g0) - g0
        off1 = plsc.cumsum(g1) - g1 + jnp.sum(g0)
        combo[pl.ds(512, 16)] = off0
        combo[pl.ds(528, 16)] = off1

        pltpu.sync_copy(col_hbm.at[w], c1)

        @plsc.parallel_loop(0, BINS // 16, unroll=8)
        def addoff(i):
            s = i >> 5
            offsl = plsc.load_gather(combo, [z16 + (s + 512)])
            v = c1[pl.ds(i * 16, 16)] + offsl
            c1[pl.ds(i * 16, 16)] = v
            c2[pl.ds(i * 16, 16)] = v

    @plsc.parallel_loop(0, HV, unroll=4)
    def hist1(i):
        vp = bufp[pl.ds(i * 16, 16)]
        vt = buft[pl.ds(i * 16, 16)]
        hp = _bucket(vp)
        ht = _bucket(vt)
        occp, lastp = plsc.scan_count(hp)
        occt, lastt = plsc.scan_count(ht)
        plsc.addupdate_scatter(cp2, [hp], occp + cnt_bias, mask=lastp)
        plsc.addupdate_scatter(ct2, [ht], occt + cnt_bias, mask=lastt)

    def body(i, accs):
        a1, a2 = accs
        vp1 = bufp[pl.ds(i * 16, 16)]
        vt1 = buft[pl.ds(i * 16, 16)]
        vp2 = bufp[pl.ds((HV + i) * 16, 16)]
        vt2 = buft[pl.ds((HV + i) * 16, 16)]
        hp1 = _bucket(vp1)
        ht1 = _bucket(vt1)
        hp2 = _bucket(vp2)
        ht2 = _bucket(vt2)
        occp1, lastp1 = plsc.scan_count(hp1)
        occt1, lastt1 = plsc.scan_count(ht1)
        occp2, lastp2 = plsc.scan_count(hp2)
        occt2, lastt2 = plsc.scan_count(ht2)
        curp1 = plsc.load_gather(cp1, [hp1])
        curt1 = plsc.load_gather(ct1, [ht1])
        curp2 = plsc.load_gather(cp2, [hp2])
        curt2 = plsc.load_gather(ct2, [ht2])
        plsc.addupdate_scatter(cp1, [hp1], occp1 + cnt_bias, mask=lastp1)
        plsc.addupdate_scatter(ct1, [ht1], occt1 + cnt_bias, mask=lastt1)
        plsc.addupdate_scatter(cp2, [hp2], occp2 + cnt_bias, mask=lastp2)
        plsc.addupdate_scatter(ct2, [ht2], occt2 + cnt_bias, mask=lastt2)
        xp1 = (curp1 + occp1 - one_based).astype(jnp.float32) * INV_N - HALF_M
        xt1 = (curt1 + occt1 - one_based).astype(jnp.float32) * INV_N - HALF_M
        xp2 = (curp2 + occp2 - one_based).astype(jnp.float32) * INV_N - HALF_M
        xt2 = (curt2 + occt2 - one_based).astype(jnp.float32) * INV_N - HALF_M
        return (a1 + xp1 * xt1, a2 + xp2 * xt2)

    acc1, acc2 = lax.fori_loop(
        0, HV, body,
        (jnp.zeros((16,), jnp.float32), jnp.zeros((16,), jnp.float32)))
    out16[...] = acc1 + acc2
    pltpu.sync_copy(out16, spart_hbm.at[w])


_k3 = pl.kernel(
    _k3_body,
    out_type=jax.ShapeDtypeStruct((NW, 16), jnp.float32),
    mesh=_MESH,
    compiler_params=pltpu.CompilerParams(needs_layout_passes=False),
    scratch_types=[
        pltpu.VMEM((CH,), jnp.float32),
        pltpu.VMEM((CH,), jnp.float32),
        pltpu.VMEM((BINS,), jnp.int32),
        pltpu.VMEM((BINS,), jnp.int32),
        pltpu.VMEM((BINS,), jnp.int32),
        pltpu.VMEM((BINS,), jnp.int32),
        pltpu.VMEM((1024,), jnp.int32),
        pltpu.VMEM((16,), jnp.float32),
    ],
)


def _k4_body(spart_ref, msep_ref, out_ref):
    ssum = jnp.sum(spart_ref[...])
    mse = jnp.sum(msep_ref[...]) * INV_N
    corr = ssum * CORR_SCALE
    loss = 0.5 * mse + 0.5 * (1.0 - corr)
    out_ref[...] = jnp.full((1, 1), loss, jnp.float32)


@jax.jit
def kernel(preds, targets):
    histp, histt, msep = _k1(preds, targets)
    colp, stotp, colt, stott = _k2(histp, histt)
    spart = _k3(preds, targets, colp, stotp, colt, stott)
    loss = pl.pallas_call(
        _k4_body,
        out_shape=jax.ShapeDtypeStruct((1, 1), jnp.float32),
    )(spart, msep)
    return loss[0, 0]

# --- scband reference (transcript-rebuilt; emitter-appended) ---
"""Pipeline reference for scband-combined-loss-22694607192126 (READ-ONLY COPY).

The authoritative reference and input builder live on the scoring server;
editing this copy changes nothing except your own understanding.
"""

import jax, jax.numpy as jnp
import numpy as np


def setup_inputs(seed: int = 0) -> dict:
    key = jax.random.key(seed)
    k1, k2 = jax.random.split(key)
    preds = jax.random.normal(k1, (1048576,), dtype=jnp.float32)
    targets = jax.random.normal(k2, (1048576,), dtype=jnp.float32)
    return {"preds": preds, "targets": targets}


def reference(preds, targets):
    alpha = 0.5
    # MSE term
    mse = jnp.mean((preds - targets) ** 2)
    # Rank via double argsort (same as torch argsort().argsort())
    preds_rank = jnp.argsort(jnp.argsort(preds))
    targets_rank = jnp.argsort(jnp.argsort(targets))
    ranks = jnp.vstack((preds_rank, targets_rank)).astype(jnp.float32)
    corr_matrix = jnp.corrcoef(ranks)
    corr_loss = 1.0 - corr_matrix[0, 1]
    combined_loss = alpha * mse + (1.0 - alpha) * corr_loss
    return combined_loss

if __name__ == "__main__":
    import jax
    _d = setup_inputs()
    print(jax.jit(kernel)(*tuple(_d.values())))

</pallas_src>

<mosaic_0001>
#map = affine_map<(d0, d1) -> (0, 0)>
#map1 = affine_map<(d0, d1) -> (0)>
module attributes {stable_mosaic.version = 14 : i64} {
  func.func @_k2_body(%arg0: i32, %arg1: i32, %arg2: memref<32x14336xi32, #tpu.memory_space<hbm>>, %arg3: memref<32x14336xi32, #tpu.memory_space<hbm>>, %arg4: memref<32x14336xi32, #tpu.memory_space<hbm>>, %arg5: memref<4096xi32, #tpu.memory_space<hbm>>, %arg6: memref<32x14336xi32, #tpu.memory_space<hbm>>, %arg7: memref<4096xi32, #tpu.memory_space<hbm>>, %arg8: memref<32x512xi32, #tpu.memory_space<vmem>>, %arg9: memref<32x512xi32, #tpu.memory_space<vmem>>, %arg10: memref<512xi32, #tpu.memory_space<vmem>>, %arg11: memref<512xi32, #tpu.memory_space<vmem>>, %arg12: memref<128xi32, #tpu.memory_space<vmem>>) attributes {dimension_semantics = [#tpu.dimension_semantics<core_parallel>, #tpu.dimension_semantics<subcore_parallel>], iteration_bounds = array<i64: 2, 16>, scalar_prefetch = 0 : i64, scratch_operands = 5 : i64, tpu.core_type = #tpu.core_type<sc_vector_subcore>, window_params = [{transform_indices = #map}, {transform_indices = #map}, {transform_indices = #map}, {transform_indices = #map1}, {transform_indices = #map}, {transform_indices = #map1}]} {
    %mul3A = arith.constant 2 : i32
    %mul3A_0 = arith.muli %arg1, %mul3A : i32
    %add3A = arith.addi %mul3A_0, %arg0 : i32
    %min3A = arith.constant 27 : i32
    %min3A_1 = arith.minsi %add3A, %min3A : i32
    %mul3A_2 = arith.constant 512 : i32
    %mul3A_3 = arith.muli %min3A_1, %mul3A_2 : i32
    "tpu.region"() ({
      %run_scoped3A = tpu.sem_alloc : memref<!tpu.dma_semaphore, #tpu.memory_space<semaphore_mem>>
      %dma_start3A = arith.constant 0 : i32
      %dma_start3A_97 = tpu.memref_slice %arg2[%dma_start3A, %mul3A_3] : memref<32x14336xi32, #tpu.memory_space<hbm>> -> memref<32x512xi32, #tpu.memory_space<hbm>>
      %dma_start3A_98 = arith.constant 0 : i32
      %dma_start3A_99 = tpu.memref_slice %arg2[%dma_start3A_98, %mul3A_3] : memref<32x14336xi32, #tpu.memory_space<hbm>> -> memref<32x512xi32, #tpu.memory_space<hbm>>
      tpu.enqueue_dma source(%dma_start3A_99 : memref<32x512xi32, #tpu.memory_space<hbm>>) target(%arg8 : memref<32x512xi32, #tpu.memory_space<vmem>>) target_semaphore(%run_scoped3A : memref<!tpu.dma_semaphore, #tpu.memory_space<semaphore_mem>>)
      %dma_wait3A = arith.constant 0 : i32
      %dma_wait3A_100 = tpu.memref_slice %arg2[%dma_wait3A, %mul3A_3] : memref<32x14336xi32, #tpu.memory_space<hbm>> -> memref<32x512xi32, #tpu.memory_space<hbm>>
      %dma_wait3A_101 = arith.constant 0 : i32
      %dma_wait3A_102 = tpu.memref_slice %arg2[%dma_wait3A_101, %mul3A_3] : memref<32x14336xi32, #tpu.memory_space<hbm>> -> memref<32x512xi32, #tpu.memory_space<hbm>>
      tpu.wait_dma2 semaphore(%run_scoped3A : memref<!tpu.dma_semaphore, #tpu.memory_space<semaphore_mem>>) src(%dma_wait3A_102 : memref<32x512xi32, #tpu.memory_space<hbm>>) dst(%arg8 : memref<32x512xi32, #tpu.memory_space<vmem>>)
      tpu.yield
    }) : () -> ()
    %scan3A = arith.constant 0 : i32
    %scan3A_4 = arith.constant 0 : i32
    %scan3A_5 = arith.constant 32 : i32
    %scan3A_6 = arith.addi %scan3A_4, %scan3A_5 : i32
    %scan3A_7 = arith.constant 1 : i32
    scf.for %scan3A_97 = %scan3A_4 to %scan3A_6 step %scan3A_7  : i32 {
      %broadcast_in_dim3A_98 = arith.constant 0 : i32
      %broadcast_in_dim3A_99 = vector.broadcast %broadcast_in_dim3A_98 : i32 to vector<16xi32>
      %mul3A_100 = arith.constant 16 : i32
      %mul3A_101 = arith.muli %scan3A_97, %mul3A_100 : i32
      %swap3A_102 = arith.constant 0 : i32
      %swap3A_103 = arith.index_cast %swap3A_102 : i32 to index
      %swap3A_104 = arith.index_cast %mul3A_101 : i32 to index
      %swap3A_105 = tpu.vector_load %arg9[%swap3A_103, %swap3A_104] {strides = array<i32>} : memref<32x512xi32, #tpu.memory_space<vmem>>, vector<16xi32>,
      tpu.vector_store %arg9[%swap3A_103, %swap3A_104], %broadcast_in_dim3A_99 {strides = array<i32>} : memref<32x512xi32, #tpu.memory_space<vmem>>, vector<16xi32>,
      %mul3A_106 = arith.constant 16 : i32
      %mul3A_107 = arith.muli %scan3A_97, %mul3A_106 : i32
      %get3A = arith.constant 0 : i32
      %get3A_108 = arith.index_cast %get3A : i32 to index
      %get3A_109 = arith.index_cast %mul3A_107 : i32 to index
      %get3A_110 = tpu.vector_load %arg8[%get3A_108, %get3A_109] {strides = array<i32>} : memref<32x512xi32, #tpu.memory_space<vmem>>, vector<16xi32>,
      %add3A_111 = arith.addi %broadcast_in_dim3A_99, %get3A_110 : vector<16xi32>
      %mul3A_112 = arith.constant 16 : i32
      %mul3A_113 = arith.muli %scan3A_97, %mul3A_112 : i32
      %swap3A_114 = arith.constant 1 : i32
      %swap3A_115 = arith.index_cast %swap3A_114 : i32 to index
      %swap3A_116 = arith.index_cast %mul3A_113 : i32 to index
      %swap3A_117 = tpu.vector_load %arg9[%swap3A_115, %swap3A_116] {strides = array<i32>} : memref<32x512xi32, #tpu.memory_space<vmem>>, vector<16xi32>,
      tpu.vector_store %arg9[%swap3A_115, %swap3A_116], %add3A_111 {strides = array<i32>} : memref<32x512xi32, #tpu.memory_space<vmem>>, vector<16xi32>,
      %mul3A_118 = arith.constant 16 : i32
      %mul3A_119 = arith.muli %scan3A_97, %mul3A_118 : i32
      %get3A_120 = arith.constant 1 : i32
      %get3A_121 = arith.index_cast %get3A_120 : i32 to index
      %get3A_122 = arith.index_cast %mul3A_119 : i32 to index
      %get3A_123 = tpu.vector_load %arg8[%get3A_121, %get3A_122] {strides = array<i32>} : memref<32x512xi32, #tpu.memory_space<vmem>>, vector<16xi32>,
      %add3A_124 = arith.addi %add3A_111, %get3A_123 : vector<16xi32>
      %mul3A_125 = arith.constant 16 : i32
      %mul3A_126 = arith.muli %scan3A_97, %mul3A_125 : i32
      %swap3A_127 = arith.constant 2 : i32
      %swap3A_128 = arith.index_cast %swap3A_127 : i32 to index
      %swap3A_129 = arith.index_cast %mul3A_126 : i32 to index
      %swap3A_130 = tpu.vector_load %arg9[%swap3A_128, %swap3A_129] {strides = array<i32>} : memref<32x512xi32, #tpu.memory_space<vmem>>, vector<16xi32>,
      tpu.vector_store %arg9[%swap3A_128, %swap3A_129], %add3A_124 {strides = array<i32>} : memref<32x512xi32, #tpu.memory_space<vmem>>, vector<16xi32>,
      %mul3A_131 = arith.constant 16 : i32
      %mul3A_132 = arith.muli %scan3A_97, %mul3A_131 : i32
      %get3A_133 = arith.constant 2 : i32
      %get3A_134 = arith.index_cast %get3A_133 : i32 to index
      %get3A_135 = arith.index_cast %mul3A_132 : i32 to index
      %get3A_136 = tpu.vector_load %arg8[%get3A_134, %get3A_135] {strides = array<i32>} : memref<32x512xi32, #tpu.memory_space<vmem>>, vector<16xi32>,
      %add3A_137 = arith.addi %add3A_124, %get3A_136 : vector<16xi32>
      %mul3A_138 = arith.constant 16 : i32
      %mul3A_139 = arith.muli %scan3A_97, %mul3A_138 : i32
      %swap3A_140 = arith.constant 3 : i32
      %swap3A_141 = arith.index_cast %swap3A_140 : i32 to index
      %swap3A_142 = arith.index_cast %mul3A_139 : i32 to index
      %swap3A_143 = tpu.vector_load %arg9[%swap3A_141, %swap3A_142] {strides = array<i32>} : memref<32x512xi32, #tpu.memory_space<vmem>>, vector<16xi32>,
      tpu.vector_store %arg9[%swap3A_141, %swap3A_142], %add3A_137 {strides = array<i32>} : memref<32x512xi32, #tpu.memory_space<vmem>>, vector<16xi32>,
      %mul3A_144 = arith.constant 16 : i32
      %mul3A_145 = arith.muli %scan3A_97, %mul3A_144 : i32
      %get3A_146 = arith.constant 3 : i32
      %get3A_147 = arith.index_cast %get3A_146 : i32 to index
      %get3A_148 = arith.index_cast %mul3A_145 : i32 to index
      %get3A_149 = tpu.vector_load %arg8[%get3A_147, %get3A_148] {strides = array<i32>} : memref<32x512xi32, #tpu.memory_space<vmem>>, vector<16xi32>,
      %add3A_150 = arith.addi %add3A_137, %get3A_149 : vector<16xi32>
      %mul3A_151 = arith.constant 16 : i32
      %mul3A_152 = arith.muli %scan3A_97, %mul3A_151 : i32
      %swap3A_153 = arith.constant 4 : i32
      %swap3A_154 = arith.index_cast %swap3A_153 : i32 to index
      %swap3A_155 = arith.index_cast %mul3A_152 : i32 to index
      %swap3A_156 = tpu.vector_load %arg9[%swap3A_154, %swap3A_155] {strides = array<i32>} : memref<32x512xi32, #tpu.memory_space<vmem>>, vector<16xi32>,
      tpu.vector_store %arg9[%swap3A_154, %swap3A_155], %add3A_150 {strides = array<i32>} : memref<32x512xi32, #tpu.memory_space<vmem>>, vector<16xi32>,
      %mul3A_157 = arith.constant 16 : i32
      %mul3A_158 = arith.muli %scan3A_97, %mul3A_157 : i32
      %get3A_159 = arith.constant 4 : i32
      %get3A_160 = arith.index_cast %get3A_159 : i32 to index
      %get3A_161 = arith.index_cast %mul3A_158 : i32 to index
      %get3A_162 = tpu.vector_load %arg8[%get3A_160, %get3A_161] {strides = array<i32>} : memref<32x512xi32, #tpu.memory_space<vmem>>, vector<16xi32>,
      %add3A_163 = arith.addi %add3A_150, %get3A_162 : vector<16xi32>
      %mul3A_164 = arith.constant 16 : i32
      %mul3A_165 = arith.muli %scan3A_97, %mul3A_164 : i32
      %swap3A_166 = arith.constant 5 : i32
      %swap3A_167 = arith.index_cast %swap3A_166 : i32 to index
      %swap3A_168 = arith.index_cast %mul3A_165 : i32 to index
      %swap3A_169 = tpu.vector_load %arg9[%swap3A_167, %swap3A_168] {strides = array<i32>} : memref<32x512xi32, #tpu.memory_space<vmem>>, vector<16xi32>,
      tpu.vector_store %arg9[%swap3A_167, %swap3A_168], %add3A_163 {strides = array<i32>} : memref<32x512xi32, #tpu.memory_space<vmem>>, vector<16xi32>,
      %mul3A_170 = arith.constant 16 : i32
      %mul3A_171 = arith.muli %scan3A_97, %mul3A_170 : i32
      %get3A_172 = arith.constant 5 : i32
      %get3A_173 = arith.index_cast %get3A_172 : i32 to index
      %get3A_174 = arith.index_cast %mul3A_171 : i32 to index
      %get3A_175 = tpu.vector_load %arg8[%get3A_173, %get3A_174] {strides = array<i32>} : memref<32x512xi32, #tpu.memory_space<vmem>>, vector<16xi32>,
      %add3A_176 = arith.addi %add3A_163, %get3A_175 : vector<16xi32>
      %mul3A_177 = arith.constant 16 : i32
      %mul3A_178 = arith.muli %scan3A_97, %mul3A_177 : i32
      %swap3A_179 = arith.constant 6 : i32
      %swap3A_180 = arith.index_cast %swap3A_179 : i32 to index
      %swap3A_181 = arith.index_cast %mul3A_178 : i32 to index
      %swap3A_182 = tpu.vector_load %arg9[%swap3A_180, %swap3A_181] {strides = array<i32>} : memref<32x512xi32, #tpu.memory_space<vmem>>, vector<16xi32>,
      tpu.vector_store %arg9[%swap3A_180, %swap3A_181], %add3A_176 {strides = array<i32>} : memref<32x512xi32, #tpu.memory_space<vmem>>, vector<16xi32>,
      %mul3A_183 = arith.constant 16 : i32
      %mul3A_184 = arith.muli %scan3A_97, %mul3A_183 : i32
      %get3A_185 = arith.constant 6 : i32
      %get3A_186 = arith.index_cast %get3A_185 : i32 to index
      %get3A_187 = arith.index_cast %mul3A_184 : i32 to index
      %get3A_188 = tpu.vector_load %arg8[%get3A_186, %get3A_187] {strides = array<i32>} : memref<32x512xi32, #tpu.memory_space<vmem>>, vector<16xi32>,
      %add3A_189 = arith.addi %add3A_176, %get3A_188 : vector<16xi32>
      %mul3A_190 = arith.constant 16 : i32
      %mul3A_191 = arith.muli %scan3A_97, %mul3A_190 : i32
      %swap3A_192 = arith.constant 7 : i32
      %swap3A_193 = arith.index_cast %swap3A_192 : i32 to index
      %swap3A_194 = arith.index_cast %mul3A_191 : i32 to index
      %swap3A_195 = tpu.vector_load %arg9[%swap3A_193, %swap3A_194] {strides = array<i32>} : memref<32x512xi32, #tpu.memory_space<vmem>>, vector<16xi32>,
      tpu.vector_store %arg9[%swap3A_193, %swap3A_194], %add3A_189 {strides = array<i32>} : memref<32x512xi32, #tpu.memory_space<vmem>>, vector<16xi32>,
      %mul3A_196 = arith.constant 16 : i32
      %mul3A_197 = arith.muli %scan3A_97, %mul3A_196 : i32
      %get3A_198 = arith.constant 7 : i32
      %get3A_199 = arith.index_cast %get3A_198 : i32 to index
      %get3A_200 = arith.index_cast %mul3A_197 : i32 to index
      %get3A_201 = tpu.vector_load %arg8[%get3A_199, %get3A_200] {strides = array<i32>} : memref<32x512xi32, #tpu.memory_space<vmem>>, vector<16xi32>,
      %add3A_202 = arith.addi %add3A_189, %get3A_201 : vector<16xi32>
      %mul3A_203 = arith.constant 16 : i32
      %mul3A_204 = arith.muli %scan3A_97, %mul3A_203 : i32
      %swap3A_205 = arith.constant 8 : i32
      %swap3A_206 = arith.index_cast %swap3A_205 : i32 to index
      %swap3A_207 = arith.index_cast %mul3A_204 : i32 to index
      %swap3A_208 = tpu.vector_load %arg9[%swap3A_206, %swap3A_207] {strides = array<i32>} : memref<32x512xi32, #tpu.memory_space<vmem>>, vector<16xi32>,
      tpu.vector_store %arg9[%swap3A_206, %swap3A_207], %add3A_202 {strides = array<i32>} : memref<32x512xi32, #tpu.memory_space<vmem>>, vector<16xi32>,
      %mul3A_209 = arith.constant 16 : i32
      %mul3A_210 = arith.muli %scan3A_97, %mul3A_209 : i32
      %get3A_211 = arith.constant 8 : i32
      %get3A_212 = arith.index_cast %get3A_211 : i32 to index
      %get3A_213 = arith.index_cast %mul3A_210 : i32 to index
      %get3A_214 = tpu.vector_load %arg8[%get3A_212, %get3A_213] {strides = array<i32>} : memref<32x512xi32, #tpu.memory_space<vmem>>, vector<16xi32>,
      %add3A_215 = arith.addi %add3A_202, %get3A_214 : vector<16xi32>
      %mul3A_216 = arith.constant 16 : i32
      %mul3A_217 = arith.muli %scan3A_97, %mul3A_216 : i32
      %swap3A_218 = arith.constant 9 : i32
      %swap3A_219 = arith.index_cast %swap3A_218 : i32 to index
      %swap3A_220 = arith.index_cast %mul3A_217 : i32 to index
      %swap3A_221 = tpu.vector_load %arg9[%swap3A_219, %swap3A_220] {strides = array<i32>} : memref<32x512xi32, #tpu.memory_space<vmem>>, vector<16xi32>,
      tpu.vector_store %arg9[%swap3A_219, %swap3A_220], %add3A_215 {strides = array<i32>} : memref<32x512xi32, #tpu.memory_space<vmem>>, vector<16xi32>,
      %mul3A_222 = arith.constant 16 : i32
      %mul3A_223 = arith.muli %scan3A_97, %mul3A_222 : i32
      %get3A_224 = arith.constant 9 : i32
      %get3A_225 = arith.index_cast %get3A_224 : i32 to index
      %get3A_226 = arith.index_cast %mul3A_223 : i32 to index
      %get3A_227 = tpu.vector_load %arg8[%get3A_225, %get3A_226] {strides = array<i32>} : memref<32x512xi32, #tpu.memory_space<vmem>>, vector<16xi32>,
      %add3A_228 = arith.addi %add3A_215, %get3A_227 : vector<16xi32>
      %mul3A_229 = arith.constant 16 : i32
      %mul3A_230 = arith.muli %scan3A_97, %mul3A_229 : i32
      %swap3A_231 = arith.constant 10 : i32
      %swap3A_232 = arith.index_cast %swap3A_231 : i32 to index
      %swap3A_233 = arith.index_cast %mul3A_230 : i32 to index
      %swap3A_234 = tpu.vector_load %arg9[%swap3A_232, %swap3A_233] {strides = array<i32>} : memref<32x512xi32, #tpu.memory_space<vmem>>, vector<16xi32>,
      tpu.vector_store %arg9[%swap3A_232, %swap3A_233], %add3A_228 {strides = array<i32>} : memref<32x512xi32, #tpu.memory_space<vmem>>, vector<16xi32>,
      %mul3A_235 = arith.constant 16 : i32
      %mul3A_236 = arith.muli %scan3A_97, %mul3A_235 : i32
      %get3A_237 = arith.constant 10 : i32
      %get3A_238 = arith.index_cast %get3A_237 : i32 to index
      %get3A_239 = arith.index_cast %mul3A_236 : i32 to index
      %get3A_240 = tpu.vector_load %arg8[%get3A_238, %get3A_239] {strides = array<i32>} : memref<32x512xi32, #tpu.memory_space<vmem>>, vector<16xi32>,
      %add3A_241 = arith.addi %add3A_228, %get3A_240 : vector<16xi32>
      %mul3A_242 = arith.constant 16 : i32
      %mul3A_243 = arith.muli %scan3A_97, %mul3A_242 : i32
      %swap3A_244 = arith.constant 11 : i32
      %swap3A_245 = arith.index_cast %swap3A_244 : i32 to index
      %swap3A_246 = arith.index_cast %mul3A_243 : i32 to index
      %swap3A_247 = tpu.vector_load %arg9[%swap3A_245, %swap3A_246] {strides = array<i32>} : memref<32x512xi32, #tpu.memory_space<vmem>>, vector<16xi32>,
      tpu.vector_store %arg9[%swap3A_245, %swap3A_246], %add3A_241 {strides = array<i32>} : memref<32x512xi32, #tpu.memory_space<vmem>>, vector<16xi32>,
      %mul3A_248 = arith.constant 16 : i32
      %mul3A_249 = arith.muli %scan3A_97, %mul3A_248 : i32
      %get3A_250 = arith.constant 11 : i32
      %get3A_251 = arith.index_cast %get3A_250 : i32 to index
      %get3A_252 = arith.index_cast %mul3A_249 : i32 to index
      %get3A_253 = tpu.vector_load %arg8[%get3A_251, %get3A_252] {strides = array<i32>} : memref<32x512xi32, #tpu.memory_space<vmem>>, vector<16xi32>,
      %add3A_254 = arith.addi %add3A_241, %get3A_253 : vector<16xi32>
      %mul3A_255 = arith.constant 16 : i32
      %mul3A_256 = arith.muli %scan3A_97, %mul3A_255 : i32
      %swap3A_257 = arith.constant 12 : i32
      %swap3A_258 = arith.index_cast %swap3A_257 : i32 to index
      %swap3A_259 = arith.index_cast %mul3A_256 : i32 to index
      %swap3A_260 = tpu.vector_load %arg9[%swap3A_258, %swap3A_259] {strides = array<i32>} : memref<32x512xi32, #tpu.memory_space<vmem>>, vector<16xi32>,
      tpu.vector_store %arg9[%swap3A_258, %swap3A_259], %add3A_254 {strides = array<i32>} : memref<32x512xi32, #tpu.memory_space<vmem>>, vector<16xi32>,
      %mul3A_261 = arith.constant 16 : i32
      %mul3A_262 = arith.muli %scan3A_97, %mul3A_261 : i32
      %get3A_263 = arith.constant 12 : i32
      %get3A_264 = arith.index_cast %get3A_263 : i32 to index
      %get3A_265 = arith.index_cast %mul3A_262 : i32 to index
      %get3A_266 = tpu.vector_load %arg8[%get3A_264, %get3A_265] {strides = array<i32>} : memref<32x512xi32, #tpu.memory_space<vmem>>, vector<16xi32>,
      %add3A_267 = arith.addi %add3A_254, %get3A_266 : vector<16xi32>
      %mul3A_268 = arith.constant 16 : i32
      %mul3A_269 = arith.muli %scan3A_97, %mul3A_268 : i32
      %swap3A_270 = arith.constant 13 : i32
      %swap3A_271 = arith.index_cast %swap3A_270 : i32 to index
      %swap3A_272 = arith.index_cast %mul3A_269 : i32 to index
      %swap3A_273 = tpu.vector_load %arg9[%swap3A_271, %swap3A_272] {strides = array<i32>} : memref<32x512xi32, #tpu.memory_space<vmem>>, vector<16xi32>,
      tpu.vector_store %arg9[%swap3A_271, %swap3A_272], %add3A_267 {strides = array<i32>} : memref<32x512xi32, #tpu.memory_space<vmem>>, vector<16xi32>,
      %mul3A_274 = arith.constant 16 : i32
      %mul3A_275 = arith.muli %scan3A_97, %mul3A_274 : i32
      %get3A_276 = arith.constant 13 : i32
      %get3A_277 = arith.index_cast %get3A_276 : i32 to index
      %get3A_278 = arith.index_cast %mul3A_275 : i32 to index
      %get3A_279 = tpu.vector_load %arg8[%get3A_277, %get3A_278] {strides = array<i32>} : memref<32x512xi32, #tpu.memory_space<vmem>>, vector<16xi32>,
      %add3A_280 = arith.addi %add3A_267, %get3A_279 : vector<16xi32>
      %mul3A_281 = arith.constant 16 : i32
      %mul3A_282 = arith.muli %scan3A_97, %mul3A_281 : i32
      %swap3A_283 = arith.constant 14 : i32
      %swap3A_284 = arith.index_cast %swap3A_283 : i32 to index
      %swap3A_285 = arith.index_cast %mul3A_282 : i32 to index
      %swap3A_286 = tpu.vector_load %arg9[%swap3A_284, %swap3A_285] {strides = array<i32>} : memref<32x512xi32, #tpu.memory_space<vmem>>, vector<16xi32>,
      tpu.vector_store %arg9[%swap3A_284, %swap3A_285], %add3A_280 {strides = array<i32>} : memref<32x512xi32, #tpu.memory_space<vmem>>, vector<16xi32>,
      %mul3A_287 = arith.constant 16 : i32
      %mul3A_288 = arith.muli %scan3A_97, %mul3A_287 : i32
      %get3A_289 = arith.constant 14 : i32
      %get3A_290 = arith.index_cast %get3A_289 : i32 to index
      %get3A_291 = arith.index_cast %mul3A_288 : i32 to index
      %get3A_292 = tpu.vector_load %arg8[%get3A_290, %get3A_291] {strides = array<i32>} : memref<32x512xi32, #tpu.memory_space<vmem>>, vector<16xi32>,
      %add3A_293 = arith.addi %add3A_280, %get3A_292 : vector<16xi32>
      %mul3A_294 = arith.constant 16 : i32
      %mul3A_295 = arith.muli %scan3A_97, %mul3A_294 : i32
      %swap3A_296 = arith.constant 15 : i32
      %swap3A_297 = arith.index_cast %swap3A_296 : i32 to index
      %swap3A_298 = arith.index_cast %mul3A_295 : i32 to index
      %swap3A_299 = tpu.vector_load %arg9[%swap3A_297, %swap3A_298] {strides = array<i32>} : memref<32x512xi32, #tpu.memory_space<vmem>>, vector<16xi32>,
      tpu.vector_store %arg9[%swap3A_297, %swap3A_298], %add3A_293 {strides = array<i32>} : memref<32x512xi32, #tpu.memory_space<vmem>>, vector<16xi32>,
      %mul3A_300 = arith.constant 16 : i32
      %mul3A_301 = arith.muli %scan3A_97, %mul3A_300 : i32
      %get3A_302 = arith.constant 15 : i32
      %get3A_303 = arith.index_cast %get3A_302 : i32 to index
      %get3A_304 = arith.index_cast %mul3A_301 : i32 to index
      %get3A_305 = tpu.vector_load %arg8[%get3A_303, %get3A_304] {strides = array<i32>} : memref<32x512xi32, #tpu.memory_space<vmem>>, vector<16xi32>,
      %add3A_306 = arith.addi %add3A_293, %get3A_305 : vector<16xi32>
      %mul3A_307 = arith.constant 16 : i32
      %mul3A_308 = arith.muli %scan3A_97, %mul3A_307 : i32
      %swap3A_309 = arith.constant 16 : i32
      %swap3A_310 = arith.index_cast %swap3A_309 : i32 to index
      %swap3A_311 = arith.index_cast %mul3A_308 : i32 to index
      %swap3A_312 = tpu.vector_load %arg9[%swap3A_310, %swap3A_311] {strides = array<i32>} : memref<32x512xi32, #tpu.memory_space<vmem>>, vector<16xi32>,
      tpu.vector_store %arg9[%swap3A_310, %swap3A_311], %add3A_306 {strides = array<i32>} : memref<32x512xi32, #tpu.memory_space<vmem>>, vector<16xi32>,
      %mul3A_313 = arith.constant 16 : i32
      %mul3A_314 = arith.muli %scan3A_97, %mul3A_313 : i32
      %get3A_315 = arith.constant 16 : i32
      %get3A_316 = arith.index_cast %get3A_315 : i32 to index
      %get3A_317 = arith.index_cast %mul3A_314 : i32 to index
      %get3A_318 = tpu.vector_load %arg8[%get3A_316, %get3A_317] {strides = array<i32>} : memref<32x512xi32, #tpu.memory_space<vmem>>, vector<16xi32>,
      %add3A_319 = arith.addi %add3A_306, %get3A_318 : vector<16xi32>
      %mul3A_320 = arith.constant 16 : i32
      %mul3A_321 = arith.muli %scan3A_97, %mul3A_320 : i32
      %swap3A_322 = arith.constant 17 : i32
      %swap3A_323 = arith.index_cast %swap3A_322 : i32 to index
      %swap3A_324 = arith.index_cast %mul3A_321 : i32 to index
      %swap3A_325 = tpu.vector_load %arg9[%swap3A_323, %swap3A_324] {strides = array<i32>} : memref<32x512xi32, #tpu.memory_space<vmem>>, vector<16xi32>,
      tpu.vector_store %arg9[%swap3A_323, %swap3A_324], %add3A_319 {strides = array<i32>} : memref<32x512xi32, #tpu.memory_space<vmem>>, vector<16xi32>,
      %mul3A_326 = arith.constant 16 : i32
      %mul3A_327 = arith.muli %scan3A_97, %mul3A_326 : i32
      %get3A_328 = arith.constant 17 : i32
      %get3A_329 = arith.index_cast %get3A_328 : i32 to index
      %get3A_330 = arith.index_cast %mul3A_327 : i32 to index
      %get3A_331 = tpu.vector_load %arg8[%get3A_329, %get3A_330] {strides = array<i32>} : memref<32x512xi32, #tpu.memory_space<vmem>>, vector<16xi32>,
      %add3A_332 = arith.addi %add3A_319, %get3A_331 : vector<16xi32>
      %mul3A_333 = arith.constant 16 : i32
      %mul3A_334 = arith.muli %scan3A_97, %mul3A_333 : i32
      %swap3A_335 = arith.constant 18 : i32
      %swap3A_336 = arith.index_cast %swap3A_335 : i32 to index
      %swap3A_337 = arith.index_cast %mul3A_334 : i32 to index
      %swap3A_338 = tpu.vector_load %arg9[%swap3A_336, %swap3A_337] {strides = array<i32>} : memref<32x512xi32, #tpu.memory_space<vmem>>, vector<16xi32>,
      tpu.vector_store %arg9[%swap3A_336, %swap3A_337], %add3A_332 {strides = array<i32>} : memref<32x512xi32, #tpu.memory_space<vmem>>, vector<16xi32>,
      %mul3A_339 = arith.constant 16 : i32
      %mul3A_340 = arith.muli %scan3A_97, %mul3A_339 : i32
      %get3A_341 = arith.constant 18 : i32
      %get3A_342 = arith.index_cast %get3A_341 : i32 to index
      %get3A_343 = arith.index_cast %mul3A_340 : i32 to index
      %get3A_344 = tpu.vector_load %arg8[%get3A_342, %get3A_343] {strides = array<i32>} : memref<32x512xi32, #tpu.memory_space<vmem>>, vector<16xi32>,
      %add3A_345 = arith.addi %add3A_332, %get3A_344 : vector<16xi32>
      %mul3A_346 = arith.constant 16 : i32
      %mul3A_347 = arith.muli %scan3A_97, %mul3A_346 : i32
      %swap3A_348 = arith.constant 19 : i32
      %swap3A_349 = arith.index_cast %swap3A_348 : i32 to index
      %swap3A_350 = arith.index_cast %mul3A_347 : i32 to index
      %swap3A_351 = tpu.vector_load %arg9[%swap3A_349, %swap3A_350] {strides = array<i32>} : memref<32x512xi32, #tpu.memory_space<vmem>>, vector<16xi32>,
      tpu.vector_store %arg9[%swap3A_349, %swap3A_350], %add3A_345 {strides = array<i32>} : memref<32x512xi32, #tpu.memory_space<vmem>>, vector<16xi32>,
      %mul3A_352 = arith.constant 16 : i32
      %mul3A_353 = arith.muli %scan3A_97, %mul3A_352 : i32
      %get3A_354 = arith.constant 19 : i32
      %get3A_355 = arith.index_cast %get3A_354 : i32 to index
      %get3A_356 = arith.index_cast %mul3A_353 : i32 to index
      %get3A_357 = tpu.vector_load %arg8[%get3A_355, %get3A_356] {strides = array<i32>} : memref<32x512xi32, #tpu.memory_space<vmem>>, vector<16xi32>,
      %add3A_358 = arith.addi %add3A_345, %get3A_357 : vector<16xi32>
      %mul3A_359 = arith.constant 16 : i32
      %mul3A_360 = arith.muli %scan3A_97, %mul3A_359 : i32
      %swap3A_361 = arith.constant 20 : i32
      %swap3A_362 = arith.index_cast %swap3A_361 : i32 to index
      %swap3A_363 = arith.index_cast %mul3A_360 : i32 to index
      %swap3A_364 = tpu.vector_load %arg9[%swap3A_362, %swap3A_363] {strides = array<i32>} : memref<32x512xi32, #tpu.memory_space<vmem>>, vector<16xi32>,
      tpu.vector_store %arg9[%swap3A_362, %swap3A_363], %add3A_358 {strides = array<i32>} : memref<32x512xi32, #tpu.memory_space<vmem>>, vector<16xi32>,
      %mul3A_365 = arith.constant 16 : i32
      %mul3A_366 = arith.muli %scan3A_97, %mul3A_365 : i32
      %get3A_367 = arith.constant 20 : i32
      %get3A_368 = arith.index_cast %get3A_367 : i32 to index
      %get3A_369 = arith.index_cast %mul3A_366 : i32 to index
      %get3A_370 = tpu.vector_load %arg8[%get3A_368, %get3A_369] {strides = array<i32>} : memref<32x512xi32, #tpu.memory_space<vmem>>, vector<16xi32>,
      %add3A_371 = arith.addi %add3A_358, %get3A_370 : vector<16xi32>
      %mul3A_372 = arith.constant 16 : i32
      %mul3A_373 = arith.muli %scan3A_97, %mul3A_372 : i32
      %swap3A_374 = arith.constant 21 : i32
      %swap3A_375 = arith.index_cast %swap3A_374 : i32 to index
      %swap3A_376 = arith.index_cast %mul3A_373 : i32 to index
      %swap3A_377 = tpu.vector_load %arg9[%swap3A_375, %swap3A_376] {strides = array<i32>} : memref<32x512xi32, #tpu.memory_space<vmem>>, vector<16xi32>,
      tpu.vector_store %arg9[%swap3A_375, %swap3A_376], %add3A_371 {strides = array<i32>} : memref<32x512xi32, #tpu.memory_space<vmem>>, vector<16xi32>,
      %mul3A_378 = arith.constant 16 : i32
      %mul3A_379 = arith.muli %scan3A_97, %mul3A_378 : i32
      %get3A_380 = arith.constant 21 : i32
      %get3A_381 = arith.index_cast %get3A_380 : i32 to index
      %get3A_382 = arith.index_cast %mul3A_379 : i32 to index
      %get3A_383 = tpu.vector_load %arg8[%get3A_381, %get3A_382] {strides = array<i32>} : memref<32x512xi32, #tpu.memory_space<vmem>>, vector<16xi32>,
      %add3A_384 = arith.addi %add3A_371, %get3A_383 : vector<16xi32>
      %mul3A_385 = arith.constant 16 : i32
      %mul3A_386 = arith.muli %scan3A_97, %mul3A_385 : i32
      %swap3A_387 = arith.constant 22 : i32
      %swap3A_388 = arith.index_cast %swap3A_387 : i32 to index
      %swap3A_389 = arith.index_cast %mul3A_386 : i32 to index
      %swap3A_390 = tpu.vector_load %arg9[%swap3A_388, %swap3A_389] {strides = array<i32>} : memref<32x512xi32, #tpu.memory_space<vmem>>, vector<16xi32>,
      tpu.vector_store %arg9[%swap3A_388, %swap3A_389], %add3A_384 {strides = array<i32>} : memref<32x512xi32, #tpu.memory_space<vmem>>, vector<16xi32>,
      %mul3A_391 = arith.constant 16 : i32
      %mul3A_392 = arith.muli %scan3A_97, %mul3A_391 : i32
      %get3A_393 = arith.constant 22 : i32
      %get3A_394 = arith.index_cast %get3A_393 : i32 to index
      %get3A_395 = arith.index_cast %mul3A_392 : i32 to index
      %get3A_396 = tpu.vector_load %arg8[%get3A_394, %get3A_395] {strides = array<i32>} : memref<32x512xi32, #tpu.memory_space<vmem>>, vector<16xi32>,
      %add3A_397 = arith.addi %add3A_384, %get3A_396 : vector<16xi32>
      %mul3A_398 = arith.constant 16 : i32
      %mul3A_399 = arith.muli %scan3A_97, %mul3A_398 : i32
      %swap3A_400 = arith.constant 23 : i32
      %swap3A_401 = arith.index_cast %swap3A_400 : i32 to index
      %swap3A_402 = arith.index_cast %mul3A_399 : i32 to index
      %swap3A_403 = tpu.vector_load %arg9[%swap3A_401, %swap3A_402] {strides = array<i32>} : memref<32x512xi32, #tpu.memory_space<vmem>>, vector<16xi32>,
      tpu.vector_store %arg9[%swap3A_401, %swap3A_402], %add3A_397 {strides = array<i32>} : memref<32x512xi32, #tpu.memory_space<vmem>>, vector<16xi32>,
      %mul3A_404 = arith.constant 16 : i32
      %mul3A_405 = arith.muli %scan3A_97, %mul3A_404 : i32
      %get3A_406 = arith.constant 23 : i32
      %get3A_407 = arith.index_cast %get3A_406 : i32 to index
      %get3A_408 = arith.index_cast %mul3A_405 : i32 to index
      %get3A_409 = tpu.vector_load %arg8[%get3A_407, %get3A_408] {strides = array<i32>} : memref<32x512xi32, #tpu.memory_space<vmem>>, vector<16xi32>,
      %add3A_410 = arith.addi %add3A_397, %get3A_409 : vector<16xi32>
      %mul3A_411 = arith.constant 16 : i32
      %mul3A_412 = arith.muli %scan3A_97, %mul3A_411 : i32
      %swap3A_413 = arith.constant 24 : i32
      %swap3A_414 = arith.index_cast %swap3A_413 : i32 to index
      %swap3A_415 = arith.index_cast %mul3A_412 : i32 to index
      %swap3A_416 = tpu.vector_load %arg9[%swap3A_414, %swap3A_415] {strides = array<i32>} : memref<32x512xi32, #tpu.memory_space<vmem>>, vector<16xi32>,
      tpu.vector_store %arg9[%swap3A_414, %swap3A_415], %add3A_410 {strides = array<i32>} : memref<32x512xi32, #tpu.memory_space<vmem>>, vector<16xi32>,
      %mul3A_417 = arith.constant 16 : i32
      %mul3A_418 = arith.muli %scan3A_97, %mul3A_417 : i32
      %get3A_419 = arith.constant 24 : i32
      %get3A_420 = arith.index_cast %get3A_419 : i32 to index
      %get3A_421 = arith.index_cast %mul3A_418 : i32 to index
      %get3A_422 = tpu.vector_load %arg8[%get3A_420, %get3A_421] {strides = array<i32>} : memref<32x512xi32, #tpu.memory_space<vmem>>, vector<16xi32>,
      %add3A_423 = arith.addi %add3A_410, %get3A_422 : vector<16xi32>
      %mul3A_424 = arith.constant 16 : i32
      %mul3A_425 = arith.muli %scan3A_97, %mul3A_424 : i32
      %swap3A_426 = arith.constant 25 : i32
      %swap3A_427 = arith.index_cast %swap3A_426 : i32 to index
      %swap3A_428 = arith.index_cast %mul3A_425 : i32 to index
      %swap3A_429 = tpu.vector_load %arg9[%swap3A_427, %swap3A_428] {strides = array<i32>} : memref<32x512xi32, #tpu.memory_space<vmem>>, vector<16xi32>,
      tpu.vector_store %arg9[%swap3A_427, %swap3A_428], %add3A_423 {strides = array<i32>} : memref<32x512xi32, #tpu.memory_space<vmem>>, vector<16xi32>,
      %mul3A_430 = arith.constant 16 : i32
      %mul3A_431 = arith.muli %scan3A_97, %mul3A_430 : i32
      %get3A_432 = arith.constant 25 : i32
      %get3A_433 = arith.index_cast %get3A_432 : i32 to index
      %get3A_434 = arith.index_cast %mul3A_431 : i32 to index
      %get3A_435 = tpu.vector_load %arg8[%get3A_433, %get3A_434] {strides = array<i32>} : memref<32x512xi32, #tpu.memory_space<vmem>>, vector<16xi32>,
      %add3A_436 = arith.addi %add3A_423, %get3A_435 : vector<16xi32>
      %mul3A_437 = arith.constant 16 : i32
      %mul3A_438 = arith.muli %scan3A_97, %mul3A_437 : i32
      %swap3A_439 = arith.constant 26 : i32
      %swap3A_440 = arith.index_cast %swap3A_439 : i32 to index
      %swap3A_441 = arith.index_cast %mul3A_438 : i32 to index
      %swap3A_442 = tpu.vector_load %arg9[%swap3A_440, %swap3A_441] {strides = array<i32>} : memref<32x512xi32, #tpu.memory_space<vmem>>, vector<16xi32>,
      tpu.vector_store %arg9[%swap3A_440, %swap3A_441], %add3A_436 {strides = array<i32>} : memref<32x512xi32, #tpu.memory_space<vmem>>, vector<16xi32>,
      %mul3A_443 = arith.constant 16 : i32
      %mul3A_444 = arith.muli %scan3A_97, %mul3A_443 : i32
      %get3A_445 = arith.constant 26 : i32
      %get3A_446 = arith.index_cast %get3A_445 : i32 to index
      %get3A_447 = arith.index_cast %mul3A_444 : i32 to index
      %get3A_448 = tpu.vector_load %arg8[%get3A_446, %get3A_447] {strides = array<i32>} : memref<32x512xi32, #tpu.memory_space<vmem>>, vector<16xi32>,
      %add3A_449 = arith.addi %add3A_436, %get3A_448 : vector<16xi32>
      %mul3A_450 = arith.constant 16 : i32
      %mul3A_451 = arith.muli %scan3A_97, %mul3A_450 : i32
      %swap3A_452 = arith.constant 27 : i32
      %swap3A_453 = arith.index_cast %swap3A_452 : i32 to index
      %swap3A_454 = arith.index_cast %mul3A_451 : i32 to index
      %swap3A_455 = tpu.vector_load %arg9[%swap3A_453, %swap3A_454] {strides = array<i32>} : memref<32x512xi32, #tpu.memory_space<vmem>>, vector<16xi32>,
      tpu.vector_store %arg9[%swap3A_453, %swap3A_454], %add3A_449 {strides = array<i32>} : memref<32x512xi32, #tpu.memory_space<vmem>>, vector<16xi32>,
      %mul3A_456 = arith.constant 16 : i32
      %mul3A_457 = arith.muli %scan3A_97, %mul3A_456 : i32
      %get3A_458 = arith.constant 27 : i32
      %get3A_459 = arith.index_cast %get3A_458 : i32 to index
      %get3A_460 = arith.index_cast %mul3A_457 : i32 to index
      %get3A_461 = tpu.vector_load %arg8[%get3A_459, %get3A_460] {strides = array<i32>} : memref<32x512xi32, #tpu.memory_space<vmem>>, vector<16xi32>,
      %add3A_462 = arith.addi %add3A_449, %get3A_461 : vector<16xi32>
      %mul3A_463 = arith.constant 16 : i32
      %mul3A_464 = arith.muli %scan3A_97, %mul3A_463 : i32
      %swap3A_465 = arith.constant 28 : i32
      %swap3A_466 = arith.index_cast %swap3A_465 : i32 to index
      %swap3A_467 = arith.index_cast %mul3A_464 : i32 to index
      %swap3A_468 = tpu.vector_load %arg9[%swap3A_466, %swap3A_467] {strides = array<i32>} : memref<32x512xi32, #tpu.memory_space<vmem>>, vector<16xi32>,
      tpu.vector_store %arg9[%swap3A_466, %swap3A_467], %add3A_462 {strides = array<i32>} : memref<32x512xi32, #tpu.memory_space<vmem>>, vector<16xi32>,
      %mul3A_469 = arith.constant 16 : i32
      %mul3A_470 = arith.muli %scan3A_97, %mul3A_469 : i32
      %get3A_471 = arith.constant 28 : i32
      %get3A_472 = arith.index_cast %get3A_471 : i32 to index
      %get3A_473 = arith.index_cast %mul3A_470 : i32 to index
      %get3A_474 = tpu.vector_load %arg8[%get3A_472, %get3A_473] {strides = array<i32>} : memref<32x512xi32, #tpu.memory_space<vmem>>, vector<16xi32>,
      %add3A_475 = arith.addi %add3A_462, %get3A_474 : vector<16xi32>
      %mul3A_476 = arith.constant 16 : i32
      %mul3A_477 = arith.muli %scan3A_97, %mul3A_476 : i32
      %swap3A_478 = arith.constant 29 : i32
      %swap3A_479 = arith.index_cast %swap3A_478 : i32 to index
      %swap3A_480 = arith.index_cast %mul3A_477 : i32 to index
      %swap3A_481 = tpu.vector_load %arg9[%swap3A_479, %swap3A_480] {strides = array<i32>} : memref<32x512xi32, #tpu.memory_space<vmem>>, vector<16xi32>,
      tpu.vector_store %arg9[%swap3A_479, %swap3A_480], %add3A_475 {strides = array<i32>} : memref<32x512xi32, #tpu.memory_space<vmem>>, vector<16xi32>,
      %mul3A_482 = arith.constant 16 : i32
      %mul3A_483 = arith.muli %scan3A_97, %mul3A_482 : i32
      %get3A_484 = arith.constant 29 : i32
      %get3A_485 = arith.index_cast %get3A_484 : i32 to index
      %get3A_486 = arith.index_cast %mul3A_483 : i32 to index
      %get3A_487 = tpu.vector_load %arg8[%get3A_485, %get3A_486] {strides = array<i32>} : memref<32x512xi32, #tpu.memory_space<vmem>>, vector<16xi32>,
      %add3A_488 = arith.addi %add3A_475, %get3A_487 : vector<16xi32>
      %mul3A_489 = arith.constant 16 : i32
      %mul3A_490 = arith.muli %scan3A_97, %mul3A_489 : i32
      %swap3A_491 = arith.constant 30 : i32
      %swap3A_492 = arith.index_cast %swap3A_491 : i32 to index
      %swap3A_493 = arith.index_cast %mul3A_490 : i32 to index
      %swap3A_494 = tpu.vector_load %arg9[%swap3A_492, %swap3A_493] {strides = array<i32>} : memref<32x512xi32, #tpu.memory_space<vmem>>, vector<16xi32>,
      tpu.vector_store %arg9[%swap3A_492, %swap3A_493], %add3A_488 {strides = array<i32>} : memref<32x512xi32, #tpu.memory_space<vmem>>, vector<16xi32>,
      %mul3A_495 = arith.constant 16 : i32
      %mul3A_496 = arith.muli %scan3A_97, %mul3A_495 : i32
      %get3A_497 = arith.constant 30 : i32
      %get3A_498 = arith.index_cast %get3A_497 : i32 to index
      %get3A_499 = arith.index_cast %mul3A_496 : i32 to index
      %get3A_500 = tpu.vector_load %arg8[%get3A_498, %get3A_499] {strides = array<i32>} : memref<32x512xi32, #tpu.memory_space<vmem>>, vector<16xi32>,
      %add3A_501 = arith.addi %add3A_488, %get3A_500 : vector<16xi32>
      %mul3A_502 = arith.constant 16 : i32
      %mul3A_503 = arith.muli %scan3A_97, %mul3A_502 : i32
      %swap3A_504 = arith.constant 31 : i32
      %swap3A_505 = arith.index_cast %swap3A_504 : i32 to index
      %swap3A_506 = arith.index_cast %mul3A_503 : i32 to index
      %swap3A_507 = tpu.vector_load %arg9[%swap3A_505, %swap3A_506] {strides = array<i32>} : memref<32x512xi32, #tpu.memory_space<vmem>>, vector<16xi32>,
      tpu.vector_store %arg9[%swap3A_505, %swap3A_506], %add3A_501 {strides = array<i32>} : memref<32x512xi32, #tpu.memory_space<vmem>>, vector<16xi32>,
      %mul3A_508 = arith.constant 16 : i32
      %mul3A_509 = arith.muli %scan3A_97, %mul3A_508 : i32
      %get3A_510 = arith.constant 31 : i32
      %get3A_511 = arith.index_cast %get3A_510 : i32 to index
      %get3A_512 = arith.index_cast %mul3A_509 : i32 to index
      %get3A_513 = tpu.vector_load %arg8[%get3A_511, %get3A_512] {strides = array<i32>} : memref<32x512xi32, #tpu.memory_space<vmem>>, vector<16xi32>,
      %add3A_514 = arith.addi %add3A_501, %get3A_513 : vector<16xi32>
      %mul3A_515 = arith.constant 16 : i32
      %mul3A_516 = arith.muli %scan3A_97, %mul3A_515 : i32
      %swap3A_517 = arith.index_cast %mul3A_516 : i32 to index
      %swap3A_518 = tpu.vector_load %arg10[%swap3A_517] {strides = array<i32>} : memref<512xi32, #tpu.memory_space<vmem>>, vector<16xi32>,
      tpu.vector_store %arg10[%swap3A_517], %add3A_514 {strides = array<i32>} : memref<512xi32, #tpu.memory_space<vmem>>, vector<16xi32>,
    }
    %scan3A_8 = arith.constant 32 : i32
    %scan3A_9 = arith.constant 0 : i32
    %scan3A_10 = arith.constant 0 : i32
    %scan3A_11 = arith.constant 32 : i32
    %scan3A_12 = arith.addi %scan3A_10, %scan3A_11 : i32
    %scan3A_13 = arith.constant 1 : i32
    %scan3A_14 = scf.for %scan3A_97 = %scan3A_10 to %scan3A_12 step %scan3A_13 iter_args(%scan3A_98 = %scan3A_9) -> (i32)  : i32 {
      %mul3A_99 = arith.constant 16 : i32
      %mul3A_100 = arith.muli %scan3A_97, %mul3A_99 : i32
      %get3A = arith.index_cast %mul3A_100 : i32 to index
      %get3A_101 = tpu.vector_load %arg10[%get3A] {strides = array<i32>} : memref<512xi32, #tpu.memory_space<vmem>>, vector<16xi32>,
      %broadcast_in_dim3A_102 = arith.constant true
      %broadcast_in_dim3A_103 = vector.broadcast %broadcast_in_dim3A_102 : i1 to vector<16xi1>
      %masked_cumsum3A = tpu.scan <sum>, %get3A_101 masked %broadcast_in_dim3A_103 : vector<16xi32>, vector<16xi1> -> vector<16xi32>
      %sub3A = arith.subi %masked_cumsum3A, %get3A_101 : vector<16xi32>
      %add3A_104 = vector.broadcast %scan3A_98 : i32 to vector<16xi32>
      %add3A_105 = arith.addi %sub3A, %add3A_104 : vector<16xi32>
      %mul3A_106 = arith.constant 16 : i32
      %mul3A_107 = arith.muli %scan3A_97, %mul3A_106 : i32
      %swap3A_108 = arith.index_cast %mul3A_107 : i32 to index
      %swap3A_109 = tpu.vector_load %arg11[%swap3A_108] {strides = array<i32>} : memref<512xi32, #tpu.memory_space<vmem>>, vector<16xi32>,
      tpu.vector_store %arg11[%swap3A_108], %add3A_105 {strides = array<i32>} : memref<512xi32, #tpu.memory_space<vmem>>, vector<16xi32>,
      %reduce_sum3A = arith.constant true
      %reduce_sum3A_110 = vector.broadcast %reduce_sum3A : i1 to vector<16xi1>
      %reduce_sum3A_111 = tpu.scan <sum>, %get3A_101 masked %reduce_sum3A_110 : vector<16xi32>, vector<16xi1> -> vector<16xi32>
      %reduce_sum3A_112 = vector.extract %reduce_sum3A_111[15] : i32 from vector<16xi32>
      %add3A_113 = arith.addi %scan3A_98, %reduce_sum3A_112 : i32
      scf.yield %add3A_113 : i32
    }
    %scan3A_15 = arith.constant 32 : i32
    %scan3A_16 = arith.constant 0 : i32
    %scan3A_17 = arith.constant 0 : i32
    %scan3A_18 = arith.constant 32 : i32
    %scan3A_19 = arith.addi %scan3A_17, %scan3A_18 : i32
    %scan3A_20 = arith.constant 1 : i32
    scf.for %scan3A_97 = %scan3A_17 to %scan3A_19 step %scan3A_20  : i32 {
      %mul3A_98 = arith.constant 16 : i32
      %mul3A_99 = arith.muli %scan3A_97, %mul3A_98 : i32
      %get3A = arith.index_cast %mul3A_99 : i32 to index
      %get3A_100 = tpu.vector_load %arg11[%get3A] {strides = array<i32>} : memref<512xi32, #tpu.memory_space<vmem>>, vector<16xi32>,
      %mul3A_101 = arith.constant 16 : i32
      %mul3A_102 = arith.muli %scan3A_97, %mul3A_101 : i32
      %get3A_103 = arith.constant 0 : i32
      %get3A_104 = arith.index_cast %get3A_103 : i32 to index
      %get3A_105 = arith.index_cast %mul3A_102 : i32 to index
      %get3A_106 = tpu.vector_load %arg9[%get3A_104, %get3A_105] {strides = array<i32>} : memref<32x512xi32, #tpu.memory_space<vmem>>, vector<16xi32>,
      %add3A_107 = arith.addi %get3A_106, %get3A_100 : vector<16xi32>
      %mul3A_108 = arith.constant 16 : i32
      %mul3A_109 = arith.muli %scan3A_97, %mul3A_108 : i32
      %swap3A_110 = arith.constant 0 : i32
      %swap3A_111 = arith.index_cast %swap3A_110 : i32 to index
      %swap3A_112 = arith.index_cast %mul3A_109 : i32 to index
      %swap3A_113 = tpu.vector_load %arg9[%swap3A_111, %swap3A_112] {strides = array<i32>} : memref<32x512xi32, #tpu.memory_space<vmem>>, vector<16xi32>,
      tpu.vector_store %arg9[%swap3A_111, %swap3A_112], %add3A_107 {strides = array<i32>} : memref<32x512xi32, #tpu.memory_space<vmem>>, vector<16xi32>,
      %mul3A_114 = arith.constant 16 : i32
      %mul3A_115 = arith.muli %scan3A_97, %mul3A_114 : i32
      %get3A_116 = arith.constant 1 : i32
      %get3A_117 = arith.index_cast %get3A_116 : i32 to index
      %get3A_118 = arith.index_cast %mul3A_115 : i32 to index
      %get3A_119 = tpu.vector_load %arg9[%get3A_117, %get3A_118] {strides = array<i32>} : memref<32x512xi32, #tpu.memory_space<vmem>>, vector<16xi32>,
      %add3A_120 = arith.addi %get3A_119, %get3A_100 : vector<16xi32>
      %mul3A_121 = arith.constant 16 : i32
      %mul3A_122 = arith.muli %scan3A_97, %mul3A_121 : i32
      %swap3A_123 = arith.constant 1 : i32
      %swap3A_124 = arith.index_cast %swap3A_123 : i32 to index
      %swap3A_125 = arith.index_cast %mul3A_122 : i32 to index
      %swap3A_126 = tpu.vector_load %arg9[%swap3A_124, %swap3A_125] {strides = array<i32>} : memref<32x512xi32, #tpu.memory_space<vmem>>, vector<16xi32>,
      tpu.vector_store %arg9[%swap3A_124, %swap3A_125], %add3A_120 {strides = array<i32>} : memref<32x512xi32, #tpu.memory_space<vmem>>, vector<16xi32>,
      %mul3A_127 = arith.constant 16 : i32
      %mul3A_128 = arith.muli %scan3A_97, %mul3A_127 : i32
      %get3A_129 = arith.constant 2 : i32
      %get3A_130 = arith.index_cast %get3A_129 : i32 to index
      %get3A_131 = arith.index_cast %mul3A_128 : i32 to index
      %get3A_132 = tpu.vector_load %arg9[%get3A_130, %get3A_131] {strides = array<i32>} : memref<32x512xi32, #tpu.memory_space<vmem>>, vector<16xi32>,
      %add3A_133 = arith.addi %get3A_132, %get3A_100 : vector<16xi32>
      %mul3A_134 = arith.constant 16 : i32
      %mul3A_135 = arith.muli %scan3A_97, %mul3A_134 : i32
      %swap3A_136 = arith.constant 2 : i32
      %swap3A_137 = arith.index_cast %swap3A_136 : i32 to index
      %swap3A_138 = arith.index_cast %mul3A_135 : i32 to index
      %swap3A_139 = tpu.vector_load %arg9[%swap3A_137, %swap3A_138] {strides = array<i32>} : memref<32x512xi32, #tpu.memory_space<vmem>>, vector<16xi32>,
      tpu.vector_store %arg9[%swap3A_137, %swap3A_138], %add3A_133 {strides = array<i32>} : memref<32x512xi32, #tpu.memory_space<vmem>>, vector<16xi32>,
      %mul3A_140 = arith.constant 16 : i32
      %mul3A_141 = arith.muli %scan3A_97, %mul3A_140 : i32
      %get3A_142 = arith.constant 3 : i32
      %get3A_143 = arith.index_cast %get3A_142 : i32 to index
      %get3A_144 = arith.index_cast %mul3A_141 : i32 to index
      %get3A_145 = tpu.vector_load %arg9[%get3A_143, %get3A_144] {strides = array<i32>} : memref<32x512xi32, #tpu.memory_space<vmem>>, vector<16xi32>,
      %add3A_146 = arith.addi %get3A_145, %get3A_100 : vector<16xi32>
      %mul3A_147 = arith.constant 16 : i32
      %mul3A_148 = arith.muli %scan3A_97, %mul3A_147 : i32
      %swap3A_149 = arith.constant 3 : i32
      %swap3A_150 = arith.index_cast %swap3A_149 : i32 to index
      %swap3A_151 = arith.index_cast %mul3A_148 : i32 to index
      %swap3A_152 = tpu.vector_load %arg9[%swap3A_150, %swap3A_151] {strides = array<i32>} : memref<32x512xi32, #tpu.memory_space<vmem>>, vector<16xi32>,
      tpu.vector_store %arg9[%swap3A_150, %swap3A_151], %add3A_146 {strides = array<i32>} : memref<32x512xi32, #tpu.memory_space<vmem>>, vector<16xi32>,
      %mul3A_153 = arith.constant 16 : i32
      %mul3A_154 = arith.muli %scan3A_97, %mul3A_153 : i32
      %get3A_155 = arith.constant 4 : i32
      %get3A_156 = arith.index_cast %get3A_155 : i32 to index
      %get3A_157 = arith.index_cast %mul3A_154 : i32 to index
      %get3A_158 = tpu.vector_load %arg9[%get3A_156, %get3A_157] {strides = array<i32>} : memref<32x512xi32, #tpu.memory_space<vmem>>, vector<16xi32>,
      %add3A_159 = arith.addi %get3A_158, %get3A_100 : vector<16xi32>
      %mul3A_160 = arith.constant 16 : i32
      %mul3A_161 = arith.muli %scan3A_97, %mul3A_160 : i32
      %swap3A_162 = arith.constant 4 : i32
      %swap3A_163 = arith.index_cast %swap3A_162 : i32 to index
      %swap3A_164 = arith.index_cast %mul3A_161 : i32 to index
      %swap3A_165 = tpu.vector_load %arg9[%swap3A_163, %swap3A_164] {strides = array<i32>} : memref<32x512xi32, #tpu.memory_space<vmem>>, vector<16xi32>,
      tpu.vector_store %arg9[%swap3A_163, %swap3A_164], %add3A_159 {strides = array<i32>} : memref<32x512xi32, #tpu.memory_space<vmem>>, vector<16xi32>,
      %mul3A_166 = arith.constant 16 : i32
      %mul3A_167 = arith.muli %scan3A_97, %mul3A_166 : i32
      %get3A_168 = arith.constant 5 : i32
      %get3A_169 = arith.index_cast %get3A_168 : i32 to index
      %get3A_170 = arith.index_cast %mul3A_167 : i32 to index
      %get3A_171 = tpu.vector_load %arg9[%get3A_169, %get3A_170] {strides = array<i32>} : memref<32x512xi32, #tpu.memory_space<vmem>>, vector<16xi32>,
      %add3A_172 = arith.addi %get3A_171, %get3A_100 : vector<16xi32>
      %mul3A_173 = arith.constant 16 : i32
      %mul3A_174 = arith.muli %scan3A_97, %mul3A_173 : i32
      %swap3A_175 = arith.constant 5 : i32
      %swap3A_176 = arith.index_cast %swap3A_175 : i32 to index
      %swap3A_177 = arith.index_cast %mul3A_174 : i32 to index
      %swap3A_178 = tpu.vector_load %arg9[%swap3A_176, %swap3A_177] {strides = array<i32>} : memref<32x512xi32, #tpu.memory_space<vmem>>, vector<16xi32>,
      tpu.vector_store %arg9[%swap3A_176, %swap3A_177], %add3A_172 {strides = array<i32>} : memref<32x512xi32, #tpu.memory_space<vmem>>, vector<16xi32>,
      %mul3A_179 = arith.constant 16 : i32
      %mul3A_180 = arith.muli %scan3A_97, %mul3A_179 : i32
      %get3A_181 = arith.constant 6 : i32
      %get3A_182 = arith.index_cast %get3A_181 : i32 to index
      %get3A_183 = arith.index_cast %mul3A_180 : i32 to index
      %get3A_184 = tpu.vector_load %arg9[%get3A_182, %get3A_183] {strides = array<i32>} : memref<32x512xi32, #tpu.memory_space<vmem>>, vector<16xi32>,
      %add3A_185 = arith.addi %get3A_184, %get3A_100 : vector<16xi32>
      %mul3A_186 = arith.constant 16 : i32
      %mul3A_187 = arith.muli %scan3A_97, %mul3A_186 : i32
      %swap3A_188 = arith.constant 6 : i32
      %swap3A_189 = arith.index_cast %swap3A_188 : i32 to index
      %swap3A_190 = arith.index_cast %mul3A_187 : i32 to index
      %swap3A_191 = tpu.vector_load %arg9[%swap3A_189, %swap3A_190] {strides = array<i32>} : memref<32x512xi32, #tpu.memory_space<vmem>>, vector<16xi32>,
      tpu.vector_store %arg9[%swap3A_189, %swap3A_190], %add3A_185 {strides = array<i32>} : memref<32x512xi32, #tpu.memory_space<vmem>>, vector<16xi32>,
      %mul3A_192 = arith.constant 16 : i32
      %mul3A_193 = arith.muli %scan3A_97, %mul3A_192 : i32
      %get3A_194 = arith.constant 7 : i32
      %get3A_195 = arith.index_cast %get3A_194 : i32 to index
      %get3A_196 = arith.index_cast %mul3A_193 : i32 to index
      %get3A_197 = tpu.vector_load %arg9[%get3A_195, %get3A_196] {strides = array<i32>} : memref<32x512xi32, #tpu.memory_space<vmem>>, vector<16xi32>,
      %add3A_198 = arith.addi %get3A_197, %get3A_100 : vector<16xi32>
      %mul3A_199 = arith.constant 16 : i32
      %mul3A_200 = arith.muli %scan3A_97, %mul3A_199 : i32
      %swap3A_201 = arith.constant 7 : i32
      %swap3A_202 = arith.index_cast %swap3A_201 : i32 to index
      %swap3A_203 = arith.index_cast %mul3A_200 : i32 to index
      %swap3A_204 = tpu.vector_load %arg9[%swap3A_202, %swap3A_203] {strides = array<i32>} : memref<32x512xi32, #tpu.memory_space<vmem>>, vector<16xi32>,
      tpu.vector_store %arg9[%swap3A_202, %swap3A_203], %add3A_198 {strides = array<i32>} : memref<32x512xi32, #tpu.memory_space<vmem>>, vector<16xi32>,
      %mul3A_205 = arith.constant 16 : i32
      %mul3A_206 = arith.muli %scan3A_97, %mul3A_205 : i32
      %get3A_207 = arith.constant 8 : i32
      %get3A_208 = arith.index_cast %get3A_207 : i32 to index
      %get3A_209 = arith.index_cast %mul3A_206 : i32 to index
      %get3A_210 = tpu.vector_load %arg9[%get3A_208, %get3A_209] {strides = array<i32>} : memref<32x512xi32, #tpu.memory_space<vmem>>, vector<16xi32>,
      %add3A_211 = arith.addi %get3A_210, %get3A_100 : vector<16xi32>
      %mul3A_212 = arith.constant 16 : i32
      %mul3A_213 = arith.muli %scan3A_97, %mul3A_212 : i32
      %swap3A_214 = arith.constant 8 : i32
      %swap3A_215 = arith.index_cast %swap3A_214 : i32 to index
      %swap3A_216 = arith.index_cast %mul3A_213 : i32 to index
      %swap3A_217 = tpu.vector_load %arg9[%swap3A_215, %swap3A_216] {strides = array<i32>} : memref<32x512xi32, #tpu.memory_space<vmem>>, vector<16xi32>,
      tpu.vector_store %arg9[%swap3A_215, %swap3A_216], %add3A_211 {strides = array<i32>} : memref<32x512xi32, #tpu.memory_space<vmem>>, vector<16xi32>,
      %mul3A_218 = arith.constant 16 : i32
      %mul3A_219 = arith.muli %scan3A_97, %mul3A_218 : i32
      %get3A_220 = arith.constant 9 : i32
      %get3A_221 = arith.index_cast %get3A_220 : i32 to index
      %get3A_222 = arith.index_cast %mul3A_219 : i32 to index
      %get3A_223 = tpu.vector_load %arg9[%get3A_221, %get3A_222] {strides = array<i32>} : memref<32x512xi32, #tpu.memory_space<vmem>>, vector<16xi32>,
      %add3A_224 = arith.addi %get3A_223, %get3A_100 : vector<16xi32>
      %mul3A_225 = arith.constant 16 : i32
      %mul3A_226 = arith.muli %scan3A_97, %mul3A_225 : i32
      %swap3A_227 = arith.constant 9 : i32
      %swap3A_228 = arith.index_cast %swap3A_227 : i32 to index
      %swap3A_229 = arith.index_cast %mul3A_226 : i32 to index
      %swap3A_230 = tpu.vector_load %arg9[%swap3A_228, %swap3A_229] {strides = array<i32>} : memref<32x512xi32, #tpu.memory_space<vmem>>, vector<16xi32>,
      tpu.vector_store %arg9[%swap3A_228, %swap3A_229], %add3A_224 {strides = array<i32>} : memref<32x512xi32, #tpu.memory_space<vmem>>, vector<16xi32>,
      %mul3A_231 = arith.constant 16 : i32
      %mul3A_232 = arith.muli %scan3A_97, %mul3A_231 : i32
      %get3A_233 = arith.constant 10 : i32
      %get3A_234 = arith.index_cast %get3A_233 : i32 to index
      %get3A_235 = arith.index_cast %mul3A_232 : i32 to index
      %get3A_236 = tpu.vector_load %arg9[%get3A_234, %get3A_235] {strides = array<i32>} : memref<32x512xi32, #tpu.memory_space<vmem>>, vector<16xi32>,
      %add3A_237 = arith.addi %get3A_236, %get3A_100 : vector<16xi32>
      %mul3A_238 = arith.constant 16 : i32
      %mul3A_239 = arith.muli %scan3A_97, %mul3A_238 : i32
      %swap3A_240 = arith.constant 10 : i32
      %swap3A_241 = arith.index_cast %swap3A_240 : i32 to index
      %swap3A_242 = arith.index_cast %mul3A_239 : i32 to index
      %swap3A_243 = tpu.vector_load %arg9[%swap3A_241, %swap3A_242] {strides = array<i32>} : memref<32x512xi32, #tpu.memory_space<vmem>>, vector<16xi32>,
      tpu.vector_store %arg9[%swap3A_241, %swap3A_242], %add3A_237 {strides = array<i32>} : memref<32x512xi32, #tpu.memory_space<vmem>>, vector<16xi32>,
      %mul3A_244 = arith.constant 16 : i32
      %mul3A_245 = arith.muli %scan3A_97, %mul3A_244 : i32
      %get3A_246 = arith.constant 11 : i32
      %get3A_247 = arith.index_cast %get3A_246 : i32 to index
      %get3A_248 = arith.index_cast %mul3A_245 : i32 to index
      %get3A_249 = tpu.vector_load %arg9[%get3A_247, %get3A_248] {strides = array<i32>} : memref<32x512xi32, #tpu.memory_space<vmem>>, vector<16xi32>,
      %add3A_250 = arith.addi %get3A_249, %get3A_100 : vector<16xi32>
      %mul3A_251 = arith.constant 16 : i32
      %mul3A_252 = arith.muli %scan3A_97, %mul3A_251 : i32
      %swap3A_253 = arith.constant 11 : i32
      %swap3A_254 = arith.index_cast %swap3A_253 : i32 to index
      %swap3A_255 = arith.index_cast %mul3A_252 : i32 to index
      %swap3A_256 = tpu.vector_load %arg9[%swap3A_254, %swap3A_255] {strides = array<i32>} : memref<32x512xi32, #tpu.memory_space<vmem>>, vector<16xi32>,
      tpu.vector_store %arg9[%swap3A_254, %swap3A_255], %add3A_250 {strides = array<i32>} : memref<32x512xi32, #tpu.memory_space<vmem>>, vector<16xi32>,
      %mul3A_257 = arith.constant 16 : i32
      %mul3A_258 = arith.muli %scan3A_97, %mul3A_257 : i32
      %get3A_259 = arith.constant 12 : i32
      %get3A_260 = arith.index_cast %get3A_259 : i32 to index
      %get3A_261 = arith.index_cast %mul3A_258 : i32 to index
      %get3A_262 = tpu.vector_load %arg9[%get3A_260, %get3A_261] {strides = array<i32>} : memref<32x512xi32, #tpu.memory_space<vmem>>, vector<16xi32>,
      %add3A_263 = arith.addi %get3A_262, %get3A_100 : vector<16xi32>
      %mul3A_264 = arith.constant 16 : i32
      %mul3A_265 = arith.muli %scan3A_97, %mul3A_264 : i32
      %swap3A_266 = arith.constant 12 : i32
      %swap3A_267 = arith.index_cast %swap3A_266 : i32 to index
      %swap3A_268 = arith.index_cast %mul3A_265 : i32 to index
      %swap3A_269 = tpu.vector_load %arg9[%swap3A_267, %swap3A_268] {strides = array<i32>} : memref<32x512xi32, #tpu.memory_space<vmem>>, vector<16xi32>,
      tpu.vector_store %arg9[%swap3A_267, %swap3A_268], %add3A_263 {strides = array<i32>} : memref<32x512xi32, #tpu.memory_space<vmem>>, vector<16xi32>,
      %mul3A_270 = arith.constant 16 : i32
      %mul3A_271 = arith.muli %scan3A_97, %mul3A_270 : i32
      %get3A_272 = arith.constant 13 : i32
      %get3A_273 = arith.index_cast %get3A_272 : i32 to index
      %get3A_274 = arith.index_cast %mul3A_271 : i32 to index
      %get3A_275 = tpu.vector_load %arg9[%get3A_273, %get3A_274] {strides = array<i32>} : memref<32x512xi32, #tpu.memory_space<vmem>>, vector<16xi32>,
      %add3A_276 = arith.addi %get3A_275, %get3A_100 : vector<16xi32>
      %mul3A_277 = arith.constant 16 : i32
      %mul3A_278 = arith.muli %scan3A_97, %mul3A_277 : i32
      %swap3A_279 = arith.constant 13 : i32
      %swap3A_280 = arith.index_cast %swap3A_279 : i32 to index
      %swap3A_281 = arith.index_cast %mul3A_278 : i32 to index
      %swap3A_282 = tpu.vector_load %arg9[%swap3A_280, %swap3A_281] {strides = array<i32>} : memref<32x512xi32, #tpu.memory_space<vmem>>, vector<16xi32>,
      tpu.vector_store %arg9[%swap3A_280, %swap3A_281], %add3A_276 {strides = array<i32>} : memref<32x512xi32, #tpu.memory_space<vmem>>, vector<16xi32>,
      %mul3A_283 = arith.constant 16 : i32
      %mul3A_284 = arith.muli %scan3A_97, %mul3A_283 : i32
      %get3A_285 = arith.constant 14 : i32
      %get3A_286 = arith.index_cast %get3A_285 : i32 to index
      %get3A_287 = arith.index_cast %mul3A_284 : i32 to index
      %get3A_288 = tpu.vector_load %arg9[%get3A_286, %get3A_287] {strides = array<i32>} : memref<32x512xi32, #tpu.memory_space<vmem>>, vector<16xi32>,
      %add3A_289 = arith.addi %get3A_288, %get3A_100 : vector<16xi32>
      %mul3A_290 = arith.constant 16 : i32
      %mul3A_291 = arith.muli %scan3A_97, %mul3A_290 : i32
      %swap3A_292 = arith.constant 14 : i32
      %swap3A_293 = arith.index_cast %swap3A_292 : i32 to index
      %swap3A_294 = arith.index_cast %mul3A_291 : i32 to index
      %swap3A_295 = tpu.vector_load %arg9[%swap3A_293, %swap3A_294] {strides = array<i32>} : memref<32x512xi32, #tpu.memory_space<vmem>>, vector<16xi32>,
      tpu.vector_store %arg9[%swap3A_293, %swap3A_294], %add3A_289 {strides = array<i32>} : memref<32x512xi32, #tpu.memory_space<vmem>>, vector<16xi32>,
      %mul3A_296 = arith.constant 16 : i32
      %mul3A_297 = arith.muli %scan3A_97, %mul3A_296 : i32
      %get3A_298 = arith.constant 15 : i32
      %get3A_299 = arith.index_cast %get3A_298 : i32 to index
      %get3A_300 = arith.index_cast %mul3A_297 : i32 to index
      %get3A_301 = tpu.vector_load %arg9[%get3A_299, %get3A_300] {strides = array<i32>} : memref<32x512xi32, #tpu.memory_space<vmem>>, vector<16xi32>,
      %add3A_302 = arith.addi %get3A_301, %get3A_100 : vector<16xi32>
      %mul3A_303 = arith.constant 16 : i32
      %mul3A_304 = arith.muli %scan3A_97, %mul3A_303 : i32
      %swap3A_305 = arith.constant 15 : i32
      %swap3A_306 = arith.index_cast %swap3A_305 : i32 to index
      %swap3A_307 = arith.index_cast %mul3A_304 : i32 to index
      %swap3A_308 = tpu.vector_load %arg9[%swap3A_306, %swap3A_307] {strides = array<i32>} : memref<32x512xi32, #tpu.memory_space<vmem>>, vector<16xi32>,
      tpu.vector_store %arg9[%swap3A_306, %swap3A_307], %add3A_302 {strides = array<i32>} : memref<32x512xi32, #tpu.memory_space<vmem>>, vector<16xi32>,
      %mul3A_309 = arith.constant 16 : i32
      %mul3A_310 = arith.muli %scan3A_97, %mul3A_309 : i32
      %get3A_311 = arith.constant 16 : i32
      %get3A_312 = arith.index_cast %get3A_311 : i32 to index
      %get3A_313 = arith.index_cast %mul3A_310 : i32 to index
      %get3A_314 = tpu.vector_load %arg9[%get3A_312, %get3A_313] {strides = array<i32>} : memref<32x512xi32, #tpu.memory_space<vmem>>, vector<16xi32>,
      %add3A_315 = arith.addi %get3A_314, %get3A_100 : vector<16xi32>
      %mul3A_316 = arith.constant 16 : i32
      %mul3A_317 = arith.muli %scan3A_97, %mul3A_316 : i32
      %swap3A_318 = arith.constant 16 : i32
      %swap3A_319 = arith.index_cast %swap3A_318 : i32 to index
      %swap3A_320 = arith.index_cast %mul3A_317 : i32 to index
      %swap3A_321 = tpu.vector_load %arg9[%swap3A_319, %swap3A_320] {strides = array<i32>} : memref<32x512xi32, #tpu.memory_space<vmem>>, vector<16xi32>,
      tpu.vector_store %arg9[%swap3A_319, %swap3A_320], %add3A_315 {strides = array<i32>} : memref<32x512xi32, #tpu.memory_space<vmem>>, vector<16xi32>,
      %mul3A_322 = arith.constant 16 : i32
      %mul3A_323 = arith.muli %scan3A_97, %mul3A_322 : i32
      %get3A_324 = arith.constant 17 : i32
      %get3A_325 = arith.index_cast %get3A_324 : i32 to index
      %get3A_326 = arith.index_cast %mul3A_323 : i32 to index
      %get3A_327 = tpu.vector_load %arg9[%get3A_325, %get3A_326] {strides = array<i32>} : memref<32x512xi32, #tpu.memory_space<vmem>>, vector<16xi32>,
      %add3A_328 = arith.addi %get3A_327, %get3A_100 : vector<16xi32>
      %mul3A_329 = arith.constant 16 : i32
      %mul3A_330 = arith.muli %scan3A_97, %mul3A_329 : i32
      %swap3A_331 = arith.constant 17 : i32
      %swap3A_332 = arith.index_cast %swap3A_331 : i32 to index
      %swap3A_333 = arith.index_cast %mul3A_330 : i32 to index
      %swap3A_334 = tpu.vector_load %arg9[%swap3A_332, %swap3A_333] {strides = array<i32>} : memref<32x512xi32, #tpu.memory_space<vmem>>, vector<16xi32>,
      tpu.vector_store %arg9[%swap3A_332, %swap3A_333], %add3A_328 {strides = array<i32>} : memref<32x512xi32, #tpu.memory_space<vmem>>, vector<16xi32>,
      %mul3A_335 = arith.constant 16 : i32
      %mul3A_336 = arith.muli %scan3A_97, %mul3A_335 : i32
      %get3A_337 = arith.constant 18 : i32
      %get3A_338 = arith.index_cast %get3A_337 : i32 to index
      %get3A_339 = arith.index_cast %mul3A_336 : i32 to index
      %get3A_340 = tpu.vector_load %arg9[%get3A_338, %get3A_339] {strides = array<i32>} : memref<32x512xi32, #tpu.memory_space<vmem>>, vector<16xi32>,
      %add3A_341 = arith.addi %get3A_340, %get3A_100 : vector<16xi32>
      %mul3A_342 = arith.constant 16 : i32
      %mul3A_343 = arith.muli %scan3A_97, %mul3A_342 : i32
      %swap3A_344 = arith.constant 18 : i32
      %swap3A_345 = arith.index_cast %swap3A_344 : i32 to index
      %swap3A_346 = arith.index_cast %mul3A_343 : i32 to index
      %swap3A_347 = tpu.vector_load %arg9[%swap3A_345, %swap3A_346] {strides = array<i32>} : memref<32x512xi32, #tpu.memory_space<vmem>>, vector<16xi32>,
      tpu.vector_store %arg9[%swap3A_345, %swap3A_346], %add3A_341 {strides = array<i32>} : memref<32x512xi32, #tpu.memory_space<vmem>>, vector<16xi32>,
      %mul3A_348 = arith.constant 16 : i32
      %mul3A_349 = arith.muli %scan3A_97, %mul3A_348 : i32
      %get3A_350 = arith.constant 19 : i32
      %get3A_351 = arith.index_cast %get3A_350 : i32 to index
      %get3A_352 = arith.index_cast %mul3A_349 : i32 to index
      %get3A_353 = tpu.vector_load %arg9[%get3A_351, %get3A_352] {strides = array<i32>} : memref<32x512xi32, #tpu.memory_space<vmem>>, vector<16xi32>,
      %add3A_354 = arith.addi %get3A_353, %get3A_100 : vector<16xi32>
      %mul3A_355 = arith.constant 16 : i32
      %mul3A_356 = arith.muli %scan3A_97, %mul3A_355 : i32
      %swap3A_357 = arith.constant 19 : i32
      %swap3A_358 = arith.index_cast %swap3A_357 : i32 to index
      %swap3A_359 = arith.index_cast %mul3A_356 : i32 to index
      %swap3A_360 = tpu.vector_load %arg9[%swap3A_358, %swap3A_359] {strides = array<i32>} : memref<32x512xi32, #tpu.memory_space<vmem>>, vector<16xi32>,
      tpu.vector_store %arg9[%swap3A_358, %swap3A_359], %add3A_354 {strides = array<i32>} : memref<32x512xi32, #tpu.memory_space<vmem>>, vector<16xi32>,
      %mul3A_361 = arith.constant 16 : i32
      %mul3A_362 = arith.muli %scan3A_97, %mul3A_361 : i32
      %get3A_363 = arith.constant 20 : i32
      %get3A_364 = arith.index_cast %get3A_363 : i32 to index
      %get3A_365 = arith.index_cast %mul3A_362 : i32 to index
      %get3A_366 = tpu.vector_load %arg9[%get3A_364, %get3A_365] {strides = array<i32>} : memref<32x512xi32, #tpu.memory_space<vmem>>, vector<16xi32>,
      %add3A_367 = arith.addi %get3A_366, %get3A_100 : vector<16xi32>
      %mul3A_368 = arith.constant 16 : i32
      %mul3A_369 = arith.muli %scan3A_97, %mul3A_368 : i32
      %swap3A_370 = arith.constant 20 : i32
      %swap3A_371 = arith.index_cast %swap3A_370 : i32 to index
      %swap3A_372 = arith.index_cast %mul3A_369 : i32 to index
      %swap3A_373 = tpu.vector_load %arg9[%swap3A_371, %swap3A_372] {strides = array<i32>} : memref<32x512xi32, #tpu.memory_space<vmem>>, vector<16xi32>,
      tpu.vector_store %arg9[%swap3A_371, %swap3A_372], %add3A_367 {strides = array<i32>} : memref<32x512xi32, #tpu.memory_space<vmem>>, vector<16xi32>,
      %mul3A_374 = arith.constant 16 : i32
      %mul3A_375 = arith.muli %scan3A_97, %mul3A_374 : i32
      %get3A_376 = arith.constant 21 : i32
      %get3A_377 = arith.index_cast %get3A_376 : i32 to index
      %get3A_378 = arith.index_cast %mul3A_375 : i32 to index
      %get3A_379 = tpu.vector_load %arg9[%get3A_377, %get3A_378] {strides = array<i32>} : memref<32x512xi32, #tpu.memory_space<vmem>>, vector<16xi32>,
      %add3A_380 = arith.addi %get3A_379, %get3A_100 : vector<16xi32>
      %mul3A_381 = arith.constant 16 : i32
      %mul3A_382 = arith.muli %scan3A_97, %mul3A_381 : i32
      %swap3A_383 = arith.constant 21 : i32
      %swap3A_384 = arith.index_cast %swap3A_383 : i32 to index
      %swap3A_385 = arith.index_cast %mul3A_382 : i32 to index
      %swap3A_386 = tpu.vector_load %arg9[%swap3A_384, %swap3A_385] {strides = array<i32>} : memref<32x512xi32, #tpu.memory_space<vmem>>, vector<16xi32>,
      tpu.vector_store %arg9[%swap3A_384, %swap3A_385], %add3A_380 {strides = array<i32>} : memref<32x512xi32, #tpu.memory_space<vmem>>, vector<16xi32>,
      %mul3A_387 = arith.constant 16 : i32
      %mul3A_388 = arith.muli %scan3A_97, %mul3A_387 : i32
      %get3A_389 = arith.constant 22 : i32
      %get3A_390 = arith.index_cast %get3A_389 : i32 to index
      %get3A_391 = arith.index_cast %mul3A_388 : i32 to index
      %get3A_392 = tpu.vector_load %arg9[%get3A_390, %get3A_391] {strides = array<i32>} : memref<32x512xi32, #tpu.memory_space<vmem>>, vector<16xi32>,
      %add3A_393 = arith.addi %get3A_392, %get3A_100 : vector<16xi32>
      %mul3A_394 = arith.constant 16 : i32
      %mul3A_395 = arith.muli %scan3A_97, %mul3A_394 : i32
      %swap3A_396 = arith.constant 22 : i32
      %swap3A_397 = arith.index_cast %swap3A_396 : i32 to index
      %swap3A_398 = arith.index_cast %mul3A_395 : i32 to index
      %swap3A_399 = tpu.vector_load %arg9[%swap3A_397, %swap3A_398] {strides = array<i32>} : memref<32x512xi32, #tpu.memory_space<vmem>>, vector<16xi32>,
      tpu.vector_store %arg9[%swap3A_397, %swap3A_398], %add3A_393 {strides = array<i32>} : memref<32x512xi32, #tpu.memory_space<vmem>>, vector<16xi32>,
      %mul3A_400 = arith.constant 16 : i32
      %mul3A_401 = arith.muli %scan3A_97, %mul3A_400 : i32
      %get3A_402 = arith.constant 23 : i32
      %get3A_403 = arith.index_cast %get3A_402 : i32 to index
      %get3A_404 = arith.index_cast %mul3A_401 : i32 to index
      %get3A_405 = tpu.vector_load %arg9[%get3A_403, %get3A_404] {strides = array<i32>} : memref<32x512xi32, #tpu.memory_space<vmem>>, vector<16xi32>,
      %add3A_406 = arith.addi %get3A_405, %get3A_100 : vector<16xi32>
      %mul3A_407 = arith.constant 16 : i32
      %mul3A_408 = arith.muli %scan3A_97, %mul3A_407 : i32
      %swap3A_409 = arith.constant 23 : i32
      %swap3A_410 = arith.index_cast %swap3A_409 : i32 to index
      %swap3A_411 = arith.index_cast %mul3A_408 : i32 to index
      %swap3A_412 = tpu.vector_load %arg9[%swap3A_410, %swap3A_411] {strides = array<i32>} : memref<32x512xi32, #tpu.memory_space<vmem>>, vector<16xi32>,
      tpu.vector_store %arg9[%swap3A_410, %swap3A_411], %add3A_406 {strides = array<i32>} : memref<32x512xi32, #tpu.memory_space<vmem>>, vector<16xi32>,
      %mul3A_413 = arith.constant 16 : i32
      %mul3A_414 = arith.muli %scan3A_97, %mul3A_413 : i32
      %get3A_415 = arith.constant 24 : i32
      %get3A_416 = arith.index_cast %get3A_415 : i32 to index
      %get3A_417 = arith.index_cast %mul3A_414 : i32 to index
      %get3A_418 = tpu.vector_load %arg9[%get3A_416, %get3A_417] {strides = array<i32>} : memref<32x512xi32, #tpu.memory_space<vmem>>, vector<16xi32>,
      %add3A_419 = arith.addi %get3A_418, %get3A_100 : vector<16xi32>
      %mul3A_420 = arith.constant 16 : i32
      %mul3A_421 = arith.muli %scan3A_97, %mul3A_420 : i32
      %swap3A_422 = arith.constant 24 : i32
      %swap3A_423 = arith.index_cast %swap3A_422 : i32 to index
      %swap3A_424 = arith.index_cast %mul3A_421 : i32 to index
      %swap3A_425 = tpu.vector_load %arg9[%swap3A_423, %swap3A_424] {strides = array<i32>} : memref<32x512xi32, #tpu.memory_space<vmem>>, vector<16xi32>,
      tpu.vector_store %arg9[%swap3A_423, %swap3A_424], %add3A_419 {strides = array<i32>} : memref<32x512xi32, #tpu.memory_space<vmem>>, vector<16xi32>,
      %mul3A_426 = arith.constant 16 : i32
      %mul3A_427 = arith.muli %scan3A_97, %mul3A_426 : i32
      %get3A_428 = arith.constant 25 : i32
      %get3A_429 = arith.index_cast %get3A_428 : i32 to index
      %get3A_430 = arith.index_cast %mul3A_427 : i32 to index
      %get3A_431 = tpu.vector_load %arg9[%get3A_429, %get3A_430] {strides = array<i32>} : memref<32x512xi32, #tpu.memory_space<vmem>>, vector<16xi32>,
      %add3A_432 = arith.addi %get3A_431, %get3A_100 : vector<16xi32>
      %mul3A_433 = arith.constant 16 : i32
      %mul3A_434 = arith.muli %scan3A_97, %mul3A_433 : i32
      %swap3A_435 = arith.constant 25 : i32
      %swap3A_436 = arith.index_cast %swap3A_435 : i32 to index
      %swap3A_437 = arith.index_cast %mul3A_434 : i32 to index
      %swap3A_438 = tpu.vector_load %arg9[%swap3A_436, %swap3A_437] {strides = array<i32>} : memref<32x512xi32, #tpu.memory_space<vmem>>, vector<16xi32>,
      tpu.vector_store %arg9[%swap3A_436, %swap3A_437], %add3A_432 {strides = array<i32>} : memref<32x512xi32, #tpu.memory_space<vmem>>, vector<16xi32>,
      %mul3A_439 = arith.constant 16 : i32
      %mul3A_440 = arith.muli %scan3A_97, %mul3A_439 : i32
      %get3A_441 = arith.constant 26 : i32
      %get3A_442 = arith.index_cast %get3A_441 : i32 to index
      %get3A_443 = arith.index_cast %mul3A_440 : i32 to index
      %get3A_444 = tpu.vector_load %arg9[%get3A_442, %get3A_443] {strides = array<i32>} : memref<32x512xi32, #tpu.memory_space<vmem>>, vector<16xi32>,
      %add3A_445 = arith.addi %get3A_444, %get3A_100 : vector<16xi32>
      %mul3A_446 = arith.constant 16 : i32
      %mul3A_447 = arith.muli %scan3A_97, %mul3A_446 : i32
      %swap3A_448 = arith.constant 26 : i32
      %swap3A_449 = arith.index_cast %swap3A_448 : i32 to index
      %swap3A_450 = arith.index_cast %mul3A_447 : i32 to index
      %swap3A_451 = tpu.vector_load %arg9[%swap3A_449, %swap3A_450] {strides = array<i32>} : memref<32x512xi32, #tpu.memory_space<vmem>>, vector<16xi32>,
      tpu.vector_store %arg9[%swap3A_449, %swap3A_450], %add3A_445 {strides = array<i32>} : memref<32x512xi32, #tpu.memory_space<vmem>>, vector<16xi32>,
      %mul3A_452 = arith.constant 16 : i32
      %mul3A_453 = arith.muli %scan3A_97, %mul3A_452 : i32
      %get3A_454 = arith.constant 27 : i32
      %get3A_455 = arith.index_cast %get3A_454 : i32 to index
      %get3A_456 = arith.index_cast %mul3A_453 : i32 to index
      %get3A_457 = tpu.vector_load %arg9[%get3A_455, %get3A_456] {strides = array<i32>} : memref<32x512xi32, #tpu.memory_space<vmem>>, vector<16xi32>,
      %add3A_458 = arith.addi %get3A_457, %get3A_100 : vector<16xi32>
      %mul3A_459 = arith.constant 16 : i32
      %mul3A_460 = arith.muli %scan3A_97, %mul3A_459 : i32
      %swap3A_461 = arith.constant 27 : i32
      %swap3A_462 = arith.index_cast %swap3A_461 : i32 to index
      %swap3A_463 = arith.index_cast %mul3A_460 : i32 to index
      %swap3A_464 = tpu.vector_load %arg9[%swap3A_462, %swap3A_463] {strides = array<i32>} : memref<32x512xi32, #tpu.memory_space<vmem>>, vector<16xi32>,
      tpu.vector_store %arg9[%swap3A_462, %swap3A_463], %add3A_458 {strides = array<i32>} : memref<32x512xi32, #tpu.memory_space<vmem>>, vector<16xi32>,
      %mul3A_465 = arith.constant 16 : i32
      %mul3A_466 = arith.muli %scan3A_97, %mul3A_465 : i32
      %get3A_467 = arith.constant 28 : i32
      %get3A_468 = arith.index_cast %get3A_467 : i32 to index
      %get3A_469 = arith.index_cast %mul3A_466 : i32 to index
      %get3A_470 = tpu.vector_load %arg9[%get3A_468, %get3A_469] {strides = array<i32>} : memref<32x512xi32, #tpu.memory_space<vmem>>, vector<16xi32>,
      %add3A_471 = arith.addi %get3A_470, %get3A_100 : vector<16xi32>
      %mul3A_472 = arith.constant 16 : i32
      %mul3A_473 = arith.muli %scan3A_97, %mul3A_472 : i32
      %swap3A_474 = arith.constant 28 : i32
      %swap3A_475 = arith.index_cast %swap3A_474 : i32 to index
      %swap3A_476 = arith.index_cast %mul3A_473 : i32 to index
      %swap3A_477 = tpu.vector_load %arg9[%swap3A_475, %swap3A_476] {strides = array<i32>} : memref<32x512xi32, #tpu.memory_space<vmem>>, vector<16xi32>,
      tpu.vector_store %arg9[%swap3A_475, %swap3A_476], %add3A_471 {strides = array<i32>} : memref<32x512xi32, #tpu.memory_space<vmem>>, vector<16xi32>,
      %mul3A_478 = arith.constant 16 : i32
      %mul3A_479 = arith.muli %scan3A_97, %mul3A_478 : i32
      %get3A_480 = arith.constant 29 : i32
      %get3A_481 = arith.index_cast %get3A_480 : i32 to index
      %get3A_482 = arith.index_cast %mul3A_479 : i32 to index
      %get3A_483 = tpu.vector_load %arg9[%get3A_481, %get3A_482] {strides = array<i32>} : memref<32x512xi32, #tpu.memory_space<vmem>>, vector<16xi32>,
      %add3A_484 = arith.addi %get3A_483, %get3A_100 : vector<16xi32>
      %mul3A_485 = arith.constant 16 : i32
      %mul3A_486 = arith.muli %scan3A_97, %mul3A_485 : i32
      %swap3A_487 = arith.constant 29 : i32
      %swap3A_488 = arith.index_cast %swap3A_487 : i32 to index
      %swap3A_489 = arith.index_cast %mul3A_486 : i32 to index
      %swap3A_490 = tpu.vector_load %arg9[%swap3A_488, %swap3A_489] {strides = array<i32>} : memref<32x512xi32, #tpu.memory_space<vmem>>, vector<16xi32>,
      tpu.vector_store %arg9[%swap3A_488, %swap3A_489], %add3A_484 {strides = array<i32>} : memref<32x512xi32, #tpu.memory_space<vmem>>, vector<16xi32>,
      %mul3A_491 = arith.constant 16 : i32
      %mul3A_492 = arith.muli %scan3A_97, %mul3A_491 : i32
      %get3A_493 = arith.constant 30 : i32
      %get3A_494 = arith.index_cast %get3A_493 : i32 to index
      %get3A_495 = arith.index_cast %mul3A_492 : i32 to index
      %get3A_496 = tpu.vector_load %arg9[%get3A_494, %get3A_495] {strides = array<i32>} : memref<32x512xi32, #tpu.memory_space<vmem>>, vector<16xi32>,
      %add3A_497 = arith.addi %get3A_496, %get3A_100 : vector<16xi32>
      %mul3A_498 = arith.constant 16 : i32
      %mul3A_499 = arith.muli %scan3A_97, %mul3A_498 : i32
      %swap3A_500 = arith.constant 30 : i32
      %swap3A_501 = arith.index_cast %swap3A_500 : i32 to index
      %swap3A_502 = arith.index_cast %mul3A_499 : i32 to index
      %swap3A_503 = tpu.vector_load %arg9[%swap3A_501, %swap3A_502] {strides = array<i32>} : memref<32x512xi32, #tpu.memory_space<vmem>>, vector<16xi32>,
      tpu.vector_store %arg9[%swap3A_501, %swap3A_502], %add3A_497 {strides = array<i32>} : memref<32x512xi32, #tpu.memory_space<vmem>>, vector<16xi32>,
      %mul3A_504 = arith.constant 16 : i32
      %mul3A_505 = arith.muli %scan3A_97, %mul3A_504 : i32
      %get3A_506 = arith.constant 31 : i32
      %get3A_507 = arith.index_cast %get3A_506 : i32 to index
      %get3A_508 = arith.index_cast %mul3A_505 : i32 to index
      %get3A_509 = tpu.vector_load %arg9[%get3A_507, %get3A_508] {strides = array<i32>} : memref<32x512xi32, #tpu.memory_space<vmem>>, vector<16xi32>,
      %add3A_510 = arith.addi %get3A_509, %get3A_100 : vector<16xi32>
      %mul3A_511 = arith.constant 16 : i32
      %mul3A_512 = arith.muli %scan3A_97, %mul3A_511 : i32
      %swap3A_513 = arith.constant 31 : i32
      %swap3A_514 = arith.index_cast %swap3A_513 : i32 to index
      %swap3A_515 = arith.index_cast %mul3A_512 : i32 to index
      %swap3A_516 = tpu.vector_load %arg9[%swap3A_514, %swap3A_515] {strides = array<i32>} : memref<32x512xi32, #tpu.memory_space<vmem>>, vector<16xi32>,
      tpu.vector_store %arg9[%swap3A_514, %swap3A_515], %add3A_510 {strides = array<i32>} : memref<32x512xi32, #tpu.memory_space<vmem>>, vector<16xi32>,
    }
    %scan3A_21 = arith.constant 32 : i32
    %broadcast_in_dim3A = vector.broadcast %scan3A_14 : i32 to vector<16xi32>
    %swap3A = arith.constant 0 : index
    %swap3A_22 = tpu.vector_load %arg12[%swap3A] {strides = array<i32>} : memref<128xi32, #tpu.memory_space<vmem>>, vector<16xi32>,
    tpu.vector_store %arg12[%swap3A], %broadcast_in_dim3A {strides = array<i32>} : memref<128xi32, #tpu.memory_space<vmem>>, vector<16xi32>,
    %broadcast_in_dim3A_23 = vector.broadcast %scan3A_14 : i32 to vector<16xi32>
    %swap3A_24 = arith.constant 16 : index
    %swap3A_25 = tpu.vector_load %arg12[%swap3A_24] {strides = array<i32>} : memref<128xi32, #tpu.memory_space<vmem>>, vector<16xi32>,
    tpu.vector_store %arg12[%swap3A_24], %broadcast_in_dim3A_23 {strides = array<i32>} : memref<128xi32, #tpu.memory_space<vmem>>, vector<16xi32>,
    %broadcast_in_dim3A_26 = vector.broadcast %scan3A_14 : i32 to vector<16xi32>
    %swap3A_27 = arith.constant 32 : index
    %swap3A_28 = tpu.vector_load %arg12[%swap3A_27] {strides = array<i32>} : memref<128xi32, #tpu.memory_space<vmem>>, vector<16xi32>,
    tpu.vector_store %arg12[%swap3A_27], %broadcast_in_dim3A_26 {strides = array<i32>} : memref<128xi32, #tpu.memory_space<vmem>>, vector<16xi32>,
    %broadcast_in_dim3A_29 = vector.broadcast %scan3A_14 : i32 to vector<16xi32>
    %swap3A_30 = arith.constant 48 : index
    %swap3A_31 = tpu.vector_load %arg12[%swap3A_30] {strides = array<i32>} : memref<128xi32, #tpu.memory_space<vmem>>, vector<16xi32>,
    tpu.vector_store %arg12[%swap3A_30], %broadcast_in_dim3A_29 {strides = array<i32>} : memref<128xi32, #tpu.memory_space<vmem>>, vector<16xi32>,
    %broadcast_in_dim3A_32 = vector.broadcast %scan3A_14 : i32 to vector<16xi32>
    %swap3A_33 = arith.constant 64 : index
    %swap3A_34 = tpu.vector_load %arg12[%swap3A_33] {strides = array<i32>} : memref<128xi32, #tpu.memory_space<vmem>>, vector<16xi32>,
    tpu.vector_store %arg12[%swap3A_33], %broadcast_in_dim3A_32 {strides = array<i32>} : memref<128xi32, #tpu.memory_space<vmem>>, vector<16xi32>,
    %broadcast_in_dim3A_35 = vector.broadcast %scan3A_14 : i32 to vector<16xi32>
    %swap3A_36 = arith.constant 80 : index
    %swap3A_37 = tpu.vector_load %arg12[%swap3A_36] {strides = array<i32>} : memref<128xi32, #tpu.memory_space<vmem>>, vector<16xi32>,
    tpu.vector_store %arg12[%swap3A_36], %broadcast_in_dim3A_35 {strides = array<i32>} : memref<128xi32, #tpu.memory_space<vmem>>, vector<16xi32>,
    %broadcast_in_dim3A_38 = vector.broadcast %scan3A_14 : i32 to vector<16xi32>
    %swap3A_39 = arith.constant 96 : index
    %swap3A_40 = tpu.vector_load %arg12[%swap3A_39] {strides = array<i32>} : memref<128xi32, #tpu.memory_space<vmem>>, vector<16xi32>,
    tpu.vector_store %arg12[%swap3A_39], %broadcast_in_dim3A_38 {strides = array<i32>} : memref<128xi32, #tpu.memory_space<vmem>>, vector<16xi32>,
    %broadcast_in_dim3A_41 = vector.broadcast %scan3A_14 : i32 to vector<16xi32>
    %swap3A_42 = arith.constant 112 : index
    %swap3A_43 = tpu.vector_load %arg12[%swap3A_42] {strides = array<i32>} : memref<128xi32, #tpu.memory_space<vmem>>, vector<16xi32>,
    tpu.vector_store %arg12[%swap3A_42], %broadcast_in_dim3A_41 {strides = array<i32>} : memref<128xi32, #tpu.memory_space<vmem>>, vector<16xi32>,
    %mul3A_44 = arith.constant 512 : i32
    %mul3A_45 = arith.muli %min3A_1, %mul3A_44 : i32
    "tpu.region"() ({
      %run_scoped3A = tpu.sem_alloc : memref<!tpu.dma_semaphore, #tpu.memory_space<semaphore_mem>>
      %dma_start3A = arith.constant 0 : i32
      %dma_start3A_97 = tpu.memref_slice %arg4[%dma_start3A, %mul3A_45] : memref<32x14336xi32, #tpu.memory_space<hbm>> -> memref<32x512xi32, #tpu.memory_space<hbm>>
      %dma_start3A_98 = arith.constant 0 : i32
      %dma_start3A_99 = tpu.memref_slice %arg4[%dma_start3A_98, %mul3A_45] : memref<32x14336xi32, #tpu.memory_space<hbm>> -> memref<32x512xi32, #tpu.memory_space<hbm>>
      tpu.enqueue_dma source(%arg9 : memref<32x512xi32, #tpu.memory_space<vmem>>) target(%dma_start3A_99 : memref<32x512xi32, #tpu.memory_space<hbm>>) target_semaphore(%run_scoped3A : memref<!tpu.dma_semaphore, #tpu.memory_space<semaphore_mem>>)
      %dma_wait3A = arith.constant 0 : i32
      %dma_wait3A_100 = tpu.memref_slice %arg4[%dma_wait3A, %mul3A_45] : memref<32x14336xi32, #tpu.memory_space<hbm>> -> memref<32x512xi32, #tpu.memory_space<hbm>>
      %dma_wait3A_101 = arith.constant 0 : i32
      %dma_wait3A_102 = tpu.memref_slice %arg4[%dma_wait3A_101, %mul3A_45] : memref<32x14336xi32, #tpu.memory_space<hbm>> -> memref<32x512xi32, #tpu.memory_space<hbm>>
      tpu.wait_dma2 semaphore(%run_scoped3A : memref<!tpu.dma_semaphore, #tpu.memory_space<semaphore_mem>>) src(%arg9 : memref<32x512xi32, #tpu.memory_space<vmem>>) dst(%dma_wait3A_102 : memref<32x512xi32, #tpu.memory_space<hbm>>)
      tpu.yield
    }) : () -> ()
    %mul3A_46 = arith.constant 128 : i32
    %mul3A_47 = arith.muli %add3A, %mul3A_46 : i32
    "tpu.region"() ({
      %run_scoped3A = tpu.sem_alloc : memref<!tpu.dma_semaphore, #tpu.memory_space<semaphore_mem>>
      %dma_start3A = tpu.memref_slice %arg5[%mul3A_47] : memref<4096xi32, #tpu.memory_space<hbm>> -> memref<128xi32, #tpu.memory_space<hbm>>
      %dma_start3A_97 = tpu.memref_slice %arg5[%mul3A_47] : memref<4096xi32, #tpu.memory_space<hbm>> -> memref<128xi32, #tpu.memory_space<hbm>>
      tpu.enqueue_dma source(%arg12 : memref<128xi32, #tpu.memory_space<vmem>>) target(%dma_start3A_97 : memref<128xi32, #tpu.memory_space<hbm>>) target_semaphore(%run_scoped3A : memref<!tpu.dma_semaphore, #tpu.memory_space<semaphore_mem>>)
      %dma_wait3A = tpu.memref_slice %arg5[%mul3A_47] : memref<4096xi32, #tpu.memory_space<hbm>> -> memref<128xi32, #tpu.memory_space<hbm>>
      %dma_wait3A_98 = tpu.memref_slice %arg5[%mul3A_47] : memref<4096xi32, #tpu.memory_space<hbm>> -> memref<128xi32, #tpu.memory_space<hbm>>
      tpu.wait_dma2 semaphore(%run_scoped3A : memref<!tpu.dma_semaphore, #tpu.memory_space<semaphore_mem>>) src(%arg12 : memref<128xi32, #tpu.memory_space<vmem>>) dst(%dma_wait3A_98 : memref<128xi32, #tpu.memory_space<hbm>>)
      tpu.yield
    }) : () -> ()
    %mul3A_48 = arith.constant 512 : i32
    %mul3A_49 = arith.muli %min3A_1, %mul3A_48 : i32
    "tpu.region"() ({
      %run_scoped3A = tpu.sem_alloc : memref<!tpu.dma_semaphore, #tpu.memory_space<semaphore_mem>>
      %dma_start3A = arith.constant 0 : i32
      %dma_start3A_97 = tpu.memref_slice %arg3[%dma_start3A, %mul3A_49] : memref<32x14336xi32, #tpu.memory_space<hbm>> -> memref<32x512xi32, #tpu.memory_space<hbm>>
      %dma_start3A_98 = arith.constant 0 : i32
      %dma_start3A_99 = tpu.memref_slice %arg3[%dma_start3A_98, %mul3A_49] : memref<32x14336xi32, #tpu.memory_space<hbm>> -> memref<32x512xi32, #tpu.memory_space<hbm>>
      tpu.enqueue_dma source(%dma_start3A_99 : memref<32x512xi32, #tpu.memory_space<hbm>>) target(%arg8 : memref<32x512xi32, #tpu.memory_space<vmem>>) target_semaphore(%run_scoped3A : memref<!tpu.dma_semaphore, #tpu.memory_space<semaphore_mem>>)
      %dma_wait3A = arith.constant 0 : i32
      %dma_wait3A_100 = tpu.memref_slice %arg3[%dma_wait3A, %mul3A_49] : memref<32x14336xi32, #tpu.memory_space<hbm>> -> memref<32x512xi32, #tpu.memory_space<hbm>>
      %dma_wait3A_101 = arith.constant 0 : i32
      %dma_wait3A_102 = tpu.memref_slice %arg3[%dma_wait3A_101, %mul3A_49] : memref<32x14336xi32, #tpu.memory_space<hbm>> -> memref<32x512xi32, #tpu.memory_space<hbm>>
      tpu.wait_dma2 semaphore(%run_scoped3A : memref<!tpu.dma_semaphore, #tpu.memory_space<semaphore_mem>>) src(%dma_wait3A_102 : memref<32x512xi32, #tpu.memory_space<hbm>>) dst(%arg8 : memref<32x512xi32, #tpu.memory_space<vmem>>)
      tpu.yield
    }) : () -> ()
    %scan3A_50 = arith.constant 0 : i32
    %scan3A_51 = arith.constant 0 : i32
    %scan3A_52 = arith.constant 32 : i32
    %scan3A_53 = arith.addi %scan3A_51, %scan3A_52 : i32
    %scan3A_54 = arith.constant 1 : i32
    scf.for %scan3A_97 = %scan3A_51 to %scan3A_53 step %scan3A_54  : i32 {
      %broadcast_in_dim3A_98 = arith.constant 0 : i32
      %broadcast_in_dim3A_99 = vector.broadcast %broadcast_in_dim3A_98 : i32 to vector<16xi32>
      %mul3A_100 = arith.constant 16 : i32
      %mul3A_101 = arith.muli %scan3A_97, %mul3A_100 : i32
      %swap3A_102 = arith.constant 0 : i32
      %swap3A_103 = arith.index_cast %swap3A_102 : i32 to index
      %swap3A_104 = arith.index_cast %mul3A_101 : i32 to index
      %swap3A_105 = tpu.vector_load %arg9[%swap3A_103, %swap3A_104] {strides = array<i32>} : memref<32x512xi32, #tpu.memory_space<vmem>>, vector<16xi32>,
      tpu.vector_store %arg9[%swap3A_103, %swap3A_104], %broadcast_in_dim3A_99 {strides = array<i32>} : memref<32x512xi32, #tpu.memory_space<vmem>>, vector<16xi32>,
      %mul3A_106 = arith.constant 16 : i32
      %mul3A_107 = arith.muli %scan3A_97, %mul3A_106 : i32
      %get3A = arith.constant 0 : i32
      %get3A_108 = arith.index_cast %get3A : i32 to index
      %get3A_109 = arith.index_cast %mul3A_107 : i32 to index
      %get3A_110 = tpu.vector_load %arg8[%get3A_108, %get3A_109] {strides = array<i32>} : memref<32x512xi32, #tpu.memory_space<vmem>>, vector<16xi32>,
      %add3A_111 = arith.addi %broadcast_in_dim3A_99, %get3A_110 : vector<16xi32>
      %mul3A_112 = arith.constant 16 : i32
      %mul3A_113 = arith.muli %scan3A_97, %mul3A_112 : i32
      %swap3A_114 = arith.constant 1 : i32
      %swap3A_115 = arith.index_cast %swap3A_114 : i32 to index
      %swap3A_116 = arith.index_cast %mul3A_113 : i32 to index
      %swap3A_117 = tpu.vector_load %arg9[%swap3A_115, %swap3A_116] {strides = array<i32>} : memref<32x512xi32, #tpu.memory_space<vmem>>, vector<16xi32>,
      tpu.vector_store %arg9[%swap3A_115, %swap3A_116], %add3A_111 {strides = array<i32>} : memref<32x512xi32, #tpu.memory_space<vmem>>, vector<16xi32>,
      %mul3A_118 = arith.constant 16 : i32
      %mul3A_119 = arith.muli %scan3A_97, %mul3A_118 : i32
      %get3A_120 = arith.constant 1 : i32
      %get3A_121 = arith.index_cast %get3A_120 : i32 to index
      %get3A_122 = arith.index_cast %mul3A_119 : i32 to index
      %get3A_123 = tpu.vector_load %arg8[%get3A_121, %get3A_122] {strides = array<i32>} : memref<32x512xi32, #tpu.memory_space<vmem>>, vector<16xi32>,
      %add3A_124 = arith.addi %add3A_111, %get3A_123 : vector<16xi32>
      %mul3A_125 = arith.constant 16 : i32
      %mul3A_126 = arith.muli %scan3A_97, %mul3A_125 : i32
      %swap3A_127 = arith.constant 2 : i32
      %swap3A_128 = arith.index_cast %swap3A_127 : i32 to index
      %swap3A_129 = arith.index_cast %mul3A_126 : i32 to index
      %swap3A_130 = tpu.vector_load %arg9[%swap3A_128, %swap3A_129] {strides = array<i32>} : memref<32x512xi32, #tpu.memory_space<vmem>>, vector<16xi32>,
      tpu.vector_store %arg9[%swap3A_128, %swap3A_129], %add3A_124 {strides = array<i32>} : memref<32x512xi32, #tpu.memory_space<vmem>>, vector<16xi32>,
      %mul3A_131 = arith.constant 16 : i32
      %mul3A_132 = arith.muli %scan3A_97, %mul3A_131 : i32
      %get3A_133 = arith.constant 2 : i32
      %get3A_134 = arith.index_cast %get3A_133 : i32 to index
      %get3A_135 = arith.index_cast %mul3A_132 : i32 to index
      %get3A_136 = tpu.vector_load %arg8[%get3A_134, %get3A_135] {strides = array<i32>} : memref<32x512xi32, #tpu.memory_space<vmem>>, vector<16xi32>,
      %add3A_137 = arith.addi %add3A_124, %get3A_136 : vector<16xi32>
      %mul3A_138 = arith.constant 16 : i32
      %mul3A_139 = arith.muli %scan3A_97, %mul3A_138 : i32
      %swap3A_140 = arith.constant 3 : i32
      %swap3A_141 = arith.index_cast %swap3A_140 : i32 to index
      %swap3A_142 = arith.index_cast %mul3A_139 : i32 to index
      %swap3A_143 = tpu.vector_load %arg9[%swap3A_141, %swap3A_142] {strides = array<i32>} : memref<32x512xi32, #tpu.memory_space<vmem>>, vector<16xi32>,
      tpu.vector_store %arg9[%swap3A_141, %swap3A_142], %add3A_137 {strides = array<i32>} : memref<32x512xi32, #tpu.memory_space<vmem>>, vector<16xi32>,
      %mul3A_144 = arith.constant 16 : i32
      %mul3A_145 = arith.muli %scan3A_97, %mul3A_144 : i32
      %get3A_146 = arith.constant 3 : i32
      %get3A_147 = arith.index_cast %get3A_146 : i32 to index
      %get3A_148 = arith.index_cast %mul3A_145 : i32 to index
      %get3A_149 = tpu.vector_load %arg8[%get3A_147, %get3A_148] {strides = array<i32>} : memref<32x512xi32, #tpu.memory_space<vmem>>, vector<16xi32>,
      %add3A_150 = arith.addi %add3A_137, %get3A_149 : vector<16xi32>
      %mul3A_151 = arith.constant 16 : i32
      %mul3A_152 = arith.muli %scan3A_97, %mul3A_151 : i32
      %swap3A_153 = arith.constant 4 : i32
      %swap3A_154 = arith.index_cast %swap3A_153 : i32 to index
      %swap3A_155 = arith.index_cast %mul3A_152 : i32 to index
      %swap3A_156 = tpu.vector_load %arg9[%swap3A_154, %swap3A_155] {strides = array<i32>} : memref<32x512xi32, #tpu.memory_space<vmem>>, vector<16xi32>,
      tpu.vector_store %arg9[%swap3A_154, %swap3A_155], %add3A_150 {strides = array<i32>} : memref<32x512xi32, #tpu.memory_space<vmem>>, vector<16xi32>,
      %mul3A_157 = arith.constant 16 : i32
      %mul3A_158 = arith.muli %scan3A_97, %mul3A_157 : i32
      %get3A_159 = arith.constant 4 : i32
      %get3A_160 = arith.index_cast %get3A_159 : i32 to index
      %get3A_161 = arith.index_cast %mul3A_158 : i32 to index
      %get3A_162 = tpu.vector_load %arg8[%get3A_160, %get3A_161] {strides = array<i32>} : memref<32x512xi32, #tpu.memory_space<vmem>>, vector<16xi32>,
      %add3A_163 = arith.addi %add3A_150, %get3A_162 : vector<16xi32>
      %mul3A_164 = arith.constant 16 : i32
      %mul3A_165 = arith.muli %scan3A_97, %mul3A_164 : i32
      %swap3A_166 = arith.constant 5 : i32
      %swap3A_167 = arith.index_cast %swap3A_166 : i32 to index
      %swap3A_168 = arith.index_cast %mul3A_165 : i32 to index
      %swap3A_169 = tpu.vector_load %arg9[%swap3A_167, %swap3A_168] {strides = array<i32>} : memref<32x512xi32, #tpu.memory_space<vmem>>, vector<16xi32>,
      tpu.vector_store %arg9[%swap3A_167, %swap3A_168], %add3A_163 {strides = array<i32>} : memref<32x512xi32, #tpu.memory_space<vmem>>, vector<16xi32>,
      %mul3A_170 = arith.constant 16 : i32
      %mul3A_171 = arith.muli %scan3A_97, %mul3A_170 : i32
      %get3A_172 = arith.constant 5 : i32
      %get3A_173 = arith.index_cast %get3A_172 : i32 to index
      %get3A_174 = arith.index_cast %mul3A_171 : i32 to index
      %get3A_175 = tpu.vector_load %arg8[%get3A_173, %get3A_174] {strides = array<i32>} : memref<32x512xi32, #tpu.memory_space<vmem>>, vector<16xi32>,
      %add3A_176 = arith.addi %add3A_163, %get3A_175 : vector<16xi32>
      %mul3A_177 = arith.constant 16 : i32
      %mul3A_178 = arith.muli %scan3A_97, %mul3A_177 : i32
      %swap3A_179 = arith.constant 6 : i32
      %swap3A_180 = arith.index_cast %swap3A_179 : i32 to index
      %swap3A_181 = arith.index_cast %mul3A_178 : i32 to index
      %swap3A_182 = tpu.vector_load %arg9[%swap3A_180, %swap3A_181] {strides = array<i32>} : memref<32x512xi32, #tpu.memory_space<vmem>>, vector<16xi32>,
      tpu.vector_store %arg9[%swap3A_180, %swap3A_181], %add3A_176 {strides = array<i32>} : memref<32x512xi32, #tpu.memory_space<vmem>>, vector<16xi32>,
      %mul3A_183 = arith.constant 16 : i32
      %mul3A_184 = arith.muli %scan3A_97, %mul3A_183 : i32
      %get3A_185 = arith.constant 6 : i32
      %get3A_186 = arith.index_cast %get3A_185 : i32 to index
      %get3A_187 = arith.index_cast %mul3A_184 : i32 to index
      %get3A_188 = tpu.vector_load %arg8[%get3A_186, %get3A_187] {strides = array<i32>} : memref<32x512xi32, #tpu.memory_space<vmem>>, vector<16xi32>,
      %add3A_189 = arith.addi %add3A_176, %get3A_188 : vector<16xi32>
      %mul3A_190 = arith.constant 16 : i32
      %mul3A_191 = arith.muli %scan3A_97, %mul3A_190 : i32
      %swap3A_192 = arith.constant 7 : i32
      %swap3A_193 = arith.index_cast %swap3A_192 : i32 to index
      %swap3A_194 = arith.index_cast %mul3A_191 : i32 to index
      %swap3A_195 = tpu.vector_load %arg9[%swap3A_193, %swap3A_194] {strides = array<i32>} : memref<32x512xi32, #tpu.memory_space<vmem>>, vector<16xi32>,
      tpu.vector_store %arg9[%swap3A_193, %swap3A_194], %add3A_189 {strides = array<i32>} : memref<32x512xi32, #tpu.memory_space<vmem>>, vector<16xi32>,
      %mul3A_196 = arith.constant 16 : i32
      %mul3A_197 = arith.muli %scan3A_97, %mul3A_196 : i32
      %get3A_198 = arith.constant 7 : i32
      %get3A_199 = arith.index_cast %get3A_198 : i32 to index
      %get3A_200 = arith.index_cast %mul3A_197 : i32 to index
      %get3A_201 = tpu.vector_load %arg8[%get3A_199, %get3A_200] {strides = array<i32>} : memref<32x512xi32, #tpu.memory_space<vmem>>, vector<16xi32>,
      %add3A_202 = arith.addi %add3A_189, %get3A_201 : vector<16xi32>
      %mul3A_203 = arith.constant 16 : i32
      %mul3A_204 = arith.muli %scan3A_97, %mul3A_203 : i32
      %swap3A_205 = arith.constant 8 : i32
      %swap3A_206 = arith.index_cast %swap3A_205 : i32 to index
      %swap3A_207 = arith.index_cast %mul3A_204 : i32 to index
      %swap3A_208 = tpu.vector_load %arg9[%swap3A_206, %swap3A_207] {strides = array<i32>} : memref<32x512xi32, #tpu.memory_space<vmem>>, vector<16xi32>,
      tpu.vector_store %arg9[%swap3A_206, %swap3A_207], %add3A_202 {strides = array<i32>} : memref<32x512xi32, #tpu.memory_space<vmem>>, vector<16xi32>,
      %mul3A_209 = arith.constant 16 : i32
      %mul3A_210 = arith.muli %scan3A_97, %mul3A_209 : i32
      %get3A_211 = arith.constant 8 : i32
      %get3A_212 = arith.index_cast %get3A_211 : i32 to index
      %get3A_213 = arith.index_cast %mul3A_210 : i32 to index
      %get3A_214 = tpu.vector_load %arg8[%get3A_212, %get3A_213] {strides = array<i32>} : memref<32x512xi32, #tpu.memory_space<vmem>>, vector<16xi32>,
      %add3A_215 = arith.addi %add3A_202, %get3A_214 : vector<16xi32>
      %mul3A_216 = arith.constant 16 : i32
      %mul3A_217 = arith.muli %scan3A_97, %mul3A_216 : i32
      %swap3A_218 = arith.constant 9 : i32
      %swap3A_219 = arith.index_cast %swap3A_218 : i32 to index
      %swap3A_220 = arith.index_cast %mul3A_217 : i32 to index
      %swap3A_221 = tpu.vector_load %arg9[%swap3A_219, %swap3A_220] {strides = array<i32>} : memref<32x512xi32, #tpu.memory_space<vmem>>, vector<16xi32>,
      tpu.vector_store %arg9[%swap3A_219, %swap3A_220], %add3A_215 {strides = array<i32>} : memref<32x512xi32, #tpu.memory_space<vmem>>, vector<16xi32>,
      %mul3A_222 = arith.constant 16 : i32
      %mul3A_223 = arith.muli %scan3A_97, %mul3A_222 : i32
      %get3A_224 = arith.constant 9 : i32
      %get3A_225 = arith.index_cast %get3A_224 : i32 to index
      %get3A_226 = arith.index_cast %mul3A_223 : i32 to index
      %get3A_227 = tpu.vector_load %arg8[%get3A_225, %get3A_226] {strides = array<i32>} : memref<32x512xi32, #tpu.memory_space<vmem>>, vector<16xi32>,
      %add3A_228 = arith.addi %add3A_215, %get3A_227 : vector<16xi32>
      %mul3A_229 = arith.constant 16 : i32
      %mul3A_230 = arith.muli %scan3A_97, %mul3A_229 : i32
      %swap3A_231 = arith.constant 10 : i32
      %swap3A_232 = arith.index_cast %swap3A_231 : i32 to index
      %swap3A_233 = arith.index_cast %mul3A_230 : i32 to index
      %swap3A_234 = tpu.vector_load %arg9[%swap3A_232, %swap3A_233] {strides = array<i32>} : memref<32x512xi32, #tpu.memory_space<vmem>>, vector<16xi32>,
      tpu.vector_store %arg9[%swap3A_232, %swap3A_233], %add3A_228 {strides = array<i32>} : memref<32x512xi32, #tpu.memory_space<vmem>>, vector<16xi32>,
      %mul3A_235 = arith.constant 16 : i32
      %mul3A_236 = arith.muli %scan3A_97, %mul3A_235 : i32
      %get3A_237 = arith.constant 10 : i32
      %get3A_238 = arith.index_cast %get3A_237 : i32 to index
      %get3A_239 = arith.index_cast %mul3A_236 : i32 to index
      %get3A_240 = tpu.vector_load %arg8[%get3A_238, %get3A_239] {strides = array<i32>} : memref<32x512xi32, #tpu.memory_space<vmem>>, vector<16xi32>,
      %add3A_241 = arith.addi %add3A_228, %get3A_240 : vector<16xi32>
      %mul3A_242 = arith.constant 16 : i32
      %mul3A_243 = arith.muli %scan3A_97, %mul3A_242 : i32
      %swap3A_244 = arith.constant 11 : i32
      %swap3A_245 = arith.index_cast %swap3A_244 : i32 to index
      %swap3A_246 = arith.index_cast %mul3A_243 : i32 to index
      %swap3A_247 = tpu.vector_load %arg9[%swap3A_245, %swap3A_246] {strides = array<i32>} : memref<32x512xi32, #tpu.memory_space<vmem>>, vector<16xi32>,
      tpu.vector_store %arg9[%swap3A_245, %swap3A_246], %add3A_241 {strides = array<i32>} : memref<32x512xi32, #tpu.memory_space<vmem>>, vector<16xi32>,
      %mul3A_248 = arith.constant 16 : i32
      %mul3A_249 = arith.muli %scan3A_97, %mul3A_248 : i32
      %get3A_250 = arith.constant 11 : i32
      %get3A_251 = arith.index_cast %get3A_250 : i32 to index
      %get3A_252 = arith.index_cast %mul3A_249 : i32 to index
      %get3A_253 = tpu.vector_load %arg8[%get3A_251, %get3A_252] {strides = array<i32>} : memref<32x512xi32, #tpu.memory_space<vmem>>, vector<16xi32>,
      %add3A_254 = arith.addi %add3A_241, %get3A_253 : vector<16xi32>
      %mul3A_255 = arith.constant 16 : i32
      %mul3A_256 = arith.muli %scan3A_97, %mul3A_255 : i32
      %swap3A_257 = arith.constant 12 : i32
      %swap3A_258 = arith.index_cast %swap3A_257 : i32 to index
      %swap3A_259 = arith.index_cast %mul3A_256 : i32 to index
      %swap3A_260 = tpu.vector_load %arg9[%swap3A_258, %swap3A_259] {strides = array<i32>} : memref<32x512xi32, #tpu.memory_space<vmem>>, vector<16xi32>,
      tpu.vector_store %arg9[%swap3A_258, %swap3A_259], %add3A_254 {strides = array<i32>} : memref<32x512xi32, #tpu.memory_space<vmem>>, vector<16xi32>,
      %mul3A_261 = arith.constant 16 : i32
      %mul3A_262 = arith.muli %scan3A_97, %mul3A_261 : i32
      %get3A_263 = arith.constant 12 : i32
      %get3A_264 = arith.index_cast %get3A_263 : i32 to index
      %get3A_265 = arith.index_cast %mul3A_262 : i32 to index
      %get3A_266 = tpu.vector_load %arg8[%get3A_264, %get3A_265] {strides = array<i32>} : memref<32x512xi32, #tpu.memory_space<vmem>>, vector<16xi32>,
      %add3A_267 = arith.addi %add3A_254, %get3A_266 : vector<16xi32>
      %mul3A_268 = arith.constant 16 : i32
      %mul3A_269 = arith.muli %scan3A_97, %mul3A_268 : i32
      %swap3A_270 = arith.constant 13 : i32
      %swap3A_271 = arith.index_cast %swap3A_270 : i32 to index
      %swap3A_272 = arith.index_cast %mul3A_269 : i32 to index
      %swap3A_273 = tpu.vector_load %arg9[%swap3A_271, %swap3A_272] {strides = array<i32>} : memref<32x512xi32, #tpu.memory_space<vmem>>, vector<16xi32>,
      tpu.vector_store %arg9[%swap3A_271, %swap3A_272], %add3A_267 {strides = array<i32>} : memref<32x512xi32, #tpu.memory_space<vmem>>, vector<16xi32>,
      %mul3A_274 = arith.constant 16 : i32
      %mul3A_275 = arith.muli %scan3A_97, %mul3A_274 : i32
      %get3A_276 = arith.constant 13 : i32
      %get3A_277 = arith.index_cast %get3A_276 : i32 to index
      %get3A_278 = arith.index_cast %mul3A_275 : i32 to index
      %get3A_279 = tpu.vector_load %arg8[%get3A_277, %get3A_278] {strides = array<i32>} : memref<32x512xi32, #tpu.memory_space<vmem>>, vector<16xi32>,
      %add3A_280 = arith.addi %add3A_267, %get3A_279 : vector<16xi32>
      %mul3A_281 = arith.constant 16 : i32
      %mul3A_282 = arith.muli %scan3A_97, %mul3A_281 : i32
      %swap3A_283 = arith.constant 14 : i32
      %swap3A_284 = arith.index_cast %swap3A_283 : i32 to index
      %swap3A_285 = arith.index_cast %mul3A_282 : i32 to index
      %swap3A_286 = tpu.vector_load %arg9[%swap3A_284, %swap3A_285] {strides = array<i32>} : memref<32x512xi32, #tpu.memory_space<vmem>>, vector<16xi32>,
      tpu.vector_store %arg9[%swap3A_284, %swap3A_285], %add3A_280 {strides = array<i32>} : memref<32x512xi32, #tpu.memory_space<vmem>>, vector<16xi32>,
      %mul3A_287 = arith.constant 16 : i32
      %mul3A_288 = arith.muli %scan3A_97, %mul3A_287 : i32
      %get3A_289 = arith.constant 14 : i32
      %get3A_290 = arith.index_cast %get3A_289 : i32 to index
      %get3A_291 = arith.index_cast %mul3A_288 : i32 to index
      %get3A_292 = tpu.vector_load %arg8[%get3A_290, %get3A_291] {strides = array<i32>} : memref<32x512xi32, #tpu.memory_space<vmem>>, vector<16xi32>,
      %add3A_293 = arith.addi %add3A_280, %get3A_292 : vector<16xi32>
      %mul3A_294 = arith.constant 16 : i32
      %mul3A_295 = arith.muli %scan3A_97, %mul3A_294 : i32
      %swap3A_296 = arith.constant 15 : i32
      %swap3A_297 = arith.index_cast %swap3A_296 : i32 to index
      %swap3A_298 = arith.index_cast %mul3A_295 : i32 to index
      %swap3A_299 = tpu.vector_load %arg9[%swap3A_297, %swap3A_298] {strides = array<i32>} : memref<32x512xi32, #tpu.memory_space<vmem>>, vector<16xi32>,
      tpu.vector_store %arg9[%swap3A_297, %swap3A_298], %add3A_293 {strides = array<i32>} : memref<32x512xi32, #tpu.memory_space<vmem>>, vector<16xi32>,
      %mul3A_300 = arith.constant 16 : i32
      %mul3A_301 = arith.muli %scan3A_97, %mul3A_300 : i32
      %get3A_302 = arith.constant 15 : i32
      %get3A_303 = arith.index_cast %get3A_302 : i32 to index
      %get3A_304 = arith.index_cast %mul3A_301 : i32 to index
      %get3A_305 = tpu.vector_load %arg8[%get3A_303, %get3A_304] {strides = array<i32>} : memref<32x512xi32, #tpu.memory_space<vmem>>, vector<16xi32>,
      %add3A_306 = arith.addi %add3A_293, %get3A_305 : vector<16xi32>
      %mul3A_307 = arith.constant 16 : i32
      %mul3A_308 = arith.muli %scan3A_97, %mul3A_307 : i32
      %swap3A_309 = arith.constant 16 : i32
      %swap3A_310 = arith.index_cast %swap3A_309 : i32 to index
      %swap3A_311 = arith.index_cast %mul3A_308 : i32 to index
      %swap3A_312 = tpu.vector_load %arg9[%swap3A_310, %swap3A_311] {strides = array<i32>} : memref<32x512xi32, #tpu.memory_space<vmem>>, vector<16xi32>,
      tpu.vector_store %arg9[%swap3A_310, %swap3A_311], %add3A_306 {strides = array<i32>} : memref<32x512xi32, #tpu.memory_space<vmem>>, vector<16xi32>,
      %mul3A_313 = arith.constant 16 : i32
      %mul3A_314 = arith.muli %scan3A_97, %mul3A_313 : i32
      %get3A_315 = arith.constant 16 : i32
      %get3A_316 = arith.index_cast %get3A_315 : i32 to index
      %get3A_317 = arith.index_cast %mul3A_314 : i32 to index
      %get3A_318 = tpu.vector_load %arg8[%get3A_316, %get3A_317] {strides = array<i32>} : memref<32x512xi32, #tpu.memory_space<vmem>>, vector<16xi32>,
      %add3A_319 = arith.addi %add3A_306, %get3A_318 : vector<16xi32>
      %mul3A_320 = arith.constant 16 : i32
      %mul3A_321 = arith.muli %scan3A_97, %mul3A_320 : i32
      %swap3A_322 = arith.constant 17 : i32
      %swap3A_323 = arith.index_cast %swap3A_322 : i32 to index
      %swap3A_324 = arith.index_cast %mul3A_321 : i32 to index
      %swap3A_325 = tpu.vector_load %arg9[%swap3A_323, %swap3A_324] {strides = array<i32>} : memref<32x512xi32, #tpu.memory_space<vmem>>, vector<16xi32>,
      tpu.vector_store %arg9[%swap3A_323, %swap3A_324], %add3A_319 {strides = array<i32>} : memref<32x512xi32, #tpu.memory_space<vmem>>, vector<16xi32>,
      %mul3A_326 = arith.constant 16 : i32
      %mul3A_327 = arith.muli %scan3A_97, %mul3A_326 : i32
      %get3A_328 = arith.constant 17 : i32
      %get3A_329 = arith.index_cast %get3A_328 : i32 to index
      %get3A_330 = arith.index_cast %mul3A_327 : i32 to index
      %get3A_331 = tpu.vector_load %arg8[%get3A_329, %get3A_330] {strides = array<i32>} : memref<32x512xi32, #tpu.memory_space<vmem>>, vector<16xi32>,
      %add3A_332 = arith.addi %add3A_319, %get3A_331 : vector<16xi32>
      %mul3A_333 = arith.constant 16 : i32
      %mul3A_334 = arith.muli %scan3A_97, %mul3A_333 : i32
      %swap3A_335 = arith.constant 18 : i32
      %swap3A_336 = arith.index_cast %swap3A_335 : i32 to index
      %swap3A_337 = arith.index_cast %mul3A_334 : i32 to index
      %swap3A_338 = tpu.vector_load %arg9[%swap3A_336, %swap3A_337] {strides = array<i32>} : memref<32x512xi32, #tpu.memory_space<vmem>>, vector<16xi32>,
      tpu.vector_store %arg9[%swap3A_336, %swap3A_337], %add3A_332 {strides = array<i32>} : memref<32x512xi32, #tpu.memory_space<vmem>>, vector<16xi32>,
      %mul3A_339 = arith.constant 16 : i32
      %mul3A_340 = arith.muli %scan3A_97, %mul3A_339 : i32
      %get3A_341 = arith.constant 18 : i32
      %get3A_342 = arith.index_cast %get3A_341 : i32 to index
      %get3A_343 = arith.index_cast %mul3A_340 : i32 to index
      %get3A_344 = tpu.vector_load %arg8[%get3A_342, %get3A_343] {strides = array<i32>} : memref<32x512xi32, #tpu.memory_space<vmem>>, vector<16xi32>,
      %add3A_345 = arith.addi %add3A_332, %get3A_344 : vector<16xi32>
      %mul3A_346 = arith.constant 16 : i32
      %mul3A_347 = arith.muli %scan3A_97, %mul3A_346 : i32
      %swap3A_348 = arith.constant 19 : i32
      %swap3A_349 = arith.index_cast %swap3A_348 : i32 to index
      %swap3A_350 = arith.index_cast %mul3A_347 : i32 to index
      %swap3A_351 = tpu.vector_load %arg9[%swap3A_349, %swap3A_350] {strides = array<i32>} : memref<32x512xi32, #tpu.memory_space<vmem>>, vector<16xi32>,
      tpu.vector_store %arg9[%swap3A_349, %swap3A_350], %add3A_345 {strides = array<i32>} : memref<32x512xi32, #tpu.memory_space<vmem>>, vector<16xi32>,
      %mul3A_352 = arith.constant 16 : i32
      %mul3A_353 = arith.muli %scan3A_97, %mul3A_352 : i32
      %get3A_354 = arith.constant 19 : i32
      %get3A_355 = arith.index_cast %get3A_354 : i32 to index
      %get3A_356 = arith.index_cast %mul3A_353 : i32 to index
      %get3A_357 = tpu.vector_load %arg8[%get3A_355, %get3A_356] {strides = array<i32>} : memref<32x512xi32, #tpu.memory_space<vmem>>, vector<16xi32>,
      %add3A_358 = arith.addi %add3A_345, %get3A_357 : vector<16xi32>
      %mul3A_359 = arith.constant 16 : i32
      %mul3A_360 = arith.muli %scan3A_97, %mul3A_359 : i32
      %swap3A_361 = arith.constant 20 : i32
      %swap3A_362 = arith.index_cast %swap3A_361 : i32 to index
      %swap3A_363 = arith.index_cast %mul3A_360 : i32 to index
      %swap3A_364 = tpu.vector_load %arg9[%swap3A_362, %swap3A_363] {strides = array<i32>} : memref<32x512xi32, #tpu.memory_space<vmem>>, vector<16xi32>,
      tpu.vector_store %arg9[%swap3A_362, %swap3A_363], %add3A_358 {strides = array<i32>} : memref<32x512xi32, #tpu.memory_space<vmem>>, vector<16xi32>,
      %mul3A_365 = arith.constant 16 : i32
      %mul3A_366 = arith.muli %scan3A_97, %mul3A_365 : i32
      %get3A_367 = arith.constant 20 : i32
      %get3A_368 = arith.index_cast %get3A_367 : i32 to index
      %get3A_369 = arith.index_cast %mul3A_366 : i32 to index
      %get3A_370 = tpu.vector_load %arg8[%get3A_368, %get3A_369] {strides = array<i32>} : memref<32x512xi32, #tpu.memory_space<vmem>>, vector<16xi32>,
      %add3A_371 = arith.addi %add3A_358, %get3A_370 : vector<16xi32>
      %mul3A_372 = arith.constant 16 : i32
      %mul3A_373 = arith.muli %scan3A_97, %mul3A_372 : i32
      %swap3A_374 = arith.constant 21 : i32
      %swap3A_375 = arith.index_cast %swap3A_374 : i32 to index
      %swap3A_376 = arith.index_cast %mul3A_373 : i32 to index
      %swap3A_377 = tpu.vector_load %arg9[%swap3A_375, %swap3A_376] {strides = array<i32>} : memref<32x512xi32, #tpu.memory_space<vmem>>, vector<16xi32>,
      tpu.vector_store %arg9[%swap3A_375, %swap3A_376], %add3A_371 {strides = array<i32>} : memref<32x512xi32, #tpu.memory_space<vmem>>, vector<16xi32>,
      %mul3A_378 = arith.constant 16 : i32
      %mul3A_379 = arith.muli %scan3A_97, %mul3A_378 : i32
      %get3A_380 = arith.constant 21 : i32
      %get3A_381 = arith.index_cast %get3A_380 : i32 to index
      %get3A_382 = arith.index_cast %mul3A_379 : i32 to index
      %get3A_383 = tpu.vector_load %arg8[%get3A_381, %get3A_382] {strides = array<i32>} : memref<32x512xi32, #tpu.memory_space<vmem>>, vector<16xi32>,
      %add3A_384 = arith.addi %add3A_371, %get3A_383 : vector<16xi32>
      %mul3A_385 = arith.constant 16 : i32
      %mul3A_386 = arith.muli %scan3A_97, %mul3A_385 : i32
      %swap3A_387 = arith.constant 22 : i32
      %swap3A_388 = arith.index_cast %swap3A_387 : i32 to index
      %swap3A_389 = arith.index_cast %mul3A_386 : i32 to index
      %swap3A_390 = tpu.vector_load %arg9[%swap3A_388, %swap3A_389] {strides = array<i32>} : memref<32x512xi32, #tpu.memory_space<vmem>>, vector<16xi32>,
      tpu.vector_store %arg9[%swap3A_388, %swap3A_389], %add3A_384 {strides = array<i32>} : memref<32x512xi32, #tpu.memory_space<vmem>>, vector<16xi32>,
      %mul3A_391 = arith.constant 16 : i32
      %mul3A_392 = arith.muli %scan3A_97, %mul3A_391 : i32
      %get3A_393 = arith.constant 22 : i32
      %get3A_394 = arith.index_cast %get3A_393 : i32 to index
      %get3A_395 = arith.index_cast %mul3A_392 : i32 to index
      %get3A_396 = tpu.vector_load %arg8[%get3A_394, %get3A_395] {strides = array<i32>} : memref<32x512xi32, #tpu.memory_space<vmem>>, vector<16xi32>,
      %add3A_397 = arith.addi %add3A_384, %get3A_396 : vector<16xi32>
      %mul3A_398 = arith.constant 16 : i32
      %mul3A_399 = arith.muli %scan3A_97, %mul3A_398 : i32
      %swap3A_400 = arith.constant 23 : i32
      %swap3A_401 = arith.index_cast %swap3A_400 : i32 to index
      %swap3A_402 = arith.index_cast %mul3A_399 : i32 to index
      %swap3A_403 = tpu.vector_load %arg9[%swap3A_401, %swap3A_402] {strides = array<i32>} : memref<32x512xi32, #tpu.memory_space<vmem>>, vector<16xi32>,
      tpu.vector_store %arg9[%swap3A_401, %swap3A_402], %add3A_397 {strides = array<i32>} : memref<32x512xi32, #tpu.memory_space<vmem>>, vector<16xi32>,
      %mul3A_404 = arith.constant 16 : i32
      %mul3A_405 = arith.muli %scan3A_97, %mul3A_404 : i32
      %get3A_406 = arith.constant 23 : i32
      %get3A_407 = arith.index_cast %get3A_406 : i32 to index
      %get3A_408 = arith.index_cast %mul3A_405 : i32 to index
      %get3A_409 = tpu.vector_load %arg8[%get3A_407, %get3A_408] {strides = array<i32>} : memref<32x512xi32, #tpu.memory_space<vmem>>, vector<16xi32>,
      %add3A_410 = arith.addi %add3A_397, %get3A_409 : vector<16xi32>
      %mul3A_411 = arith.constant 16 : i32
      %mul3A_412 = arith.muli %scan3A_97, %mul3A_411 : i32
      %swap3A_413 = arith.constant 24 : i32
      %swap3A_414 = arith.index_cast %swap3A_413 : i32 to index
      %swap3A_415 = arith.index_cast %mul3A_412 : i32 to index
      %swap3A_416 = tpu.vector_load %arg9[%swap3A_414, %swap3A_415] {strides = array<i32>} : memref<32x512xi32, #tpu.memory_space<vmem>>, vector<16xi32>,
      tpu.vector_store %arg9[%swap3A_414, %swap3A_415], %add3A_410 {strides = array<i32>} : memref<32x512xi32, #tpu.memory_space<vmem>>, vector<16xi32>,
      %mul3A_417 = arith.constant 16 : i32
      %mul3A_418 = arith.muli %scan3A_97, %mul3A_417 : i32
      %get3A_419 = arith.constant 24 : i32
      %get3A_420 = arith.index_cast %get3A_419 : i32 to index
      %get3A_421 = arith.index_cast %mul3A_418 : i32 to index
      %get3A_422 = tpu.vector_load %arg8[%get3A_420, %get3A_421] {strides = array<i32>} : memref<32x512xi32, #tpu.memory_space<vmem>>, vector<16xi32>,
      %add3A_423 = arith.addi %add3A_410, %get3A_422 : vector<16xi32>
      %mul3A_424 = arith.constant 16 : i32
      %mul3A_425 = arith.muli %scan3A_97, %mul3A_424 : i32
      %swap3A_426 = arith.constant 25 : i32
      %swap3A_427 = arith.index_cast %swap3A_426 : i32 to index
      %swap3A_428 = arith.index_cast %mul3A_425 : i32 to index
      %swap3A_429 = tpu.vector_load %arg9[%swap3A_427, %swap3A_428] {strides = array<i32>} : memref<32x512xi32, #tpu.memory_space<vmem>>, vector<16xi32>,
      tpu.vector_store %arg9[%swap3A_427, %swap3A_428], %add3A_423 {strides = array<i32>} : memref<32x512xi32, #tpu.memory_space<vmem>>, vector<16xi32>,
      %mul3A_430 = arith.constant 16 : i32
      %mul3A_431 = arith.muli %scan3A_97, %mul3A_430 : i32
      %get3A_432 = arith.constant 25 : i32
      %get3A_433 = arith.index_cast %get3A_432 : i32 to index
      %get3A_434 = arith.index_cast %mul3A_431 : i32 to index
      %get3A_435 = tpu.vector_load %arg8[%get3A_433, %get3A_434] {strides = array<i32>} : memref<32x512xi32, #tpu.memory_space<vmem>>, vector<16xi32>,
      %add3A_436 = arith.addi %add3A_423, %get3A_435 : vector<16xi32>
      %mul3A_437 = arith.constant 16 : i32
      %mul3A_438 = arith.muli %scan3A_97, %mul3A_437 : i32
      %swap3A_439 = arith.constant 26 : i32
      %swap3A_440 = arith.index_cast %swap3A_439 : i32 to index
      %swap3A_441 = arith.index_cast %mul3A_438 : i32 to index
      %swap3A_442 = tpu.vector_load %arg9[%swap3A_440, %swap3A_441] {strides = array<i32>} : memref<32x512xi32, #tpu.memory_space<vmem>>, vector<16xi32>,
      tpu.vector_store %arg9[%swap3A_440, %swap3A_441], %add3A_436 {strides = array<i32>} : memref<32x512xi32, #tpu.memory_space<vmem>>, vector<16xi32>,
      %mul3A_443 = arith.constant 16 : i32
      %mul3A_444 = arith.muli %scan3A_97, %mul3A_443 : i32
      %get3A_445 = arith.constant 26 : i32
      %get3A_446 = arith.index_cast %get3A_445 : i32 to index
      %get3A_447 = arith.index_cast %mul3A_444 : i32 to index
      %get3A_448 = tpu.vector_load %arg8[%get3A_446, %get3A_447] {strides = array<i32>} : memref<32x512xi32, #tpu.memory_space<vmem>>, vector<16xi32>,
      %add3A_449 = arith.addi %add3A_436, %get3A_448 : vector<16xi32>
      %mul3A_450 = arith.constant 16 : i32
      %mul3A_451 = arith.muli %scan3A_97, %mul3A_450 : i32
      %swap3A_452 = arith.constant 27 : i32
      %swap3A_453 = arith.index_cast %swap3A_452 : i32 to index
      %swap3A_454 = arith.index_cast %mul3A_451 : i32 to index
      %swap3A_455 = tpu.vector_load %arg9[%swap3A_453, %swap3A_454] {strides = array<i32>} : memref<32x512xi32, #tpu.memory_space<vmem>>, vector<16xi32>,
      tpu.vector_store %arg9[%swap3A_453, %swap3A_454], %add3A_449 {strides = array<i32>} : memref<32x512xi32, #tpu.memory_space<vmem>>, vector<16xi32>,
      %mul3A_456 = arith.constant 16 : i32
      %mul3A_457 = arith.muli %scan3A_97, %mul3A_456 : i32
      %get3A_458 = arith.constant 27 : i32
      %get3A_459 = arith.index_cast %get3A_458 : i32 to index
      %get3A_460 = arith.index_cast %mul3A_457 : i32 to index
      %get3A_461 = tpu.vector_load %arg8[%get3A_459, %get3A_460] {strides = array<i32>} : memref<32x512xi32, #tpu.memory_space<vmem>>, vector<16xi32>,
      %add3A_462 = arith.addi %add3A_449, %get3A_461 : vector<16xi32>
      %mul3A_463 = arith.constant 16 : i32
      %mul3A_464 = arith.muli %scan3A_97, %mul3A_463 : i32
      %swap3A_465 = arith.constant 28 : i32
      %swap3A_466 = arith.index_cast %swap3A_465 : i32 to index
      %swap3A_467 = arith.index_cast %mul3A_464 : i32 to index
      %swap3A_468 = tpu.vector_load %arg9[%swap3A_466, %swap3A_467] {strides = array<i32>} : memref<32x512xi32, #tpu.memory_space<vmem>>, vector<16xi32>,
      tpu.vector_store %arg9[%swap3A_466, %swap3A_467], %add3A_462 {strides = array<i32>} : memref<32x512xi32, #tpu.memory_space<vmem>>, vector<16xi32>,
      %mul3A_469 = arith.constant 16 : i32
      %mul3A_470 = arith.muli %scan3A_97, %mul3A_469 : i32
      %get3A_471 = arith.constant 28 : i32
      %get3A_472 = arith.index_cast %get3A_471 : i32 to index
      %get3A_473 = arith.index_cast %mul3A_470 : i32 to index
      %get3A_474 = tpu.vector_load %arg8[%get3A_472, %get3A_473] {strides = array<i32>} : memref<32x512xi32, #tpu.memory_space<vmem>>, vector<16xi32>,
      %add3A_475 = arith.addi %add3A_462, %get3A_474 : vector<16xi32>
      %mul3A_476 = arith.constant 16 : i32
      %mul3A_477 = arith.muli %scan3A_97, %mul3A_476 : i32
      %swap3A_478 = arith.constant 29 : i32
      %swap3A_479 = arith.index_cast %swap3A_478 : i32 to index
      %swap3A_480 = arith.index_cast %mul3A_477 : i32 to index
      %swap3A_481 = tpu.vector_load %arg9[%swap3A_479, %swap3A_480] {strides = array<i32>} : memref<32x512xi32, #tpu.memory_space<vmem>>, vector<16xi32>,
      tpu.vector_store %arg9[%swap3A_479, %swap3A_480], %add3A_475 {strides = array<i32>} : memref<32x512xi32, #tpu.memory_space<vmem>>, vector<16xi32>,
      %mul3A_482 = arith.constant 16 : i32
      %mul3A_483 = arith.muli %scan3A_97, %mul3A_482 : i32
      %get3A_484 = arith.constant 29 : i32
      %get3A_485 = arith.index_cast %get3A_484 : i32 to index
      %get3A_486 = arith.index_cast %mul3A_483 : i32 to index
      %get3A_487 = tpu.vector_load %arg8[%get3A_485, %get3A_486] {strides = array<i32>} : memref<32x512xi32, #tpu.memory_space<vmem>>, vector<16xi32>,
      %add3A_488 = arith.addi %add3A_475, %get3A_487 : vector<16xi32>
      %mul3A_489 = arith.constant 16 : i32
      %mul3A_490 = arith.muli %scan3A_97, %mul3A_489 : i32
      %swap3A_491 = arith.constant 30 : i32
      %swap3A_492 = arith.index_cast %swap3A_491 : i32 to index
      %swap3A_493 = arith.index_cast %mul3A_490 : i32 to index
      %swap3A_494 = tpu.vector_load %arg9[%swap3A_492, %swap3A_493] {strides = array<i32>} : memref<32x512xi32, #tpu.memory_space<vmem>>, vector<16xi32>,
      tpu.vector_store %arg9[%swap3A_492, %swap3A_493], %add3A_488 {strides = array<i32>} : memref<32x512xi32, #tpu.memory_space<vmem>>, vector<16xi32>,
      %mul3A_495 = arith.constant 16 : i32
      %mul3A_496 = arith.muli %scan3A_97, %mul3A_495 : i32
      %get3A_497 = arith.constant 30 : i32
      %get3A_498 = arith.index_cast %get3A_497 : i32 to index
      %get3A_499 = arith.index_cast %mul3A_496 : i32 to index
      %get3A_500 = tpu.vector_load %arg8[%get3A_498, %get3A_499] {strides = array<i32>} : memref<32x512xi32, #tpu.memory_space<vmem>>, vector<16xi32>,
      %add3A_501 = arith.addi %add3A_488, %get3A_500 : vector<16xi32>
      %mul3A_502 = arith.constant 16 : i32
      %mul3A_503 = arith.muli %scan3A_97, %mul3A_502 : i32
      %swap3A_504 = arith.constant 31 : i32
      %swap3A_505 = arith.index_cast %swap3A_504 : i32 to index
      %swap3A_506 = arith.index_cast %mul3A_503 : i32 to index
      %swap3A_507 = tpu.vector_load %arg9[%swap3A_505, %swap3A_506] {strides = array<i32>} : memref<32x512xi32, #tpu.memory_space<vmem>>, vector<16xi32>,
      tpu.vector_store %arg9[%swap3A_505, %swap3A_506], %add3A_501 {strides = array<i32>} : memref<32x512xi32, #tpu.memory_space<vmem>>, vector<16xi32>,
      %mul3A_508 = arith.constant 16 : i32
      %mul3A_509 = arith.muli %scan3A_97, %mul3A_508 : i32
      %get3A_510 = arith.constant 31 : i32
      %get3A_511 = arith.index_cast %get3A_510 : i32 to index
      %get3A_512 = arith.index_cast %mul3A_509 : i32 to index
      %get3A_513 = tpu.vector_load %arg8[%get3A_511, %get3A_512] {strides = array<i32>} : memref<32x512xi32, #tpu.memory_space<vmem>>, vector<16xi32>,
      %add3A_514 = arith.addi %add3A_501, %get3A_513 : vector<16xi32>
      %mul3A_515 = arith.constant 16 : i32
      %mul3A_516 = arith.muli %scan3A_97, %mul3A_515 : i32
      %swap3A_517 = arith.index_cast %mul3A_516 : i32 to index
      %swap3A_518 = tpu.vector_load %arg10[%swap3A_517] {strides = array<i32>} : memref<512xi32, #tpu.memory_space<vmem>>, vector<16xi32>,
      tpu.vector_store %arg10[%swap3A_517], %add3A_514 {strides = array<i32>} : memref<512xi32, #tpu.memory_space<vmem>>, vector<16xi32>,
    }
    %scan3A_55 = arith.constant 32 : i32
    %scan3A_56 = arith.constant 0 : i32
    %scan3A_57 = arith.constant 0 : i32
    %scan3A_58 = arith.constant 32 : i32
    %scan3A_59 = arith.addi %scan3A_57, %scan3A_58 : i32
    %scan3A_60 = arith.constant 1 : i32
    %scan3A_61 = scf.for %scan3A_97 = %scan3A_57 to %scan3A_59 step %scan3A_60 iter_args(%scan3A_98 = %scan3A_56) -> (i32)  : i32 {
      %mul3A_99 = arith.constant 16 : i32
      %mul3A_100 = arith.muli %scan3A_97, %mul3A_99 : i32
      %get3A = arith.index_cast %mul3A_100 : i32 to index
      %get3A_101 = tpu.vector_load %arg10[%get3A] {strides = array<i32>} : memref<512xi32, #tpu.memory_space<vmem>>, vector<16xi32>,
      %broadcast_in_dim3A_102 = arith.constant true
      %broadcast_in_dim3A_103 = vector.broadcast %broadcast_in_dim3A_102 : i1 to vector<16xi1>
      %masked_cumsum3A = tpu.scan <sum>, %get3A_101 masked %broadcast_in_dim3A_103 : vector<16xi32>, vector<16xi1> -> vector<16xi32>
      %sub3A = arith.subi %masked_cumsum3A, %get3A_101 : vector<16xi32>
      %add3A_104 = vector.broadcast %scan3A_98 : i32 to vector<16xi32>
      %add3A_105 = arith.addi %sub3A, %add3A_104 : vector<16xi32>
      %mul3A_106 = arith.constant 16 : i32
      %mul3A_107 = arith.muli %scan3A_97, %mul3A_106 : i32
      %swap3A_108 = arith.index_cast %mul3A_107 : i32 to index
      %swap3A_109 = tpu.vector_load %arg11[%swap3A_108] {strides = array<i32>} : memref<512xi32, #tpu.memory_space<vmem>>, vector<16xi32>,
      tpu.vector_store %arg11[%swap3A_108], %add3A_105 {strides = array<i32>} : memref<512xi32, #tpu.memory_space<vmem>>, vector<16xi32>,
      %reduce_sum3A = arith.constant true
      %reduce_sum3A_110 = vector.broadcast %reduce_sum3A : i1 to vector<16xi1>
      %reduce_sum3A_111 = tpu.scan <sum>, %get3A_101 masked %reduce_sum3A_110 : vector<16xi32>, vector<16xi1> -> vector<16xi32>
      %reduce_sum3A_112 = vector.extract %reduce_sum3A_111[15] : i32 from vector<16xi32>
      %add3A_113 = arith.addi %scan3A_98, %reduce_sum3A_112 : i32
      scf.yield %add3A_113 : i32
    }
    %scan3A_62 = arith.constant 32 : i32
    %scan3A_63 = arith.constant 0 : i32
    %scan3A_64 = arith.constant 0 : i32
    %scan3A_65 = arith.constant 32 : i32
    %scan3A_66 = arith.addi %scan3A_64, %scan3A_65 : i32
    %scan3A_67 = arith.constant 1 : i32
    scf.for %scan3A_97 = %scan3A_64 to %scan3A_66 step %scan3A_67  : i32 {
      %mul3A_98 = arith.constant 16 : i32
      %mul3A_99 = arith.muli %scan3A_97, %mul3A_98 : i32
      %get3A = arith.index_cast %mul3A_99 : i32 to index
      %get3A_100 = tpu.vector_load %arg11[%get3A] {strides = array<i32>} : memref<512xi32, #tpu.memory_space<vmem>>, vector<16xi32>,
      %mul3A_101 = arith.constant 16 : i32
      %mul3A_102 = arith.muli %scan3A_97, %mul3A_101 : i32
      %get3A_103 = arith.constant 0 : i32
      %get3A_104 = arith.index_cast %get3A_103 : i32 to index
      %get3A_105 = arith.index_cast %mul3A_102 : i32 to index
      %get3A_106 = tpu.vector_load %arg9[%get3A_104, %get3A_105] {strides = array<i32>} : memref<32x512xi32, #tpu.memory_space<vmem>>, vector<16xi32>,
      %add3A_107 = arith.addi %get3A_106, %get3A_100 : vector<16xi32>
      %mul3A_108 = arith.constant 16 : i32
      %mul3A_109 = arith.muli %scan3A_97, %mul3A_108 : i32
      %swap3A_110 = arith.constant 0 : i32
      %swap3A_111 = arith.index_cast %swap3A_110 : i32 to index
      %swap3A_112 = arith.index_cast %mul3A_109 : i32 to index
      %swap3A_113 = tpu.vector_load %arg9[%swap3A_111, %swap3A_112] {strides = array<i32>} : memref<32x512xi32, #tpu.memory_space<vmem>>, vector<16xi32>,
      tpu.vector_store %arg9[%swap3A_111, %swap3A_112], %add3A_107 {strides = array<i32>} : memref<32x512xi32, #tpu.memory_space<vmem>>, vector<16xi32>,
      %mul3A_114 = arith.constant 16 : i32
      %mul3A_115 = arith.muli %scan3A_97, %mul3A_114 : i32
      %get3A_116 = arith.constant 1 : i32
      %get3A_117 = arith.index_cast %get3A_116 : i32 to index
      %get3A_118 = arith.index_cast %mul3A_115 : i32 to index
      %get3A_119 = tpu.vector_load %arg9[%get3A_117, %get3A_118] {strides = array<i32>} : memref<32x512xi32, #tpu.memory_space<vmem>>, vector<16xi32>,
      %add3A_120 = arith.addi %get3A_119, %get3A_100 : vector<16xi32>
      %mul3A_121 = arith.constant 16 : i32
      %mul3A_122 = arith.muli %scan3A_97, %mul3A_121 : i32
      %swap3A_123 = arith.constant 1 : i32
      %swap3A_124 = arith.index_cast %swap3A_123 : i32 to index
      %swap3A_125 = arith.index_cast %mul3A_122 : i32 to index
      %swap3A_126 = tpu.vector_load %arg9[%swap3A_124, %swap3A_125] {strides = array<i32>} : memref<32x512xi32, #tpu.memory_space<vmem>>, vector<16xi32>,
      tpu.vector_store %arg9[%swap3A_124, %swap3A_125], %add3A_120 {strides = array<i32>} : memref<32x512xi32, #tpu.memory_space<vmem>>, vector<16xi32>,
      %mul3A_127 = arith.constant 16 : i32
      %mul3A_128 = arith.muli %scan3A_97, %mul3A_127 : i32
      %get3A_129 = arith.constant 2 : i32
      %get3A_130 = arith.index_cast %get3A_129 : i32 to index
      %get3A_131 = arith.index_cast %mul3A_128 : i32 to index
      %get3A_132 = tpu.vector_load %arg9[%get3A_130, %get3A_131] {strides = array<i32>} : memref<32x512xi32, #tpu.memory_space<vmem>>, vector<16xi32>,
      %add3A_133 = arith.addi %get3A_132, %get3A_100 : vector<16xi32>
      %mul3A_134 = arith.constant 16 : i32
      %mul3A_135 = arith.muli %scan3A_97, %mul3A_134 : i32
      %swap3A_136 = arith.constant 2 : i32
      %swap3A_137 = arith.index_cast %swap3A_136 : i32 to index
      %swap3A_138 = arith.index_cast %mul3A_135 : i32 to index
      %swap3A_139 = tpu.vector_load %arg9[%swap3A_137, %swap3A_138] {strides = array<i32>} : memref<32x512xi32, #tpu.memory_space<vmem>>, vector<16xi32>,
      tpu.vector_store %arg9[%swap3A_137, %swap3A_138], %add3A_133 {strides = array<i32>} : memref<32x512xi32, #tpu.memory_space<vmem>>, vector<16xi32>,
      %mul3A_140 = arith.constant 16 : i32
      %mul3A_141 = arith.muli %scan3A_97, %mul3A_140 : i32
      %get3A_142 = arith.constant 3 : i32
      %get3A_143 = arith.index_cast %get3A_142 : i32 to index
      %get3A_144 = arith.index_cast %mul3A_141 : i32 to index
      %get3A_145 = tpu.vector_load %arg9[%get3A_143, %get3A_144] {strides = array<i32>} : memref<32x512xi32, #tpu.memory_space<vmem>>, vector<16xi32>,
      %add3A_146 = arith.addi %get3A_145, %get3A_100 : vector<16xi32>
      %mul3A_147 = arith.constant 16 : i32
      %mul3A_148 = arith.muli %scan3A_97, %mul3A_147 : i32
      %swap3A_149 = arith.constant 3 : i32
      %swap3A_150 = arith.index_cast %swap3A_149 : i32 to index
      %swap3A_151 = arith.index_cast %mul3A_148 : i32 to index
      %swap3A_152 = tpu.vector_load %arg9[%swap3A_150, %swap3A_151] {strides = array<i32>} : memref<32x512xi32, #tpu.memory_space<vmem>>, vector<16xi32>,
      tpu.vector_store %arg9[%swap3A_150, %swap3A_151], %add3A_146 {strides = array<i32>} : memref<32x512xi32, #tpu.memory_space<vmem>>, vector<16xi32>,
      %mul3A_153 = arith.constant 16 : i32
      %mul3A_154 = arith.muli %scan3A_97, %mul3A_153 : i32
      %get3A_155 = arith.constant 4 : i32
      %get3A_156 = arith.index_cast %get3A_155 : i32 to index
      %get3A_157 = arith.index_cast %mul3A_154 : i32 to index
      %get3A_158 = tpu.vector_load %arg9[%get3A_156, %get3A_157] {strides = array<i32>} : memref<32x512xi32, #tpu.memory_space<vmem>>, vector<16xi32>,
      %add3A_159 = arith.addi %get3A_158, %get3A_100 : vector<16xi32>
      %mul3A_160 = arith.constant 16 : i32
      %mul3A_161 = arith.muli %scan3A_97, %mul3A_160 : i32
      %swap3A_162 = arith.constant 4 : i32
      %swap3A_163 = arith.index_cast %swap3A_162 : i32 to index
      %swap3A_164 = arith.index_cast %mul3A_161 : i32 to index
      %swap3A_165 = tpu.vector_load %arg9[%swap3A_163, %swap3A_164] {strides = array<i32>} : memref<32x512xi32, #tpu.memory_space<vmem>>, vector<16xi32>,
      tpu.vector_store %arg9[%swap3A_163, %swap3A_164], %add3A_159 {strides = array<i32>} : memref<32x512xi32, #tpu.memory_space<vmem>>, vector<16xi32>,
      %mul3A_166 = arith.constant 16 : i32
      %mul3A_167 = arith.muli %scan3A_97, %mul3A_166 : i32
      %get3A_168 = arith.constant 5 : i32
      %get3A_169 = arith.index_cast %get3A_168 : i32 to index
      %get3A_170 = arith.index_cast %mul3A_167 : i32 to index
      %get3A_171 = tpu.vector_load %arg9[%get3A_169, %get3A_170] {strides = array<i32>} : memref<32x512xi32, #tpu.memory_space<vmem>>, vector<16xi32>,
      %add3A_172 = arith.addi %get3A_171, %get3A_100 : vector<16xi32>
      %mul3A_173 = arith.constant 16 : i32
      %mul3A_174 = arith.muli %scan3A_97, %mul3A_173 : i32
      %swap3A_175 = arith.constant 5 : i32
      %swap3A_176 = arith.index_cast %swap3A_175 : i32 to index
      %swap3A_177 = arith.index_cast %mul3A_174 : i32 to index
      %swap3A_178 = tpu.vector_load %arg9[%swap3A_176, %swap3A_177] {strides = array<i32>} : memref<32x512xi32, #tpu.memory_space<vmem>>, vector<16xi32>,
      tpu.vector_store %arg9[%swap3A_176, %swap3A_177], %add3A_172 {strides = array<i32>} : memref<32x512xi32, #tpu.memory_space<vmem>>, vector<16xi32>,
      %mul3A_179 = arith.constant 16 : i32
      %mul3A_180 = arith.muli %scan3A_97, %mul3A_179 : i32
      %get3A_181 = arith.constant 6 : i32
      %get3A_182 = arith.index_cast %get3A_181 : i32 to index
      %get3A_183 = arith.index_cast %mul3A_180 : i32 to index
      %get3A_184 = tpu.vector_load %arg9[%get3A_182, %get3A_183] {strides = array<i32>} : memref<32x512xi32, #tpu.memory_space<vmem>>, vector<16xi32>,
      %add3A_185 = arith.addi %get3A_184, %get3A_100 : vector<16xi32>
      %mul3A_186 = arith.constant 16 : i32
      %mul3A_187 = arith.muli %scan3A_97, %mul3A_186 : i32
      %swap3A_188 = arith.constant 6 : i32
      %swap3A_189 = arith.index_cast %swap3A_188 : i32 to index
      %swap3A_190 = arith.index_cast %mul3A_187 : i32 to index
      %swap3A_191 = tpu.vector_load %arg9[%swap3A_189, %swap3A_190] {strides = array<i32>} : memref<32x512xi32, #tpu.memory_space<vmem>>, vector<16xi32>,
      tpu.vector_store %arg9[%swap3A_189, %swap3A_190], %add3A_185 {strides = array<i32>} : memref<32x512xi32, #tpu.memory_space<vmem>>, vector<16xi32>,
      %mul3A_192 = arith.constant 16 : i32
      %mul3A_193 = arith.muli %scan3A_97, %mul3A_192 : i32
      %get3A_194 = arith.constant 7 : i32
      %get3A_195 = arith.index_cast %get3A_194 : i32 to index
      %get3A_196 = arith.index_cast %mul3A_193 : i32 to index
      %get3A_197 = tpu.vector_load %arg9[%get3A_195, %get3A_196] {strides = array<i32>} : memref<32x512xi32, #tpu.memory_space<vmem>>, vector<16xi32>,
      %add3A_198 = arith.addi %get3A_197, %get3A_100 : vector<16xi32>
      %mul3A_199 = arith.constant 16 : i32
      %mul3A_200 = arith.muli %scan3A_97, %mul3A_199 : i32
      %swap3A_201 = arith.constant 7 : i32
      %swap3A_202 = arith.index_cast %swap3A_201 : i32 to index
      %swap3A_203 = arith.index_cast %mul3A_200 : i32 to index
      %swap3A_204 = tpu.vector_load %arg9[%swap3A_202, %swap3A_203] {strides = array<i32>} : memref<32x512xi32, #tpu.memory_space<vmem>>, vector<16xi32>,
      tpu.vector_store %arg9[%swap3A_202, %swap3A_203], %add3A_198 {strides = array<i32>} : memref<32x512xi32, #tpu.memory_space<vmem>>, vector<16xi32>,
      %mul3A_205 = arith.constant 16 : i32
      %mul3A_206 = arith.muli %scan3A_97, %mul3A_205 : i32
      %get3A_207 = arith.constant 8 : i32
      %get3A_208 = arith.index_cast %get3A_207 : i32 to index
      %get3A_209 = arith.index_cast %mul3A_206 : i32 to index
      %get3A_210 = tpu.vector_load %arg9[%get3A_208, %get3A_209] {strides = array<i32>} : memref<32x512xi32, #tpu.memory_space<vmem>>, vector<16xi32>,
      %add3A_211 = arith.addi %get3A_210, %get3A_100 : vector<16xi32>
      %mul3A_212 = arith.constant 16 : i32
      %mul3A_213 = arith.muli %scan3A_97, %mul3A_212 : i32
      %swap3A_214 = arith.constant 8 : i32
      %swap3A_215 = arith.index_cast %swap3A_214 : i32 to index
      %swap3A_216 = arith.index_cast %mul3A_213 : i32 to index
      %swap3A_217 = tpu.vector_load %arg9[%swap3A_215, %swap3A_216] {strides = array<i32>} : memref<32x512xi32, #tpu.memory_space<vmem>>, vector<16xi32>,
      tpu.vector_store %arg9[%swap3A_215, %swap3A_216], %add3A_211 {strides = array<i32>} : memref<32x512xi32, #tpu.memory_space<vmem>>, vector<16xi32>,
      %mul3A_218 = arith.constant 16 : i32
      %mul3A_219 = arith.muli %scan3A_97, %mul3A_218 : i32
      %get3A_220 = arith.constant 9 : i32
      %get3A_221 = arith.index_cast %get3A_220 : i32 to index
      %get3A_222 = arith.index_cast %mul3A_219 : i32 to index
      %get3A_223 = tpu.vector_load %arg9[%get3A_221, %get3A_222] {strides = array<i32>} : memref<32x512xi32, #tpu.memory_space<vmem>>, vector<16xi32>,
      %add3A_224 = arith.addi %get3A_223, %get3A_100 : vector<16xi32>
      %mul3A_225 = arith.constant 16 : i32
      %mul3A_226 = arith.muli %scan3A_97, %mul3A_225 : i32
      %swap3A_227 = arith.constant 9 : i32
      %swap3A_228 = arith.index_cast %swap3A_227 : i32 to index
      %swap3A_229 = arith.index_cast %mul3A_226 : i32 to index
      %swap3A_230 = tpu.vector_load %arg9[%swap3A_228, %swap3A_229] {strides = array<i32>} : memref<32x512xi32, #tpu.memory_space<vmem>>, vector<16xi32>,
      tpu.vector_store %arg9[%swap3A_228, %swap3A_229], %add3A_224 {strides = array<i32>} : memref<32x512xi32, #tpu.memory_space<vmem>>, vector<16xi32>,
      %mul3A_231 = arith.constant 16 : i32
      %mul3A_232 = arith.muli %scan3A_97, %mul3A_231 : i32
      %get3A_233 = arith.constant 10 : i32
      %get3A_234 = arith.index_cast %get3A_233 : i32 to index
      %get3A_235 = arith.index_cast %mul3A_232 : i32 to index
      %get3A_236 = tpu.vector_load %arg9[%get3A_234, %get3A_235] {strides = array<i32>} : memref<32x512xi32, #tpu.memory_space<vmem>>, vector<16xi32>,
      %add3A_237 = arith.addi %get3A_236, %get3A_100 : vector<16xi32>
      %mul3A_238 = arith.constant 16 : i32
      %mul3A_239 = arith.muli %scan3A_97, %mul3A_238 : i32
      %swap3A_240 = arith.constant 10 : i32
      %swap3A_241 = arith.index_cast %swap3A_240 : i32 to index
      %swap3A_242 = arith.index_cast %mul3A_239 : i32 to index
      %swap3A_243 = tpu.vector_load %arg9[%swap3A_241, %swap3A_242] {strides = array<i32>} : memref<32x512xi32, #tpu.memory_space<vmem>>, vector<16xi32>,
      tpu.vector_store %arg9[%swap3A_241, %swap3A_242], %add3A_237 {strides = array<i32>} : memref<32x512xi32, #tpu.memory_space<vmem>>, vector<16xi32>,
      %mul3A_244 = arith.constant 16 : i32
      %mul3A_245 = arith.muli %scan3A_97, %mul3A_244 : i32
      %get3A_246 = arith.constant 11 : i32
      %get3A_247 = arith.index_cast %get3A_246 : i32 to index
      %get3A_248 = arith.index_cast %mul3A_245 : i32 to index
      %get3A_249 = tpu.vector_load %arg9[%get3A_247, %get3A_248] {strides = array<i32>} : memref<32x512xi32, #tpu.memory_space<vmem>>, vector<16xi32>,
      %add3A_250 = arith.addi %get3A_249, %get3A_100 : vector<16xi32>
      %mul3A_251 = arith.constant 16 : i32
      %mul3A_252 = arith.muli %scan3A_97, %mul3A_251 : i32
      %swap3A_253 = arith.constant 11 : i32
      %swap3A_254 = arith.index_cast %swap3A_253 : i32 to index
      %swap3A_255 = arith.index_cast %mul3A_252 : i32 to index
      %swap3A_256 = tpu.vector_load %arg9[%swap3A_254, %swap3A_255] {strides = array<i32>} : memref<32x512xi32, #tpu.memory_space<vmem>>, vector<16xi32>,
      tpu.vector_store %arg9[%swap3A_254, %swap3A_255], %add3A_250 {strides = array<i32>} : memref<32x512xi32, #tpu.memory_space<vmem>>, vector<16xi32>,
      %mul3A_257 = arith.constant 16 : i32
      %mul3A_258 = arith.muli %scan3A_97, %mul3A_257 : i32
      %get3A_259 = arith.constant 12 : i32
      %get3A_260 = arith.index_cast %get3A_259 : i32 to index
      %get3A_261 = arith.index_cast %mul3A_258 : i32 to index
      %get3A_262 = tpu.vector_load %arg9[%get3A_260, %get3A_261] {strides = array<i32>} : memref<32x512xi32, #tpu.memory_space<vmem>>, vector<16xi32>,
      %add3A_263 = arith.addi %get3A_262, %get3A_100 : vector<16xi32>
      %mul3A_264 = arith.constant 16 : i32
      %mul3A_265 = arith.muli %scan3A_97, %mul3A_264 : i32
      %swap3A_266 = arith.constant 12 : i32
      %swap3A_267 = arith.index_cast %swap3A_266 : i32 to index
      %swap3A_268 = arith.index_cast %mul3A_265 : i32 to index
      %swap3A_269 = tpu.vector_load %arg9[%swap3A_267, %swap3A_268] {strides = array<i32>} : memref<32x512xi32, #tpu.memory_space<vmem>>, vector<16xi32>,
      tpu.vector_store %arg9[%swap3A_267, %swap3A_268], %add3A_263 {strides = array<i32>} : memref<32x512xi32, #tpu.memory_space<vmem>>, vector<16xi32>,
      %mul3A_270 = arith.constant 16 : i32
      %mul3A_271 = arith.muli %scan3A_97, %mul3A_270 : i32
      %get3A_272 = arith.constant 13 : i32
      %get3A_273 = arith.index_cast %get3A_272 : i32 to index
      %get3A_274 = arith.index_cast %mul3A_271 : i32 to index
      %get3A_275 = tpu.vector_load %arg9[%get3A_273, %get3A_274] {strides = array<i32>} : memref<32x512xi32, #tpu.memory_space<vmem>>, vector<16xi32>,
      %add3A_276 = arith.addi %get3A_275, %get3A_100 : vector<16xi32>
      %mul3A_277 = arith.constant 16 : i32
      %mul3A_278 = arith.muli %scan3A_97, %mul3A_277 : i32
      %swap3A_279 = arith.constant 13 : i32
      %swap3A_280 = arith.index_cast %swap3A_279 : i32 to index
      %swap3A_281 = arith.index_cast %mul3A_278 : i32 to index
      %swap3A_282 = tpu.vector_load %arg9[%swap3A_280, %swap3A_281] {strides = array<i32>} : memref<32x512xi32, #tpu.memory_space<vmem>>, vector<16xi32>,
      tpu.vector_store %arg9[%swap3A_280, %swap3A_281], %add3A_276 {strides = array<i32>} : memref<32x512xi32, #tpu.memory_space<vmem>>, vector<16xi32>,
      %mul3A_283 = arith.constant 16 : i32
      %mul3A_284 = arith.muli %scan3A_97, %mul3A_283 : i32
      %get3A_285 = arith.constant 14 : i32
      %get3A_286 = arith.index_cast %get3A_285 : i32 to index
      %get3A_287 = arith.index_cast %mul3A_284 : i32 to index
      %get3A_288 = tpu.vector_load %arg9[%get3A_286, %get3A_287] {strides = array<i32>} : memref<32x512xi32, #tpu.memory_space<vmem>>, vector<16xi32>,
      %add3A_289 = arith.addi %get3A_288, %get3A_100 : vector<16xi32>
      %mul3A_290 = arith.constant 16 : i32
      %mul3A_291 = arith.muli %scan3A_97, %mul3A_290 : i32
      %swap3A_292 = arith.constant 14 : i32
      %swap3A_293 = arith.index_cast %swap3A_292 : i32 to index
      %swap3A_294 = arith.index_cast %mul3A_291 : i32 to index
      %swap3A_295 = tpu.vector_load %arg9[%swap3A_293, %swap3A_294] {strides = array<i32>} : memref<32x512xi32, #tpu.memory_space<vmem>>, vector<16xi32>,
      tpu.vector_store %arg9[%swap3A_293, %swap3A_294], %add3A_289 {strides = array<i32>} : memref<32x512xi32, #tpu.memory_space<vmem>>, vector<16xi32>,
      %mul3A_296 = arith.constant 16 : i32
      %mul3A_297 = arith.muli %scan3A_97, %mul3A_296 : i32
      %get3A_298 = arith.constant 15 : i32
      %get3A_299 = arith.index_cast %get3A_298 : i32 to index
      %get3A_300 = arith.index_cast %mul3A_297 : i32 to index
      %get3A_301 = tpu.vector_load %arg9[%get3A_299, %get3A_300] {strides = array<i32>} : memref<32x512xi32, #tpu.memory_space<vmem>>, vector<16xi32>,
      %add3A_302 = arith.addi %get3A_301, %get3A_100 : vector<16xi32>
      %mul3A_303 = arith.constant 16 : i32
      %mul3A_304 = arith.muli %scan3A_97, %mul3A_303 : i32
      %swap3A_305 = arith.constant 15 : i32
      %swap3A_306 = arith.index_cast %swap3A_305 : i32 to index
      %swap3A_307 = arith.index_cast %mul3A_304 : i32 to index
      %swap3A_308 = tpu.vector_load %arg9[%swap3A_306, %swap3A_307] {strides = array<i32>} : memref<32x512xi32, #tpu.memory_space<vmem>>, vector<16xi32>,
      tpu.vector_store %arg9[%swap3A_306, %swap3A_307], %add3A_302 {strides = array<i32>} : memref<32x512xi32, #tpu.memory_space<vmem>>, vector<16xi32>,
      %mul3A_309 = arith.constant 16 : i32
      %mul3A_310 = arith.muli %scan3A_97, %mul3A_309 : i32
      %get3A_311 = arith.constant 16 : i32
      %get3A_312 = arith.index_cast %get3A_311 : i32 to index
      %get3A_313 = arith.index_cast %mul3A_310 : i32 to index
      %get3A_314 = tpu.vector_load %arg9[%get3A_312, %get3A_313] {strides = array<i32>} : memref<32x512xi32, #tpu.memory_space<vmem>>, vector<16xi32>,
      %add3A_315 = arith.addi %get3A_314, %get3A_100 : vector<16xi32>
      %mul3A_316 = arith.constant 16 : i32
      %mul3A_317 = arith.muli %scan3A_97, %mul3A_316 : i32
      %swap3A_318 = arith.constant 16 : i32
      %swap3A_319 = arith.index_cast %swap3A_318 : i32 to index
      %swap3A_320 = arith.index_cast %mul3A_317 : i32 to index
      %swap3A_321 = tpu.vector_load %arg9[%swap3A_319, %swap3A_320] {strides = array<i32>} : memref<32x512xi32, #tpu.memory_space<vmem>>, vector<16xi32>,
      tpu.vector_store %arg9[%swap3A_319, %swap3A_320], %add3A_315 {strides = array<i32>} : memref<32x512xi32, #tpu.memory_space<vmem>>, vector<16xi32>,
      %mul3A_322 = arith.constant 16 : i32
      %mul3A_323 = arith.muli %scan3A_97, %mul3A_322 : i32
      %get3A_324 = arith.constant 17 : i32
      %get3A_325 = arith.index_cast %get3A_324 : i32 to index
      %get3A_326 = arith.index_cast %mul3A_323 : i32 to index
      %get3A_327 = tpu.vector_load %arg9[%get3A_325, %get3A_326] {strides = array<i32>} : memref<32x512xi32, #tpu.memory_space<vmem>>, vector<16xi32>,
      %add3A_328 = arith.addi %get3A_327, %get3A_100 : vector<16xi32>
      %mul3A_329 = arith.constant 16 : i32
      %mul3A_330 = arith.muli %scan3A_97, %mul3A_329 : i32
      %swap3A_331 = arith.constant 17 : i32
      %swap3A_332 = arith.index_cast %swap3A_331 : i32 to index
      %swap3A_333 = arith.index_cast %mul3A_330 : i32 to index
      %swap3A_334 = tpu.vector_load %arg9[%swap3A_332, %swap3A_333] {strides = array<i32>} : memref<32x512xi32, #tpu.memory_space<vmem>>, vector<16xi32>,
      tpu.vector_store %arg9[%swap3A_332, %swap3A_333], %add3A_328 {strides = array<i32>} : memref<32x512xi32, #tpu.memory_space<vmem>>, vector<16xi32>,
      %mul3A_335 = arith.constant 16 : i32
      %mul3A_336 = arith.muli %scan3A_97, %mul3A_335 : i32
      %get3A_337 = arith.constant 18 : i32
      %get3A_338 = arith.index_cast %get3A_337 : i32 to index
      %get3A_339 = arith.index_cast %mul3A_336 : i32 to index
      %get3A_340 = tpu.vector_load %arg9[%get3A_338, %get3A_339] {strides = array<i32>} : memref<32x512xi32, #tpu.memory_space<vmem>>, vector<16xi32>,
      %add3A_341 = arith.addi %get3A_340, %get3A_100 : vector<16xi32>
      %mul3A_342 = arith.constant 16 : i32
      %mul3A_343 = arith.muli %scan3A_97, %mul3A_342 : i32
      %swap3A_344 = arith.constant 18 : i32
      %swap3A_345 = arith.index_cast %swap3A_344 : i32 to index
      %swap3A_346 = arith.index_cast %mul3A_343 : i32 to index
      %swap3A_347 = tpu.vector_load %arg9[%swap3A_345, %swap3A_346] {strides = array<i32>} : memref<32x512xi32, #tpu.memory_space<vmem>>, vector<16xi32>,
      tpu.vector_store %arg9[%swap3A_345, %swap3A_346], %add3A_341 {strides = array<i32>} : memref<32x512xi32, #tpu.memory_space<vmem>>, vector<16xi32>,
      %mul3A_348 = arith.constant 16 : i32
      %mul3A_349 = arith.muli %scan3A_97, %mul3A_348 : i32
      %get3A_350 = arith.constant 19 : i32
      %get3A_351 = arith.index_cast %get3A_350 : i32 to index
      %get3A_352 = arith.index_cast %mul3A_349 : i32 to index
      %get3A_353 = tpu.vector_load %arg9[%get3A_351, %get3A_352] {strides = array<i32>} : memref<32x512xi32, #tpu.memory_space<vmem>>, vector<16xi32>,
      %add3A_354 = arith.addi %get3A_353, %get3A_100 : vector<16xi32>
      %mul3A_355 = arith.constant 16 : i32
      %mul3A_356 = arith.muli %scan3A_97, %mul3A_355 : i32
      %swap3A_357 = arith.constant 19 : i32
      %swap3A_358 = arith.index_cast %swap3A_357 : i32 to index
      %swap3A_359 = arith.index_cast %mul3A_356 : i32 to index
      %swap3A_360 = tpu.vector_load %arg9[%swap3A_358, %swap3A_359] {strides = array<i32>} : memref<32x512xi32, #tpu.memory_space<vmem>>, vector<16xi32>,
      tpu.vector_store %arg9[%swap3A_358, %swap3A_359], %add3A_354 {strides = array<i32>} : memref<32x512xi32, #tpu.memory_space<vmem>>, vector<16xi32>,
      %mul3A_361 = arith.constant 16 : i32
      %mul3A_362 = arith.muli %scan3A_97, %mul3A_361 : i32
      %get3A_363 = arith.constant 20 : i32
      %get3A_364 = arith.index_cast %get3A_363 : i32 to index
      %get3A_365 = arith.index_cast %mul3A_362 : i32 to index
      %get3A_366 = tpu.vector_load %arg9[%get3A_364, %get3A_365] {strides = array<i32>} : memref<32x512xi32, #tpu.memory_space<vmem>>, vector<16xi32>,
      %add3A_367 = arith.addi %get3A_366, %get3A_100 : vector<16xi32>
      %mul3A_368 = arith.constant 16 : i32
      %mul3A_369 = arith.muli %scan3A_97, %mul3A_368 : i32
      %swap3A_370 = arith.constant 20 : i32
      %swap3A_371 = arith.index_cast %swap3A_370 : i32 to index
      %swap3A_372 = arith.index_cast %mul3A_369 : i32 to index
      %swap3A_373 = tpu.vector_load %arg9[%swap3A_371, %swap3A_372] {strides = array<i32>} : memref<32x512xi32, #tpu.memory_space<vmem>>, vector<16xi32>,
      tpu.vector_store %arg9[%swap3A_371, %swap3A_372], %add3A_367 {strides = array<i32>} : memref<32x512xi32, #tpu.memory_space<vmem>>, vector<16xi32>,
      %mul3A_374 = arith.constant 16 : i32
      %mul3A_375 = arith.muli %scan3A_97, %mul3A_374 : i32
      %get3A_376 = arith.constant 21 : i32
      %get3A_377 = arith.index_cast %get3A_376 : i32 to index
      %get3A_378 = arith.index_cast %mul3A_375 : i32 to index
      %get3A_379 = tpu.vector_load %arg9[%get3A_377, %get3A_378] {strides = array<i32>} : memref<32x512xi32, #tpu.memory_space<vmem>>, vector<16xi32>,
      %add3A_380 = arith.addi %get3A_379, %get3A_100 : vector<16xi32>
      %mul3A_381 = arith.constant 16 : i32
      %mul3A_382 = arith.muli %scan3A_97, %mul3A_381 : i32
      %swap3A_383 = arith.constant 21 : i32
      %swap3A_384 = arith.index_cast %swap3A_383 : i32 to index
      %swap3A_385 = arith.index_cast %mul3A_382 : i32 to index
      %swap3A_386 = tpu.vector_load %arg9[%swap3A_384, %swap3A_385] {strides = array<i32>} : memref<32x512xi32, #tpu.memory_space<vmem>>, vector<16xi32>,
      tpu.vector_store %arg9[%swap3A_384, %swap3A_385], %add3A_380 {strides = array<i32>} : memref<32x512xi32, #tpu.memory_space<vmem>>, vector<16xi32>,
      %mul3A_387 = arith.constant 16 : i32
      %mul3A_388 = arith.muli %scan3A_97, %mul3A_387 : i32
      %get3A_389 = arith.constant 22 : i32
      %get3A_390 = arith.index_cast %get3A_389 : i32 to index
      %get3A_391 = arith.index_cast %mul3A_388 : i32 to index
      %get3A_392 = tpu.vector_load %arg9[%get3A_390, %get3A_391] {strides = array<i32>} : memref<32x512xi32, #tpu.memory_space<vmem>>, vector<16xi32>,
      %add3A_393 = arith.addi %get3A_392, %get3A_100 : vector<16xi32>
      %mul3A_394 = arith.constant 16 : i32
      %mul3A_395 = arith.muli %scan3A_97, %mul3A_394 : i32
      %swap3A_396 = arith.constant 22 : i32
      %swap3A_397 = arith.index_cast %swap3A_396 : i32 to index
      %swap3A_398 = arith.index_cast %mul3A_395 : i32 to index
      %swap3A_399 = tpu.vector_load %arg9[%swap3A_397, %swap3A_398] {strides = array<i32>} : memref<32x512xi32, #tpu.memory_space<vmem>>, vector<16xi32>,
      tpu.vector_store %arg9[%swap3A_397, %swap3A_398], %add3A_393 {strides = array<i32>} : memref<32x512xi32, #tpu.memory_space<vmem>>, vector<16xi32>,
      %mul3A_400 = arith.constant 16 : i32
      %mul3A_401 = arith.muli %scan3A_97, %mul3A_400 : i32
      %get3A_402 = arith.constant 23 : i32
      %get3A_403 = arith.index_cast %get3A_402 : i32 to index
      %get3A_404 = arith.index_cast %mul3A_401 : i32 to index
      %get3A_405 = tpu.vector_load %arg9[%get3A_403, %get3A_404] {strides = array<i32>} : memref<32x512xi32, #tpu.memory_space<vmem>>, vector<16xi32>,
      %add3A_406 = arith.addi %get3A_405, %get3A_100 : vector<16xi32>
      %mul3A_407 = arith.constant 16 : i32
      %mul3A_408 = arith.muli %scan3A_97, %mul3A_407 : i32
      %swap3A_409 = arith.constant 23 : i32
      %swap3A_410 = arith.index_cast %swap3A_409 : i32 to index
      %swap3A_411 = arith.index_cast %mul3A_408 : i32 to index
      %swap3A_412 = tpu.vector_load %arg9[%swap3A_410, %swap3A_411] {strides = array<i32>} : memref<32x512xi32, #tpu.memory_space<vmem>>, vector<16xi32>,
      tpu.vector_store %arg9[%swap3A_410, %swap3A_411], %add3A_406 {strides = array<i32>} : memref<32x512xi32, #tpu.memory_space<vmem>>, vector<16xi32>,
      %mul3A_413 = arith.constant 16 : i32
      %mul3A_414 = arith.muli %scan3A_97, %mul3A_413 : i32
      %get3A_415 = arith.constant 24 : i32
      %get3A_416 = arith.index_cast %get3A_415 : i32 to index
      %get3A_417 = arith.index_cast %mul3A_414 : i32 to index
      %get3A_418 = tpu.vector_load %arg9[%get3A_416, %get3A_417] {strides = array<i32>} : memref<32x512xi32, #tpu.memory_space<vmem>>, vector<16xi32>,
      %add3A_419 = arith.addi %get3A_418, %get3A_100 : vector<16xi32>
      %mul3A_420 = arith.constant 16 : i32
      %mul3A_421 = arith.muli %scan3A_97, %mul3A_420 : i32
      %swap3A_422 = arith.constant 24 : i32
      %swap3A_423 = arith.index_cast %swap3A_422 : i32 to index
      %swap3A_424 = arith.index_cast %mul3A_421 : i32 to index
      %swap3A_425 = tpu.vector_load %arg9[%swap3A_423, %swap3A_424] {strides = array<i32>} : memref<32x512xi32, #tpu.memory_space<vmem>>, vector<16xi32>,
      tpu.vector_store %arg9[%swap3A_423, %swap3A_424], %add3A_419 {strides = array<i32>} : memref<32x512xi32, #tpu.memory_space<vmem>>, vector<16xi32>,
      %mul3A_426 = arith.constant 16 : i32
      %mul3A_427 = arith.muli %scan3A_97, %mul3A_426 : i32
      %get3A_428 = arith.constant 25 : i32
      %get3A_429 = arith.index_cast %get3A_428 : i32 to index
      %get3A_430 = arith.index_cast %mul3A_427 : i32 to index
      %get3A_431 = tpu.vector_load %arg9[%get3A_429, %get3A_430] {strides = array<i32>} : memref<32x512xi32, #tpu.memory_space<vmem>>, vector<16xi32>,
      %add3A_432 = arith.addi %get3A_431, %get3A_100 : vector<16xi32>
      %mul3A_433 = arith.constant 16 : i32
      %mul3A_434 = arith.muli %scan3A_97, %mul3A_433 : i32
      %swap3A_435 = arith.constant 25 : i32
      %swap3A_436 = arith.index_cast %swap3A_435 : i32 to index
      %swap3A_437 = arith.index_cast %mul3A_434 : i32 to index
      %swap3A_438 = tpu.vector_load %arg9[%swap3A_436, %swap3A_437] {strides = array<i32>} : memref<32x512xi32, #tpu.memory_space<vmem>>, vector<16xi32>,
      tpu.vector_store %arg9[%swap3A_436, %swap3A_437], %add3A_432 {strides = array<i32>} : memref<32x512xi32, #tpu.memory_space<vmem>>, vector<16xi32>,
      %mul3A_439 = arith.constant 16 : i32
      %mul3A_440 = arith.muli %scan3A_97, %mul3A_439 : i32
      %get3A_441 = arith.constant 26 : i32
      %get3A_442 = arith.index_cast %get3A_441 : i32 to index
      %get3A_443 = arith.index_cast %mul3A_440 : i32 to index
      %get3A_444 = tpu.vector_load %arg9[%get3A_442, %get3A_443] {strides = array<i32>} : memref<32x512xi32, #tpu.memory_space<vmem>>, vector<16xi32>,
      %add3A_445 = arith.addi %get3A_444, %get3A_100 : vector<16xi32>
      %mul3A_446 = arith.constant 16 : i32
      %mul3A_447 = arith.muli %scan3A_97, %mul3A_446 : i32
      %swap3A_448 = arith.constant 26 : i32
      %swap3A_449 = arith.index_cast %swap3A_448 : i32 to index
      %swap3A_450 = arith.index_cast %mul3A_447 : i32 to index
      %swap3A_451 = tpu.vector_load %arg9[%swap3A_449, %swap3A_450] {strides = array<i32>} : memref<32x512xi32, #tpu.memory_space<vmem>>, vector<16xi32>,
      tpu.vector_store %arg9[%swap3A_449, %swap3A_450], %add3A_445 {strides = array<i32>} : memref<32x512xi32, #tpu.memory_space<vmem>>, vector<16xi32>,
      %mul3A_452 = arith.constant 16 : i32
      %mul3A_453 = arith.muli %scan3A_97, %mul3A_452 : i32
      %get3A_454 = arith.constant 27 : i32
      %get3A_455 = arith.index_cast %get3A_454 : i32 to index
      %get3A_456 = arith.index_cast %mul3A_453 : i32 to index
      %get3A_457 = tpu.vector_load %arg9[%get3A_455, %get3A_456] {strides = array<i32>} : memref<32x512xi32, #tpu.memory_space<vmem>>, vector<16xi32>,
      %add3A_458 = arith.addi %get3A_457, %get3A_100 : vector<16xi32>
      %mul3A_459 = arith.constant 16 : i32
      %mul3A_460 = arith.muli %scan3A_97, %mul3A_459 : i32
      %swap3A_461 = arith.constant 27 : i32
      %swap3A_462 = arith.index_cast %swap3A_461 : i32 to index
      %swap3A_463 = arith.index_cast %mul3A_460 : i32 to index
      %swap3A_464 = tpu.vector_load %arg9[%swap3A_462, %swap3A_463] {strides = array<i32>} : memref<32x512xi32, #tpu.memory_space<vmem>>, vector<16xi32>,
      tpu.vector_store %arg9[%swap3A_462, %swap3A_463], %add3A_458 {strides = array<i32>} : memref<32x512xi32, #tpu.memory_space<vmem>>, vector<16xi32>,
      %mul3A_465 = arith.constant 16 : i32
      %mul3A_466 = arith.muli %scan3A_97, %mul3A_465 : i32
      %get3A_467 = arith.constant 28 : i32
      %get3A_468 = arith.index_cast %get3A_467 : i32 to index
      %get3A_469 = arith.index_cast %mul3A_466 : i32 to index
      %get3A_470 = tpu.vector_load %arg9[%get3A_468, %get3A_469] {strides = array<i32>} : memref<32x512xi32, #tpu.memory_space<vmem>>, vector<16xi32>,
      %add3A_471 = arith.addi %get3A_470, %get3A_100 : vector<16xi32>
      %mul3A_472 = arith.constant 16 : i32
      %mul3A_473 = arith.muli %scan3A_97, %mul3A_472 : i32
      %swap3A_474 = arith.constant 28 : i32
      %swap3A_475 = arith.index_cast %swap3A_474 : i32 to index
      %swap3A_476 = arith.index_cast %mul3A_473 : i32 to index
      %swap3A_477 = tpu.vector_load %arg9[%swap3A_475, %swap3A_476] {strides = array<i32>} : memref<32x512xi32, #tpu.memory_space<vmem>>, vector<16xi32>,
      tpu.vector_store %arg9[%swap3A_475, %swap3A_476], %add3A_471 {strides = array<i32>} : memref<32x512xi32, #tpu.memory_space<vmem>>, vector<16xi32>,
      %mul3A_478 = arith.constant 16 : i32
      %mul3A_479 = arith.muli %scan3A_97, %mul3A_478 : i32
      %get3A_480 = arith.constant 29 : i32
      %get3A_481 = arith.index_cast %get3A_480 : i32 to index
      %get3A_482 = arith.index_cast %mul3A_479 : i32 to index
      %get3A_483 = tpu.vector_load %arg9[%get3A_481, %get3A_482] {strides = array<i32>} : memref<32x512xi32, #tpu.memory_space<vmem>>, vector<16xi32>,
      %add3A_484 = arith.addi %get3A_483, %get3A_100 : vector<16xi32>
      %mul3A_485 = arith.constant 16 : i32
      %mul3A_486 = arith.muli %scan3A_97, %mul3A_485 : i32
      %swap3A_487 = arith.constant 29 : i32
      %swap3A_488 = arith.index_cast %swap3A_487 : i32 to index
      %swap3A_489 = arith.index_cast %mul3A_486 : i32 to index
      %swap3A_490 = tpu.vector_load %arg9[%swap3A_488, %swap3A_489] {strides = array<i32>} : memref<32x512xi32, #tpu.memory_space<vmem>>, vector<16xi32>,
      tpu.vector_store %arg9[%swap3A_488, %swap3A_489], %add3A_484 {strides = array<i32>} : memref<32x512xi32, #tpu.memory_space<vmem>>, vector<16xi32>,
      %mul3A_491 = arith.constant 16 : i32
      %mul3A_492 = arith.muli %scan3A_97, %mul3A_491 : i32
      %get3A_493 = arith.constant 30 : i32
      %get3A_494 = arith.index_cast %get3A_493 : i32 to index
      %get3A_495 = arith.index_cast %mul3A_492 : i32 to index
      %get3A_496 = tpu.vector_load %arg9[%get3A_494, %get3A_495] {strides = array<i32>} : memref<32x512xi32, #tpu.memory_space<vmem>>, vector<16xi32>,
      %add3A_497 = arith.addi %get3A_496, %get3A_100 : vector<16xi32>
      %mul3A_498 = arith.constant 16 : i32
      %mul3A_499 = arith.muli %scan3A_97, %mul3A_498 : i32
      %swap3A_500 = arith.constant 30 : i32
      %swap3A_501 = arith.index_cast %swap3A_500 : i32 to index
      %swap3A_502 = arith.index_cast %mul3A_499 : i32 to index
      %swap3A_503 = tpu.vector_load %arg9[%swap3A_501, %swap3A_502] {strides = array<i32>} : memref<32x512xi32, #tpu.memory_space<vmem>>, vector<16xi32>,
      tpu.vector_store %arg9[%swap3A_501, %swap3A_502], %add3A_497 {strides = array<i32>} : memref<32x512xi32, #tpu.memory_space<vmem>>, vector<16xi32>,
      %mul3A_504 = arith.constant 16 : i32
      %mul3A_505 = arith.muli %scan3A_97, %mul3A_504 : i32
      %get3A_506 = arith.constant 31 : i32
      %get3A_507 = arith.index_cast %get3A_506 : i32 to index
      %get3A_508 = arith.index_cast %mul3A_505 : i32 to index
      %get3A_509 = tpu.vector_load %arg9[%get3A_507, %get3A_508] {strides = array<i32>} : memref<32x512xi32, #tpu.memory_space<vmem>>, vector<16xi32>,
      %add3A_510 = arith.addi %get3A_509, %get3A_100 : vector<16xi32>
      %mul3A_511 = arith.constant 16 : i32
      %mul3A_512 = arith.muli %scan3A_97, %mul3A_511 : i32
      %swap3A_513 = arith.constant 31 : i32
      %swap3A_514 = arith.index_cast %swap3A_513 : i32 to index
      %swap3A_515 = arith.index_cast %mul3A_512 : i32 to index
      %swap3A_516 = tpu.vector_load %arg9[%swap3A_514, %swap3A_515] {strides = array<i32>} : memref<32x512xi32, #tpu.memory_space<vmem>>, vector<16xi32>,
      tpu.vector_store %arg9[%swap3A_514, %swap3A_515], %add3A_510 {strides = array<i32>} : memref<32x512xi32, #tpu.memory_space<vmem>>, vector<16xi32>,
    }
    %scan3A_68 = arith.constant 32 : i32
    %broadcast_in_dim3A_69 = vector.broadcast %scan3A_61 : i32 to vector<16xi32>
    %swap3A_70 = arith.constant 0 : index
    %swap3A_71 = tpu.vector_load %arg12[%swap3A_70] {strides = array<i32>} : memref<128xi32, #tpu.memory_space<vmem>>, vector<16xi32>,
    tpu.vector_store %arg12[%swap3A_70], %broadcast_in_dim3A_69 {strides = array<i32>} : memref<128xi32, #tpu.memory_space<vmem>>, vector<16xi32>,
    %broadcast_in_dim3A_72 = vector.broadcast %scan3A_61 : i32 to vector<16xi32>
    %swap3A_73 = arith.constant 16 : index
    %swap3A_74 = tpu.vector_load %arg12[%swap3A_73] {strides = array<i32>} : memref<128xi32, #tpu.memory_space<vmem>>, vector<16xi32>,
    tpu.vector_store %arg12[%swap3A_73], %broadcast_in_dim3A_72 {strides = array<i32>} : memref<128xi32, #tpu.memory_space<vmem>>, vector<16xi32>,
    %broadcast_in_dim3A_75 = vector.broadcast %scan3A_61 : i32 to vector<16xi32>
    %swap3A_76 = arith.constant 32 : index
    %swap3A_77 = tpu.vector_load %arg12[%swap3A_76] {strides = array<i32>} : memref<128xi32, #tpu.memory_space<vmem>>, vector<16xi32>,
    tpu.vector_store %arg12[%swap3A_76], %broadcast_in_dim3A_75 {strides = array<i32>} : memref<128xi32, #tpu.memory_space<vmem>>, vector<16xi32>,
    %broadcast_in_dim3A_78 = vector.broadcast %scan3A_61 : i32 to vector<16xi32>
    %swap3A_79 = arith.constant 48 : index
    %swap3A_80 = tpu.vector_load %arg12[%swap3A_79] {strides = array<i32>} : memref<128xi32, #tpu.memory_space<vmem>>, vector<16xi32>,
    tpu.vector_store %arg12[%swap3A_79], %broadcast_in_dim3A_78 {strides = array<i32>} : memref<128xi32, #tpu.memory_space<vmem>>, vector<16xi32>,
    %broadcast_in_dim3A_81 = vector.broadcast %scan3A_61 : i32 to vector<16xi32>
    %swap3A_82 = arith.constant 64 : index
    %swap3A_83 = tpu.vector_load %arg12[%swap3A_82] {strides = array<i32>} : memref<128xi32, #tpu.memory_space<vmem>>, vector<16xi32>,
    tpu.vector_store %arg12[%swap3A_82], %broadcast_in_dim3A_81 {strides = array<i32>} : memref<128xi32, #tpu.memory_space<vmem>>, vector<16xi32>,
    %broadcast_in_dim3A_84 = vector.broadcast %scan3A_61 : i32 to vector<16xi32>
    %swap3A_85 = arith.constant 80 : index
    %swap3A_86 = tpu.vector_load %arg12[%swap3A_85] {strides = array<i32>} : memref<128xi32, #tpu.memory_space<vmem>>, vector<16xi32>,
    tpu.vector_store %arg12[%swap3A_85], %broadcast_in_dim3A_84 {strides = array<i32>} : memref<128xi32, #tpu.memory_space<vmem>>, vector<16xi32>,
    %broadcast_in_dim3A_87 = vector.broadcast %scan3A_61 : i32 to vector<16xi32>
    %swap3A_88 = arith.constant 96 : index
    %swap3A_89 = tpu.vector_load %arg12[%swap3A_88] {strides = array<i32>} : memref<128xi32, #tpu.memory_space<vmem>>, vector<16xi32>,
    tpu.vector_store %arg12[%swap3A_88], %broadcast_in_dim3A_87 {strides = array<i32>} : memref<128xi32, #tpu.memory_space<vmem>>, vector<16xi32>,
    %broadcast_in_dim3A_90 = vector.broadcast %scan3A_61 : i32 to vector<16xi32>
    %swap3A_91 = arith.constant 112 : index
    %swap3A_92 = tpu.vector_load %arg12[%swap3A_91] {strides = array<i32>} : memref<128xi32, #tpu.memory_space<vmem>>, vector<16xi32>,
    tpu.vector_store %arg12[%swap3A_91], %broadcast_in_dim3A_90 {strides = array<i32>} : memref<128xi32, #tpu.memory_space<vmem>>, vector<16xi32>,
    %mul3A_93 = arith.constant 512 : i32
    %mul3A_94 = arith.muli %min3A_1, %mul3A_93 : i32
    "tpu.region"() ({
      %run_scoped3A = tpu.sem_alloc : memref<!tpu.dma_semaphore, #tpu.memory_space<semaphore_mem>>
      %dma_start3A = arith.constant 0 : i32
      %dma_start3A_97 = tpu.memref_slice %arg6[%dma_start3A, %mul3A_94] : memref<32x14336xi32, #tpu.memory_space<hbm>> -> memref<32x512xi32, #tpu.memory_space<hbm>>
      %dma_start3A_98 = arith.constant 0 : i32
      %dma_start3A_99 = tpu.memref_slice %arg6[%dma_start3A_98, %mul3A_94] : memref<32x14336xi32, #tpu.memory_space<hbm>> -> memref<32x512xi32, #tpu.memory_space<hbm>>
      tpu.enqueue_dma source(%arg9 : memref<32x512xi32, #tpu.memory_space<vmem>>) target(%dma_start3A_99 : memref<32x512xi32, #tpu.memory_space<hbm>>) target_semaphore(%run_scoped3A : memref<!tpu.dma_semaphore, #tpu.memory_space<semaphore_mem>>)
      %dma_wait3A = arith.constant 0 : i32
      %dma_wait3A_100 = tpu.memref_slice %arg6[%dma_wait3A, %mul3A_94] : memref<32x14336xi32, #tpu.memory_space<hbm>> -> memref<32x512xi32, #tpu.memory_space<hbm>>
      %dma_wait3A_101 = arith.constant 0 : i32
      %dma_wait3A_102 = tpu.memref_slice %arg6[%dma_wait3A_101, %mul3A_94] : memref<32x14336xi32, #tpu.memory_space<hbm>> -> memref<32x512xi32, #tpu.memory_space<hbm>>
      tpu.wait_dma2 semaphore(%run_scoped3A : memref<!tpu.dma_semaphore, #tpu.memory_space<semaphore_mem>>) src(%arg9 : memref<32x512xi32, #tpu.memory_space<vmem>>) dst(%dma_wait3A_102 : memref<32x512xi32, #tpu.memory_space<hbm>>)
      tpu.yield
    }) : () -> ()
    %mul3A_95 = arith.constant 128 : i32
    %mul3A_96 = arith.muli %add3A, %mul3A_95 : i32
    "tpu.region"() ({
      %run_scoped3A = tpu.sem_alloc : memref<!tpu.dma_semaphore, #tpu.memory_space<semaphore_mem>>
      %dma_start3A = tpu.memref_slice %arg7[%mul3A_96] : memref<4096xi32, #tpu.memory_space<hbm>> -> memref<128xi32, #tpu.memory_space<hbm>>
      %dma_start3A_97 = tpu.memref_slice %arg7[%mul3A_96] : memref<4096xi32, #tpu.memory_space<hbm>> -> memref<128xi32, #tpu.memory_space<hbm>>
      tpu.enqueue_dma source(%arg12 : memref<128xi32, #tpu.memory_space<vmem>>) target(%dma_start3A_97 : memref<128xi32, #tpu.memory_space<hbm>>) target_semaphore(%run_scoped3A : memref<!tpu.dma_semaphore, #tpu.memory_space<semaphore_mem>>)
      %dma_wait3A = tpu.memref_slice %arg7[%mul3A_96] : memref<4096xi32, #tpu.memory_space<hbm>> -> memref<128xi32, #tpu.memory_space<hbm>>
      %dma_wait3A_98 = tpu.memref_slice %arg7[%mul3A_96] : memref<4096xi32, #tpu.memory_space<hbm>> -> memref<128xi32, #tpu.memory_space<hbm>>
      tpu.wait_dma2 semaphore(%run_scoped3A : memref<!tpu.dma_semaphore, #tpu.memory_space<semaphore_mem>>) src(%arg12 : memref<128xi32, #tpu.memory_space<vmem>>) dst(%dma_wait3A_98 : memref<128xi32, #tpu.memory_space<hbm>>)
      tpu.yield
    }) : () -> ()
    return
  }
}

#map = affine_map<(d0, d1) -> (0)>
#map1 = affine_map<(d0, d1) -> (0, 0)>
module attributes {stable_mosaic.version = 14 : i64} {
  func.func @_k1_body(%arg0: i32, %arg1: i32, %arg2: memref<1048576xf32, #tpu.memory_space<hbm>>, %arg3: memref<1048576xf32, #tpu.memory_space<hbm>>, %arg4: memref<32x14336xi32, #tpu.memory_space<hbm>>, %arg5: memref<32x14336xi32, #tpu.memory_space<hbm>>, %arg6: memref<32x16xf32, #tpu.memory_space<hbm>>, %arg7: memref<32768xf32, #tpu.memory_space<vmem>>, %arg8: memref<32768xf32, #tpu.memory_space<vmem>>, %arg9: memref<14336xi32, #tpu.memory_space<vmem>>, %arg10: memref<14336xi32, #tpu.memory_space<vmem>>, %arg11: memref<16xf32, #tpu.memory_space<vmem>>) attributes {dimension_semantics = [#tpu.dimension_semantics<core_parallel>, #tpu.dimension_semantics<subcore_parallel>], iteration_bounds = array<i64: 2, 16>, scalar_prefetch = 0 : i64, scratch_operands = 5 : i64, tpu.core_type = #tpu.core_type<sc_vector_subcore>, window_params = [{transform_indices = #map}, {transform_indices = #map}, {transform_indices = #map1}, {transform_indices = #map1}, {transform_indices = #map1}]} {
    %mul3A = arith.constant 2 : i32
    %mul3A_0 = arith.muli %arg1, %mul3A : i32
    %add3A = arith.addi %mul3A_0, %arg0 : i32
    %mul3A_1 = arith.constant 32768 : i32
    %mul3A_2 = arith.muli %add3A, %mul3A_1 : i32
    "tpu.region"() ({
      %run_scoped3A = tpu.sem_alloc : memref<!tpu.dma_semaphore, #tpu.memory_space<semaphore_mem>>
      %dma_start3A = tpu.memref_slice %arg2[%mul3A_2] : memref<1048576xf32, #tpu.memory_space<hbm>> -> memref<32768xf32, #tpu.memory_space<hbm>>
      %dma_start3A_39 = tpu.memref_slice %arg2[%mul3A_2] : memref<1048576xf32, #tpu.memory_space<hbm>> -> memref<32768xf32, #tpu.memory_space<hbm>>
      tpu.enqueue_dma source(%dma_start3A_39 : memref<32768xf32, #tpu.memory_space<hbm>>) target(%arg7 : memref<32768xf32, #tpu.memory_space<vmem>>) target_semaphore(%run_scoped3A : memref<!tpu.dma_semaphore, #tpu.memory_space<semaphore_mem>>)
      %dma_wait3A = tpu.memref_slice %arg2[%mul3A_2] : memref<1048576xf32, #tpu.memory_space<hbm>> -> memref<32768xf32, #tpu.memory_space<hbm>>
      %dma_wait3A_40 = tpu.memref_slice %arg2[%mul3A_2] : memref<1048576xf32, #tpu.memory_space<hbm>> -> memref<32768xf32, #tpu.memory_space<hbm>>
      tpu.wait_dma2 semaphore(%run_scoped3A : memref<!tpu.dma_semaphore, #tpu.memory_space<semaphore_mem>>) src(%dma_wait3A_40 : memref<32768xf32, #tpu.memory_space<hbm>>) dst(%arg7 : memref<32768xf32, #tpu.memory_space<vmem>>)
      tpu.yield
    }) : () -> ()
    "tpu.region"() ({
      %run_scoped3A = tpu.sem_alloc : memref<!tpu.dma_semaphore, #tpu.memory_space<semaphore_mem>>
      %dma_start3A = tpu.memref_slice %arg3[%mul3A_2] : memref<1048576xf32, #tpu.memory_space<hbm>> -> memref<32768xf32, #tpu.memory_space<hbm>>
      %dma_start3A_39 = tpu.memref_slice %arg3[%mul3A_2] : memref<1048576xf32, #tpu.memory_space<hbm>> -> memref<32768xf32, #tpu.memory_space<hbm>>
      tpu.enqueue_dma source(%dma_start3A_39 : memref<32768xf32, #tpu.memory_space<hbm>>) target(%arg8 : memref<32768xf32, #tpu.memory_space<vmem>>) target_semaphore(%run_scoped3A : memref<!tpu.dma_semaphore, #tpu.memory_space<semaphore_mem>>)
      %dma_wait3A = tpu.memref_slice %arg3[%mul3A_2] : memref<1048576xf32, #tpu.memory_space<hbm>> -> memref<32768xf32, #tpu.memory_space<hbm>>
      %dma_wait3A_40 = tpu.memref_slice %arg3[%mul3A_2] : memref<1048576xf32, #tpu.memory_space<hbm>> -> memref<32768xf32, #tpu.memory_space<hbm>>
      tpu.wait_dma2 semaphore(%run_scoped3A : memref<!tpu.dma_semaphore, #tpu.memory_space<semaphore_mem>>) src(%dma_wait3A_40 : memref<32768xf32, #tpu.memory_space<hbm>>) dst(%arg8 : memref<32768xf32, #tpu.memory_space<vmem>>)
      tpu.yield
    }) : () -> ()
    %parallel_loop3A = arith.constant 0 : i32
    %parallel_loop3A_3 = arith.constant 896 : i32
    %parallel_loop3A_4 = arith.constant 1 : i32
    scf.for %parallel_loop3A_39 = %parallel_loop3A to %parallel_loop3A_3 step %parallel_loop3A_4  : i32 {
      %parallel_loop3A_40 = arith.constant 0 : i32
      %parallel_loop3A_41 = vector.broadcast %parallel_loop3A_40 : i32 to vector<16xi32>
      %parallel_loop3A_42 = arith.constant 16 : i32
      %parallel_loop3A_43 = arith.muli %parallel_loop3A_39, %parallel_loop3A_42 : i32
      %parallel_loop3A_44 = arith.index_cast %parallel_loop3A_43 : i32 to index
      %parallel_loop3A_45 = tpu.vector_load %arg9[%parallel_loop3A_44] {strides = array<i32>} : memref<14336xi32, #tpu.memory_space<vmem>>, vector<16xi32>,
      tpu.vector_store %arg9[%parallel_loop3A_44], %parallel_loop3A_41 {strides = array<i32>} : memref<14336xi32, #tpu.memory_space<vmem>>, vector<16xi32>,
      %parallel_loop3A_46 = arith.constant 0 : i32
      %parallel_loop3A_47 = vector.broadcast %parallel_loop3A_46 : i32 to vector<16xi32>
      %parallel_loop3A_48 = arith.constant 16 : i32
      %parallel_loop3A_49 = arith.muli %parallel_loop3A_39, %parallel_loop3A_48 : i32
      %parallel_loop3A_50 = arith.index_cast %parallel_loop3A_49 : i32 to index
      %parallel_loop3A_51 = tpu.vector_load %arg10[%parallel_loop3A_50] {strides = array<i32>} : memref<14336xi32, #tpu.memory_space<vmem>>, vector<16xi32>,
      tpu.vector_store %arg10[%parallel_loop3A_50], %parallel_loop3A_47 {strides = array<i32>} : memref<14336xi32, #tpu.memory_space<vmem>>, vector<16xi32>,
    } {sc.loop_unroll_factor = 8 : i64, sc.parallel_access}
    %broadcast_in_dim3A = arith.constant 0 : i32
    %broadcast_in_dim3A_5 = vector.broadcast %broadcast_in_dim3A : i32 to vector<16xi32>
    %broadcast_in_dim3A_6 = arith.constant true
    %broadcast_in_dim3A_7 = vector.broadcast %broadcast_in_dim3A_6 : i1 to vector<16xi1>
    %unique3A, %unique3A_8 = tpu.scan_count mask(%broadcast_in_dim3A_7 : vector<16xi1>) value(%broadcast_in_dim3A_5 : vector<16xi32>) : vector<16xi1>, vector<16xi32>
    %reduce_sum3A = arith.constant true
    %reduce_sum3A_9 = vector.broadcast %reduce_sum3A : i1 to vector<16xi1>
    %reduce_sum3A_10 = tpu.scan <sum>, %unique3A_8 masked %reduce_sum3A_9 : vector<16xi32>, vector<16xi1> -> vector<16xi32>
    %reduce_sum3A_11 = vector.extract %reduce_sum3A_10[15] : i32 from vector<16xi32>
    %sub3A = arith.constant 120 : i32
    %sub3A_12 = arith.subi %reduce_sum3A_11, %sub3A : i32
    %jit3A = arith.constant 16 : i32
    %div3A = arith.divsi %sub3A_12, %jit3A : i32
    %sign3A = arith.constant 0 : i32
    %sign3A_13 = arith.cmpi sgt, %sub3A_12, %sign3A : i32
    %sign3A_14 = arith.extui %sign3A_13 : i1 to i32
    %sign3A_15 = arith.constant 0 : i32
    %sign3A_16 = arith.cmpi slt, %sub3A_12, %sign3A_15 : i32
    %sign3A_17 = arith.extui %sign3A_16 : i1 to i32
    %sign3A_18 = arith.subi %sign3A_14, %sign3A_17 : i32
    %sign3A_19 = arith.constant 0 : i32
    %sign3A_20 = arith.cmpi sgt, %jit3A, %sign3A_19 : i32
    %sign3A_21 = arith.extui %sign3A_20 : i1 to i32
    %sign3A_22 = arith.constant 0 : i32
    %sign3A_23 = arith.cmpi slt, %jit3A, %sign3A_22 : i32
    %sign3A_24 = arith.extui %sign3A_23 : i1 to i32
    %sign3A_25 = arith.subi %sign3A_21, %sign3A_24 : i32
    %ne3A = arith.cmpi ne, %sign3A_18, %sign3A_25 : i32
    %rem3A = arith.remsi %sub3A_12, %jit3A : i32
    %ne3A_26 = arith.constant 0 : i32
    %ne3A_27 = arith.cmpi ne, %rem3A, %ne3A_26 : i32
    %and3A = arith.andi %ne3A, %ne3A_27 : i1
    %sub3A_28 = arith.constant 1 : i32
    %sub3A_29 = arith.subi %div3A, %sub3A_28 : i32
    %select_n3A = arith.select %and3A, %sub3A_29, %div3A : i32
    %sub3A_30 = arith.constant 1 : i32
    %sub3A_31 = arith.subi %sub3A_30, %select_n3A : i32
    %broadcast_in_dim3A_32 = arith.constant 0.000000e+00 : f32
    %broadcast_in_dim3A_33 = vector.broadcast %broadcast_in_dim3A_32 : f32 to vector<16xf32>
    %parallel_loop3A_34 = arith.constant 0 : i32
    %parallel_loop3A_35 = arith.constant 2048 : i32
    %parallel_loop3A_36 = arith.constant 1 : i32
    %parallel_loop3A_37 = scf.for %parallel_loop3A_39 = %parallel_loop3A_34 to %parallel_loop3A_35 step %parallel_loop3A_36 iter_args(%parallel_loop3A_40 = %broadcast_in_dim3A_33) -> (vector<16xf32>)  : i32 {
      %parallel_loop3A_41 = arith.constant 16 : i32
      %parallel_loop3A_42 = arith.muli %parallel_loop3A_39, %parallel_loop3A_41 : i32
      %parallel_loop3A_43 = arith.index_cast %parallel_loop3A_42 : i32 to index
      %parallel_loop3A_44 = tpu.vector_load %arg7[%parallel_loop3A_43] {strides = array<i32>} : memref<32768xf32, #tpu.memory_space<vmem>>, vector<16xf32>,
      %parallel_loop3A_45 = arith.constant 16 : i32
      %parallel_loop3A_46 = arith.muli %parallel_loop3A_39, %parallel_loop3A_45 : i32
      %parallel_loop3A_47 = arith.index_cast %parallel_loop3A_46 : i32 to index
      %parallel_loop3A_48 = tpu.vector_load %arg8[%parallel_loop3A_47] {strides = array<i32>} : memref<32768xf32, #tpu.memory_space<vmem>>, vector<16xf32>,
      %parallel_loop3A_49 = vector.bitcast %parallel_loop3A_44 : vector<16xf32> to vector<16xi32>
      %parallel_loop3A_50 = arith.constant -2147483648 : i32
      %parallel_loop3A_51 = vector.broadcast %parallel_loop3A_50 : i32 to vector<16xi32>
      %parallel_loop3A_52 = arith.cmpi uge, %parallel_loop3A_49, %parallel_loop3A_51 : vector<16xi32>
      %parallel_loop3A_53 = arith.constant dense<-1> : vector<16xi32>
      %parallel_loop3A_54 = arith.xori %parallel_loop3A_49, %parallel_loop3A_53 : vector<16xi32>
      %parallel_loop3A_55 = arith.constant -2147483648 : i32
      %parallel_loop3A_56 = vector.broadcast %parallel_loop3A_55 : i32 to vector<16xi32>
      %parallel_loop3A_57 = arith.ori %parallel_loop3A_49, %parallel_loop3A_56 : vector<16xi32>
      %parallel_loop3A_58 = arith.select %parallel_loop3A_52, %parallel_loop3A_54, %parallel_loop3A_57 : vector<16xi1>, vector<16xi32>
      %parallel_loop3A_59 = arith.constant 8 : i32
      %parallel_loop3A_60 = vector.broadcast %parallel_loop3A_59 : i32 to vector<16xi32>
      %parallel_loop3A_61 = arith.shrui %parallel_loop3A_58, %parallel_loop3A_60 : vector<16xi32>
      %parallel_loop3A_62 = arith.sitofp %parallel_loop3A_61 : vector<16xi32> to vector<16xf32>
      %parallel_loop3A_63 = arith.constant 8.54432582E-4 : f32
      %parallel_loop3A_64 = vector.broadcast %parallel_loop3A_63 : f32 to vector<16xf32>
      %parallel_loop3A_65 = arith.mulf %parallel_loop3A_62, %parallel_loop3A_64 : vector<16xf32>
      %parallel_loop3A_66 = arith.fptosi %parallel_loop3A_65 : vector<16xf32> to vector<16xi32>
      %parallel_loop3A_67 = vector.bitcast %parallel_loop3A_48 : vector<16xf32> to vector<16xi32>
      %parallel_loop3A_68 = arith.constant -2147483648 : i32
      %parallel_loop3A_69 = vector.broadcast %parallel_loop3A_68 : i32 to vector<16xi32>
      %parallel_loop3A_70 = arith.cmpi uge, %parallel_loop3A_67, %parallel_loop3A_69 : vector<16xi32>
      %parallel_loop3A_71 = arith.constant dense<-1> : vector<16xi32>
      %parallel_loop3A_72 = arith.xori %parallel_loop3A_67, %parallel_loop3A_71 : vector<16xi32>
      %parallel_loop3A_73 = arith.constant -2147483648 : i32
      %parallel_loop3A_74 = vector.broadcast %parallel_loop3A_73 : i32 to vector<16xi32>
      %parallel_loop3A_75 = arith.ori %parallel_loop3A_67, %parallel_loop3A_74 : vector<16xi32>
      %parallel_loop3A_76 = arith.select %parallel_loop3A_70, %parallel_loop3A_72, %parallel_loop3A_75 : vector<16xi1>, vector<16xi32>
      %parallel_loop3A_77 = arith.constant 8 : i32
      %parallel_loop3A_78 = vector.broadcast %parallel_loop3A_77 : i32 to vector<16xi32>
      %parallel_loop3A_79 = arith.shrui %parallel_loop3A_76, %parallel_loop3A_78 : vector<16xi32>
      %parallel_loop3A_80 = arith.sitofp %parallel_loop3A_79 : vector<16xi32> to vector<16xf32>
      %parallel_loop3A_81 = arith.constant 8.54432582E-4 : f32
      %parallel_loop3A_82 = vector.broadcast %parallel_loop3A_81 : f32 to vector<16xf32>
      %parallel_loop3A_83 = arith.mulf %parallel_loop3A_80, %parallel_loop3A_82 : vector<16xf32>
      %parallel_loop3A_84 = arith.fptosi %parallel_loop3A_83 : vector<16xf32> to vector<16xi32>
      %parallel_loop3A_85 = arith.constant true
      %parallel_loop3A_86 = vector.broadcast %parallel_loop3A_85 : i1 to vector<16xi1>
      %parallel_loop3A_87, %parallel_loop3A_88 = tpu.scan_count mask(%parallel_loop3A_86 : vector<16xi1>) value(%parallel_loop3A_66 : vector<16xi32>) : vector<16xi1>, vector<16xi32>
      %parallel_loop3A_89 = arith.constant true
      %parallel_loop3A_90 = vector.broadcast %parallel_loop3A_89 : i1 to vector<16xi1>
      %parallel_loop3A_91, %parallel_loop3A_92 = tpu.scan_count mask(%parallel_loop3A_90 : vector<16xi1>) value(%parallel_loop3A_84 : vector<16xi32>) : vector<16xi1>, vector<16xi32>
      %parallel_loop3A_93 = vector.broadcast %sub3A_31 : i32 to vector<16xi32>
      %parallel_loop3A_94 = arith.addi %parallel_loop3A_88, %parallel_loop3A_93 : vector<16xi32>
      tpu.vector_store_idx %arg9[%parallel_loop3A_66], %parallel_loop3A_94 masked %parallel_loop3A_87 {add = true} : memref<14336xi32, #tpu.memory_space<vmem>>[vector<16xi32>], vector<16xi32>, vector<16xi1>
      %parallel_loop3A_95 = vector.broadcast %sub3A_31 : i32 to vector<16xi32>
      %parallel_loop3A_96 = arith.addi %parallel_loop3A_92, %parallel_loop3A_95 : vector<16xi32>
      tpu.vector_store_idx %arg10[%parallel_loop3A_84], %parallel_loop3A_96 masked %parallel_loop3A_91 {add = true} : memref<14336xi32, #tpu.memory_space<vmem>>[vector<16xi32>], vector<16xi32>, vector<16xi1>
      %parallel_loop3A_97 = arith.subf %parallel_loop3A_44, %parallel_loop3A_48 : vector<16xf32>
      %parallel_loop3A_98 = arith.mulf %parallel_loop3A_97, %parallel_loop3A_97 : vector<16xf32>
      %parallel_loop3A_99 = arith.addf %parallel_loop3A_40, %parallel_loop3A_98 : vector<16xf32>
      scf.yield %parallel_loop3A_99 : vector<16xf32>
    } {sc.loop_unroll_factor = 4 : i64, sc.parallel_access}
    %swap3A = arith.constant 0 : index
    %swap3A_38 = tpu.vector_load %arg11[%swap3A] {strides = array<i32>} : memref<16xf32, #tpu.memory_space<vmem>>, vector<16xf32>,
    tpu.vector_store %arg11[%swap3A], %parallel_loop3A_37 {strides = array<i32>} : memref<16xf32, #tpu.memory_space<vmem>>, vector<16xf32>,
    "tpu.region"() ({
      %run_scoped3A = tpu.sem_alloc : memref<!tpu.dma_semaphore, #tpu.memory_space<semaphore_mem>>
      %dma_start3A = arith.constant 0 : i32
      %dma_start3A_39 = tpu.memref_slice %arg4[%add3A, %dma_start3A] : memref<32x14336xi32, #tpu.memory_space<hbm>> -> memref<1x14336xi32, #tpu.memory_space<hbm>>
      %dma_start3A_40 = tpu.memref_squeeze %dma_start3A_39 : memref<1x14336xi32, #tpu.memory_space<hbm>> -> memref<14336xi32, #tpu.memory_space<hbm>>
      %dma_start3A_41 = arith.constant 0 : i32
      %dma_start3A_42 = tpu.memref_slice %arg4[%add3A, %dma_start3A_41] : memref<32x14336xi32, #tpu.memory_space<hbm>> -> memref<1x14336xi32, #tpu.memory_space<hbm>>
      %dma_start3A_43 = tpu.memref_squeeze %dma_start3A_42 : memref<1x14336xi32, #tpu.memory_space<hbm>> -> memref<14336xi32, #tpu.memory_space<hbm>>
      tpu.enqueue_dma source(%arg9 : memref<14336xi32, #tpu.memory_space<vmem>>) target(%dma_start3A_43 : memref<14336xi32, #tpu.memory_space<hbm>>) target_semaphore(%run_scoped3A : memref<!tpu.dma_semaphore, #tpu.memory_space<semaphore_mem>>)
      %dma_wait3A = arith.constant 0 : i32
      %dma_wait3A_44 = tpu.memref_slice %arg4[%add3A, %dma_wait3A] : memref<32x14336xi32, #tpu.memory_space<hbm>> -> memref<1x14336xi32, #tpu.memory_space<hbm>>
      %dma_wait3A_45 = tpu.memref_squeeze %dma_wait3A_44 : memref<1x14336xi32, #tpu.memory_space<hbm>> -> memref<14336xi32, #tpu.memory_space<hbm>>
      %dma_wait3A_46 = arith.constant 0 : i32
      %dma_wait3A_47 = tpu.memref_slice %arg4[%add3A, %dma_wait3A_46] : memref<32x14336xi32, #tpu.memory_space<hbm>> -> memref<1x14336xi32, #tpu.memory_space<hbm>>
      %dma_wait3A_48 = tpu.memref_squeeze %dma_wait3A_47 : memref<1x14336xi32, #tpu.memory_space<hbm>> -> memref<14336xi32, #tpu.memory_space<hbm>>
      tpu.wait_dma2 semaphore(%run_scoped3A : memref<!tpu.dma_semaphore, #tpu.memory_space<semaphore_mem>>) src(%arg9 : memref<14336xi32, #tpu.memory_space<vmem>>) dst(%dma_wait3A_48 : memref<14336xi32, #tpu.memory_space<hbm>>)
      tpu.yield
    }) : () -> ()
    "tpu.region"() ({
      %run_scoped3A = tpu.sem_alloc : memref<!tpu.dma_semaphore, #tpu.memory_space<semaphore_mem>>
      %dma_start3A = arith.constant 0 : i32
      %dma_start3A_39 = tpu.memref_slice %arg5[%add3A, %dma_start3A] : memref<32x14336xi32, #tpu.memory_space<hbm>> -> memref<1x14336xi32, #tpu.memory_space<hbm>>
      %dma_start3A_40 = tpu.memref_squeeze %dma_start3A_39 : memref<1x14336xi32, #tpu.memory_space<hbm>> -> memref<14336xi32, #tpu.memory_space<hbm>>
      %dma_start3A_41 = arith.constant 0 : i32
      %dma_start3A_42 = tpu.memref_slice %arg5[%add3A, %dma_start3A_41] : memref<32x14336xi32, #tpu.memory_space<hbm>> -> memref<1x14336xi32, #tpu.memory_space<hbm>>
      %dma_start3A_43 = tpu.memref_squeeze %dma_start3A_42 : memref<1x14336xi32, #tpu.memory_space<hbm>> -> memref<14336xi32, #tpu.memory_space<hbm>>
      tpu.enqueue_dma source(%arg10 : memref<14336xi32, #tpu.memory_space<vmem>>) target(%dma_start3A_43 : memref<14336xi32, #tpu.memory_space<hbm>>) target_semaphore(%run_scoped3A : memref<!tpu.dma_semaphore, #tpu.memory_space<semaphore_mem>>)
      %dma_wait3A = arith.constant 0 : i32
      %dma_wait3A_44 = tpu.memref_slice %arg5[%add3A, %dma_wait3A] : memref<32x14336xi32, #tpu.memory_space<hbm>> -> memref<1x14336xi32, #tpu.memory_space<hbm>>
      %dma_wait3A_45 = tpu.memref_squeeze %dma_wait3A_44 : memref<1x14336xi32, #tpu.memory_space<hbm>> -> memref<14336xi32, #tpu.memory_space<hbm>>
      %dma_wait3A_46 = arith.constant 0 : i32
      %dma_wait3A_47 = tpu.memref_slice %arg5[%add3A, %dma_wait3A_46] : memref<32x14336xi32, #tpu.memory_space<hbm>> -> memref<1x14336xi32, #tpu.memory_space<hbm>>
      %dma_wait3A_48 = tpu.memref_squeeze %dma_wait3A_47 : memref<1x14336xi32, #tpu.memory_space<hbm>> -> memref<14336xi32, #tpu.memory_space<hbm>>
      tpu.wait_dma2 semaphore(%run_scoped3A : memref<!tpu.dma_semaphore, #tpu.memory_space<semaphore_mem>>) src(%arg10 : memref<14336xi32, #tpu.memory_space<vmem>>) dst(%dma_wait3A_48 : memref<14336xi32, #tpu.memory_space<hbm>>)
      tpu.yield
    }) : () -> ()
    "tpu.region"() ({
      %run_scoped3A = tpu.sem_alloc : memref<!tpu.dma_semaphore, #tpu.memory_space<semaphore_mem>>
      %dma_start3A = arith.constant 0 : i32
      %dma_start3A_39 = tpu.memref_slice %arg6[%add3A, %dma_start3A] : memref<32x16xf32, #tpu.memory_space<hbm>> -> memref<1x16xf32, #tpu.memory_space<hbm>>
      %dma_start3A_40 = tpu.memref_squeeze %dma_start3A_39 : memref<1x16xf32, #tpu.memory_space<hbm>> -> memref<16xf32, #tpu.memory_space<hbm>>
      %dma_start3A_41 = arith.constant 0 : i32
      %dma_start3A_42 = tpu.memref_slice %arg6[%add3A, %dma_start3A_41] : memref<32x16xf32, #tpu.memory_space<hbm>> -> memref<1x16xf32, #tpu.memory_space<hbm>>
      %dma_start3A_43 = tpu.memref_squeeze %dma_start3A_42 : memref<1x16xf32, #tpu.memory_space<hbm>> -> memref<16xf32, #tpu.memory_space<hbm>>
      tpu.enqueue_dma source(%arg11 : memref<16xf32, #tpu.memory_space<vmem>>) target(%dma_start3A_43 : memref<16xf32, #tpu.memory_space<hbm>>) target_semaphore(%run_scoped3A : memref<!tpu.dma_semaphore, #tpu.memory_space<semaphore_mem>>)
      %dma_wait3A = arith.constant 0 : i32
      %dma_wait3A_44 = tpu.memref_slice %arg6[%add3A, %dma_wait3A] : memref<32x16xf32, #tpu.memory_space<hbm>> -> memref<1x16xf32, #tpu.memory_space<hbm>>
      %dma_wait3A_45 = tpu.memref_squeeze %dma_wait3A_44 : memref<1x16xf32, #tpu.memory_space<hbm>> -> memref<16xf32, #tpu.memory_space<hbm>>
      %dma_wait3A_46 = arith.constant 0 : i32
      %dma_wait3A_47 = tpu.memref_slice %arg6[%add3A, %dma_wait3A_46] : memref<32x16xf32, #tpu.memory_space<hbm>> -> memref<1x16xf32, #tpu.memory_space<hbm>>
      %dma_wait3A_48 = tpu.memref_squeeze %dma_wait3A_47 : memref<1x16xf32, #tpu.memory_space<hbm>> -> memref<16xf32, #tpu.memory_space<hbm>>
      tpu.wait_dma2 semaphore(%run_scoped3A : memref<!tpu.dma_semaphore, #tpu.memory_space<semaphore_mem>>) src(%arg11 : memref<16xf32, #tpu.memory_space<vmem>>) dst(%dma_wait3A_48 : memref<16xf32, #tpu.memory_space<hbm>>)
      tpu.yield
    }) : () -> ()
    return
  }
}

#map = affine_map<(d0, d1) -> (0)>
#map1 = affine_map<(d0, d1) -> (0, 0)>
module attributes {stable_mosaic.version = 14 : i64} {
  func.func @_k3_body(%arg0: i32, %arg1: i32, %arg2: memref<1048576xf32, #tpu.memory_space<hbm>>, %arg3: memref<1048576xf32, #tpu.memory_space<hbm>>, %arg4: memref<32x14336xi32, #tpu.memory_space<hbm>>, %arg5: memref<4096xi32, #tpu.memory_space<hbm>>, %arg6: memref<32x14336xi32, #tpu.memory_space<hbm>>, %arg7: memref<4096xi32, #tpu.memory_space<hbm>>, %arg8: memref<32x16xf32, #tpu.memory_space<hbm>>, %arg9: memref<32768xf32, #tpu.memory_space<vmem>>, %arg10: memref<32768xf32, #tpu.memory_space<vmem>>, %arg11: memref<14336xi32, #tpu.memory_space<vmem>>, %arg12: memref<14336xi32, #tpu.memory_space<vmem>>, %arg13: memref<14336xi32, #tpu.memory_space<vmem>>, %arg14: memref<14336xi32, #tpu.memory_space<vmem>>, %arg15: memref<1024xi32, #tpu.memory_space<vmem>>, %arg16: memref<16xf32, #tpu.memory_space<vmem>>) attributes {dimension_semantics = [#tpu.dimension_semantics<core_parallel>, #tpu.dimension_semantics<subcore_parallel>], iteration_bounds = array<i64: 2, 16>, scalar_prefetch = 0 : i64, scratch_operands = 8 : i64, tpu.core_type = #tpu.core_type<sc_vector_subcore>, window_params = [{transform_indices = #map}, {transform_indices = #map}, {transform_indices = #map1}, {transform_indices = #map}, {transform_indices = #map1}, {transform_indices = #map}, {transform_indices = #map1}]} {
    %mul3A = arith.constant 2 : i32
    %mul3A_0 = arith.muli %arg1, %mul3A : i32
    %add3A = arith.addi %mul3A_0, %arg0 : i32
    %iota3A = tpu.iota {dimensions = array<i32: 0>} : vector<16xi32>
    %broadcast_in_dim3A = arith.constant 0 : i32
    %broadcast_in_dim3A_1 = vector.broadcast %broadcast_in_dim3A : i32 to vector<16xi32>
    %mul3A_2 = arith.constant 32768 : i32
    %mul3A_3 = arith.muli %add3A, %mul3A_2 : i32
    "tpu.region"() ({
      %run_scoped3A = tpu.sem_alloc : memref<!tpu.dma_semaphore, #tpu.memory_space<semaphore_mem>>
      %dma_start3A = tpu.memref_slice %arg2[%mul3A_3] : memref<1048576xf32, #tpu.memory_space<hbm>> -> memref<32768xf32, #tpu.memory_space<hbm>>
      %dma_start3A_107 = tpu.memref_slice %arg2[%mul3A_3] : memref<1048576xf32, #tpu.memory_space<hbm>> -> memref<32768xf32, #tpu.memory_space<hbm>>
      tpu.enqueue_dma source(%dma_start3A_107 : memref<32768xf32, #tpu.memory_space<hbm>>) target(%arg9 : memref<32768xf32, #tpu.memory_space<vmem>>) target_semaphore(%run_scoped3A : memref<!tpu.dma_semaphore, #tpu.memory_space<semaphore_mem>>)
      %dma_wait3A = tpu.memref_slice %arg2[%mul3A_3] : memref<1048576xf32, #tpu.memory_space<hbm>> -> memref<32768xf32, #tpu.memory_space<hbm>>
      %dma_wait3A_108 = tpu.memref_slice %arg2[%mul3A_3] : memref<1048576xf32, #tpu.memory_space<hbm>> -> memref<32768xf32, #tpu.memory_space<hbm>>
      tpu.wait_dma2 semaphore(%run_scoped3A : memref<!tpu.dma_semaphore, #tpu.memory_space<semaphore_mem>>) src(%dma_wait3A_108 : memref<32768xf32, #tpu.memory_space<hbm>>) dst(%arg9 : memref<32768xf32, #tpu.memory_space<vmem>>)
      tpu.yield
    }) : () -> ()
    "tpu.region"() ({
      %run_scoped3A = tpu.sem_alloc : memref<!tpu.dma_semaphore, #tpu.memory_space<semaphore_mem>>
      %dma_start3A = tpu.memref_slice %arg3[%mul3A_3] : memref<1048576xf32, #tpu.memory_space<hbm>> -> memref<32768xf32, #tpu.memory_space<hbm>>
      %dma_start3A_107 = tpu.memref_slice %arg3[%mul3A_3] : memref<1048576xf32, #tpu.memory_space<hbm>> -> memref<32768xf32, #tpu.memory_space<hbm>>
      tpu.enqueue_dma source(%dma_start3A_107 : memref<32768xf32, #tpu.memory_space<hbm>>) target(%arg10 : memref<32768xf32, #tpu.memory_space<vmem>>) target_semaphore(%run_scoped3A : memref<!tpu.dma_semaphore, #tpu.memory_space<semaphore_mem>>)
      %dma_wait3A = tpu.memref_slice %arg3[%mul3A_3] : memref<1048576xf32, #tpu.memory_space<hbm>> -> memref<32768xf32, #tpu.memory_space<hbm>>
      %dma_wait3A_108 = tpu.memref_slice %arg3[%mul3A_3] : memref<1048576xf32, #tpu.memory_space<hbm>> -> memref<32768xf32, #tpu.memory_space<hbm>>
      tpu.wait_dma2 semaphore(%run_scoped3A : memref<!tpu.dma_semaphore, #tpu.memory_space<semaphore_mem>>) src(%dma_wait3A_108 : memref<32768xf32, #tpu.memory_space<hbm>>) dst(%arg10 : memref<32768xf32, #tpu.memory_space<vmem>>)
      tpu.yield
    }) : () -> ()
    %broadcast_in_dim3A_4 = arith.constant 0 : i32
    %broadcast_in_dim3A_5 = vector.broadcast %broadcast_in_dim3A_4 : i32 to vector<16xi32>
    %broadcast_in_dim3A_6 = arith.constant true
    %broadcast_in_dim3A_7 = vector.broadcast %broadcast_in_dim3A_6 : i1 to vector<16xi1>
    %unique3A, %unique3A_8 = tpu.scan_count mask(%broadcast_in_dim3A_7 : vector<16xi1>) value(%broadcast_in_dim3A_5 : vector<16xi32>) : vector<16xi1>, vector<16xi32>
    %reduce_sum3A = arith.constant true
    %reduce_sum3A_9 = vector.broadcast %reduce_sum3A : i1 to vector<16xi1>
    %reduce_sum3A_10 = tpu.scan <sum>, %unique3A_8 masked %reduce_sum3A_9 : vector<16xi32>, vector<16xi1> -> vector<16xi32>
    %reduce_sum3A_11 = vector.extract %reduce_sum3A_10[15] : i32 from vector<16xi32>
    %sub3A = arith.constant 120 : i32
    %sub3A_12 = arith.subi %reduce_sum3A_11, %sub3A : i32
    %jit3A = arith.constant 16 : i32
    %div3A = arith.divsi %sub3A_12, %jit3A : i32
    %sign3A = arith.constant 0 : i32
    %sign3A_13 = arith.cmpi sgt, %sub3A_12, %sign3A : i32
    %sign3A_14 = arith.extui %sign3A_13 : i1 to i32
    %sign3A_15 = arith.constant 0 : i32
    %sign3A_16 = arith.cmpi slt, %sub3A_12, %sign3A_15 : i32
    %sign3A_17 = arith.extui %sign3A_16 : i1 to i32
    %sign3A_18 = arith.subi %sign3A_14, %sign3A_17 : i32
    %sign3A_19 = arith.constant 0 : i32
    %sign3A_20 = arith.cmpi sgt, %jit3A, %sign3A_19 : i32
    %sign3A_21 = arith.extui %sign3A_20 : i1 to i32
    %sign3A_22 = arith.constant 0 : i32
    %sign3A_23 = arith.cmpi slt, %jit3A, %sign3A_22 : i32
    %sign3A_24 = arith.extui %sign3A_23 : i1 to i32
    %sign3A_25 = arith.subi %sign3A_21, %sign3A_24 : i32
    %ne3A = arith.cmpi ne, %sign3A_18, %sign3A_25 : i32
    %rem3A = arith.remsi %sub3A_12, %jit3A : i32
    %ne3A_26 = arith.constant 0 : i32
    %ne3A_27 = arith.cmpi ne, %rem3A, %ne3A_26 : i32
    %and3A = arith.andi %ne3A, %ne3A_27 : i1
    %sub3A_28 = arith.constant 1 : i32
    %sub3A_29 = arith.subi %div3A, %sub3A_28 : i32
    %select_n3A = arith.select %and3A, %sub3A_29, %div3A : i32
    %sub3A_30 = arith.constant 1 : i32
    %sub3A_31 = arith.subi %sub3A_30, %select_n3A : i32
    "tpu.region"() ({
      %run_scoped3A = tpu.sem_alloc : memref<!tpu.dma_semaphore, #tpu.memory_space<semaphore_mem>>
      %dma_start3A = arith.constant 0 : i32
      %dma_start3A_107 = tpu.memref_slice %arg11[%dma_start3A] : memref<14336xi32, #tpu.memory_space<vmem>> -> memref<4096xi32, #tpu.memory_space<vmem>>
      %dma_start3A_108 = arith.constant 0 : i32
      %dma_start3A_109 = tpu.memref_slice %arg11[%dma_start3A_108] : memref<14336xi32, #tpu.memory_space<vmem>> -> memref<4096xi32, #tpu.memory_space<vmem>>
      tpu.enqueue_dma source(%arg5 : memref<4096xi32, #tpu.memory_space<hbm>>) target(%dma_start3A_109 : memref<4096xi32, #tpu.memory_space<vmem>>) target_semaphore(%run_scoped3A : memref<!tpu.dma_semaphore, #tpu.memory_space<semaphore_mem>>)
      %dma_wait3A = arith.constant 0 : i32
      %dma_wait3A_110 = tpu.memref_slice %arg11[%dma_wait3A] : memref<14336xi32, #tpu.memory_space<vmem>> -> memref<4096xi32, #tpu.memory_space<vmem>>
      %dma_wait3A_111 = arith.constant 0 : i32
      %dma_wait3A_112 = tpu.memref_slice %arg11[%dma_wait3A_111] : memref<14336xi32, #tpu.memory_space<vmem>> -> memref<4096xi32, #tpu.memory_space<vmem>>
      tpu.wait_dma2 semaphore(%run_scoped3A : memref<!tpu.dma_semaphore, #tpu.memory_space<semaphore_mem>>) src(%arg5 : memref<4096xi32, #tpu.memory_space<hbm>>) dst(%dma_wait3A_112 : memref<4096xi32, #tpu.memory_space<vmem>>)
      tpu.yield
    }) : () -> ()
    %mul3A_32 = arith.constant 128 : i32
    %mul3A_33 = vector.broadcast %mul3A_32 : i32 to vector<16xi32>
    %mul3A_34 = arith.muli %iota3A, %mul3A_33 : vector<16xi32>
    %gather3A = tpu.vector_load_idx %arg11[%mul3A_34] : memref<14336xi32, #tpu.memory_space<vmem>>[vector<16xi32>], vector<16xi32>,
    %add3A_35 = arith.constant 16 : i32
    %add3A_36 = vector.broadcast %add3A_35 : i32 to vector<16xi32>
    %add3A_37 = arith.addi %iota3A, %add3A_36 : vector<16xi32>
    %mul3A_38 = arith.constant 128 : i32
    %mul3A_39 = vector.broadcast %mul3A_38 : i32 to vector<16xi32>
    %mul3A_40 = arith.muli %add3A_37, %mul3A_39 : vector<16xi32>
    %gather3A_41 = tpu.vector_load_idx %arg11[%mul3A_40] : memref<14336xi32, #tpu.memory_space<vmem>>[vector<16xi32>], vector<16xi32>,
    %broadcast_in_dim3A_42 = arith.constant true
    %broadcast_in_dim3A_43 = vector.broadcast %broadcast_in_dim3A_42 : i1 to vector<16xi1>
    %masked_cumsum3A = tpu.scan <sum>, %gather3A masked %broadcast_in_dim3A_43 : vector<16xi32>, vector<16xi1> -> vector<16xi32>
    %sub3A_44 = arith.subi %masked_cumsum3A, %gather3A : vector<16xi32>
    %broadcast_in_dim3A_45 = arith.constant true
    %broadcast_in_dim3A_46 = vector.broadcast %broadcast_in_dim3A_45 : i1 to vector<16xi1>
    %masked_cumsum3A_47 = tpu.scan <sum>, %gather3A_41 masked %broadcast_in_dim3A_46 : vector<16xi32>, vector<16xi1> -> vector<16xi32>
    %sub3A_48 = arith.subi %masked_cumsum3A_47, %gather3A_41 : vector<16xi32>
    %reduce_sum3A_49 = arith.constant true
    %reduce_sum3A_50 = vector.broadcast %reduce_sum3A_49 : i1 to vector<16xi1>
    %reduce_sum3A_51 = tpu.scan <sum>, %gather3A masked %reduce_sum3A_50 : vector<16xi32>, vector<16xi1> -> vector<16xi32>
    %reduce_sum3A_52 = vector.extract %reduce_sum3A_51[15] : i32 from vector<16xi32>
    %add3A_53 = vector.broadcast %reduce_sum3A_52 : i32 to vector<16xi32>
    %add3A_54 = arith.addi %sub3A_48, %add3A_53 : vector<16xi32>
    %swap3A = arith.constant 512 : index
    %swap3A_55 = tpu.vector_load %arg15[%swap3A] {strides = array<i32>} : memref<1024xi32, #tpu.memory_space<vmem>>, vector<16xi32>,
    tpu.vector_store %arg15[%swap3A], %sub3A_44 {strides = array<i32>} : memref<1024xi32, #tpu.memory_space<vmem>>, vector<16xi32>,
    %swap3A_56 = arith.constant 528 : index
    %swap3A_57 = tpu.vector_load %arg15[%swap3A_56] {strides = array<i32>} : memref<1024xi32, #tpu.memory_space<vmem>>, vector<16xi32>,
    tpu.vector_store %arg15[%swap3A_56], %add3A_54 {strides = array<i32>} : memref<1024xi32, #tpu.memory_space<vmem>>, vector<16xi32>,
    "tpu.region"() ({
      %run_scoped3A = tpu.sem_alloc : memref<!tpu.dma_semaphore, #tpu.memory_space<semaphore_mem>>
      %dma_start3A = arith.constant 0 : i32
      %dma_start3A_107 = tpu.memref_slice %arg4[%add3A, %dma_start3A] : memref<32x14336xi32, #tpu.memory_space<hbm>> -> memref<1x14336xi32, #tpu.memory_space<hbm>>
      %dma_start3A_108 = tpu.memref_squeeze %dma_start3A_107 : memref<1x14336xi32, #tpu.memory_space<hbm>> -> memref<14336xi32, #tpu.memory_space<hbm>>
      %dma_start3A_109 = arith.constant 0 : i32
      %dma_start3A_110 = tpu.memref_slice %arg4[%add3A, %dma_start3A_109] : memref<32x14336xi32, #tpu.memory_space<hbm>> -> memref<1x14336xi32, #tpu.memory_space<hbm>>
      %dma_start3A_111 = tpu.memref_squeeze %dma_start3A_110 : memref<1x14336xi32, #tpu.memory_space<hbm>> -> memref<14336xi32, #tpu.memory_space<hbm>>
      tpu.enqueue_dma source(%dma_start3A_111 : memref<14336xi32, #tpu.memory_space<hbm>>) target(%arg11 : memref<14336xi32, #tpu.memory_space<vmem>>) target_semaphore(%run_scoped3A : memref<!tpu.dma_semaphore, #tpu.memory_space<semaphore_mem>>)
      %dma_wait3A = arith.constant 0 : i32
      %dma_wait3A_112 = tpu.memref_slice %arg4[%add3A, %dma_wait3A] : memref<32x14336xi32, #tpu.memory_space<hbm>> -> memref<1x14336xi32, #tpu.memory_space<hbm>>
      %dma_wait3A_113 = tpu.memref_squeeze %dma_wait3A_112 : memref<1x14336xi32, #tpu.memory_space<hbm>> -> memref<14336xi32, #tpu.memory_space<hbm>>
      %dma_wait3A_114 = arith.constant 0 : i32
      %dma_wait3A_115 = tpu.memref_slice %arg4[%add3A, %dma_wait3A_114] : memref<32x14336xi32, #tpu.memory_space<hbm>> -> memref<1x14336xi32, #tpu.memory_space<hbm>>
      %dma_wait3A_116 = tpu.memref_squeeze %dma_wait3A_115 : memref<1x14336xi32, #tpu.memory_space<hbm>> -> memref<14336xi32, #tpu.memory_space<hbm>>
      tpu.wait_dma2 semaphore(%run_scoped3A : memref<!tpu.dma_semaphore, #tpu.memory_space<semaphore_mem>>) src(%dma_wait3A_116 : memref<14336xi32, #tpu.memory_space<hbm>>) dst(%arg11 : memref<14336xi32, #tpu.memory_space<vmem>>)
      tpu.yield
    }) : () -> ()
    %parallel_loop3A = arith.constant 0 : i32
    %parallel_loop3A_58 = arith.constant 896 : i32
    %parallel_loop3A_59 = arith.constant 1 : i32
    scf.for %parallel_loop3A_107 = %parallel_loop3A to %parallel_loop3A_58 step %parallel_loop3A_59  : i32 {
      %parallel_loop3A_108 = arith.constant 5 : i32
      %parallel_loop3A_109 = arith.shrsi %parallel_loop3A_107, %parallel_loop3A_108 : i32
      %parallel_loop3A_110 = arith.constant 512 : i32
      %parallel_loop3A_111 = arith.addi %parallel_loop3A_109, %parallel_loop3A_110 : i32
      %parallel_loop3A_112 = vector.broadcast %parallel_loop3A_111 : i32 to vector<16xi32>
      %parallel_loop3A_113 = arith.addi %broadcast_in_dim3A_1, %parallel_loop3A_112 : vector<16xi32>
      %parallel_loop3A_114 = tpu.vector_load_idx %arg15[%parallel_loop3A_113] : memref<1024xi32, #tpu.memory_space<vmem>>[vector<16xi32>], vector<16xi32>,
      %parallel_loop3A_115 = arith.constant 16 : i32
      %parallel_loop3A_116 = arith.muli %parallel_loop3A_107, %parallel_loop3A_115 : i32
      %parallel_loop3A_117 = arith.index_cast %parallel_loop3A_116 : i32 to index
      %parallel_loop3A_118 = tpu.vector_load %arg11[%parallel_loop3A_117] {strides = array<i32>} : memref<14336xi32, #tpu.memory_space<vmem>>, vector<16xi32>,
      %parallel_loop3A_119 = arith.addi %parallel_loop3A_118, %parallel_loop3A_114 : vector<16xi32>
      %parallel_loop3A_120 = arith.constant 16 : i32
      %parallel_loop3A_121 = arith.muli %parallel_loop3A_107, %parallel_loop3A_120 : i32
      %parallel_loop3A_122 = arith.index_cast %parallel_loop3A_121 : i32 to index
      %parallel_loop3A_123 = tpu.vector_load %arg11[%parallel_loop3A_122] {strides = array<i32>} : memref<14336xi32, #tpu.memory_space<vmem>>, vector<16xi32>,
      tpu.vector_store %arg11[%parallel_loop3A_122], %parallel_loop3A_119 {strides = array<i32>} : memref<14336xi32, #tpu.memory_space<vmem>>, vector<16xi32>,
      %parallel_loop3A_124 = arith.constant 16 : i32
      %parallel_loop3A_125 = arith.muli %parallel_loop3A_107, %parallel_loop3A_124 : i32
      %parallel_loop3A_126 = arith.index_cast %parallel_loop3A_125 : i32 to index
      %parallel_loop3A_127 = tpu.vector_load %arg12[%parallel_loop3A_126] {strides = array<i32>} : memref<14336xi32, #tpu.memory_space<vmem>>, vector<16xi32>,
      tpu.vector_store %arg12[%parallel_loop3A_126], %parallel_loop3A_119 {strides = array<i32>} : memref<14336xi32, #tpu.memory_space<vmem>>, vector<16xi32>,
    } {sc.loop_unroll_factor = 8 : i64, sc.parallel_access}
    "tpu.region"() ({
      %run_scoped3A = tpu.sem_alloc : memref<!tpu.dma_semaphore, #tpu.memory_space<semaphore_mem>>
      %dma_start3A = arith.constant 0 : i32
      %dma_start3A_107 = tpu.memref_slice %arg13[%dma_start3A] : memref<14336xi32, #tpu.memory_space<vmem>> -> memref<4096xi32, #tpu.memory_space<vmem>>
      %dma_start3A_108 = arith.constant 0 : i32
      %dma_start3A_109 = tpu.memref_slice %arg13[%dma_start3A_108] : memref<14336xi32, #tpu.memory_space<vmem>> -> memref<4096xi32, #tpu.memory_space<vmem>>
      tpu.enqueue_dma source(%arg7 : memref<4096xi32, #tpu.memory_space<hbm>>) target(%dma_start3A_109 : memref<4096xi32, #tpu.memory_space<vmem>>) target_semaphore(%run_scoped3A : memref<!tpu.dma_semaphore, #tpu.memory_space<semaphore_mem>>)
      %dma_wait3A = arith.constant 0 : i32
      %dma_wait3A_110 = tpu.memref_slice %arg13[%dma_wait3A] : memref<14336xi32, #tpu.memory_space<vmem>> -> memref<4096xi32, #tpu.memory_space<vmem>>
      %dma_wait3A_111 = arith.constant 0 : i32
      %dma_wait3A_112 = tpu.memref_slice %arg13[%dma_wait3A_111] : memref<14336xi32, #tpu.memory_space<vmem>> -> memref<4096xi32, #tpu.memory_space<vmem>>
      tpu.wait_dma2 semaphore(%run_scoped3A : memref<!tpu.dma_semaphore, #tpu.memory_space<semaphore_mem>>) src(%arg7 : memref<4096xi32, #tpu.memory_space<hbm>>) dst(%dma_wait3A_112 : memref<4096xi32, #tpu.memory_space<vmem>>)
      tpu.yield
    }) : () -> ()
    %mul3A_60 = arith.constant 128 : i32
    %mul3A_61 = vector.broadcast %mul3A_60 : i32 to vector<16xi32>
    %mul3A_62 = arith.muli %iota3A, %mul3A_61 : vector<16xi32>
    %gather3A_63 = tpu.vector_load_idx %arg13[%mul3A_62] : memref<14336xi32, #tpu.memory_space<vmem>>[vector<16xi32>], vector<16xi32>,
    %add3A_64 = arith.constant 16 : i32
    %add3A_65 = vector.broadcast %add3A_64 : i32 to vector<16xi32>
    %add3A_66 = arith.addi %iota3A, %add3A_65 : vector<16xi32>
    %mul3A_67 = arith.constant 128 : i32
    %mul3A_68 = vector.broadcast %mul3A_67 : i32 to vector<16xi32>
    %mul3A_69 = arith.muli %add3A_66, %mul3A_68 : vector<16xi32>
    %gather3A_70 = tpu.vector_load_idx %arg13[%mul3A_69] : memref<14336xi32, #tpu.memory_space<vmem>>[vector<16xi32>], vector<16xi32>,
    %broadcast_in_dim3A_71 = arith.constant true
    %broadcast_in_dim3A_72 = vector.broadcast %broadcast_in_dim3A_71 : i1 to vector<16xi1>
    %masked_cumsum3A_73 = tpu.scan <sum>, %gather3A_63 masked %broadcast_in_dim3A_72 : vector<16xi32>, vector<16xi1> -> vector<16xi32>
    %sub3A_74 = arith.subi %masked_cumsum3A_73, %gather3A_63 : vector<16xi32>
    %broadcast_in_dim3A_75 = arith.constant true
    %broadcast_in_dim3A_76 = vector.broadcast %broadcast_in_dim3A_75 : i1 to vector<16xi1>
    %masked_cumsum3A_77 = tpu.scan <sum>, %gather3A_70 masked %broadcast_in_dim3A_76 : vector<16xi32>, vector<16xi1> -> vector<16xi32>
    %sub3A_78 = arith.subi %masked_cumsum3A_77, %gather3A_70 : vector<16xi32>
    %reduce_sum3A_79 = arith.constant true
    %reduce_sum3A_80 = vector.broadcast %reduce_sum3A_79 : i1 to vector<16xi1>
    %reduce_sum3A_81 = tpu.scan <sum>, %gather3A_63 masked %reduce_sum3A_80 : vector<16xi32>, vector<16xi1> -> vector<16xi32>
    %reduce_sum3A_82 = vector.extract %reduce_sum3A_81[15] : i32 from vector<16xi32>
    %add3A_83 = vector.broadcast %reduce_sum3A_82 : i32 to vector<16xi32>
    %add3A_84 = arith.addi %sub3A_78, %add3A_83 : vector<16xi32>
    %swap3A_85 = arith.constant 512 : index
    %swap3A_86 = tpu.vector_load %arg15[%swap3A_85] {strides = array<i32>} : memref<1024xi32, #tpu.memory_space<vmem>>, vector<16xi32>,
    tpu.vector_store %arg15[%swap3A_85], %sub3A_74 {strides = array<i32>} : memref<1024xi32, #tpu.memory_space<vmem>>, vector<16xi32>,
    %swap3A_87 = arith.constant 528 : index
    %swap3A_88 = tpu.vector_load %arg15[%swap3A_87] {strides = array<i32>} : memref<1024xi32, #tpu.memory_space<vmem>>, vector<16xi32>,
    tpu.vector_store %arg15[%swap3A_87], %add3A_84 {strides = array<i32>} : memref<1024xi32, #tpu.memory_space<vmem>>, vector<16xi32>,
    "tpu.region"() ({
      %run_scoped3A = tpu.sem_alloc : memref<!tpu.dma_semaphore, #tpu.memory_space<semaphore_mem>>
      %dma_start3A = arith.constant 0 : i32
      %dma_start3A_107 = tpu.memref_slice %arg6[%add3A, %dma_start3A] : memref<32x14336xi32, #tpu.memory_space<hbm>> -> memref<1x14336xi32, #tpu.memory_space<hbm>>
      %dma_start3A_108 = tpu.memref_squeeze %dma_start3A_107 : memref<1x14336xi32, #tpu.memory_space<hbm>> -> memref<14336xi32, #tpu.memory_space<hbm>>
      %dma_start3A_109 = arith.constant 0 : i32
      %dma_start3A_110 = tpu.memref_slice %arg6[%add3A, %dma_start3A_109] : memref<32x14336xi32, #tpu.memory_space<hbm>> -> memref<1x14336xi32, #tpu.memory_space<hbm>>
      %dma_start3A_111 = tpu.memref_squeeze %dma_start3A_110 : memref<1x14336xi32, #tpu.memory_space<hbm>> -> memref<14336xi32, #tpu.memory_space<hbm>>
      tpu.enqueue_dma source(%dma_start3A_111 : memref<14336xi32, #tpu.memory_space<hbm>>) target(%arg13 : memref<14336xi32, #tpu.memory_space<vmem>>) target_semaphore(%run_scoped3A : memref<!tpu.dma_semaphore, #tpu.memory_space<semaphore_mem>>)
      %dma_wait3A = arith.constant 0 : i32
      %dma_wait3A_112 = tpu.memref_slice %arg6[%add3A, %dma_wait3A] : memref<32x14336xi32, #tpu.memory_space<hbm>> -> memref<1x14336xi32, #tpu.memory_space<hbm>>
      %dma_wait3A_113 = tpu.memref_squeeze %dma_wait3A_112 : memref<1x14336xi32, #tpu.memory_space<hbm>> -> memref<14336xi32, #tpu.memory_space<hbm>>
      %dma_wait3A_114 = arith.constant 0 : i32
      %dma_wait3A_115 = tpu.memref_slice %arg6[%add3A, %dma_wait3A_114] : memref<32x14336xi32, #tpu.memory_space<hbm>> -> memref<1x14336xi32, #tpu.memory_space<hbm>>
      %dma_wait3A_116 = tpu.memref_squeeze %dma_wait3A_115 : memref<1x14336xi32, #tpu.memory_space<hbm>> -> memref<14336xi32, #tpu.memory_space<hbm>>
      tpu.wait_dma2 semaphore(%run_scoped3A : memref<!tpu.dma_semaphore, #tpu.memory_space<semaphore_mem>>) src(%dma_wait3A_116 : memref<14336xi32, #tpu.memory_space<hbm>>) dst(%arg13 : memref<14336xi32, #tpu.memory_space<vmem>>)
      tpu.yield
    }) : () -> ()
    %parallel_loop3A_89 = arith.constant 0 : i32
    %parallel_loop3A_90 = arith.constant 896 : i32
    %parallel_loop3A_91 = arith.constant 1 : i32
    scf.for %parallel_loop3A_107 = %parallel_loop3A_89 to %parallel_loop3A_90 step %parallel_loop3A_91  : i32 {
      %parallel_loop3A_108 = arith.constant 5 : i32
      %parallel_loop3A_109 = arith.shrsi %parallel_loop3A_107, %parallel_loop3A_108 : i32
      %parallel_loop3A_110 = arith.constant 512 : i32
      %parallel_loop3A_111 = arith.addi %parallel_loop3A_109, %parallel_loop3A_110 : i32
      %parallel_loop3A_112 = vector.broadcast %parallel_loop3A_111 : i32 to vector<16xi32>
      %parallel_loop3A_113 = arith.addi %broadcast_in_dim3A_1, %parallel_loop3A_112 : vector<16xi32>
      %parallel_loop3A_114 = tpu.vector_load_idx %arg15[%parallel_loop3A_113] : memref<1024xi32, #tpu.memory_space<vmem>>[vector<16xi32>], vector<16xi32>,
      %parallel_loop3A_115 = arith.constant 16 : i32
      %parallel_loop3A_116 = arith.muli %parallel_loop3A_107, %parallel_loop3A_115 : i32
      %parallel_loop3A_117 = arith.index_cast %parallel_loop3A_116 : i32 to index
      %parallel_loop3A_118 = tpu.vector_load %arg13[%parallel_loop3A_117] {strides = array<i32>} : memref<14336xi32, #tpu.memory_space<vmem>>, vector<16xi32>,
      %parallel_loop3A_119 = arith.addi %parallel_loop3A_118, %parallel_loop3A_114 : vector<16xi32>
      %parallel_loop3A_120 = arith.constant 16 : i32
      %parallel_loop3A_121 = arith.muli %parallel_loop3A_107, %parallel_loop3A_120 : i32
      %parallel_loop3A_122 = arith.index_cast %parallel_loop3A_121 : i32 to index
      %parallel_loop3A_123 = tpu.vector_load %arg13[%parallel_loop3A_122] {strides = array<i32>} : memref<14336xi32, #tpu.memory_space<vmem>>, vector<16xi32>,
      tpu.vector_store %arg13[%parallel_loop3A_122], %parallel_loop3A_119 {strides = array<i32>} : memref<14336xi32, #tpu.memory_space<vmem>>, vector<16xi32>,
      %parallel_loop3A_124 = arith.constant 16 : i32
      %parallel_loop3A_125 = arith.muli %parallel_loop3A_107, %parallel_loop3A_124 : i32
      %parallel_loop3A_126 = arith.index_cast %parallel_loop3A_125 : i32 to index
      %parallel_loop3A_127 = tpu.vector_load %arg14[%parallel_loop3A_126] {strides = array<i32>} : memref<14336xi32, #tpu.memory_space<vmem>>, vector<16xi32>,
      tpu.vector_store %arg14[%parallel_loop3A_126], %parallel_loop3A_119 {strides = array<i32>} : memref<14336xi32, #tpu.memory_space<vmem>>, vector<16xi32>,
    } {sc.loop_unroll_factor = 8 : i64, sc.parallel_access}
    %parallel_loop3A_92 = arith.constant 0 : i32
    %parallel_loop3A_93 = arith.constant 1024 : i32
    %parallel_loop3A_94 = arith.constant 1 : i32
    scf.for %parallel_loop3A_107 = %parallel_loop3A_92 to %parallel_loop3A_93 step %parallel_loop3A_94  : i32 {
      %parallel_loop3A_108 = arith.constant 16 : i32
      %parallel_loop3A_109 = arith.muli %parallel_loop3A_107, %parallel_loop3A_108 : i32
      %parallel_loop3A_110 = arith.index_cast %parallel_loop3A_109 : i32 to index
      %parallel_loop3A_111 = tpu.vector_load %arg9[%parallel_loop3A_110] {strides = array<i32>} : memref<32768xf32, #tpu.memory_space<vmem>>, vector<16xf32>,
      %parallel_loop3A_112 = arith.constant 16 : i32
      %parallel_loop3A_113 = arith.muli %parallel_loop3A_107, %parallel_loop3A_112 : i32
      %parallel_loop3A_114 = arith.index_cast %parallel_loop3A_113 : i32 to index
      %parallel_loop3A_115 = tpu.vector_load %arg10[%parallel_loop3A_114] {strides = array<i32>} : memref<32768xf32, #tpu.memory_space<vmem>>, vector<16xf32>,
      %parallel_loop3A_116 = vector.bitcast %parallel_loop3A_111 : vector<16xf32> to vector<16xi32>
      %parallel_loop3A_117 = arith.constant -2147483648 : i32
      %parallel_loop3A_118 = vector.broadcast %parallel_loop3A_117 : i32 to vector<16xi32>
      %parallel_loop3A_119 = arith.cmpi uge, %parallel_loop3A_116, %parallel_loop3A_118 : vector<16xi32>
      %parallel_loop3A_120 = arith.constant dense<-1> : vector<16xi32>
      %parallel_loop3A_121 = arith.xori %parallel_loop3A_116, %parallel_loop3A_120 : vector<16xi32>
      %parallel_loop3A_122 = arith.constant -2147483648 : i32
      %parallel_loop3A_123 = vector.broadcast %parallel_loop3A_122 : i32 to vector<16xi32>
      %parallel_loop3A_124 = arith.ori %parallel_loop3A_116, %parallel_loop3A_123 : vector<16xi32>
      %parallel_loop3A_125 = arith.select %parallel_loop3A_119, %parallel_loop3A_121, %parallel_loop3A_124 : vector<16xi1>, vector<16xi32>
      %parallel_loop3A_126 = arith.constant 8 : i32
      %parallel_loop3A_127 = vector.broadcast %parallel_loop3A_126 : i32 to vector<16xi32>
      %parallel_loop3A_128 = arith.shrui %parallel_loop3A_125, %parallel_loop3A_127 : vector<16xi32>
      %parallel_loop3A_129 = arith.sitofp %parallel_loop3A_128 : vector<16xi32> to vector<16xf32>
      %parallel_loop3A_130 = arith.constant 8.54432582E-4 : f32
      %parallel_loop3A_131 = vector.broadcast %parallel_loop3A_130 : f32 to vector<16xf32>
      %parallel_loop3A_132 = arith.mulf %parallel_loop3A_129, %parallel_loop3A_131 : vector<16xf32>
      %parallel_loop3A_133 = arith.fptosi %parallel_loop3A_132 : vector<16xf32> to vector<16xi32>
      %parallel_loop3A_134 = vector.bitcast %parallel_loop3A_115 : vector<16xf32> to vector<16xi32>
      %parallel_loop3A_135 = arith.constant -2147483648 : i32
      %parallel_loop3A_136 = vector.broadcast %parallel_loop3A_135 : i32 to vector<16xi32>
      %parallel_loop3A_137 = arith.cmpi uge, %parallel_loop3A_134, %parallel_loop3A_136 : vector<16xi32>
      %parallel_loop3A_138 = arith.constant dense<-1> : vector<16xi32>
      %parallel_loop3A_139 = arith.xori %parallel_loop3A_134, %parallel_loop3A_138 : vector<16xi32>
      %parallel_loop3A_140 = arith.constant -2147483648 : i32
      %parallel_loop3A_141 = vector.broadcast %parallel_loop3A_140 : i32 to vector<16xi32>
      %parallel_loop3A_142 = arith.ori %parallel_loop3A_134, %parallel_loop3A_141 : vector<16xi32>
      %parallel_loop3A_143 = arith.select %parallel_loop3A_137, %parallel_loop3A_139, %parallel_loop3A_142 : vector<16xi1>, vector<16xi32>
      %parallel_loop3A_144 = arith.constant 8 : i32
      %parallel_loop3A_145 = vector.broadcast %parallel_loop3A_144 : i32 to vector<16xi32>
      %parallel_loop3A_146 = arith.shrui %parallel_loop3A_143, %parallel_loop3A_145 : vector<16xi32>
      %parallel_loop3A_147 = arith.sitofp %parallel_loop3A_146 : vector<16xi32> to vector<16xf32>
      %parallel_loop3A_148 = arith.constant 8.54432582E-4 : f32
      %parallel_loop3A_149 = vector.broadcast %parallel_loop3A_148 : f32 to vector<16xf32>
      %parallel_loop3A_150 = arith.mulf %parallel_loop3A_147, %parallel_loop3A_149 : vector<16xf32>
      %parallel_loop3A_151 = arith.fptosi %parallel_loop3A_150 : vector<16xf32> to vector<16xi32>
      %parallel_loop3A_152 = arith.constant true
      %parallel_loop3A_153 = vector.broadcast %parallel_loop3A_152 : i1 to vector<16xi1>
      %parallel_loop3A_154, %parallel_loop3A_155 = tpu.scan_count mask(%parallel_loop3A_153 : vector<16xi1>) value(%parallel_loop3A_133 : vector<16xi32>) : vector<16xi1>, vector<16xi32>
      %parallel_loop3A_156 = arith.constant true
      %parallel_loop3A_157 = vector.broadcast %parallel_loop3A_156 : i1 to vector<16xi1>
      %parallel_loop3A_158, %parallel_loop3A_159 = tpu.scan_count mask(%parallel_loop3A_157 : vector<16xi1>) value(%parallel_loop3A_151 : vector<16xi32>) : vector<16xi1>, vector<16xi32>
      %parallel_loop3A_160 = vector.broadcast %sub3A_31 : i32 to vector<16xi32>
      %parallel_loop3A_161 = arith.addi %parallel_loop3A_155, %parallel_loop3A_160 : vector<16xi32>
      tpu.vector_store_idx %arg12[%parallel_loop3A_133], %parallel_loop3A_161 masked %parallel_loop3A_154 {add = true} : memref<14336xi32, #tpu.memory_space<vmem>>[vector<16xi32>], vector<16xi32>, vector<16xi1>
      %parallel_loop3A_162 = vector.broadcast %sub3A_31 : i32 to vector<16xi32>
      %parallel_loop3A_163 = arith.addi %parallel_loop3A_159, %parallel_loop3A_162 : vector<16xi32>
      tpu.vector_store_idx %arg14[%parallel_loop3A_151], %parallel_loop3A_163 masked %parallel_loop3A_158 {add = true} : memref<14336xi32, #tpu.memory_space<vmem>>[vector<16xi32>], vector<16xi32>, vector<16xi1>
    } {sc.loop_unroll_factor = 4 : i64, sc.parallel_access}
    %broadcast_in_dim3A_95 = arith.constant 0.000000e+00 : f32
    %broadcast_in_dim3A_96 = vector.broadcast %broadcast_in_dim3A_95 : f32 to vector<16xf32>
    %broadcast_in_dim3A_97 = arith.constant 0.000000e+00 : f32
    %broadcast_in_dim3A_98 = vector.broadcast %broadcast_in_dim3A_97 : f32 to vector<16xf32>
    %scan3A = arith.constant 0 : i32
    %scan3A_99 = arith.constant 1024 : i32
    %scan3A_100 = arith.addi %scan3A, %scan3A_99 : i32
    %scan3A_101 = arith.constant 1 : i32
    %scan3A_102:2 = scf.for %scan3A_107 = %scan3A to %scan3A_100 step %scan3A_101 iter_args(%scan3A_108 = %broadcast_in_dim3A_96, %scan3A_109 = %broadcast_in_dim3A_98) -> (vector<16xf32>, vector<16xf32>)  : i32 {
      %mul3A_110 = arith.constant 16 : i32
      %mul3A_111 = arith.muli %scan3A_107, %mul3A_110 : i32
      %get3A = arith.index_cast %mul3A_111 : i32 to index
      %get3A_112 = tpu.vector_load %arg9[%get3A] {strides = array<i32>} : memref<32768xf32, #tpu.memory_space<vmem>>, vector<16xf32>,
      %mul3A_113 = arith.constant 16 : i32
      %mul3A_114 = arith.muli %scan3A_107, %mul3A_113 : i32
      %get3A_115 = arith.index_cast %mul3A_114 : i32 to index
      %get3A_116 = tpu.vector_load %arg10[%get3A_115] {strides = array<i32>} : memref<32768xf32, #tpu.memory_space<vmem>>, vector<16xf32>,
      %add3A_117 = arith.constant 1024 : i32
      %add3A_118 = arith.addi %add3A_117, %scan3A_107 : i32
      %mul3A_119 = arith.constant 16 : i32
      %mul3A_120 = arith.muli %add3A_118, %mul3A_119 : i32
      %get3A_121 = arith.index_cast %mul3A_120 : i32 to index
      %get3A_122 = tpu.vector_load %arg9[%get3A_121] {strides = array<i32>} : memref<32768xf32, #tpu.memory_space<vmem>>, vector<16xf32>,
      %add3A_123 = arith.constant 1024 : i32
      %add3A_124 = arith.addi %add3A_123, %scan3A_107 : i32
      %mul3A_125 = arith.constant 16 : i32
      %mul3A_126 = arith.muli %add3A_124, %mul3A_125 : i32
      %get3A_127 = arith.index_cast %mul3A_126 : i32 to index
      %get3A_128 = tpu.vector_load %arg10[%get3A_127] {strides = array<i32>} : memref<32768xf32, #tpu.memory_space<vmem>>, vector<16xf32>,
      %bitcast3A = vector.bitcast %get3A_112 : vector<16xf32> to vector<16xi32>
      %ge3A = arith.constant -2147483648 : i32
      %ge3A_129 = vector.broadcast %ge3A : i32 to vector<16xi32>
      %ge3A_130 = arith.cmpi uge, %bitcast3A, %ge3A_129 : vector<16xi32>
      %not3A = arith.constant dense<-1> : vector<16xi32>
      %not3A_131 = arith.xori %bitcast3A, %not3A : vector<16xi32>
      %or3A = arith.constant -2147483648 : i32
      %or3A_132 = vector.broadcast %or3A : i32 to vector<16xi32>
      %or3A_133 = arith.ori %bitcast3A, %or3A_132 : vector<16xi32>
      %select_n3A_134 = arith.select %ge3A_130, %not3A_131, %or3A_133 : vector<16xi1>, vector<16xi32>
      %shift_right_logical3A = arith.constant 8 : i32
      %shift_right_logical3A_135 = vector.broadcast %shift_right_logical3A : i32 to vector<16xi32>
      %shift_right_logical3A_136 = arith.shrui %select_n3A_134, %shift_right_logical3A_135 : vector<16xi32>
      %convert_element_type3A = arith.sitofp %shift_right_logical3A_136 : vector<16xi32> to vector<16xf32>
      %mul3A_137 = arith.constant 8.54432582E-4 : f32
      %mul3A_138 = vector.broadcast %mul3A_137 : f32 to vector<16xf32>
      %mul3A_139 = arith.mulf %convert_element_type3A, %mul3A_138 : vector<16xf32>
      %convert_element_type3A_140 = arith.fptosi %mul3A_139 : vector<16xf32> to vector<16xi32>
      %bitcast3A_141 = vector.bitcast %get3A_116 : vector<16xf32> to vector<16xi32>
      %ge3A_142 = arith.constant -2147483648 : i32
      %ge3A_143 = vector.broadcast %ge3A_142 : i32 to vector<16xi32>
      %ge3A_144 = arith.cmpi uge, %bitcast3A_141, %ge3A_143 : vector<16xi32>
      %not3A_145 = arith.constant dense<-1> : vector<16xi32>
      %not3A_146 = arith.xori %bitcast3A_141, %not3A_145 : vector<16xi32>
      %or3A_147 = arith.constant -2147483648 : i32
      %or3A_148 = vector.broadcast %or3A_147 : i32 to vector<16xi32>
      %or3A_149 = arith.ori %bitcast3A_141, %or3A_148 : vector<16xi32>
      %select_n3A_150 = arith.select %ge3A_144, %not3A_146, %or3A_149 : vector<16xi1>, vector<16xi32>
      %shift_right_logical3A_151 = arith.constant 8 : i32
      %shift_right_logical3A_152 = vector.broadcast %shift_right_logical3A_151 : i32 to vector<16xi32>
      %shift_right_logical3A_153 = arith.shrui %select_n3A_150, %shift_right_logical3A_152 : vector<16xi32>
      %convert_element_type3A_154 = arith.sitofp %shift_right_logical3A_153 : vector<16xi32> to vector<16xf32>
      %mul3A_155 = arith.constant 8.54432582E-4 : f32
      %mul3A_156 = vector.broadcast %mul3A_155 : f32 to vector<16xf32>
      %mul3A_157 = arith.mulf %convert_element_type3A_154, %mul3A_156 : vector<16xf32>
      %convert_element_type3A_158 = arith.fptosi %mul3A_157 : vector<16xf32> to vector<16xi32>
      %bitcast3A_159 = vector.bitcast %get3A_122 : vector<16xf32> to vector<16xi32>
      %ge3A_160 = arith.constant -2147483648 : i32
      %ge3A_161 = vector.broadcast %ge3A_160 : i32 to vector<16xi32>
      %ge3A_162 = arith.cmpi uge, %bitcast3A_159, %ge3A_161 : vector<16xi32>
      %not3A_163 = arith.constant dense<-1> : vector<16xi32>
      %not3A_164 = arith.xori %bitcast3A_159, %not3A_163 : vector<16xi32>
      %or3A_165 = arith.constant -2147483648 : i32
      %or3A_166 = vector.broadcast %or3A_165 : i32 to vector<16xi32>
      %or3A_167 = arith.ori %bitcast3A_159, %or3A_166 : vector<16xi32>
      %select_n3A_168 = arith.select %ge3A_162, %not3A_164, %or3A_167 : vector<16xi1>, vector<16xi32>
      %shift_right_logical3A_169 = arith.constant 8 : i32
      %shift_right_logical3A_170 = vector.broadcast %shift_right_logical3A_169 : i32 to vector<16xi32>
      %shift_right_logical3A_171 = arith.shrui %select_n3A_168, %shift_right_logical3A_170 : vector<16xi32>
      %convert_element_type3A_172 = arith.sitofp %shift_right_logical3A_171 : vector<16xi32> to vector<16xf32>
      %mul3A_173 = arith.constant 8.54432582E-4 : f32
      %mul3A_174 = vector.broadcast %mul3A_173 : f32 to vector<16xf32>
      %mul3A_175 = arith.mulf %convert_element_type3A_172, %mul3A_174 : vector<16xf32>
      %convert_element_type3A_176 = arith.fptosi %mul3A_175 : vector<16xf32> to vector<16xi32>
      %bitcast3A_177 = vector.bitcast %get3A_128 : vector<16xf32> to vector<16xi32>
      %ge3A_178 = arith.constant -2147483648 : i32
      %ge3A_179 = vector.broadcast %ge3A_178 : i32 to vector<16xi32>
      %ge3A_180 = arith.cmpi uge, %bitcast3A_177, %ge3A_179 : vector<16xi32>
      %not3A_181 = arith.constant dense<-1> : vector<16xi32>
      %not3A_182 = arith.xori %bitcast3A_177, %not3A_181 : vector<16xi32>
      %or3A_183 = arith.constant -2147483648 : i32
      %or3A_184 = vector.broadcast %or3A_183 : i32 to vector<16xi32>
      %or3A_185 = arith.ori %bitcast3A_177, %or3A_184 : vector<16xi32>
      %select_n3A_186 = arith.select %ge3A_180, %not3A_182, %or3A_185 : vector<16xi1>, vector<16xi32>
      %shift_right_logical3A_187 = arith.constant 8 : i32
      %shift_right_logical3A_188 = vector.broadcast %shift_right_logical3A_187 : i32 to vector<16xi32>
      %shift_right_logical3A_189 = arith.shrui %select_n3A_186, %shift_right_logical3A_188 : vector<16xi32>
      %convert_element_type3A_190 = arith.sitofp %shift_right_logical3A_189 : vector<16xi32> to vector<16xf32>
      %mul3A_191 = arith.constant 8.54432582E-4 : f32
      %mul3A_192 = vector.broadcast %mul3A_191 : f32 to vector<16xf32>
      %mul3A_193 = arith.mulf %convert_element_type3A_190, %mul3A_192 : vector<16xf32>
      %convert_element_type3A_194 = arith.fptosi %mul3A_193 : vector<16xf32> to vector<16xi32>
      %broadcast_in_dim3A_195 = arith.constant true
      %broadcast_in_dim3A_196 = vector.broadcast %broadcast_in_dim3A_195 : i1 to vector<16xi1>
      %unique3A_197, %unique3A_198 = tpu.scan_count mask(%broadcast_in_dim3A_196 : vector<16xi1>) value(%convert_element_type3A_140 : vector<16xi32>) : vector<16xi1>, vector<16xi32>
      %broadcast_in_dim3A_199 = arith.constant true
      %broadcast_in_dim3A_200 = vector.broadcast %broadcast_in_dim3A_199 : i1 to vector<16xi1>
      %unique3A_201, %unique3A_202 = tpu.scan_count mask(%broadcast_in_dim3A_200 : vector<16xi1>) value(%convert_element_type3A_158 : vector<16xi32>) : vector<16xi1>, vector<16xi32>
      %broadcast_in_dim3A_203 = arith.constant true
      %broadcast_in_dim3A_204 = vector.broadcast %broadcast_in_dim3A_203 : i1 to vector<16xi1>
      %unique3A_205, %unique3A_206 = tpu.scan_count mask(%broadcast_in_dim3A_204 : vector<16xi1>) value(%convert_element_type3A_176 : vector<16xi32>) : vector<16xi1>, vector<16xi32>
      %broadcast_in_dim3A_207 = arith.constant true
      %broadcast_in_dim3A_208 = vector.broadcast %broadcast_in_dim3A_207 : i1 to vector<16xi1>
      %unique3A_209, %unique3A_210 = tpu.scan_count mask(%broadcast_in_dim3A_208 : vector<16xi1>) value(%convert_element_type3A_194 : vector<16xi32>) : vector<16xi1>, vector<16xi32>
      %gather3A_211 = tpu.vector_load_idx %arg11[%convert_element_type3A_140] : memref<14336xi32, #tpu.memory_space<vmem>>[vector<16xi32>], vector<16xi32>,
      %gather3A_212 = tpu.vector_load_idx %arg13[%convert_element_type3A_158] : memref<14336xi32, #tpu.memory_space<vmem>>[vector<16xi32>], vector<16xi32>,
      %gather3A_213 = tpu.vector_load_idx %arg12[%convert_element_type3A_176] : memref<14336xi32, #tpu.memory_space<vmem>>[vector<16xi32>], vector<16xi32>,
      %gather3A_214 = tpu.vector_load_idx %arg14[%convert_element_type3A_194] : memref<14336xi32, #tpu.memory_space<vmem>>[vector<16xi32>], vector<16xi32>,
      %add3A_215 = vector.broadcast %sub3A_31 : i32 to vector<16xi32>
      %add3A_216 = arith.addi %unique3A_198, %add3A_215 : vector<16xi32>
      tpu.vector_store_idx %arg11[%convert_element_type3A_140], %add3A_216 masked %unique3A_197 {add = true} : memref<14336xi32, #tpu.memory_space<vmem>>[vector<16xi32>], vector<16xi32>, vector<16xi1>
      %add3A_217 = vector.broadcast %sub3A_31 : i32 to vector<16xi32>
      %add3A_218 = arith.addi %unique3A_202, %add3A_217 : vector<16xi32>
      tpu.vector_store_idx %arg13[%convert_element_type3A_158], %add3A_218 masked %unique3A_201 {add = true} : memref<14336xi32, #tpu.memory_space<vmem>>[vector<16xi32>], vector<16xi32>, vector<16xi1>
      %add3A_219 = vector.broadcast %sub3A_31 : i32 to vector<16xi32>
      %add3A_220 = arith.addi %unique3A_206, %add3A_219 : vector<16xi32>
      tpu.vector_store_idx %arg12[%convert_element_type3A_176], %add3A_220 masked %unique3A_205 {add = true} : memref<14336xi32, #tpu.memory_space<vmem>>[vector<16xi32>], vector<16xi32>, vector<16xi1>
      %add3A_221 = vector.broadcast %sub3A_31 : i32 to vector<16xi32>
      %add3A_222 = arith.addi %unique3A_210, %add3A_221 : vector<16xi32>
      tpu.vector_store_idx %arg14[%convert_element_type3A_194], %add3A_222 masked %unique3A_209 {add = true} : memref<14336xi32, #tpu.memory_space<vmem>>[vector<16xi32>], vector<16xi32>, vector<16xi1>
      %add3A_223 = arith.addi %gather3A_211, %unique3A_198 : vector<16xi32>
      %sub3A_224 = vector.broadcast %select_n3A : i32 to vector<16xi32>
      %sub3A_225 = arith.subi %add3A_223, %sub3A_224 : vector<16xi32>
      %convert_element_type3A_226 = arith.sitofp %sub3A_225 : vector<16xi32> to vector<16xf32>
      %mul3A_227 = arith.constant 9.53674316E-7 : f32
      %mul3A_228 = vector.broadcast %mul3A_227 : f32 to vector<16xf32>
      %mul3A_229 = arith.mulf %convert_element_type3A_226, %mul3A_228 : vector<16xf32>
      %sub3A_230 = arith.constant 0.499999523 : f32
      %sub3A_231 = vector.broadcast %sub3A_230 : f32 to vector<16xf32>
      %sub3A_232 = arith.subf %mul3A_229, %sub3A_231 : vector<16xf32>
      %add3A_233 = arith.addi %gather3A_212, %unique3A_202 : vector<16xi32>
      %sub3A_234 = vector.broadcast %select_n3A : i32 to vector<16xi32>
      %sub3A_235 = arith.subi %add3A_233, %sub3A_234 : vector<16xi32>
      %convert_element_type3A_236 = arith.sitofp %sub3A_235 : vector<16xi32> to vector<16xf32>
      %mul3A_237 = arith.constant 9.53674316E-7 : f32
      %mul3A_238 = vector.broadcast %mul3A_237 : f32 to vector<16xf32>
      %mul3A_239 = arith.mulf %convert_element_type3A_236, %mul3A_238 : vector<16xf32>
      %sub3A_240 = arith.constant 0.499999523 : f32
      %sub3A_241 = vector.broadcast %sub3A_240 : f32 to vector<16xf32>
      %sub3A_242 = arith.subf %mul3A_239, %sub3A_241 : vector<16xf32>
      %add3A_243 = arith.addi %gather3A_213, %unique3A_206 : vector<16xi32>
      %sub3A_244 = vector.broadcast %select_n3A : i32 to vector<16xi32>
      %sub3A_245 = arith.subi %add3A_243, %sub3A_244 : vector<16xi32>
      %convert_element_type3A_246 = arith.sitofp %sub3A_245 : vector<16xi32> to vector<16xf32>
      %mul3A_247 = arith.constant 9.53674316E-7 : f32
      %mul3A_248 = vector.broadcast %mul3A_247 : f32 to vector<16xf32>
      %mul3A_249 = arith.mulf %convert_element_type3A_246, %mul3A_248 : vector<16xf32>
      %sub3A_250 = arith.constant 0.499999523 : f32
      %sub3A_251 = vector.broadcast %sub3A_250 : f32 to vector<16xf32>
      %sub3A_252 = arith.subf %mul3A_249, %sub3A_251 : vector<16xf32>
      %add3A_253 = arith.addi %gather3A_214, %unique3A_210 : vector<16xi32>
      %sub3A_254 = vector.broadcast %select_n3A : i32 to vector<16xi32>
      %sub3A_255 = arith.subi %add3A_253, %sub3A_254 : vector<16xi32>
      %convert_element_type3A_256 = arith.sitofp %sub3A_255 : vector<16xi32> to vector<16xf32>
      %mul3A_257 = arith.constant 9.53674316E-7 : f32
      %mul3A_258 = vector.broadcast %mul3A_257 : f32 to vector<16xf32>
      %mul3A_259 = arith.mulf %convert_element_type3A_256, %mul3A_258 : vector<16xf32>
      %sub3A_260 = arith.constant 0.499999523 : f32
      %sub3A_261 = vector.broadcast %sub3A_260 : f32 to vector<16xf32>
      %sub3A_262 = arith.subf %mul3A_259, %sub3A_261 : vector<16xf32>
      %mul3A_263 = arith.mulf %sub3A_232, %sub3A_242 : vector<16xf32>
      %add3A_264 = arith.addf %scan3A_108, %mul3A_263 : vector<16xf32>
      %mul3A_265 = arith.mulf %sub3A_252, %sub3A_262 : vector<16xf32>
      %add3A_266 = arith.addf %scan3A_109, %mul3A_265 : vector<16xf32>
      scf.yield %add3A_264, %add3A_266 : vector<16xf32>, vector<16xf32>
    }
    %scan3A_103 = arith.constant 1024 : i32
    %add3A_104 = arith.addf %scan3A_102#0, %scan3A_102#1 : vector<16xf32>
    %swap3A_105 = arith.constant 0 : index
    %swap3A_106 = tpu.vector_load %arg16[%swap3A_105] {strides = array<i32>} : memref<16xf32, #tpu.memory_space<vmem>>, vector<16xf32>,
    tpu.vector_store %arg16[%swap3A_105], %add3A_104 {strides = array<i32>} : memref<16xf32, #tpu.memory_space<vmem>>, vector<16xf32>,
    "tpu.region"() ({
      %run_scoped3A = tpu.sem_alloc : memref<!tpu.dma_semaphore, #tpu.memory_space<semaphore_mem>>
      %dma_start3A = arith.constant 0 : i32
      %dma_start3A_107 = tpu.memref_slice %arg8[%add3A, %dma_start3A] : memref<32x16xf32, #tpu.memory_space<hbm>> -> memref<1x16xf32, #tpu.memory_space<hbm>>
      %dma_start3A_108 = tpu.memref_squeeze %dma_start3A_107 : memref<1x16xf32, #tpu.memory_space<hbm>> -> memref<16xf32, #tpu.memory_space<hbm>>
      %dma_start3A_109 = arith.constant 0 : i32
      %dma_start3A_110 = tpu.memref_slice %arg8[%add3A, %dma_start3A_109] : memref<32x16xf32, #tpu.memory_space<hbm>> -> memref<1x16xf32, #tpu.memory_space<hbm>>
      %dma_start3A_111 = tpu.memref_squeeze %dma_start3A_110 : memref<1x16xf32, #tpu.memory_space<hbm>> -> memref<16xf32, #tpu.memory_space<hbm>>
      tpu.enqueue_dma source(%arg16 : memref<16xf32, #tpu.memory_space<vmem>>) target(%dma_start3A_111 : memref<16xf32, #tpu.memory_space<hbm>>) target_semaphore(%run_scoped3A : memref<!tpu.dma_semaphore, #tpu.memory_space<semaphore_mem>>)
      %dma_wait3A = arith.constant 0 : i32
      %dma_wait3A_112 = tpu.memref_slice %arg8[%add3A, %dma_wait3A] : memref<32x16xf32, #tpu.memory_space<hbm>> -> memref<1x16xf32, #tpu.memory_space<hbm>>
      %dma_wait3A_113 = tpu.memref_squeeze %dma_wait3A_112 : memref<1x16xf32, #tpu.memory_space<hbm>> -> memref<16xf32, #tpu.memory_space<hbm>>
      %dma_wait3A_114 = arith.constant 0 : i32
      %dma_wait3A_115 = tpu.memref_slice %arg8[%add3A, %dma_wait3A_114] : memref<32x16xf32, #tpu.memory_space<hbm>> -> memref<1x16xf32, #tpu.memory_space<hbm>>
      %dma_wait3A_116 = tpu.memref_squeeze %dma_wait3A_115 : memref<1x16xf32, #tpu.memory_space<hbm>> -> memref<16xf32, #tpu.memory_space<hbm>>
      tpu.wait_dma2 semaphore(%run_scoped3A : memref<!tpu.dma_semaphore, #tpu.memory_space<semaphore_mem>>) src(%arg16 : memref<16xf32, #tpu.memory_space<vmem>>) dst(%dma_wait3A_116 : memref<16xf32, #tpu.memory_space<hbm>>)
      tpu.yield
    }) : () -> ()
    return
  }
}

module attributes {stable_mosaic.version = 14 : i64} {
  func.func @_k4_body(%arg0: memref<32x16xf32, #tpu.memory_space<vmem>>, %arg1: memref<32x16xf32, #tpu.memory_space<vmem>>, %arg2: memref<1x1xf32, #tpu.memory_space<vmem>>) attributes {dimension_semantics = [], scalar_prefetch = 0 : i64, scratch_operands = 0 : i64, tpu.core_type = #tpu.core_type<tc>} {
    %get3A = arith.constant 0 : index
    %get3A_0 = arith.constant 0 : index
    %get3A_1 = vector.load %arg0[%get3A, %get3A_0] : memref<32x16xf32, #tpu.memory_space<vmem>>, vector<32x16xf32>
    %reduce_sum3A = vector.shape_cast %get3A_1 : vector<32x16xf32> to vector<1x32x16xf32>
    %reduce_sum3A_2 = arith.constant dense<0.000000e+00> : vector<1xf32>
    %reduce_sum3A_3 = vector.multi_reduction <add>, %reduce_sum3A, %reduce_sum3A_2 [1, 2] : vector<1x32x16xf32> to vector<1xf32>
    %reduce_sum3A_4 = vector.shape_cast %reduce_sum3A_3 : vector<1xf32> to vector<1x1x1xf32>
    %reduce_sum3A_5 = vector.extract %reduce_sum3A_4[0, 0, 0] : f32 from vector<1x1x1xf32>
    %get3A_6 = arith.constant 0 : index
    %get3A_7 = arith.constant 0 : index
    %get3A_8 = vector.load %arg1[%get3A_6, %get3A_7] : memref<32x16xf32, #tpu.memory_space<vmem>>, vector<32x16xf32>
    %reduce_sum3A_9 = vector.shape_cast %get3A_8 : vector<32x16xf32> to vector<1x32x16xf32>
    %reduce_sum3A_10 = arith.constant dense<0.000000e+00> : vector<1xf32>
    %reduce_sum3A_11 = vector.multi_reduction <add>, %reduce_sum3A_9, %reduce_sum3A_10 [1, 2] : vector<1x32x16xf32> to vector<1xf32>
    %reduce_sum3A_12 = vector.shape_cast %reduce_sum3A_11 : vector<1xf32> to vector<1x1x1xf32>
    %reduce_sum3A_13 = vector.extract %reduce_sum3A_12[0, 0, 0] : f32 from vector<1x1x1xf32>
    %mul3A = arith.constant 9.53674316E-7 : f32
    %mul3A_14 = arith.mulf %reduce_sum3A_13, %mul3A : f32
    %mul3A_15 = arith.constant 1.14440918E-5 : f32
    %mul3A_16 = arith.mulf %reduce_sum3A_5, %mul3A_15 : f32
    %mul3A_17 = arith.constant 5.000000e-01 : f32
    %mul3A_18 = arith.mulf %mul3A_17, %mul3A_14 : f32
    %sub3A = arith.constant 1.000000e+00 : f32
    %sub3A_19 = arith.subf %sub3A, %mul3A_16 : f32
    %mul3A_20 = arith.constant 5.000000e-01 : f32
    %mul3A_21 = arith.mulf %mul3A_20, %sub3A_19 : f32
    %add3A = arith.addf %mul3A_18, %mul3A_21 : f32
    %broadcast_in_dim3A = vector.broadcast %add3A : f32 to vector<1x1xf32>
    %swap3A = arith.constant 0 : index
    %swap3A_22 = arith.constant 0 : index
    %swap3A_23 = vector.load %arg2[%swap3A, %swap3A_22] : memref<1x1xf32, #tpu.memory_space<vmem>>, vector<1x1xf32>
    tpu.vector_store %arg2[%swap3A, %swap3A_22], %broadcast_in_dim3A {strides = array<i32>} : memref<1x1xf32, #tpu.memory_space<vmem>>, vector<1x1xf32>,
    return
  }
}

</mosaic_0001>

<sc_bundles>
// kernel: kernel.12.cloned.1.call-start
scs
__scs_entry_jumppad:
0x0: {  	(pc) =	sbr.rel $0x88, $3  }
0x1: {  	(tag) =	ssettag $0x0;
	lr =	simm.s32 $0x1  }
0x2: {  	[smem:$0x3F9F] =	sst lr;
	_ =	strace $0xD0000000  }
0x3: {  	_ = 	snop  }
0x4: {  	_ = 	snop  }
0x5: {  	_ = 	snop  }
0x6: {  	_ = 	snop  }
0x7: {  	_ = 	snop  }
__scs_overlays_trampoline_lowered:
0x8: {  	[smem:$0x3FAE] =	sst s0  }
0x9: {  	[smem:$0x3FAF] =	sst s1  }
0xa: {  	[smem:$0x3FB0] =	sst s2  }
0xb: {  	[smem:$0x3FB1] =	sst s3  }
0xc: {  	[smem:$0x3FB2] =	sst s4  }
0xd: {  	[smem:$0x3FB3] =	sst s5  }
0xe: {  	[smem:$0x3FB4] =	sst s6  }
0xf: {  	[smem:$0x3FB5] =	sst s7  }
0x10: {  	[smem:$0x3FB6] =	sst s8  }
0x11: {  	[smem:$0x3FB7] =	sst s9;
	s0 =	simm.s32 @!p0 $0x0  }
0x12: {  	s1 =	sld [smem:$0x3F9D];
	s0 =	simm.s32 @p0 $0x1  }
0x13: {  	[smem:$0x3FB8] =	sst s0;
	s0 =	simm.s32 @!p1 $0x0  }
0x14: {  	s2 =	sld [smem:$0x3F9C];
	s0 =	simm.s32 @p1 $0x1  }
0x15: {  	[smem:$0x3FB9] =	sst s0;
	s0 =	simm.s32 @!p2 $0x0  }
0x16: {  	s3 =	sld [smem:$0x3FDB];
	s0 =	simm.s32 @p2 $0x1  }
0x17: {  	s4 =	simm.s32 $0x1BF5;
	[smem:$0x3FBB] =	sst s0  }
0x18: {  	s0 =	sld [smem:$0x3F9E];
	_ =	swait.ge [sflag:s4], $0x0  }
0x19: {  	s7 =	sld [smem:$0x3F9F]  }
0x1a: {  	s8 =	sadd.s32 $0xFFFFE003, lr  }
0x1b: {  	s9 =	sadd.s32 $0xFFFFFEF7, lr;
	s5 =	simm.s32 $0xFFFFFFFF;
	p2 =	slt.u32 s8, $0xFFFFF086  }
0x1c: {  	p1 =	slt.u32 s9, $0xF7A;
	s5 =	simm.s32 @!p2 $0x0  }
0x1d: {  	s5 =	simm.s32 @p1 $0x1;
	p0 =	seq.s32 s7, s2  }
0x1e: {  	s7 =	smul.u32 @!p0 $0xF7A, s2;
	p2 =	seq.s32 @!p0 s5, $0x0  }
0x1f: {  	s9 =	smul.u32 $0xF7A, s1;
	s8 =	simm.s32 @!p0 $0x1BF5;
	p2 =	por !p2, p0  }
0x20: {  	[sflag:s8] =	ssyncset.s32 @!p0 $0xFFFFF086;
	s6 =	sadd.s32 @!p0 s3, s7;
	s7 =	simm.s32 @!p0 $0x108  }
0x21: {  	s3 =	sadd.s32 s3, s9;
	s6 =	sadd.s32 @!p0 $0x88, s6;
	s7 =	simm.s32 @p2 $0x1082  }
0x22: {  	[simem:s7], [sflag:s8] =	dma.local @!p0 [hbm:s6], $0xF7A  }
0x23: {  	s9 =	sor.u32 $0xD0000000, s2;
	s6 =	simm.s32 $0x108;
	_ =	swait.ge @!p0 [sflag:s8], $0x0  }
0x24: {  	s3 =	sadd.s32 $0x88, s3;
	s6 =	simm.s32 @!p1 $0x1082;
	[sflag:s4] =	ssyncset.s32 $0xFFFFF086  }
0x25: {  	[simem:s6], [sflag:s4] =	dma.local [hbm:s3], $0xF7A  }
0x26: {  	[smem:$0x3F9F] =	sst s1;
	(tag) =	ssettag s2;
	_ =	strace s9  }
0x27: {  	s1 =	sld [smem:$0x3FAF]  }
0x28: {  	s2 =	sld [smem:$0x3FB0]  }
0x29: {  	s4 =	sld [smem:$0x3FB2]  }
0x2a: {  	p0 =	seq.s32 s5, $0x0;
	s5 =	sld [smem:$0x3FB3]  }
0x2b: {  	s6 =	sld [smem:$0x3FB4]  }
0x2c: {  	s7 =	sld [smem:$0x3FB5]  }
0x2d: {  	s3 =	simm.s32 $0x108;
	s8 =	sld [smem:$0x3FB6]  }
0x2e: {  	s3 =	simm.s32 @!p0 $0x1082;
	s9 =	sld [smem:$0x3FB7]  }
0x2f: {  	lr =	sadd.s32 s0, s3;
	s0 =	sld [smem:$0x3FAE]  }
0x30: {  	s3 =	sld [smem:$0x3FB1]  }
0x31: {  	[smem:$0x3FBA] =	sst s10  }
0x32: {  	s10 =	sld [smem:$0x3FB8];
	_ =	sdelay $0x3  }
0x33: {  	p0 =	seq.s32 s10, $0x1;
	s10 =	sld [smem:$0x3FBA];
	_ =	sdelay $0x3  }
0x34: {  	[smem:$0x3FBA] =	sst s10  }
0x35: {  	s10 =	sld [smem:$0x3FB9];
	_ =	sdelay $0x3  }
0x36: {  	p1 =	seq.s32 s10, $0x1;
	s10 =	sld [smem:$0x3FBA];
	_ =	sdelay $0x3  }
0x37: {  	[smem:$0x3FBA] =	sst s10  }
0x38: {  	s10 =	sld [smem:$0x3FBB]  }
0x39: {  	_ = 	snop;
	(pc) =	sbr.ind lr, $3  }
0x3a: {  	_ = 	snop  }
0x3b: {  	_ = 	snop  }
0x3c: {  	p2 =	seq.s32 s10, $0x1;
	s10 =	sld [smem:$0x3FBA]  }
0x3d: {  	_ =	shalt  }
0x3e: {  	_ =	shalt  }
0x3f: {  	_ =	shalt  }
0x40: {  	_ =	shalt  }
0x41: {  	_ =	shalt  }
0x42: {  	_ =	shalt  }
0x43: {  	_ =	shalt  }
0x44: {  	_ =	shalt  }
0x45: {  	_ =	shalt  }
0x46: {  	_ =	shalt  }
0x47: {  	_ =	shalt  }
0x48: {  	_ =	shalt  }
0x49: {  	_ =	shalt  }
0x4a: {  	_ =	shalt  }
0x4b: {  	_ =	shalt  }
0x4c: {  	_ =	shalt  }
0x4d: {  	_ =	shalt  }
0x4e: {  	_ =	shalt  }
0x4f: {  	_ =	shalt  }
0x50: {  	_ =	shalt  }
0x51: {  	_ =	shalt  }
0x52: {  	_ =	shalt  }
0x53: {  	_ =	shalt  }
0x54: {  	_ =	shalt  }
0x55: {  	_ =	shalt  }
0x56: {  	_ =	shalt  }
0x57: {  	_ =	shalt  }
0x58: {  	_ =	shalt  }
0x59: {  	_ =	shalt  }
0x5a: {  	_ =	shalt  }
0x5b: {  	_ =	shalt  }
0x5c: {  	_ =	shalt  }
0x5d: {  	_ =	shalt  }
0x5e: {  	_ =	shalt  }
0x5f: {  	_ =	shalt  }
0x60: {  	_ =	shalt  }
0x61: {  	_ =	shalt  }
0x62: {  	_ =	shalt  }
0x63: {  	_ =	shalt  }
0x64: {  	_ =	shalt  }
0x65: {  	_ =	shalt  }
0x66: {  	_ =	shalt  }
0x67: {  	_ =	shalt  }
0x68: {  	_ =	shalt  }
0x69: {  	_ =	shalt  }
0x6a: {  	_ =	shalt  }
0x6b: {  	_ =	shalt  }
0x6c: {  	_ =	shalt  }
0x6d: {  	_ =	shalt  }
0x6e: {  	_ =	shalt  }
0x6f: {  	_ =	shalt  }
0x70: {  	_ =	shalt  }
0x71: {  	_ =	shalt  }
0x72: {  	_ =	shalt  }
0x73: {  	_ =	shalt  }
0x74: {  	_ =	shalt  }
0x75: {  	_ =	shalt  }
0x76: {  	_ =	shalt  }
0x77: {  	_ =	shalt  }
0x78: {  	_ =	shalt  }
0x79: {  	_ =	shalt  }
0x7a: {  	_ =	shalt  }
0x7b: {  	_ =	shalt  }
0x7c: {  	_ =	shalt  }
0x7d: {  	_ =	shalt  }
0x7e: {  	_ =	shalt  }
0x7f: {  	_ =	shalt  }
0x80: {  	_ =	shalt  }
0x81: {  	_ =	shalt  }
0x82: {  	_ =	shalt  }
0x83: {  	_ =	shalt  }
0x84: {  	_ =	shalt  }
0x85: {  	_ =	shalt  }
0x86: {  	_ =	shalt  }
0x87: {  	_ =	shalt  }
.Lfunc_end0:
.L_simem_size_0:
called_computation.2_lowered:
.L_overlay_start_0:
0x88: {  	s2 =	sld [smem:$0x3FD9]  }
0x89: {  	s3 =	sld [smem:$0x3FFE];
	_ =	sdelay $0x1  }
0x8a: {  	s1 =	srdreg.scid  }
0x8b: {  	s0 =	sand.u32 $0x1, s1  }
0x8c: {  	s17 =	sshll.u32 s0, $0xA;
	s2 =	sadd.s32 s3, s2  }
0x8d: {  	s2 =	sadd.s32 s2, s17  }
0x8e: {  	[smem:$0x3FC6] =	sst s2  }
0x8f: {  	_ = 	snop  }
0x90: {  	s2 =	sld [smem:$0x3FC9]  }
0x91: {  	s18 =	sld [smem:$0x3FC8];
	(tm) =	ssettm $0x1  }
0x92: {  	s4 =	sld [smem:$0x3FFB];
	_ =	sdelay $0x3  }
0x93: {  	_ =	strace s4  }
0x94: {  	s4 =	sld [smem:$0x3FFC];
	_ =	sdelay $0x3  }
0x95: {  	_ =	strace s4  }
0x96: {  	s4 =	sld [smem:$0x3FFD];
	_ =	sdelay $0x3  }
0x97: {  	_ =	strace s4  }
0x98: {  	_ =	strace $0x8FFFFFFF  }
0x99: {  	s19 =	sld [smem:$0x3FDB];
	_ =	sdelay $0x1  }
0x9a: {  	s5 =	simm.s32 $_scs_section_size  }
0x9b: {  	s6 =	simm.s32 $_size__tile_overlayer_lowered;
	s7 =	simm.s32 $_tile_overlayer_lowered  }
0x9c: {  	s22 =	simm.s32 $0x1BFF;
	s21 =	sshll.u32 s7, $0x1;
	s4 =	sadd.s32 s5, s19  }
0x9d: {  	s8 =	simm.s32 $0x0;
	s20 =	sshll.u32 s6, $0x1;
	s6 =	sadd.s32 s21, s4  }
0x9e: {  	[timem:s8], [sflag:s22] =	dma.local [hbm:s6], s20  }
0x9f: {  	_ =	swait.ge [sflag:s22], s20  }
0xa0: {  	s5 =	ssub.s32 $0x0, s20;
	[sflag:s22] =	ssyncset.done $0x0  }
0xa1: {  	[sflag:s22] =	ssyncadd.s32 s5;
	_ =	sdelay $0x1  }
0xa2: {  	s23 =	simm.s32 $0x1B8B  }
0xa3: {  	_ =	swait.ge [sflag:s23], $0x1  }
0xa4: {  	[sflag:s23] =	ssyncset.done $0x0  }
0xa5: {  	s25 =	simm.s32 $0x1B8E;
	s24 =	sld [smem:$0x3FFE];
	[sflag:s23] =	ssyncadd.s32 $0xFFFFFFFF  }
0xa6: {  	s26 =	simm.s32 $execute0_lowered;
	[smem:$0x3FD2] =	sst s25  }
0xa7: {  	s6 =	sshll.u32 s26, $0x1;
	_ =	strace $0x8000004C;
	[dreg:$0x1] =	wrdreg $0xFFFFFFFF  }
0xa8: {  	s28 =	simm.s32 $_size_execute0_lowered;
	s4 =	sadd.s32 s4, s6;
	[dreg:$0x0] =	wrdreg $0x0  }
0xa9: {  	s6 =	sshll.u32 s28, $0x1;
	[dreg:$0x2] =	wrdreg s4  }
0xaa: {  	[dreg:$0x3] =	wrdreg s6  }
0xab: {  	[dreg:$0x4] =	wrdreg $0xC0  }
0xac: {  	_ =	task [dreg:s8], $0x5FFFF  }
0xad: {  	[dreg:$0x1] =	wrdreg $0xFFFFFFFF  }
0xae: {  	[dreg:$0x0] =	wrdreg $0x60  }
0xaf: {  	[dreg:$0x2] =	wrdreg s2  }
0xb0: {  	[dreg:$0x3] =	wrdreg s18  }
0xb1: {  	[dreg:$0x4] =	wrdreg s24  }
0xb2: {  	[dreg:$0x5] =	wrdreg $0x9  }
0xb3: {  	_ =	task.clear_ibuf [dreg:s8], $0x6FFFF;
	_ =	strace $0x9000004C  }
0xb4: {  	s29 =	simm.s32 $0x9;
	_ =	strace $0x8000004E  }
0xb5: {  	_ =	swait.ge [sflag:s29], $0x1  }
0xb6: {  	[sflag:s29] =	ssyncadd.s32 $0xFFFFFFFF  }
0xb7: {  	_ =	strace $0x9000004E  }
0xb8: {  	_ =	sfence  }
0xb9: {  	s30 =	sld [smem:$0x0];
	_ =	sdelay $0x2  }
0xba: {  	s31 =	sshll.u32 s1, $0xD;
	s1 =	sshrl.u32 s1, $0x2  }
0xbb: {  	s3 =	sand.u32 $0x4000, s31;
	s1 =	sadd.s32 s1, s30  }
0xbc: {  	s0 =	sor.u32 s3, s0;
	s1 =	sshll.u32 s1, $0x11  }
0xbd: {  	s0 =	sor.u32 s1, s0  }
0xbe: {  	s0 =	sadd.s32 $0x8F2B, s0  }
0xbf: {  	[sflag:s0] =	ssyncadd.remote.s32 $0x1  }
0xc0: {  	_ =	sfence.sel $0xFFFF  }
0xc1: {  	[dreg:$0x0] =	wrdreg $0xFFFFFFFF;
	(pc) =	sbr.abs _section_cstart, $3  }
0xc2: {  	[dreg:$0x1] =	wrdreg $0xFFFFFFFF  }
0xc3: {  	_ =	task.clear_ibuf [dreg:s8], $0x2FFFF;
	_ =	strace $0x9FFFFFFF  }
0xc4: {  	(tm) =	ssettm $0x7FFFFFFF  }
0xc5: {  	_ =	shalt  }
tec
execute0_lowered:
.L_overlay_start_1:
0x0: {  	(tag) =	ssettag $0x1  }
0x1: {  	s5 =	rddreg [dreg:$0x0]  }
0x2: {  	s6 =	rddreg [dreg:$0x1]  }
0x3: {  	s7 =	rddreg [dreg:$0x2];
	s1 =	simm.s32 $0x0  }
0x4: {  	[smem:$0x7FF] =	sst s1  }
0x5: {  	s0 =	rddreg [dreg:$0x3];
	v0 =	vimm.s32 $0x0;
	_ =	strace $0x8000004D  }
0x6: {  	(xrf1) =	vunique.msk.u32 $0xffff, v0;
	_ =	sdelay $0xd  }
0x7: {  	_, v0, _ =	vpop (xrf1)  }
0x8: {  	(xrf0) =	vadd.scan.msk.s32 $0xffff, v0;
	_ =	sdelay $0x5  }
0x9: {  	v0, _, _ =	vpop (xrf0)  }
0xa: {  	(v2sf) =	vpush v0, $0xF;
	_ =	sdelay $0x8  }
0xb: {  	s3 =	srdreg.scid;
	s2 =	stileid.u32;
	s15 =	simm.s32 $0x400  }
0xc: {  	s16 =	simm.s32 $0x1E000;
	s17 =	simm.s32 $0x17000;
	s18 =	simm.s32 $0x13800  }
0xd: {  	s20 =	simm.s32 $0x1E400;
	s8 =	sand.u32 $0x1, s3;
	s26 =	sshll.u32 s2, $0x1  }
0xe: {  	s21 =	simm.s32 $0x0;
	s10 =	sshrl.u32 s2, $0x2;
	s9 =	sor.u32 s8, s26  }
0xf: {  	s4 =	smul.u32 $0x1C000, s10;
	s10 =	sshll.u32 s10, $0xA;
	s8 =	ssub.s32 $0x2, s8  }
0x10: {  	s3 =	sshll.u32 s9, $0x7;
	s13 =	sshrl.u32 s8, $0x1;
	s31 =	sshll.u32 s9, $0xC  }
0x11: {  	s9 =	simm.s32 $0x1;
	s11 =	sand.u32 $0x380, s3;
	s28 =	spop (v2sf)  }
0x12: {  	s4 =	sor.u32 s4, s11;
	s10 =	sor.u32 s10, s11;
	s11 =	sadd.s32 $0xFFFFFF88, s28  }
0x13: {  	s3 =	sadd.s32 $0x2BA00, s7;
	s13 =	ssub.s32 s8, s13;
	s29 =	sand.u32 $0xF, s11  }
0x14: {  	s30 =	sshra.s32 s11, $0x1F;
	p0 =	slt.s32 s11, $0x1;
	p1 =	sne.s32 s29, $0x0  }
0x15: {  	s5 =	sadd.s32 s5, s31;
	s8 =	sshrl.u32 s30, $0x1C;
	p0 =	por !p0, !p1  }
0x16: {  	s6 =	sadd.s32 s6, s31;
	s8 =	sadd.s32 s8, s11;
	p0 =	por !p0, !p0  }
0x17: {  	s4 =	sshrl.u32 s4, $0x3;
	s8 =	sshra.s32 s8, $0x4;
	s9 =	simm.s32 @!p0 $0x0  }
0x18: {  	s10 =	sshrl.u32 s10, $0x3;
	s12 =	sadd.s32 s4, s7;
	s14 =	ssub.s32 s8, s9  }
0x19: {  	s4 =	sadd.s32 $0x39C00, s7;
	s10 =	sadd.s32 s10, s7;
	s7 =	simm.s32 $0x1;
	v0 =	vlaneseq.u32;
	v1 =	vmov s14  }
0x1a: {  	s10 =	sadd.s32 $0x1800, s10;
	v0 =	vmul.u32 $0x80, v0;
	s11 =	smax.u32 s13, $0x1;
	s13 =	simm.s32 $0x10000;
	v2 =	vsub.s32 $0x0, v1  }
0x1b: {  	s8 =	sadd.s32 $0x1DA00, s12;
	s9 =	sadd.s32 $0x2BC00, s12;
	s19 =	ssub.s32 $0x1, s14;
	v2 =	vbroadcast v2, $0x0  }
0x1c: {  	v3 =	vor.u32 $0x800, v0;
	s12 =	simm.s32 $0x8000;
	s14 =	simm.s32 $0x80;
	v1 =	vmov s19;
	s19 =	simm.s32 $0x1A800  }
.LBB2_1:
0x1d: {  	[tilespmem:s1], [sflag:$0x1] =	stream.linear.gather [hbm4b:s5+s1], $0x8000, $0x38;
	[tilespmem:$0x1E480] =	vst v63  }
0x1e: {  	_ =	swait.ge [sflag:s7], $0x8000  }
0x1f: {  	[sflag:s7] =	ssyncset.done $0x0  }
0x20: {  	[sflag:s7] =	ssyncadd.s32 $0xFFFF8000  }
0x21: {  	[tilespmem:s12], [sflag:$0x1] =	stream.linear.gather [hbm4b:s6+s1], $0x8000, $0x38;
	[tilespmem:$0x1E480] =	vst v63  }
0x22: {  	_ =	swait.ge [sflag:s7], $0x8000  }
0x23: {  	[sflag:s7] =	ssyncset.done $0x0  }
0x24: {  	[sflag:s7] =	ssyncadd.s32 $0xFFFF8000  }
0x25: {  	[tilespmem:s13], [sflag:$0x1] =	stream.linear.gather [hbm4b:s3+s1], $0x1000, $0x38;
	[tilespmem:$0x1E480] =	vst v63  }
0x26: {  	_ =	swait.ge [sflag:s7], $0x1000  }
0x27: {  	[sflag:s7] =	ssyncset.done $0x0  }
0x28: {  	[sflag:s7] =	ssyncadd.s32 $0xFFFFF000  }
0x29: {  	v4 =	vld.idx.msk [tilespmem:v0+s13+$0x0], $0xffff  }
0x2a: {  	v5 =	vld.idx.msk [tilespmem:v3+s13+$0x0], $0xffff;
	_ =	sdelay $0x3  }
0x2b: {  	(xrf0) =	vadd.scan.msk.s32 $0xffff, v4  }
0x2c: {  	(xrf0) =	vadd.scan.msk.s32 $0xffff, v5;
	_ =	sdelay $0x4  }
0x2d: {  	v6, _, _ =	vpop (xrf0)  }
0x2e: {  	v7, _, _ =	vpop (xrf0);
	v8 =	vbroadcast v6, $0xF  }
0x2f: {  	s22 =	simm.s32 $0x0;
	v4 =	vsub.s32 v6, v4;
	v5 =	vsub.s32 v7, v5  }
0x30: {  	s22 =	sor.u32 $0x200, s22;
	[tilespmem:$0x1E200] =	vst v4;
	v5 =	vadd.s32 v8, v5  }
0x31: {  	v4 =	vmov s22;
	[tilespmem:$0x1E210] =	vst v5  }
0x32: {  	[tilespmem:s13], [sflag:$0x1] =	stream.strided.gather [hbm4b:s8+s14], $0x3800, s15, s14, $0x38;
	[tilespmem:$0x1E480] =	vst v63  }
0x33: {  	_ =	swait.ge [sflag:s7], $0x3800  }
0x34: {  	[sflag:s7] =	ssyncset.done $0x0  }
0x35: {  	[sflag:s7] =	ssyncadd.s32 $0xFFFFC800  }
0x36: {  	s23 =	simm.s32 $0x10040;
	v4 =	vld.idx.msk [tilespmem:v4+s16+$0x0], $0xffff  }
0x37: {  	v7 =	vld [tilespmem:s23+$0x30]  }
0x38: {  	v10 =	vld [tilespmem:s23+$0xFFFFFFC0]  }
0x39: {  	v9 =	vld [tilespmem:s23+$0xFFFFFFD0]  }
0x3a: {  	v8 =	vld [tilespmem:s23+$0xFFFFFFE0]  }
0x3b: {  	v6 =	vld [tilespmem:s23+$0xFFFFFFF0]  }
0x3c: {  	v5 =	vld [tilespmem:s23+$0x0];
	v11 =	vadd.s32 v4, v7  }
0x3d: {  	s25 =	simm.s32 $0x0;
	s24 =	simm.s32 $0x10040;
	s22 =	simm.s32 $0x13840;
	v10 =	vadd.s32 v4, v10;
	v7 =	vld [tilespmem:s23+$0x10];
	[tilespmem:s23+$0x30] =	vst v11  }
.LBB2_2:
0x3e: {  	s25 =	sadd.s32 $0x8, s25;
	v9 =	vadd.s32 v4, v9;
	v12 =	vld [tilespmem:s23+$0x20];
	[tilespmem:s22+$0x30] =	vst v11  }
0x3f: {  	s26 =	sshrl.u32 s25, $0x5;
	p0 =	slt.u32 s25, $0x378;
	[tilespmem:s23+$0xFFFFFFC0] =	vst v10;
	v8 =	vadd.s32 v4, v8  }
0x40: {  	s26 =	sor.u32 $0x200, s26;
	[tilespmem:s22+$0xFFFFFFC0] =	vst v10;
	v6 =	vadd.s32 v4, v6  }
0x41: {  	v10 =	vmov s26;
	[tilespmem:s23+$0xFFFFFFD0] =	vst v9;
	v5 =	vadd.s32 v4, v5  }
0x42: {  	[tilespmem:s22+$0xFFFFFFD0] =	vst v9;
	v7 =	vadd.s32 v4, v7  }
0x43: {  	[tilespmem:s23+$0xFFFFFFE0] =	vst v8;
	v12 =	vadd.s32 v4, v12  }
0x44: {  	[tilespmem:s22+$0xFFFFFFE0] =	vst v8  }
0x45: {  	[tilespmem:s23+$0xFFFFFFF0] =	vst v6  }
0x46: {  	s23 =	sadd.s32 $0x80, s23;
	v4 =	vld.idx.msk [tilespmem:v10+s16+$0x0], $0xffff;
	[tilespmem:s22+$0xFFFFFFF0] =	vst v6  }
0x47: {  	v10 =	vld [tilespmem:s23+$0x30];
	[tilespmem:s24+$0x0] =	vst v5  }
0x48: {  	v13 =	vld [tilespmem:s23+$0xFFFFFFC0];
	[tilespmem:s22+$0x0] =	vst v5  }
.Ltmp0:
0x49: {  	v9 =	vld [tilespmem:s23+$0xFFFFFFD0];
	[tilespmem:s24+$0x10] =	vst v7;
	(pc) =	sbr.rel @p0 .LBB2_2-.Ltmp0, $4  }
0x4a: {  	v8 =	vld [tilespmem:s23+$0xFFFFFFE0];
	[tilespmem:s22+$0x10] =	vst v7  }
0x4b: {  	v6 =	vld [tilespmem:s23+$0xFFFFFFF0];
	[tilespmem:s24+$0x20] =	vst v12;
	s24 =	smov.u32 s23  }
0x4c: {  	v5 =	vld [tilespmem:s23+$0x0];
	v11 =	vadd.s32 v4, v10;
	[tilespmem:s22+$0x20] =	vst v12  }
0x4d: {  	s22 =	sadd.s32 $0x80, s22;
	v10 =	vadd.s32 v4, v13;
	v7 =	vld [tilespmem:s23+$0x10];
	[tilespmem:s23+$0x30] =	vst v11  }
0x4e: {  	[tilespmem:s22+$0x30] =	vst v11  }
0x4f: {  	[tilespmem:s23+$0xFFFFFFC0] =	vst v10  }
0x50: {  	v9 =	vadd.s32 v4, v9;
	[tilespmem:s22+$0xFFFFFFC0] =	vst v10  }
0x51: {  	[tilespmem:s23+$0xFFFFFFD0] =	vst v9  }
0x52: {  	v8 =	vadd.s32 v4, v8;
	[tilespmem:s22+$0xFFFFFFD0] =	vst v9  }
0x53: {  	[tilespmem:s23+$0xFFFFFFE0] =	vst v8  }
0x54: {  	v6 =	vadd.s32 v4, v6;
	[tilespmem:s22+$0xFFFFFFE0] =	vst v8  }
0x55: {  	v8 =	vld [tilespmem:s23+$0x20];
	[tilespmem:s23+$0xFFFFFFF0] =	vst v6  }
0x56: {  	v5 =	vadd.s32 v4, v5;
	[tilespmem:s22+$0xFFFFFFF0] =	vst v6  }
0x57: {  	[tilespmem:s24+$0x0] =	vst v5  }
0x58: {  	v6 =	vadd.s32 v4, v7;
	[tilespmem:s22+$0x0] =	vst v5  }
0x59: {  	[tilespmem:s24+$0x10] =	vst v6  }
0x5a: {  	[tilespmem:s22+$0x10] =	vst v6;
	v4 =	vadd.s32 v4, v8  }
0x5b: {  	[tilespmem:s24+$0x20] =	vst v4  }
0x5c: {  	[tilespmem:s22+$0x20] =	vst v4  }
0x5d: {  	[tilespmem:s17], [sflag:$0x1] =	stream.linear.gather [hbm4b:s4+s1], $0x1000, $0x38;
	[tilespmem:$0x1E480] =	vst v63  }
0x5e: {  	_ =	swait.ge [sflag:s7], $0x1000  }
0x5f: {  	[sflag:s7] =	ssyncset.done $0x0  }
0x60: {  	[sflag:s7] =	ssyncadd.s32 $0xFFFFF000  }
0x61: {  	v4 =	vld.idx.msk [tilespmem:v0+s17+$0x0], $0xffff  }
0x62: {  	v5 =	vld.idx.msk [tilespmem:v3+s17+$0x0], $0xffff;
	_ =	sdelay $0x3  }
0x63: {  	(xrf0) =	vadd.scan.msk.s32 $0xffff, v4  }
0x64: {  	(xrf0) =	vadd.scan.msk.s32 $0xffff, v5;
	_ =	sdelay $0x4  }
0x65: {  	v6, _, _ =	vpop (xrf0)  }
0x66: {  	v7, _, _ =	vpop (xrf0);
	v8 =	vbroadcast v6, $0xF  }
0x67: {  	s31 =	simm.s32 $0x0;
	v4 =	vsub.s32 v6, v4;
	v5 =	vsub.s32 v7, v5  }
0x68: {  	s22 =	sor.u32 $0x200, s31;
	[tilespmem:$0x1E200] =	vst v4;
	v5 =	vadd.s32 v8, v5  }
0x69: {  	v4 =	vmov s22;
	[tilespmem:$0x1E210] =	vst v5  }
0x6a: {  	[tilespmem:s17], [sflag:$0x1] =	stream.strided.gather [hbm4b:s9+s14], $0x3800, s15, s14, $0x38;
	[tilespmem:$0x1E480] =	vst v63  }
0x6b: {  	_ =	swait.ge [sflag:s7], $0x3800  }
0x6c: {  	[sflag:s7] =	ssyncset.done $0x0  }
0x6d: {  	[sflag:s7] =	ssyncadd.s32 $0xFFFFC800  }
0x6e: {  	s24 =	simm.s32 $0x17040;
	v4 =	vld.idx.msk [tilespmem:v4+s16+$0x0], $0xffff  }
0x6f: {  	v7 =	vld [tilespmem:s24+$0x30]  }
0x70: {  	v10 =	vld [tilespmem:s24+$0xFFFFFFC0]  }
0x71: {  	v9 =	vld [tilespmem:s24+$0xFFFFFFD0]  }
0x72: {  	v8 =	vld [tilespmem:s24+$0xFFFFFFE0]  }
0x73: {  	v6 =	vld [tilespmem:s24+$0xFFFFFFF0]  }
0x74: {  	s28 =	simm.s32 $0x0;
	v5 =	vld [tilespmem:s24+$0x0];
	v11 =	vadd.s32 v4, v7  }
0x75: {  	s26 =	simm.s32 $0x17040;
	s23 =	simm.s32 $0x1A840;
	s22 =	simm.s32 $0x20;
	v10 =	vadd.s32 v4, v10;
	v7 =	vld [tilespmem:s24+$0x10];
	[tilespmem:s24+$0x30] =	vst v11  }
.LBB2_4:
0x76: {  	s28 =	sadd.s32 $0x8, s28;
	v9 =	vadd.s32 v4, v9;
	v12 =	vld [tilespmem:s24+$0x20];
	[tilespmem:s23+$0x30] =	vst v11;
	s25 =	simm.s32 $0x8020  }
0x77: {  	s29 =	sshrl.u32 s28, $0x5;
	p0 =	slt.u32 s28, $0x378;
	[tilespmem:s24+$0xFFFFFFC0] =	vst v10;
	v8 =	vadd.s32 v4, v8  }
0x78: {  	s29 =	sor.u32 $0x200, s29;
	[tilespmem:s23+$0xFFFFFFC0] =	vst v10;
	v6 =	vadd.s32 v4, v6  }
0x79: {  	v10 =	vmov s29;
	[tilespmem:s24+$0xFFFFFFD0] =	vst v9;
	v5 =	vadd.s32 v4, v5  }
0x7a: {  	[tilespmem:s23+$0xFFFFFFD0] =	vst v9;
	v7 =	vadd.s32 v4, v7  }
0x7b: {  	[tilespmem:s24+$0xFFFFFFE0] =	vst v8;
	v12 =	vadd.s32 v4, v12  }
0x7c: {  	[tilespmem:s23+$0xFFFFFFE0] =	vst v8  }
0x7d: {  	[tilespmem:s24+$0xFFFFFFF0] =	vst v6  }
0x7e: {  	s24 =	sadd.s32 $0x80, s24;
	v4 =	vld.idx.msk [tilespmem:v10+s16+$0x0], $0xffff;
	[tilespmem:s23+$0xFFFFFFF0] =	vst v6  }
0x7f: {  	v10 =	vld [tilespmem:s24+$0x30];
	[tilespmem:s26+$0x0] =	vst v5  }
0x80: {  	v13 =	vld [tilespmem:s24+$0xFFFFFFC0];
	[tilespmem:s23+$0x0] =	vst v5  }
.Ltmp1:
0x81: {  	v9 =	vld [tilespmem:s24+$0xFFFFFFD0];
	[tilespmem:s26+$0x10] =	vst v7;
	(pc) =	sbr.rel @p0 .LBB2_4-.Ltmp1, $4  }
0x82: {  	v8 =	vld [tilespmem:s24+$0xFFFFFFE0];
	[tilespmem:s23+$0x10] =	vst v7  }
0x83: {  	v6 =	vld [tilespmem:s24+$0xFFFFFFF0];
	[tilespmem:s26+$0x20] =	vst v12;
	s26 =	smov.u32 s24  }
0x84: {  	v5 =	vld [tilespmem:s24+$0x0];
	v11 =	vadd.s32 v4, v10;
	[tilespmem:s23+$0x20] =	vst v12  }
0x85: {  	s23 =	sadd.s32 $0x80, s23;
	v10 =	vadd.s32 v4, v13;
	v7 =	vld [tilespmem:s24+$0x10];
	[tilespmem:s24+$0x30] =	vst v11  }
0x86: {  	[tilespmem:s23+$0x30] =	vst v11  }
0x87: {  	[tilespmem:s24+$0xFFFFFFC0] =	vst v10  }
0x88: {  	v9 =	vadd.s32 v4, v9;
	[tilespmem:s23+$0xFFFFFFC0] =	vst v10  }
0x89: {  	[tilespmem:s24+$0xFFFFFFD0] =	vst v9  }
0x8a: {  	v8 =	vadd.s32 v4, v8;
	[tilespmem:s23+$0xFFFFFFD0] =	vst v9  }
0x8b: {  	[tilespmem:s24+$0xFFFFFFE0] =	vst v8  }
0x8c: {  	v6 =	vadd.s32 v4, v6;
	[tilespmem:s23+$0xFFFFFFE0] =	vst v8  }
0x8d: {  	v8 =	vld [tilespmem:s24+$0x20];
	[tilespmem:s24+$0xFFFFFFF0] =	vst v6  }
0x8e: {  	v5 =	vadd.s32 v4, v5;
	[tilespmem:s23+$0xFFFFFFF0] =	vst v6  }
0x8f: {  	[tilespmem:s26+$0x0] =	vst v5  }
0x90: {  	v6 =	vadd.s32 v4, v7;
	[tilespmem:s23+$0x0] =	vst v5  }
0x91: {  	[tilespmem:s26+$0x10] =	vst v6  }
0x92: {  	[tilespmem:s23+$0x10] =	vst v6;
	v4 =	vadd.s32 v4, v8  }
0x93: {  	[tilespmem:s26+$0x20] =	vst v4  }
0x94: {  	[tilespmem:s23+$0x20] =	vst v4  }
0x95: {  	v4 =	vld [tilespmem:s22+$0xFFFFFFE0]  }
0x96: {  	v5 =	vld [tilespmem:s25+$0x0]  }
0x97: {  	v6 =	vld [tilespmem:s25+$0xFFFFFFF0]  }
0x98: {  	v7 =	vld [tilespmem:s22+$0x10]  }
0x99: {  	v9 =	vld [tilespmem:s22+$0x0]  }
0x9a: {  	v10 =	vld [tilespmem:s22+$0xFFFFFFF0];
	_ =	sdelay $0x2  }
0x9b: {  	v12 =	vld [tilespmem:s25+$0x10];
	v11 =	vor.u32 $0x80000000, v5;
	vm0 =	vlt.s32 v5, $0x0;
	v5 =	vxor.u32 $0xFFFFFFFF, v5  }
0x9c: {  	vm1 =	vlt.s32 v4, $0x0;
	vm2 =	vlt.s32 v6, $0x0;
	vm3 =	vlt.s32 v9, $0x0  }
0x9d: {  	v13 =	vxor.u32 $0xFFFFFFFF, v9;
	vm4 =	vlt.s32 v7, $0x0;
	v14 =	vor.u32 $0x80000000, v10  }
0x9e: {  	v15 =	vxor.u32 $0xFFFFFFFF, v6;
	v6 =	vor.u32 $0x80000000, v6;
	v9 =	vor.u32 $0x80000000, v9  }
0x9f: {  	v5 =	vsel vm0, v5, v11;
	v11 =	vxor.u32 $0xFFFFFFFF, v7;
	v7 =	vor.u32 $0x80000000, v7  }
0xa0: {  	v6 =	vsel vm2, v15, v6;
	vm2 =	vlt.s32 v12, $0x0;
	v5 =	vshrl.u32 v5, $0x8  }
0xa1: {  	v7 =	vsel vm4, v11, v7;
	v11 =	vor.u32 $0x80000000, v12;
	vm4 =	vlt.s32 v10, $0x0  }
0xa2: {  	v10 =	vxor.u32 $0xFFFFFFFF, v10;
	v12 =	vxor.u32 $0xFFFFFFFF, v12;
	v6 =	vshrl.u32 v6, $0x8  }
0xa3: {  	v5 =	vcvt.s32.f32 v5;
	v7 =	vshrl.u32 v7, $0x8;
	v11 =	vsel vm2, v12, v11  }
0xa4: {  	v6 =	vcvt.s32.f32 v6;
	v12 =	vxor.u32 $0xFFFFFFFF, v4;
	v4 =	vor.u32 $0x80000000, v4  }
0xa5: {  	v10 =	vsel vm4, v10, v14;
	v7 =	vcvt.s32.f32 v7;
	v4 =	vsel vm1, v12, v4  }
0xa6: {  	v8 =	vld [tilespmem:s25+$0xFFFFFFE0];
	v10 =	vshrl.u32 v10, $0x8;
	v6 =	vmul.f32 $8.544325820e-04, v6;
	v12 =	vmul.f32 $8.544325820e-04, v5  }
0xa7: {  	v4 =	vshrl.u32 v4, $0x8;
	v10 =	vcvt.s32.f32 v10;
	v7 =	vmul.f32 $8.544325820e-04, v7  }
0xa8: {  	s30 =	simm.s32 $0x8060;
	v9 =	vsel vm3, v13, v9;
	v4 =	vcvt.s32.f32 v4;
	v6 =	vtrunc.f32 v6  }
0xa9: {  	v17 =	vld [tilespmem:s30+$0xFFFFFFF0];
	v5 =	vcvt.f32.s32 v6;
	v6 =	vshrl.u32 v9, $0x8;
	v7 =	vtrunc.f32 v7  }
0xaa: {  	v16 =	vld [tilespmem:s30+$0xFFFFFFE0];
	v14 =	vcvt.s32.f32 v6;
	v6 =	vmul.f32 $8.544325820e-04, v10  }
0xab: {  	vm0 =	vlt.s32 v8, $0x0;
	v13 =	vld [tilespmem:s30+$0x0];
	v10 =	vmul.f32 $8.544325820e-04, v4;
	v4 =	vcvt.f32.s32 v7  }
0xac: {  	s31 =	simm.s32 $0x60;
	v9 =	vxor.u32 $0xFFFFFFFF, v8;
	v8 =	vor.u32 $0x80000000, v8;
	(xrf1) =	vunique.msk.u32 $0xffff, v5;
	v6 =	vtrunc.f32 v6  }
0xad: {  	v11 =	vshrl.u32 v11, $0x8;
	v8 =	vsel vm0, v9, v8;
	v9 =	vld [tilespmem:s31+$0x10];
	(xrf1) =	vunique.msk.u32 $0xffff, v4;
	v6 =	vcvt.f32.s32 v6  }
0xae: {  	v25 =	vxor.u32 $0xFFFFFFFF, v17;
	v11 =	vcvt.s32.f32 v11;
	v7 =	vshrl.u32 v8, $0x8  }
0xaf: {  	vm1 =	vlt.s32 v16, $0x0;
	v8 =	vtrunc.f32 v10;
	v7 =	vcvt.s32.f32 v7;
	(xrf1) =	vunique.msk.u32 $0xffff, v6  }
0xb0: {  	v19 =	vld [tilespmem:s31+$0xFFFFFFF0];
	vm0 =	vlt.s32 v13, $0x0;
	v10 =	vmul.f32 $8.544325820e-04, v14;
	v8 =	vcvt.f32.s32 v8  }
0xb1: {  	v14 =	vor.u32 $0x80000000, v13;
	v18 =	vmul.f32 $8.544325820e-04, v7;
	v7 =	vxor.u32 $0xFFFFFFFF, v13  }
0xb2: {  	v12 =	vtrunc.f32 v12;
	v13 =	vxor.u32 $0xFFFFFFFF, v9;
	v14 =	vsel vm0, v7, v14;
	(xrf1) =	vunique.msk.u32 $0xffff, v8  }
0xb3: {  	v7 =	vcvt.f32.s32 v12;
	vm2 =	vlt.s32 v9, $0x0;
	v12 =	vshrl.u32 v14, $0x8  }
0xb4: {  	v22 =	vor.u32 $0x80000000, v9;
	v24 =	vcvt.s32.f32 v12;
	v12 =	vtrunc.f32 v18  }
0xb5: {  	v14 =	vld [tilespmem:s30+$0x10];
	v9 =	vcvt.f32.s32 v12;
	v12 =	vsel vm2, v13, v22;
	vm2 =	vlt.s32 v19, $0x0  }
0xb6: {  	v13 =	vor.u32 $0x80000000, v19;
	v23 =	vshrl.u32 v12, $0x8;
	v12 =	vxor.u32 $0xFFFFFFFF, v19  }
0xb7: {  	vm0 =	vlt.s32 v17, $0x0;
	v19 =	vsel vm2, v12, v13;
	v13 =	vor.u32 $0x80000000, v17  }
0xb8: {  	v18 =	vxor.u32 $0xFFFFFFFF, v16;
	v16 =	vor.u32 $0x80000000, v16;
	v17 =	vsel vm0, v25, v13  }
0xb9: {  	v20 =	vld [tilespmem:s31+$0x0];
	v10 =	vtrunc.f32 v10;
	v16 =	vsel vm1, v18, v16;
	v17 =	vshrl.u32 v17, $0x8  }
0xba: {  	v15 =	vld [tilespmem:s31+$0xFFFFFFE0];
	v22 =	vor.u32 $0x80000000, v14;
	vm2 =	vlt.s32 v14, $0x0;
	v14 =	vxor.u32 $0xFFFFFFFF, v14;
	_, v12, vm1 =	vpop (xrf1);
	(xrf1) =	vunique.msk.u32 $0xffff, v9  }
0xbb: {  	v11 =	vmul.f32 $8.544325820e-04, v11;
	v10 =	vcvt.f32.s32 v10;
	v14 =	vsel vm2, v14, v22;
	_, v13, vm0 =	vpop (xrf1);
	(xrf1) =	vunique.msk.u32 $0xffff, v7  }
0xbc: {  	v14 =	vshrl.u32 v14, $0x8  }
0xbd: {  	v11 =	vtrunc.f32 v11;
	v22 =	vcvt.s32.f32 v17;
	_, v17, vm3 =	vpop (xrf1);
	(xrf1) =	vunique.msk.u32 $0xffff, v10  }
0xbe: {  	vm5 =	vlt.s32 v20, $0x0;
	v11 =	vcvt.f32.s32 v11  }
0xbf: {  	v21 =	vxor.u32 $0xFFFFFFFF, v20;
	vm4 =	vlt.s32 v15, $0x0;
	v63 =	vor.u32 $0x80000000, v15  }
0xc0: {  	v18 =	vxor.u32 $0xFFFFFFFF, v15;
	v23 =	vcvt.s32.f32 v23;
	v15 =	vcvt.s32.f32 v14;
	_, v14, vm2 =	vpop (xrf1);
	(xrf1) =	vunique.msk.u32 $0xffff, v11  }
0xc1: {  	v20 =	vor.u32 $0x80000000, v20;
	v18 =	vsel vm4, v18, v63;
	v26 =	vmul.f32 $8.544325820e-04, v22  }
0xc2: {  	v21 =	vsel vm5, v21, v20;
	v20 =	vmul.f32 $8.544325820e-04, v23;
	v22 =	vshrl.u32 v18, $0x8  }
0xc3: {  	s24 =	simm.s32 $0xA0;
	s23 =	simm.s32 $0x80A0;
	s22 =	simm.s32 $0x4;
	v18 =	vmul.f32 $8.544325820e-04, v24;
	v23 =	vtrunc.f32 v26;
	v14 =	vadd.s32 v1, v14  }
.LBB2_6:
0xc4: {  	v24 =	vld [tilespmem:s24+$0xFFFFFFE0];
	s22 =	sadd.s32 $0x4, s22;
	v19 =	vshrl.u32 v19, $0x8;
	v23 =	vcvt.f32.s32 v23;
	v21 =	vshrl.u32 v21, $0x8  }
0xc5: {  	v22 =	vcvt.s32.f32 v22;
	v17 =	vadd.s32 v1, v17;
	v25 =	vld [tilespmem:s23+$0x0];
	p0 =	slt.u32 s22, $0x3FC;
	v19 =	vcvt.s32.f32 v19  }
0xc6: {  	v16 =	vshrl.u32 v16, $0x8;
	v20 =	vtrunc.f32 v20;
	v21 =	vcvt.s32.f32 v21;
	v26 =	vld [tilespmem:s23+$0xFFFFFFF0];
	(xrf1) =	vunique.msk.u32 $0xffff, v23  }
0xc7: {  	v13 =	vadd.s32 v1, v13;
	v20 =	vcvt.f32.s32 v20;
	v19 =	vmul.f32 $8.544325820e-04, v19  }
0xc8: {  	v22 =	vmul.f32 $8.544325820e-04, v22;
	v21 =	vmul.f32 $8.544325820e-04, v21;
	v27 =	vld [tilespmem:s24+$0x10];
	_, v28, vm5 =	vpop (xrf1)  }
0xc9: {  	v12 =	vadd.s32 v1, v12;
	v16 =	vcvt.s32.f32 v16;
	v29 =	vld [tilespmem:s24+$0xFFFFFFF0];
	v19 =	vtrunc.f32 v19;
	(xrf1) =	vunique.msk.u32 $0xffff, v20;
	_, v30, vm6 =	vpop (xrf1)  }
0xca: {  	v22 =	vtrunc.f32 v22;
	v31 =	vor.u32 $0x80000000, v25;
	[tilespmem:v6+s18+$0x0] =	vst.idx.add.s32.msk vm3, v17;
	v6 =	vcvt.f32.s32 v19  }
0xcb: {  	vm3 =	vlt.s32 v25, $0x0;
	v17 =	vcvt.f32.s32 v22;
	[tilespmem:v5+s19+$0x0] =	vst.idx.add.s32.msk vm1, v12;
	v12 =	vadd.s32 v1, v30;
	_, v5, vm1 =	vpop (xrf1)  }
0xcc: {  	v16 =	vmul.f32 $8.544325820e-04, v16;
	vm4 =	vlt.s32 v24, $0x0;
	v19 =	vld [tilespmem:s23+$0xFFFFFFE0];
	(xrf1) =	vunique.msk.u32 $0xffff, v6;
	v22 =	vadd.s32 v1, v5;
	v5 =	vmovc v23  }
0xcd: {  	v18 =	vtrunc.f32 v18;
	v25 =	vxor.u32 $0xFFFFFFFF, v25;
	v23 =	vld [tilespmem:s24+$0x0];
	v30 =	vxor.u32 $0xFFFFFFFF, v27;
	(xrf1) =	vunique.msk.u32 $0xffff, v17  }
0xce: {  	v18 =	vcvt.f32.s32 v18;
	v25 =	vsel vm3, v25, v31;
	[tilespmem:v8+s18+$0x0] =	vst.idx.add.s32.msk vm2, v14;
	v14 =	vadd.s32 v1, v28;
	_, v8, vm3 =	vpop (xrf1)  }
0xcf: {  	v15 =	vmul.f32 $8.544325820e-04, v15;
	v25 =	vshrl.u32 v25, $0x8;
	v28 =	vld [tilespmem:s23+$0x10];
	v31 =	vadd.s32 v1, v8;
	v8 =	vmovc v17  }
0xd0: {  	v16 =	vtrunc.f32 v16;
	v25 =	vcvt.s32.f32 v25;
	vm2 =	vlt.s32 v26, $0x0;
	[tilespmem:v9+s19+$0x0] =	vst.idx.add.s32.msk vm5, v14  }
0xd1: {  	v15 =	vtrunc.f32 v15;
	vm7 =	vlt.s32 v19, $0x0;
	v14 =	vxor.u32 $0xFFFFFFFF, v19;
	[tilespmem:v10+s18+$0x0] =	vst.idx.add.s32.msk vm1, v22  }
0xd2: {  	v17 =	vor.u32 $0x80000000, v19;
	vm5 =	vlt.s32 v23, $0x0;
	v22 =	vxor.u32 $0xFFFFFFFF, v23;
	[tilespmem:v7+s19+$0x0] =	vst.idx.add.s32.msk vm6, v12;
	v7 =	vmovc v18  }
0xd3: {  	v9 =	vcvt.f32.s32 v16;
	vm1 =	vlt.s32 v27, $0x0;
	v10 =	vor.u32 $0x80000000, v27;
	[tilespmem:v4+s18+$0x0] =	vst.idx.add.s32.msk vm0, v13;
	v4 =	vmovc v20  }
0xd4: {  	v27 =	vtrunc.f32 v21;
	v10 =	vsel vm1, v30, v10;
	v18 =	vor.u32 $0x80000000, v28;
	_, v12, vm1 =	vpop (xrf1);
	[tilespmem:v11+s19+$0x0] =	vst.idx.add.s32.msk vm3, v31  }
0xd5: {  	vm0 =	vlt.s32 v29, $0x0;
	v20 =	vshrl.u32 v10, $0x8;
	v11 =	vor.u32 $0x80000000, v29;
	(xrf1) =	vunique.msk.u32 $0xffff, v9  }
0xd6: {  	v19 =	vxor.u32 $0xFFFFFFFF, v29;
	v21 =	vxor.u32 $0xFFFFFFFF, v26;
	v10 =	vcvt.f32.s32 v27;
	(xrf1) =	vunique.msk.u32 $0xffff, v7  }
0xd7: {  	v16 =	vsel vm7, v14, v17;
	v19 =	vsel vm0, v19, v11;
	v11 =	vor.u32 $0x80000000, v26;
	_, v13, vm0 =	vpop (xrf1)  }
0xd8: {  	v11 =	vsel vm2, v21, v11;
	vm2 =	vlt.s32 v28, $0x0;
	v28 =	vxor.u32 $0xFFFFFFFF, v28;
	(xrf1) =	vunique.msk.u32 $0xffff, v10  }
0xd9: {  	v26 =	vshrl.u32 v11, $0x8;
	v27 =	vsel vm2, v28, v18;
	v11 =	vcvt.f32.s32 v15  }
.Ltmp2:
0xda: {  	v18 =	vxor.u32 $0xFFFFFFFF, v24;
	v21 =	vcvt.s32.f32 v26;
	v26 =	vshrl.u32 v27, $0x8;
	_, v17, vm3 =	vpop (xrf1);
	(pc) =	sbr.rel @p0 .LBB2_6-.Ltmp2, $4  }
0xdb: {  	v20 =	vcvt.s32.f32 v20;
	v24 =	vor.u32 $0x80000000, v24;
	v15 =	vcvt.s32.f32 v26;
	_, v14, vm2 =	vpop (xrf1);
	(xrf1) =	vunique.msk.u32 $0xffff, v11  }
0xdc: {  	v26 =	vmul.f32 $8.544325820e-04, v21;
	v21 =	vor.u32 $0x80000000, v23;
	v14 =	vadd.s32 v1, v14  }
0xdd: {  	v20 =	vmul.f32 $8.544325820e-04, v20;
	v18 =	vsel vm4, v18, v24;
	v21 =	vsel vm5, v22, v21  }
0xde: {  	s24 =	sadd.s32 $0x40, s24;
	s23 =	sadd.s32 $0x40, s23;
	v22 =	vshrl.u32 v18, $0x8;
	v18 =	vmul.f32 $8.544325820e-04, v25;
	v23 =	vtrunc.f32 v26  }
0xdf: {  	v19 =	vshrl.u32 v19, $0x8;
	v23 =	vcvt.f32.s32 v23;
	v22 =	vcvt.s32.f32 v22  }
0xe0: {  	v21 =	vshrl.u32 v21, $0x8;
	v20 =	vtrunc.f32 v20;
	v19 =	vcvt.s32.f32 v19  }
0xe1: {  	v16 =	vshrl.u32 v16, $0x8;
	v21 =	vcvt.s32.f32 v21;
	v20 =	vcvt.f32.s32 v20  }
0xe2: {  	v16 =	vcvt.s32.f32 v16;
	v19 =	vmul.f32 $8.544325820e-04, v19  }
0xe3: {  	v22 =	vmul.f32 $8.544325820e-04, v22;
	v21 =	vmul.f32 $8.544325820e-04, v21  }
0xe4: {  	v16 =	vmul.f32 $8.544325820e-04, v16;
	v19 =	vtrunc.f32 v19  }
0xe5: {  	(xrf1) =	vunique.msk.u32 $0xffff, v23;
	v22 =	vtrunc.f32 v22;
	v19 =	vcvt.f32.s32 v19  }
0xe6: {  	(xrf1) =	vunique.msk.u32 $0xffff, v20;
	v22 =	vcvt.f32.s32 v22;
	v16 =	vtrunc.f32 v16  }
0xe7: {  	v18 =	vtrunc.f32 v18;
	v16 =	vcvt.f32.s32 v16;
	(xrf1) =	vunique.msk.u32 $0xffff, v19  }
0xe8: {  	v18 =	vcvt.f32.s32 v18;
	v21 =	vtrunc.f32 v21;
	(xrf1) =	vunique.msk.u32 $0xffff, v22  }
0xe9: {  	v15 =	vmul.f32 $8.544325820e-04, v15;
	v21 =	vcvt.f32.s32 v21;
	(xrf1) =	vunique.msk.u32 $0xffff, v16  }
0xea: {  	(xrf1) =	vunique.msk.u32 $0xffff, v18  }
0xeb: {  	v15 =	vtrunc.f32 v15;
	(xrf1) =	vunique.msk.u32 $0xffff, v21  }
0xec: {  	v15 =	vcvt.f32.s32 v15;
	_ =	sdelay $0x1  }
0xed: {  	(xrf1) =	vunique.msk.u32 $0xffff, v15  }
0xee: {  	_, v24, vm4 =	vpop (xrf1)  }
0xef: {  	_, v25, vm5 =	vpop (xrf1)  }
0xf0: {  	_, v26, vm6 =	vpop (xrf1)  }
0xf1: {  	v17 =	vadd.s32 v1, v17;
	_, v27, vm7 =	vpop (xrf1)  }
0xf2: {  	v12 =	vadd.s32 v1, v12;
	[tilespmem:v6+s18+$0x0] =	vst.idx.add.s32.msk vm3, v17;
	_, v6, vm3 =	vpop (xrf1)  }
0xf3: {  	[tilespmem:v5+s19+$0x0] =	vst.idx.add.s32.msk vm1, v12;
	_, v5, vm1 =	vpop (xrf1)  }
0xf4: {  	[tilespmem:v8+s18+$0x0] =	vst.idx.add.s32.msk vm2, v14;
	v12 =	vadd.s32 v1, v24;
	_, v8, vm2 =	vpop (xrf1)  }
0xf5: {  	v14 =	vadd.s32 v1, v26;
	[tilespmem:v9+s19+$0x0] =	vst.idx.add.s32.msk vm4, v12;
	_, v9, vm4 =	vpop (xrf1)  }
0xf6: {  	v12 =	vadd.s32 v1, v25;
	[tilespmem:v10+s18+$0x0] =	vst.idx.add.s32.msk vm6, v14;
	_, v10, vm6 =	vpop (xrf1)  }
0xf7: {  	v13 =	vadd.s32 v1, v13;
	[tilespmem:v7+s19+$0x0] =	vst.idx.add.s32.msk vm5, v12;
	v6 =	vadd.s32 v1, v6;
	_, v7, vm5 =	vpop (xrf1)  }
0xf8: {  	[tilespmem:v4+s18+$0x0] =	vst.idx.add.s32.msk vm0, v13;
	v12 =	vadd.s32 v1, v27;
	_, v4, vm0 =	vpop (xrf1)  }
0xf9: {  	[tilespmem:v11+s19+$0x0] =	vst.idx.add.s32.msk vm7, v12;
	v8 =	vadd.s32 v1, v8  }
0xfa: {  	[tilespmem:v19+s18+$0x0] =	vst.idx.add.s32.msk vm2, v8  }
0xfb: {  	v8 =	vadd.s32 v1, v9;
	[tilespmem:v23+s19+$0x0] =	vst.idx.add.s32.msk vm3, v6;
	_, v6, vm2 =	vpop (xrf1)  }
0xfc: {  	[tilespmem:v22+s18+$0x0] =	vst.idx.add.s32.msk vm4, v8;
	v8 =	vadd.s32 v1, v10  }
0xfd: {  	v4 =	vadd.s32 v1, v4;
	[tilespmem:v16+s19+$0x0] =	vst.idx.add.s32.msk vm6, v8  }
0xfe: {  	v7 =	vadd.s32 v1, v7;
	[tilespmem:v21+s18+$0x0] =	vst.idx.add.s32.msk vm0, v4  }
0xff: {  	v4 =	vadd.s32 v1, v5;
	[tilespmem:v18+s19+$0x0] =	vst.idx.add.s32.msk vm5, v7  }
0x100: {  	v5 =	vadd.s32 v1, v6;
	[tilespmem:v20+s18+$0x0] =	vst.idx.add.s32.msk vm1, v4  }
0x101: {  	s22 =	simm.s32 $0x0;
	[tilespmem:v15+s19+$0x0] =	vst.idx.add.s32.msk vm2, v5  }
0x102: {  	v4 =	vld [tilespmem:s22+$0x0];
	_ =	sdelay $0x4  }
0x103: {  	vm0 =	vlt.s32 v4, $0x0;
	v6 =	vxor.u32 $0xFFFFFFFF, v4;
	v4 =	vor.u32 $0x80000000, v4  }
0x104: {  	v5 =	vld [tilespmem:s22+$0x8000];
	v4 =	vsel vm0, v6, v4  }
0x105: {  	v4 =	vshrl.u32 v4, $0x8  }
0x106: {  	v4 =	vcvt.s32.f32 v4;
	_ =	sdelay $0x1  }
0x107: {  	v4 =	vmul.f32 $8.544325820e-04, v4  }
0x108: {  	vm1 =	vlt.s32 v5, $0x0;
	v6 =	vxor.u32 $0xFFFFFFFF, v5;
	v5 =	vor.u32 $0x80000000, v5  }
0x109: {  	v8 =	vld [tilespmem:s22+$0xC000];
	v5 =	vsel vm1, v6, v5;
	v4 =	vtrunc.f32 v4  }
0x10a: {  	v9 =	vld [tilespmem:s22+$0x4000];
	v5 =	vshrl.u32 v5, $0x8;
	v7 =	vcvt.f32.s32 v4  }
0x10b: {  	v5 =	vcvt.s32.f32 v5  }
0x10c: {  	(xrf1) =	vunique.msk.u32 $0xffff, v7  }
0x10d: {  	v5 =	vmul.f32 $8.544325820e-04, v5;
	_ =	sdelay $0x1  }
0x10e: {  	vm0 =	vlt.s32 v8, $0x0;
	vm1 =	vlt.s32 v9, $0x0;
	v4 =	vtrunc.f32 v5  }
0x10f: {  	v5 =	vor.u32 $0x80000000, v9;
	v6 =	vcvt.f32.s32 v4;
	v4 =	vxor.u32 $0xFFFFFFFF, v9  }
0x110: {  	v9 =	vxor.u32 $0xFFFFFFFF, v8;
	v8 =	vor.u32 $0x80000000, v8;
	v4 =	vsel vm1, v4, v5  }
0x111: {  	v5 =	vsel vm0, v9, v8;
	v4 =	vshrl.u32 v4, $0x8  }
0x112: {  	v5 =	vshrl.u32 v5, $0x8;
	v4 =	vcvt.s32.f32 v4  }
0x113: {  	v5 =	vcvt.s32.f32 v5  }
0x114: {  	v4 =	vmul.f32 $8.544325820e-04, v4  }
0x115: {  	v5 =	vmul.f32 $8.544325820e-04, v5  }
0x116: {  	v4 =	vtrunc.f32 v4  }
0x117: {  	v9 =	vcvt.f32.s32 v4;
	v4 =	vtrunc.f32 v5  }
0x118: {  	(xrf1) =	vunique.msk.u32 $0xffff, v6;
	v8 =	vcvt.f32.s32 v4  }
0x119: {  	_, v11, vm0 =	vpop (xrf1);
	(xrf1) =	vunique.msk.u32 $0xffff, v9  }
0x11a: {  	(xrf1) =	vunique.msk.u32 $0xffff, v8;
	_ =	sdelay $0x4  }
0x11b: {  	v5 =	vld.idx.msk [tilespmem:v7+s13+$0x0], $0xffff;
	_ =	sdelay $0x1  }
0x11c: {  	v10 =	vld.idx.msk [tilespmem:v6+s17+$0x0], $0xffff  }
0x11d: {  	v14 =	vld.idx.msk [tilespmem:v9+s18+$0x0], $0xffff  }
0x11e: {  	v13 =	vld.idx.msk [tilespmem:v8+s19+$0x0], $0xffff  }
0x11f: {  	v5 =	vadd.s32 v2, v5  }
0x120: {  	v4 =	vimm.f32 $0.0e+00;
	v5 =	vadd.s32 v11, v5  }
0x121: {  	s22 =	simm.s32 $0x40;
	v15 =	vadd.s32 v2, v10;
	_, v10, vm1 =	vpop (xrf1);
	v12 =	vcvt.s32.f32 v5;
	v5 =	vimm.f32 $0.0e+00  }
.LBB2_8:
0x122: {  	p0 =	sne.s32 s22, $0xFFC0;
	v11 =	vadd.s32 v1, v11;
	v14 =	vadd.s32 v2, v14;
	_, v16, vm2 =	vpop (xrf1);
	s23 =	smov.u32 s22;
	s22 =	sadd.s32 $0x40, s22  }
0x123: {  	v15 =	vadd.s32 v10, v15;
	v13 =	vadd.s32 v2, v13;
	v14 =	vadd.s32 v16, v14;
	_, v17, vm3 =	vpop (xrf1)  }
0x124: {  	s23 =	sshra.s32 s23, $0x2;
	v15 =	vcvt.s32.f32 v15;
	v14 =	vcvt.s32.f32 v14;
	v13 =	vadd.s32 v17, v13  }
0x125: {  	[tilespmem:v7+s13+$0x0] =	vst.idx.add.s32.msk vm0, v11;
	v7 =	vmul.f32 $9.536743160e-07, v12;
	v11 =	vcvt.s32.f32 v13  }
0x126: {  	v10 =	vadd.s32 v1, v10;
	v12 =	vmul.f32 $9.536743160e-07, v15;
	v13 =	vmul.f32 $9.536743160e-07, v14  }
0x127: {  	[tilespmem:v6+s17+$0x0] =	vst.idx.add.s32.msk vm1, v10;
	v6 =	vadd.s32 v1, v16;
	v10 =	vmul.f32 $9.536743160e-07, v11  }
0x128: {  	v7 =	vadd.f32 $-4.999995230e-01, v7;
	[tilespmem:v9+s18+$0x0] =	vst.idx.add.s32.msk vm2, v6;
	v6 =	vadd.s32 v1, v17;
	v9 =	vadd.f32 $-4.999995230e-01, v12  }
0x129: {  	[tilespmem:v8+s19+$0x0] =	vst.idx.add.s32.msk vm3, v6;
	v6 =	vadd.f32 $-4.999995230e-01, v13;
	v8 =	vadd.f32 $-4.999995230e-01, v10  }
0x12a: {  	v10 =	vld [tilespmem:s23+$0x8000];
	v7 =	vmul.f32 v9, v7  }
0x12b: {  	v9 =	vld [tilespmem:s23+$0xC000];
	v6 =	vmul.f32 v8, v6  }
0x12c: {  	v8 =	vld [tilespmem:s23+$0x0];
	v4 =	vadd.f32 v7, v4  }
0x12d: {  	v7 =	vld [tilespmem:s23+$0x4000];
	v5 =	vadd.f32 v6, v5;
	_ =	sdelay $0x1  }
0x12e: {  	vm0 =	vlt.s32 v10, $0x0;
	v6 =	vxor.u32 $0xFFFFFFFF, v10;
	v10 =	vor.u32 $0x80000000, v10  }
0x12f: {  	v6 =	vsel vm0, v6, v10;
	vm0 =	vlt.s32 v9, $0x0;
	v10 =	vxor.u32 $0xFFFFFFFF, v9  }
0x130: {  	vm1 =	vlt.s32 v8, $0x0;
	v11 =	vxor.u32 $0xFFFFFFFF, v8;
	v8 =	vor.u32 $0x80000000, v8  }
0x131: {  	v8 =	vsel vm1, v11, v8;
	vm1 =	vlt.s32 v7, $0x0;
	v11 =	vxor.u32 $0xFFFFFFFF, v7  }
0x132: {  	v9 =	vor.u32 $0x80000000, v9;
	v6 =	vshrl.u32 v6, $0x8;
	v8 =	vshrl.u32 v8, $0x8  }
0x133: {  	v6 =	vcvt.s32.f32 v6;
	v7 =	vor.u32 $0x80000000, v7;
	v8 =	vcvt.s32.f32 v8  }
0x134: {  	v9 =	vsel vm0, v10, v9;
	v7 =	vsel vm1, v11, v7  }
0x135: {  	v6 =	vmul.f32 $8.544325820e-04, v6;
	v7 =	vshrl.u32 v7, $0x8;
	v8 =	vmul.f32 $8.544325820e-04, v8  }
0x136: {  	v10 =	vcvt.s32.f32 v7;
	v7 =	vshrl.u32 v9, $0x8  }
0x137: {  	v9 =	vcvt.s32.f32 v7;
	v8 =	vtrunc.f32 v8  }
0x138: {  	v7 =	vcvt.f32.s32 v8;
	v8 =	vmul.f32 $8.544325820e-04, v10  }
0x139: {  	v6 =	vtrunc.f32 v6;
	v10 =	vmul.f32 $8.544325820e-04, v9  }
0x13a: {  	v6 =	vcvt.f32.s32 v6;
	v8 =	vtrunc.f32 v8;
	(xrf1) =	vunique.msk.u32 $0xffff, v7  }
0x13b: {  	v9 =	vcvt.f32.s32 v8;
	v8 =	vtrunc.f32 v10  }
0x13c: {  	v8 =	vcvt.f32.s32 v8;
	(xrf1) =	vunique.msk.u32 $0xffff, v6  }
0x13d: {  	(xrf1) =	vunique.msk.u32 $0xffff, v9  }
0x13e: {  	(xrf1) =	vunique.msk.u32 $0xffff, v8;
	_ =	sdelay $0x3  }
0x13f: {  	v10 =	vld.idx.msk [tilespmem:v7+s13+$0x0], $0xffff;
	_ =	sdelay $0x1  }
0x140: {  	v15 =	vld.idx.msk [tilespmem:v6+s17+$0x0], $0xffff  }
0x141: {  	v14 =	vld.idx.msk [tilespmem:v9+s18+$0x0], $0xffff  }
.Ltmp3:
0x142: {  	v13 =	vld.idx.msk [tilespmem:v8+s19+$0x0], $0xffff;
	(pc) =	sbr.rel @p0 .LBB2_8-.Ltmp3, $4  }
0x143: {  	_ = 	snop  }
0x144: {  	v17 =	vadd.s32 v2, v10;
	_, v11, vm0 =	vpop (xrf1)  }
0x145: {  	v16 =	vadd.s32 v11, v17  }
0x146: {  	v15 =	vadd.s32 v2, v15;
	v12 =	vcvt.s32.f32 v16;
	_, v10, vm1 =	vpop (xrf1)  }
0x147: {  	_, v16, vm2 =	vpop (xrf1)  }
0x148: {  	v14 =	vadd.s32 v2, v14;
	v15 =	vadd.s32 v10, v15;
	v13 =	vadd.s32 v2, v13;
	_, v17, vm3 =	vpop (xrf1)  }
0x149: {  	v14 =	vadd.s32 v16, v14;
	v15 =	vcvt.s32.f32 v15;
	v13 =	vadd.s32 v17, v13  }
0x14a: {  	v14 =	vcvt.s32.f32 v14;
	v13 =	vcvt.s32.f32 v13  }
0x14b: {  	v12 =	vmul.f32 $9.536743160e-07, v12;
	v15 =	vmul.f32 $9.536743160e-07, v15  }
0x14c: {  	v14 =	vmul.f32 $9.536743160e-07, v14;
	v13 =	vmul.f32 $9.536743160e-07, v13  }
0x14d: {  	v12 =	vadd.f32 $-4.999995230e-01, v12;
	v15 =	vadd.f32 $-4.999995230e-01, v15  }
0x14e: {  	v14 =	vadd.f32 $-4.999995230e-01, v14;
	v13 =	vadd.f32 $-4.999995230e-01, v13;
	_ =	sdelay $0x1  }
0x14f: {  	v12 =	vmul.f32 v15, v12;
	v13 =	vmul.f32 v13, v14  }
0x150: {  	v11 =	vadd.s32 v1, v11;
	v61 =	vadd.s32 v1, v10  }
0x151: {  	[tilespmem:v7+s13+$0x0] =	vst.idx.add.s32.msk vm0, v11;
	v4 =	vadd.f32 v12, v4;
	v5 =	vadd.f32 v13, v5  }
0x152: {  	v62 =	vadd.s32 v1, v16;
	[tilespmem:v6+s17+$0x0] =	vst.idx.add.s32.msk vm1, v61  }
0x153: {  	s21 =	sadd.s32 $0x1, s21;
	v63 =	vadd.s32 v1, v17;
	[tilespmem:v9+s18+$0x0] =	vst.idx.add.s32.msk vm2, v62;
	v4 =	vadd.f32 v5, v4  }
0x154: {  	p0 =	sne.s32 s21, s11;
	[tilespmem:v8+s19+$0x0] =	vst.idx.add.s32.msk vm3, v63  }
.Ltmp4:
0x155: {  	[tilespmem:$0x1E400] =	vst v4;
	(pc) =	sbr.rel @p0 .LBB2_1-.Ltmp4, $4  }
0x156: {  	[hbm4b:s10+s1] =	stream.linear.scatter [tilespmem:s20], [sflag:$0x1], $0x80, $0x38;
	[tilespmem:$0x1E480] =	vst v63  }
0x157: {  	_ =	swait.ge [sflag:s7], $0x80  }
0x158: {  	[sflag:s7] =	ssyncset.done $0x0  }
0x159: {  	[sflag:s7] =	ssyncadd.s32 $0xFFFFFF80  }
0x15a: {  	_ =	sfence.sel $0x180000  }
0x15b: {  	[bflag:$0x0] =	sbarrier.arrive $0xFFFF  }
0x15c: {  	p0 =	sne.s32 s2, $0x0;
	_ =	strace $0x9000004D  }
0x15d: {  	s0 =	sadd.s32 @!p0 $0x100000, s0;
	[bflag:$0x2] =	sbarrier.arrive $0xFFFF  }
0x15e: {  	[sflag:s0] =	ssyncadd.tile.s32 @!p0 $0x1;
	_ =	shalt  }
.Lfunc_end2:
_tile_overlayer_lowered:
.L_overlay_start_2:
0x15f: {  	(tag) =	ssettag $0x2  }
0x160: {  	s0 =	rddreg [dreg:$0x0];
	s2 =	stileid.u32  }
0x161: {  	s1 =	rddreg [dreg:$0x1];
	p0 =	sne.s32 s2, $0x0  }
0x162: {  	s3 =	rddreg [dreg:$0x2];
	[bflag:$0x3] =	sbarrier.arrive $0xFFFF;
	s2 =	simm.s32 @!p0 $0x1C01  }
0x163: {  	[timem:s3], [sflag:s2] =	dma.local @!p0 [hbm:s0], s1  }
0x164: {  	s0 =	simm.s32 @!p0 $0x1  }
0x165: {  	_ =	swait.ge @!p0 [sflag:s0], s1  }
0x166: {  	s1 =	ssub.s32 @!p0 $0x0, s1;
	[sflag:s0] =	ssyncset.done @!p0 $0x0  }
0x167: {  	[sflag:s0] =	ssyncadd.s32 @!p0 s1  }
0x168: {  	[bflag:$0x3] =	sbarrier.arrive $0xFFFF  }
0x169: {  	_ =	shalt  }

// kernel: kernel.6.cloned.1.call-start
scs
__scs_entry_jumppad:
0x0: {  	(pc) =	sbr.rel $0x88, $3  }
0x1: {  	(tag) =	ssettag $0x0;
	lr =	simm.s32 $0x1  }
0x2: {  	[smem:$0x3F9F] =	sst lr;
	_ =	strace $0xD0000000  }
0x3: {  	_ = 	snop  }
0x4: {  	_ = 	snop  }
0x5: {  	_ = 	snop  }
0x6: {  	_ = 	snop  }
0x7: {  	_ = 	snop  }
__scs_overlays_trampoline_lowered:
0x8: {  	[smem:$0x3FAE] =	sst s0  }
0x9: {  	[smem:$0x3FAF] =	sst s1  }
0xa: {  	[smem:$0x3FB0] =	sst s2  }
0xb: {  	[smem:$0x3FB1] =	sst s3  }
0xc: {  	[smem:$0x3FB2] =	sst s4  }
0xd: {  	[smem:$0x3FB3] =	sst s5  }
0xe: {  	[smem:$0x3FB4] =	sst s6  }
0xf: {  	[smem:$0x3FB5] =	sst s7  }
0x10: {  	[smem:$0x3FB6] =	sst s8  }
0x11: {  	[smem:$0x3FB7] =	sst s9;
	s0 =	simm.s32 @!p0 $0x0  }
0x12: {  	s1 =	sld [smem:$0x3F9D];
	s0 =	simm.s32 @p0 $0x1  }
0x13: {  	[smem:$0x3FB8] =	sst s0;
	s0 =	simm.s32 @!p1 $0x0  }
0x14: {  	s2 =	sld [smem:$0x3F9C];
	s0 =	simm.s32 @p1 $0x1  }
0x15: {  	[smem:$0x3FB9] =	sst s0;
	s0 =	simm.s32 @!p2 $0x0  }
0x16: {  	s3 =	sld [smem:$0x3FDB];
	s0 =	simm.s32 @p2 $0x1  }
0x17: {  	s4 =	simm.s32 $0x1BF5;
	[smem:$0x3FBB] =	sst s0  }
0x18: {  	s0 =	sld [smem:$0x3F9E];
	_ =	swait.ge [sflag:s4], $0x0  }
0x19: {  	s7 =	sld [smem:$0x3F9F]  }
0x1a: {  	s8 =	sadd.s32 $0xFFFFE003, lr  }
0x1b: {  	s9 =	sadd.s32 $0xFFFFFEF7, lr;
	s5 =	simm.s32 $0xFFFFFFFF;
	p2 =	slt.u32 s8, $0xFFFFF086  }
0x1c: {  	p1 =	slt.u32 s9, $0xF7A;
	s5 =	simm.s32 @!p2 $0x0  }
0x1d: {  	s5 =	simm.s32 @p1 $0x1;
	p0 =	seq.s32 s7, s2  }
0x1e: {  	s7 =	smul.u32 @!p0 $0xF7A, s2;
	p2 =	seq.s32 @!p0 s5, $0x0  }
0x1f: {  	s9 =	smul.u32 $0xF7A, s1;
	s8 =	simm.s32 @!p0 $0x1BF5;
	p2 =	por !p2, p0  }
0x20: {  	[sflag:s8] =	ssyncset.s32 @!p0 $0xFFFFF086;
	s6 =	sadd.s32 @!p0 s3, s7;
	s7 =	simm.s32 @!p0 $0x108  }
0x21: {  	s3 =	sadd.s32 s3, s9;
	s6 =	sadd.s32 @!p0 $0x88, s6;
	s7 =	simm.s32 @p2 $0x1082  }
0x22: {  	[simem:s7], [sflag:s8] =	dma.local @!p0 [hbm:s6], $0xF7A  }
0x23: {  	s9 =	sor.u32 $0xD0000000, s2;
	s6 =	simm.s32 $0x108;
	_ =	swait.ge @!p0 [sflag:s8], $0x0  }
0x24: {  	s3 =	sadd.s32 $0x88, s3;
	s6 =	simm.s32 @!p1 $0x1082;
	[sflag:s4] =	ssyncset.s32 $0xFFFFF086  }
0x25: {  	[simem:s6], [sflag:s4] =	dma.local [hbm:s3], $0xF7A  }
0x26: {  	[smem:$0x3F9F] =	sst s1;
	(tag) =	ssettag s2;
	_ =	strace s9  }
0x27: {  	s1 =	sld [smem:$0x3FAF]  }
0x28: {  	s2 =	sld [smem:$0x3FB0]  }
0x29: {  	s4 =	sld [smem:$0x3FB2]  }
0x2a: {  	p0 =	seq.s32 s5, $0x0;
	s5 =	sld [smem:$0x3FB3]  }
0x2b: {  	s6 =	sld [smem:$0x3FB4]  }
0x2c: {  	s7 =	sld [smem:$0x3FB5]  }
0x2d: {  	s3 =	simm.s32 $0x108;
	s8 =	sld [smem:$0x3FB6]  }
0x2e: {  	s3 =	simm.s32 @!p0 $0x1082;
	s9 =	sld [smem:$0x3FB7]  }
0x2f: {  	lr =	sadd.s32 s0, s3;
	s0 =	sld [smem:$0x3FAE]  }
0x30: {  	s3 =	sld [smem:$0x3FB1]  }
0x31: {  	[smem:$0x3FBA] =	sst s10  }
0x32: {  	s10 =	sld [smem:$0x3FB8];
	_ =	sdelay $0x3  }
0x33: {  	p0 =	seq.s32 s10, $0x1;
	s10 =	sld [smem:$0x3FBA];
	_ =	sdelay $0x3  }
0x34: {  	[smem:$0x3FBA] =	sst s10  }
0x35: {  	s10 =	sld [smem:$0x3FB9];
	_ =	sdelay $0x3  }
0x36: {  	p1 =	seq.s32 s10, $0x1;
	s10 =	sld [smem:$0x3FBA];
	_ =	sdelay $0x3  }
0x37: {  	[smem:$0x3FBA] =	sst s10  }
0x38: {  	s10 =	sld [smem:$0x3FBB]  }
0x39: {  	_ = 	snop;
	(pc) =	sbr.ind lr, $3  }
0x3a: {  	_ = 	snop  }
0x3b: {  	_ = 	snop  }
0x3c: {  	p2 =	seq.s32 s10, $0x1;
	s10 =	sld [smem:$0x3FBA]  }
0x3d: {  	_ =	shalt  }
0x3e: {  	_ =	shalt  }
0x3f: {  	_ =	shalt  }
0x40: {  	_ =	shalt  }
0x41: {  	_ =	shalt  }
0x42: {  	_ =	shalt  }
0x43: {  	_ =	shalt  }
0x44: {  	_ =	shalt  }
0x45: {  	_ =	shalt  }
0x46: {  	_ =	shalt  }
0x47: {  	_ =	shalt  }
0x48: {  	_ =	shalt  }
0x49: {  	_ =	shalt  }
0x4a: {  	_ =	shalt  }
0x4b: {  	_ =	shalt  }
0x4c: {  	_ =	shalt  }
0x4d: {  	_ =	shalt  }
0x4e: {  	_ =	shalt  }
0x4f: {  	_ =	shalt  }
0x50: {  	_ =	shalt  }
0x51: {  	_ =	shalt  }
0x52: {  	_ =	shalt  }
0x53: {  	_ =	shalt  }
0x54: {  	_ =	shalt  }
0x55: {  	_ =	shalt  }
0x56: {  	_ =	shalt  }
0x57: {  	_ =	shalt  }
0x58: {  	_ =	shalt  }
0x59: {  	_ =	shalt  }
0x5a: {  	_ =	shalt  }
0x5b: {  	_ =	shalt  }
0x5c: {  	_ =	shalt  }
0x5d: {  	_ =	shalt  }
0x5e: {  	_ =	shalt  }
0x5f: {  	_ =	shalt  }
0x60: {  	_ =	shalt  }
0x61: {  	_ =	shalt  }
0x62: {  	_ =	shalt  }
0x63: {  	_ =	shalt  }
0x64: {  	_ =	shalt  }
0x65: {  	_ =	shalt  }
0x66: {  	_ =	shalt  }
0x67: {  	_ =	shalt  }
0x68: {  	_ =	shalt  }
0x69: {  	_ =	shalt  }
0x6a: {  	_ =	shalt  }
0x6b: {  	_ =	shalt  }
0x6c: {  	_ =	shalt  }
0x6d: {  	_ =	shalt  }
0x6e: {  	_ =	shalt  }
0x6f: {  	_ =	shalt  }
0x70: {  	_ =	shalt  }
0x71: {  	_ =	shalt  }
0x72: {  	_ =	shalt  }
0x73: {  	_ =	shalt  }
0x74: {  	_ =	shalt  }
0x75: {  	_ =	shalt  }
0x76: {  	_ =	shalt  }
0x77: {  	_ =	shalt  }
0x78: {  	_ =	shalt  }
0x79: {  	_ =	shalt  }
0x7a: {  	_ =	shalt  }
0x7b: {  	_ =	shalt  }
0x7c: {  	_ =	shalt  }
0x7d: {  	_ =	shalt  }
0x7e: {  	_ =	shalt  }
0x7f: {  	_ =	shalt  }
0x80: {  	_ =	shalt  }
0x81: {  	_ =	shalt  }
0x82: {  	_ =	shalt  }
0x83: {  	_ =	shalt  }
0x84: {  	_ =	shalt  }
0x85: {  	_ =	shalt  }
0x86: {  	_ =	shalt  }
0x87: {  	_ =	shalt  }
.Lfunc_end0:
.L_simem_size_0:
called_computation_lowered:
.L_overlay_start_0:
0x88: {  	s2 =	sld [smem:$0x3FD9]  }
0x89: {  	s3 =	sld [smem:$0x3FFE];
	_ =	sdelay $0x1  }
0x8a: {  	s1 =	srdreg.scid  }
0x8b: {  	s0 =	sand.u32 $0x1, s1  }
0x8c: {  	s17 =	sshll.u32 s0, $0xA;
	s2 =	sadd.s32 s3, s2  }
0x8d: {  	s2 =	sadd.s32 s2, s17  }
0x8e: {  	[smem:$0x3FC6] =	sst s2  }
0x8f: {  	_ = 	snop  }
0x90: {  	s2 =	sld [smem:$0x3FC9]  }
0x91: {  	s18 =	sld [smem:$0x3FC8];
	(tm) =	ssettm $0x1  }
0x92: {  	s4 =	sld [smem:$0x3FFB];
	_ =	sdelay $0x3  }
0x93: {  	_ =	strace s4  }
0x94: {  	s4 =	sld [smem:$0x3FFC];
	_ =	sdelay $0x3  }
0x95: {  	_ =	strace s4  }
0x96: {  	s4 =	sld [smem:$0x3FFD];
	_ =	sdelay $0x3  }
0x97: {  	_ =	strace s4  }
0x98: {  	_ =	strace $0x8FFFFFFF  }
0x99: {  	s19 =	sld [smem:$0x3FDB];
	_ =	sdelay $0x1  }
0x9a: {  	s5 =	simm.s32 $_scs_section_size  }
0x9b: {  	s6 =	simm.s32 $_size__tile_overlayer_lowered;
	s7 =	simm.s32 $_tile_overlayer_lowered  }
0x9c: {  	s22 =	simm.s32 $0x1BFF;
	s21 =	sshll.u32 s7, $0x1;
	s4 =	sadd.s32 s5, s19  }
0x9d: {  	s8 =	simm.s32 $0x0;
	s20 =	sshll.u32 s6, $0x1;
	s6 =	sadd.s32 s21, s4  }
0x9e: {  	[timem:s8], [sflag:s22] =	dma.local [hbm:s6], s20  }
0x9f: {  	_ =	swait.ge [sflag:s22], s20  }
0xa0: {  	s5 =	ssub.s32 $0x0, s20;
	[sflag:s22] =	ssyncset.done $0x0  }
0xa1: {  	[sflag:s22] =	ssyncadd.s32 s5;
	_ =	sdelay $0x1  }
0xa2: {  	s23 =	simm.s32 $0x1B8B  }
0xa3: {  	_ =	swait.ge [sflag:s23], $0x1  }
0xa4: {  	[sflag:s23] =	ssyncset.done $0x0  }
0xa5: {  	s25 =	simm.s32 $0x1B8E;
	s24 =	sld [smem:$0x3FFE];
	[sflag:s23] =	ssyncadd.s32 $0xFFFFFFFF  }
0xa6: {  	s26 =	simm.s32 $execute0_lowered;
	[smem:$0x3FD2] =	sst s25  }
0xa7: {  	s6 =	sshll.u32 s26, $0x1;
	_ =	strace $0x80000046;
	[dreg:$0x1] =	wrdreg $0xFFFFFFFF  }
0xa8: {  	s28 =	simm.s32 $_size_execute0_lowered;
	s4 =	sadd.s32 s4, s6;
	[dreg:$0x0] =	wrdreg $0x0  }
0xa9: {  	s6 =	sshll.u32 s28, $0x1;
	[dreg:$0x2] =	wrdreg s4  }
0xaa: {  	[dreg:$0x3] =	wrdreg s6  }
0xab: {  	[dreg:$0x4] =	wrdreg $0xC0  }
0xac: {  	_ =	task [dreg:s8], $0x5FFFF  }
0xad: {  	[dreg:$0x1] =	wrdreg $0xFFFFFFFF  }
0xae: {  	[dreg:$0x0] =	wrdreg $0x60  }
0xaf: {  	[dreg:$0x2] =	wrdreg s2  }
0xb0: {  	[dreg:$0x3] =	wrdreg s18  }
0xb1: {  	[dreg:$0x4] =	wrdreg s24  }
0xb2: {  	[dreg:$0x5] =	wrdreg $0x9  }
0xb3: {  	_ =	task.clear_ibuf [dreg:s8], $0x6FFFF;
	_ =	strace $0x90000046  }
0xb4: {  	s29 =	simm.s32 $0x9;
	_ =	strace $0x80000048  }
0xb5: {  	_ =	swait.ge [sflag:s29], $0x1  }
0xb6: {  	[sflag:s29] =	ssyncadd.s32 $0xFFFFFFFF  }
0xb7: {  	_ =	strace $0x90000048  }
0xb8: {  	_ =	sfence  }
0xb9: {  	s30 =	sld [smem:$0x0];
	_ =	sdelay $0x2  }
0xba: {  	s31 =	sshll.u32 s1, $0xD;
	s1 =	sshrl.u32 s1, $0x2  }
0xbb: {  	s3 =	sand.u32 $0x4000, s31;
	s1 =	sadd.s32 s1, s30  }
0xbc: {  	s0 =	sor.u32 s3, s0;
	s1 =	sshll.u32 s1, $0x11  }
0xbd: {  	s0 =	sor.u32 s1, s0  }
0xbe: {  	s0 =	sadd.s32 $0x8F2B, s0  }
0xbf: {  	[sflag:s0] =	ssyncadd.remote.s32 $0x1  }
0xc0: {  	_ =	sfence.sel $0xFFFF  }
0xc1: {  	[dreg:$0x0] =	wrdreg $0xFFFFFFFF;
	(pc) =	sbr.abs _section_cstart, $3  }
0xc2: {  	[dreg:$0x1] =	wrdreg $0xFFFFFFFF  }
0xc3: {  	_ =	task.clear_ibuf [dreg:s8], $0x2FFFF;
	_ =	strace $0x9FFFFFFF  }
0xc4: {  	(tm) =	ssettm $0x7FFFFFFF  }
0xc5: {  	_ =	shalt  }
tec
execute0_lowered:
.L_overlay_start_1:
0x0: {  	(tag) =	ssettag $0x1  }
0x1: {  	s3 =	rddreg [dreg:$0x0]  }
0x2: {  	s4 =	rddreg [dreg:$0x1]  }
0x3: {  	s5 =	rddreg [dreg:$0x2];
	s1 =	simm.s32 $0x0  }
0x4: {  	[smem:$0x7FF] =	sst s1  }
0x5: {  	s0 =	rddreg [dreg:$0x3];
	v0 =	vimm.s32 $0x0;
	_ =	strace $0x80000047  }
0x6: {  	(xrf1) =	vunique.msk.u32 $0xffff, v0;
	_ =	sdelay $0xd  }
0x7: {  	_, v1, _ =	vpop (xrf1)  }
0x8: {  	(xrf0) =	vadd.scan.msk.s32 $0xffff, v1;
	_ =	sdelay $0x5  }
0x9: {  	v1, _, _ =	vpop (xrf0)  }
0xa: {  	(v2sf) =	vpush v1, $0xF;
	_ =	sdelay $0x7  }
0xb: {  	s6 =	srdreg.scid;
	s2 =	stileid.u32  }
0xc: {  	s12 =	simm.s32 $0x13800;
	s13 =	simm.s32 $0x80;
	s15 =	simm.s32 $0x17000  }
0xd: {  	s16 =	simm.s32 $0x0;
	s6 =	sand.u32 $0x1, s6;
	s7 =	sshll.u32 s2, $0x1  }
0xe: {  	s20 =	simm.s32 $0x20;
	s8 =	sshrl.u32 s2, $0x2;
	s7 =	sor.u32 s6, s7  }
0xf: {  	s10 =	smul.u32 $0x1C000, s8;
	s8 =	sshll.u32 s8, $0xA;
	s6 =	ssub.s32 $0x2, s6  }
0x10: {  	s9 =	sshll.u32 s7, $0x7;
	s11 =	sshrl.u32 s6, $0x1;
	s31 =	sshll.u32 s7, $0xC  }
0x11: {  	s7 =	simm.s32 $0x1;
	s9 =	sand.u32 $0x380, s9;
	s11 =	ssub.s32 s6, s11  }
0x12: {  	s3 =	sadd.s32 s3, s31;
	s4 =	sadd.s32 s4, s31;
	s28 =	spop (v2sf)  }
0x13: {  	s10 =	sor.u32 s10, s9;
	s8 =	sor.u32 s8, s9;
	s9 =	sadd.s32 $0xFFFFFF88, s28  }
0x14: {  	s10 =	sshrl.u32 s10, $0x3;
	s8 =	sshrl.u32 s8, $0x3;
	s29 =	sand.u32 $0xF, s9  }
0x15: {  	s30 =	sshra.s32 s9, $0x1F;
	p0 =	slt.s32 s9, $0x1;
	p1 =	sne.s32 s29, $0x0  }
0x16: {  	s10 =	sadd.s32 s10, s5;
	s6 =	sshrl.u32 s30, $0x1C;
	p0 =	por !p0, !p1  }
0x17: {  	s8 =	sadd.s32 s8, s5;
	s6 =	sadd.s32 s6, s9;
	p0 =	por !p0, !p0  }
0x18: {  	s5 =	simm.s32 $0x1;
	s6 =	sshra.s32 s6, $0x4;
	s7 =	simm.s32 @!p0 $0x0  }
0x19: {  	s8 =	sadd.s32 $0x1D800, s8;
	s9 =	smax.u32 s11, $0x1;
	s6 =	ssub.s32 s7, s6  }
0x1a: {  	s11 =	simm.s32 $0x10000;
	s7 =	sadd.s32 $0xF800, s10;
	s14 =	sadd.s32 $0x1, s6  }
0x1b: {  	s6 =	sadd.s32 $0x1800, s10;
	s10 =	simm.s32 $0x8000;
	v1 =	vmov s14;
	s14 =	simm.s32 $0x400  }
.LBB2_1:
0x1c: {  	[tilespmem:s1], [sflag:$0x1] =	stream.linear.gather [hbm4b:s3+s1], $0x8000, $0x38;
	[tilespmem:$0x17080] =	vst v63  }
0x1d: {  	_ =	swait.ge [sflag:s5], $0x8000  }
0x1e: {  	[sflag:s5] =	ssyncset.done $0x0  }
0x1f: {  	[sflag:s5] =	ssyncadd.s32 $0xFFFF8000  }
0x20: {  	[tilespmem:s10], [sflag:$0x1] =	stream.linear.gather [hbm4b:s4+s1], $0x8000, $0x38;
	[tilespmem:$0x17080] =	vst v63  }
0x21: {  	_ =	swait.ge [sflag:s5], $0x8000  }
0x22: {  	[sflag:s5] =	ssyncset.done $0x0  }
0x23: {  	s17 =	simm.s32 $0x10040;
	[sflag:s5] =	ssyncadd.s32 $0xFFFF8000  }
0x24: {  	[tilespmem:s17+$0x30] =	vst v0  }
0x25: {  	[tilespmem:s17+$0xFFFFFFF0] =	vst v0  }
0x26: {  	[tilespmem:s17+$0xFFFFFFC0] =	vst v0  }
0x27: {  	[tilespmem:s17+$0xFFFFFFE0] =	vst v0  }
0x28: {  	[tilespmem:s17+$0x10] =	vst v0  }
0x29: {  	[tilespmem:s17+$0x20] =	vst v0  }
0x2a: {  	[tilespmem:s17+$0x0] =	vst v0  }
0x2b: {  	s19 =	simm.s32 $0x13840;
	[tilespmem:s17+$0xFFFFFFD0] =	vst v0  }
0x2c: {  	[tilespmem:s19+$0xFFFFFFC0] =	vst v0  }
0x2d: {  	[tilespmem:s19+$0x30] =	vst v0  }
0x2e: {  	[tilespmem:s19+$0x20] =	vst v0  }
0x2f: {  	[tilespmem:s19+$0x10] =	vst v0  }
0x30: {  	[tilespmem:s19+$0xFFFFFFE0] =	vst v0  }
0x31: {  	[tilespmem:s19+$0x0] =	vst v0  }
0x32: {  	s21 =	simm.s32 $0x0;
	s18 =	simm.s32 $0x8020;
	[tilespmem:s19+$0xFFFFFFF0] =	vst v0  }
.LBB2_2:
0x33: {  	s21 =	sadd.s32 $0x8, s21;
	[tilespmem:s19+$0xFFFFFFD0] =	vst v0;
	s17 =	sadd.s32 $0x80, s17;
	s19 =	sadd.s32 $0x80, s19;
	v2 =	vimm.f32 $0.0e+00  }
0x34: {  	[tilespmem:s17+$0x30] =	vst v0;
	p0 =	slt.u32 s21, $0x378  }
0x35: {  	[tilespmem:s17+$0xFFFFFFF0] =	vst v0  }
0x36: {  	[tilespmem:s17+$0xFFFFFFC0] =	vst v0  }
0x37: {  	[tilespmem:s19+$0xFFFFFFC0] =	vst v0  }
0x38: {  	[tilespmem:s19+$0x30] =	vst v0  }
0x39: {  	[tilespmem:s17+$0xFFFFFFE0] =	vst v0  }
0x3a: {  	[tilespmem:s17+$0x10] =	vst v0  }
0x3b: {  	[tilespmem:s17+$0x20] =	vst v0  }
0x3c: {  	[tilespmem:s19+$0x20] =	vst v0  }
0x3d: {  	[tilespmem:s19+$0x10] =	vst v0  }
.Ltmp0:
0x3e: {  	[tilespmem:s19+$0xFFFFFFE0] =	vst v0;
	(pc) =	sbr.rel @p0 .LBB2_2-.Ltmp0, $4  }
0x3f: {  	[tilespmem:s17+$0x0] =	vst v0  }
0x40: {  	[tilespmem:s19+$0x0] =	vst v0  }
0x41: {  	[tilespmem:s19+$0xFFFFFFF0] =	vst v0  }
0x42: {  	[tilespmem:s17+$0xFFFFFFD0] =	vst v0  }
0x43: {  	[tilespmem:s19+$0xFFFFFFD0] =	vst v0  }
0x44: {  	v3 =	vld [tilespmem:s20+$0xFFFFFFE0]  }
0x45: {  	v4 =	vld [tilespmem:s18+$0xFFFFFFE0]  }
0x46: {  	v5 =	vld [tilespmem:s20+$0xFFFFFFF0]  }
0x47: {  	v6 =	vld [tilespmem:s18+$0xFFFFFFF0]  }
0x48: {  	v7 =	vld [tilespmem:s20+$0x0]  }
0x49: {  	v9 =	vld [tilespmem:s18+$0x0]  }
0x4a: {  	s17 =	simm.s32 $0x60;
	v11 =	vld [tilespmem:s20+$0x10]  }
0x4b: {  	s25 =	simm.s32 $0xA0;
	v20 =	vld [tilespmem:s17+$0x10]  }
0x4c: {  	s26 =	simm.s32 $0x80A0;
	v29 =	vld [tilespmem:s25+$0xFFFFFFF0];
	vm0 =	vlt.s32 v3, $0x0  }
0x4d: {  	v31 =	vld [tilespmem:s26+$0x0];
	v8 =	vand.u32 $0x7FFFFFFF, v3;
	v10 =	vxor.u32 $0xFFFFFFFF, v3;
	v3 =	vsub.f32 v3, v4  }
0x4e: {  	v35 =	vld [tilespmem:s25+$0x10];
	v12 =	vand.u32 $0x7FFFFFFF, v4;
	vm1 =	vlt.s32 v4, $0x0;
	v13 =	vand.u32 $0x7FFFFFFF, v5  }
0x4f: {  	v37 =	vld [tilespmem:s26+$0x10];
	v15 =	vand.u32 $0x7FFFFFFF, v6;
	v16 =	vsub.f32 v5, v6;
	v17 =	vand.u32 $0x7FFFFFFF, v7  }
0x50: {  	s28 =	simm.s32 $0xE0;
	v18 =	vand.u32 $0x7FFFFFFF, v9;
	v19 =	vand.u32 $0x7FFFFFFF, v11;
	v4 =	vxor.u32 $0xFFFFFFFF, v4  }
0x51: {  	v55 =	vld [tilespmem:s28+$0xFFFFFFE0];
	vm2 =	vlt.s32 v5, $0x0;
	v5 =	vxor.u32 $0xFFFFFFFF, v5;
	vm3 =	vlt.s32 v6, $0x0  }
0x52: {  	v6 =	vxor.u32 $0xFFFFFFFF, v6;
	vm4 =	vlt.s32 v7, $0x0;
	vm5 =	vlt.s32 v9, $0x0  }
0x53: {  	vm6 =	vlt.s32 v11, $0x0;
	v27 =	vand.u32 $0x7FFFFFFF, v20;
	v36 =	vand.u32 $0x7FFFFFFF, v29  }
0x54: {  	v41 =	vand.u32 $0x7FFFFFFF, v31;
	v42 =	vand.u32 $0x7FFFFFFF, v35;
	v53 =	vsub.f32 v35, v37  }
0x55: {  	vm9 =	vlt.s32 v29, $0x0;
	vm12 =	vlt.s32 v31, $0x0;
	vm13 =	vlt.s32 v35, $0x0  }
0x56: {  	v54 =	vxor.u32 $0xFFFFFFFF, v37;
	v63 =	vxor.u32 $0xFFFFFFFF, v55;
	v8 =	vxor.u32 $0x80000000, v8  }
0x57: {  	v12 =	vxor.u32 $0x80000000, v12;
	v13 =	vxor.u32 $0x80000000, v13;
	v15 =	vxor.u32 $0x80000000, v15  }
0x58: {  	v17 =	vxor.u32 $0x80000000, v17;
	v18 =	vxor.u32 $0x80000000, v18;
	v19 =	vxor.u32 $0x80000000, v19  }
0x59: {  	v27 =	vxor.u32 $0x80000000, v27;
	v36 =	vxor.u32 $0x80000000, v36;
	v41 =	vxor.u32 $0x80000000, v41  }
0x5a: {  	v3 =	vmul.f32 v3, v3;
	v8 =	vsel vm0, v10, v8;
	v4 =	vsel vm1, v4, v12  }
0x5b: {  	v10 =	vxor.u32 $0xFFFFFFFF, v11;
	v5 =	vsel vm2, v5, v13;
	v6 =	vsel vm3, v6, v15  }
0x5c: {  	v8 =	vshrl.u32 v8, $0x8;
	v10 =	vsel vm6, v10, v19;
	v4 =	vshrl.u32 v4, $0x8  }
0x5d: {  	v14 =	vld [tilespmem:s18+$0x10];
	v5 =	vshrl.u32 v5, $0x8;
	v6 =	vshrl.u32 v6, $0x8;
	v2 =	vadd.f32 v3, v2  }
0x5e: {  	v3 =	vmul.f32 v16, v16;
	v16 =	vsub.f32 v7, v9;
	v7 =	vxor.u32 $0xFFFFFFFF, v7  }
0x5f: {  	v9 =	vxor.u32 $0xFFFFFFFF, v9;
	v8 =	vcvt.s32.f32 v8;
	v4 =	vcvt.s32.f32 v4  }
0x60: {  	v5 =	vcvt.s32.f32 v5;
	v6 =	vcvt.s32.f32 v6;
	v10 =	vshrl.u32 v10, $0x8  }
0x61: {  	v7 =	vsel vm4, v7, v17;
	v9 =	vsel vm5, v9, v18;
	v10 =	vcvt.s32.f32 v10  }
0x62: {  	v2 =	vadd.f32 v3, v2;
	v3 =	vsub.f32 v11, v14;
	v16 =	vmul.f32 v16, v16  }
0x63: {  	v7 =	vshrl.u32 v7, $0x8;
	v8 =	vmul.f32 $8.544325820e-04, v8;
	v4 =	vmul.f32 $8.544325820e-04, v4  }
0x64: {  	v9 =	vshrl.u32 v9, $0x8;
	v5 =	vmul.f32 $8.544325820e-04, v5;
	v6 =	vmul.f32 $8.544325820e-04, v6  }
0x65: {  	s24 =	simm.s32 $0x8060;
	v42 =	vxor.u32 $0x80000000, v42;
	v7 =	vcvt.s32.f32 v7;
	v9 =	vcvt.s32.f32 v9  }
0x66: {  	vm0 =	vlt.s32 v14, $0x0;
	v17 =	vld [tilespmem:s24+$0x0];
	v3 =	vmul.f32 v3, v3;
	v4 =	vtrunc.f32 v4  }
0x67: {  	v2 =	vadd.f32 v16, v2;
	v5 =	vtrunc.f32 v5;
	v12 =	vtrunc.f32 v6  }
0x68: {  	vm6 =	vlt.s32 v20, $0x0;
	v7 =	vmul.f32 $8.544325820e-04, v7;
	v9 =	vmul.f32 $8.544325820e-04, v9  }
0x69: {  	v6 =	vcvt.f32.s32 v5;
	v5 =	vcvt.f32.s32 v12;
	v11 =	vadd.f32 v3, v2  }
0x6a: {  	v15 =	vld [tilespmem:s17+$0xFFFFFFE0];
	v2 =	vmul.f32 $8.544325820e-04, v10;
	v3 =	vtrunc.f32 v8;
	v8 =	vand.u32 $0x7FFFFFFF, v14  }
0x6b: {  	v16 =	vld [tilespmem:s24+$0xFFFFFFE0];
	v26 =	vand.u32 $0x7FFFFFFF, v17;
	vm5 =	vlt.s32 v17, $0x0;
	v13 =	vtrunc.f32 v7  }
0x6c: {  	v10 =	vxor.u32 $0x80000000, v8;
	v9 =	vtrunc.f32 v9;
	v7 =	vcvt.f32.s32 v3  }
0x6d: {  	v3 =	vxor.u32 $0xFFFFFFFF, v14;
	v8 =	vcvt.f32.s32 v4;
	v26 =	vxor.u32 $0x80000000, v26  }
0x6e: {  	v22 =	vld [tilespmem:s24+$0x10];
	v2 =	vtrunc.f32 v2;
	v3 =	vsel vm0, v3, v10;
	v4 =	vcvt.f32.s32 v13  }
0x6f: {  	v14 =	vld [tilespmem:s17+$0xFFFFFFF0];
	vm0 =	vlt.s32 v15, $0x0;
	v13 =	vand.u32 $0x7FFFFFFF, v15;
	v12 =	vshrl.u32 v3, $0x8  }
0x70: {  	v3 =	vcvt.f32.s32 v9;
	v13 =	vxor.u32 $0x80000000, v13;
	v19 =	vand.u32 $0x7FFFFFFF, v16  }
0x71: {  	vm1 =	vlt.s32 v16, $0x0;
	v18 =	vcvt.s32.f32 v12;
	v12 =	vxor.u32 $0xFFFFFFFF, v15  }
0x72: {  	v10 =	vld [tilespmem:s24+$0xFFFFFFF0];
	v15 =	vsub.f32 v15, v16;
	v19 =	vxor.u32 $0x80000000, v19;
	v16 =	vxor.u32 $0xFFFFFFFF, v16  }
0x73: {  	v2 =	vcvt.f32.s32 v2;
	v12 =	vsel vm0, v12, v13;
	v13 =	vsel vm1, v16, v19  }
0x74: {  	v9 =	vld [tilespmem:s17+$0x0];
	v16 =	vand.u32 $0x7FFFFFFF, v22;
	vm0 =	vlt.s32 v22, $0x0;
	v21 =	vand.u32 $0x7FFFFFFF, v14  }
0x75: {  	v15 =	vmul.f32 v15, v15;
	vm2 =	vlt.s32 v14, $0x0;
	v12 =	vshrl.u32 v12, $0x8  }
0x76: {  	v13 =	vshrl.u32 v13, $0x8;
	v16 =	vxor.u32 $0x80000000, v16;
	v33 =	vmul.f32 $8.544325820e-04, v18  }
0x77: {  	v23 =	vsub.f32 v14, v10;
	v24 =	vand.u32 $0x7FFFFFFF, v10;
	v21 =	vxor.u32 $0x80000000, v21  }
0x78: {  	v14 =	vxor.u32 $0xFFFFFFFF, v14;
	vm3 =	vlt.s32 v10, $0x0;
	v10 =	vxor.u32 $0xFFFFFFFF, v10  }
0x79: {  	v12 =	vcvt.s32.f32 v12;
	v13 =	vcvt.s32.f32 v13;
	v25 =	vand.u32 $0x7FFFFFFF, v9  }
0x7a: {  	v11 =	vadd.f32 v15, v11;
	vm4 =	vlt.s32 v9, $0x0;
	v14 =	vsel vm2, v14, v21  }
0x7b: {  	v33 =	vtrunc.f32 v33;
	v15 =	vmul.f32 v23, v23;
	v23 =	vxor.u32 $0x80000000, v24  }
0x7c: {  	v18 =	vld [tilespmem:s25+$0x0];
	v24 =	vsub.f32 v9, v17;
	v25 =	vxor.u32 $0x80000000, v25;
	v9 =	vxor.u32 $0xFFFFFFFF, v9  }
0x7d: {  	v14 =	vshrl.u32 v14, $0x8;
	v12 =	vmul.f32 $8.544325820e-04, v12;
	v13 =	vmul.f32 $8.544325820e-04, v13  }
0x7e: {  	v10 =	vsel vm3, v10, v23;
	v9 =	vsel vm4, v9, v25;
	v14 =	vcvt.s32.f32 v14  }
0x7f: {  	v11 =	vadd.f32 v15, v11;
	v15 =	vmul.f32 v24, v24;
	v24 =	vsub.f32 v20, v22  }
0x80: {  	(xrf1) =	vunique.msk.u32 $0xffff, v7;
	v10 =	vshrl.u32 v10, $0x8;
	v9 =	vshrl.u32 v9, $0x8;
	v12 =	vtrunc.f32 v12  }
0x81: {  	(xrf1) =	vunique.msk.u32 $0xffff, v8;
	v13 =	vtrunc.f32 v13;
	v40 =	vand.u32 $0x7FFFFFFF, v18;
	v52 =	vsub.f32 v18, v31  }
0x82: {  	v25 =	vld [tilespmem:s25+$0xFFFFFFE0];
	vm11 =	vlt.s32 v18, $0x0;
	v18 =	vxor.u32 $0xFFFFFFFF, v18;
	v10 =	vcvt.s32.f32 v10  }
0x83: {  	v9 =	vcvt.s32.f32 v9;
	v14 =	vmul.f32 $8.544325820e-04, v14;
	v40 =	vxor.u32 $0x80000000, v40  }
0x84: {  	(xrf1) =	vunique.msk.u32 $0xffff, v6;
	v11 =	vadd.f32 v15, v11;
	v15 =	vmul.f32 v24, v24;
	v18 =	vsel vm11, v18, v40  }
0x85: {  	v10 =	vmul.f32 $8.544325820e-04, v10;
	v9 =	vmul.f32 $8.544325820e-04, v9;
	v18 =	vshrl.u32 v18, $0x8  }
0x86: {  	(xrf1) =	vunique.msk.u32 $0xffff, v5;
	v28 =	vadd.f32 v15, v11;
	v11 =	vxor.u32 $0xFFFFFFFF, v17;
	v15 =	vxor.u32 $0xFFFFFFFF, v20  }
0x87: {  	(xrf1) =	vunique.msk.u32 $0xffff, v4;
	v17 =	vxor.u32 $0xFFFFFFFF, v22;
	vm7 =	vlt.s32 v25, $0x0;
	v30 =	vand.u32 $0x7FFFFFFF, v25  }
0x88: {  	v18 =	vcvt.s32.f32 v18;
	v11 =	vsel vm5, v11, v26;
	v15 =	vsel vm6, v15, v27  }
0x89: {  	v16 =	vsel vm0, v17, v16;
	v10 =	vtrunc.f32 v10;
	v9 =	vtrunc.f32 v9  }
0x8a: {  	(xrf1) =	vunique.msk.u32 $0xffff, v3;
	v30 =	vxor.u32 $0x80000000, v30;
	v11 =	vshrl.u32 v11, $0x8;
	v15 =	vshrl.u32 v15, $0x8  }
0x8b: {  	v19 =	vshrl.u32 v16, $0x8;
	v18 =	vmul.f32 $8.544325820e-04, v18;
	v11 =	vcvt.s32.f32 v11  }
0x8c: {  	(xrf1) =	vunique.msk.u32 $0xffff, v2;
	v27 =	vld [tilespmem:s26+$0xFFFFFFE0];
	v15 =	vcvt.s32.f32 v15;
	v32 =	vcvt.s32.f32 v19;
	v19 =	vxor.u32 $0xFFFFFFFF, v25  }
0x8d: {  	v19 =	vsel vm7, v19, v30;
	v30 =	vxor.u32 $0xFFFFFFFF, v35;
	v46 =	vtrunc.f32 v18  }
0x8e: {  	_, v17, vm2 =	vpop (xrf1);
	vm7 =	vlt.s32 v37, $0x0;
	v11 =	vmul.f32 $8.544325820e-04, v11;
	v15 =	vmul.f32 $8.544325820e-04, v15  }
0x8f: {  	_, v16, vm3 =	vpop (xrf1);
	v20 =	vadd.s32 v1, v17;
	v17 =	vtrunc.f32 v14;
	v19 =	vshrl.u32 v19, $0x8  }
0x90: {  	v30 =	vsel vm13, v30, v42;
	v32 =	vmul.f32 $8.544325820e-04, v32;
	v21 =	vadd.s32 v1, v16  }
0x91: {  	v34 =	vand.u32 $0x7FFFFFFF, v27;
	v25 =	vsub.f32 v25, v27;
	vm8 =	vlt.s32 v27, $0x0  }
0x92: {  	_, v14, vm4 =	vpop (xrf1);
	v27 =	vxor.u32 $0xFFFFFFFF, v27;
	v19 =	vcvt.s32.f32 v19;
	v11 =	vtrunc.f32 v11  }
0x93: {  	s29 =	simm.s32 $0x80E0;
	v22 =	vadd.s32 v1, v14;
	v14 =	vcvt.f32.s32 v12;
	v23 =	vtrunc.f32 v15  }
0x94: {  	v45 =	vld [tilespmem:s29+$0x0];
	v30 =	vshrl.u32 v30, $0x8;
	_, v16, vm5 =	vpop (xrf1);
	v15 =	vcvt.f32.s32 v13;
	v13 =	vcvt.f32.s32 v17  }
0x95: {  	v42 =	vld [tilespmem:s28+$0x0];
	v34 =	vxor.u32 $0x80000000, v34;
	v30 =	vcvt.s32.f32 v30;
	_, v12, vm6 =	vpop (xrf1);
	v24 =	vadd.s32 v1, v16  }
0x96: {  	v50 =	vld [tilespmem:s29+$0x10];
	v25 =	vmul.f32 v25, v25;
	v26 =	vadd.s32 v1, v12;
	v12 =	vcvt.f32.s32 v10  }
0x97: {  	v27 =	vsel vm8, v27, v34;
	v10 =	vcvt.f32.s32 v9;
	v9 =	vcvt.f32.s32 v23;
	v23 =	vld [tilespmem:s26+$0xFFFFFFF0]  }
0x98: {  	v11 =	vcvt.f32.s32 v11;
	v19 =	vmul.f32 $8.544325820e-04, v19;
	_, v16, vm0 =	vpop (xrf1);
	v27 =	vshrl.u32 v27, $0x8  }
0x99: {  	v30 =	vmul.f32 $8.544325820e-04, v30;
	v16 =	vadd.s32 v1, v16;
	v25 =	vadd.f32 v25, v28  }
0x9a: {  	(xrf1) =	vunique.msk.u32 $0xffff, v14;
	_, v17, vm1 =	vpop (xrf1);
	v27 =	vcvt.s32.f32 v27;
	v19 =	vtrunc.f32 v19;
	v62 =	vsub.f32 v42, v45  }
0x9b: {  	[tilespmem:v7+s11+$0x0] =	vst.idx.add.s32.msk vm2, v20;
	vm2 =	vlt.s32 v50, $0x0;
	v17 =	vadd.s32 v1, v17;
	v48 =	vtrunc.f32 v30  }
0x9c: {  	(xrf1) =	vunique.msk.u32 $0xffff, v15;
	v27 =	vmul.f32 $8.544325820e-04, v27;
	v38 =	vand.u32 $0x7FFFFFFF, v23;
	v39 =	vsub.f32 v29, v23  }
0x9d: {  	v29 =	vxor.u32 $0xFFFFFFFF, v29;
	vm10 =	vlt.s32 v23, $0x0;
	v23 =	vxor.u32 $0xFFFFFFFF, v23  }
0x9e: {  	(xrf1) =	vunique.msk.u32 $0xffff, v13;
	v59 =	vtrunc.f32 v27;
	v38 =	vxor.u32 $0x80000000, v38;
	v29 =	vsel vm9, v29, v36  }
0x9f: {  	(xrf1) =	vunique.msk.u32 $0xffff, v12;
	v28 =	vmul.f32 v39, v39;
	v23 =	vsel vm10, v23, v38;
	v29 =	vshrl.u32 v29, $0x8;
	v38 =	vld [tilespmem:s29+$0xFFFFFFE0]  }
0xa0: {  	(xrf1) =	vunique.msk.u32 $0xffff, v10;
	v27 =	vcvt.f32.s32 v19;
	v23 =	vshrl.u32 v23, $0x8;
	v29 =	vcvt.s32.f32 v29  }
0xa1: {  	v25 =	vadd.f32 v28, v25;
	v28 =	vmul.f32 v52, v52;
	v23 =	vcvt.s32.f32 v23  }
0xa2: {  	[tilespmem:v6+s11+$0x0] =	vst.idx.add.s32.msk vm4, v22;
	v22 =	vxor.u32 $0xFFFFFFFF, v50;
	v52 =	vmul.f32 v62, v62;
	v29 =	vmul.f32 $8.544325820e-04, v29  }
0xa3: {  	v25 =	vadd.f32 v28, v25;
	v28 =	vmul.f32 v53, v53;
	v23 =	vmul.f32 $8.544325820e-04, v23  }
0xa4: {  	v40 =	vld [tilespmem:s29+$0xFFFFFFF0];
	v43 =	vtrunc.f32 v29;
	v18 =	vsub.f32 v55, v38;
	v53 =	vand.u32 $0x7FFFFFFF, v38  }
0xa5: {  	vm13 =	vlt.s32 v38, $0x0;
	v38 =	vxor.u32 $0xFFFFFFFF, v38;
	v28 =	vadd.f32 v28, v25  }
0xa6: {  	v25 =	vxor.u32 $0xFFFFFFFF, v31;
	v31 =	vand.u32 $0x7FFFFFFF, v37;
	v44 =	vtrunc.f32 v23  }
0xa7: {  	v37 =	vand.u32 $0x7FFFFFFF, v55;
	v25 =	vsel vm12, v25, v41;
	v31 =	vxor.u32 $0x80000000, v31  }
0xa8: {  	v60 =	vmul.f32 v18, v18;
	v18 =	vcvt.f32.s32 v44;
	vm12 =	vlt.s32 v55, $0x0  }
0xa9: {  	_, v56, vm9 =	vpop (xrf1);
	v37 =	vxor.u32 $0x80000000, v37;
	v55 =	vand.u32 $0x7FFFFFFF, v40;
	v25 =	vshrl.u32 v25, $0x8  }
0xaa: {  	v31 =	vsel vm7, v54, v31;
	_, v57, vm10 =	vpop (xrf1);
	v34 =	vadd.s32 v1, v56;
	v44 =	vsel vm12, v63, v37  }
0xab: {  	v25 =	vcvt.s32.f32 v25;
	v39 =	vshrl.u32 v31, $0x8;
	v35 =	vadd.s32 v1, v57  }
0xac: {  	_, v58, vm11 =	vpop (xrf1);
	v28 =	vadd.f32 v60, v28;
	v57 =	vand.u32 $0x7FFFFFFF, v42;
	v44 =	vshrl.u32 v44, $0x8  }
0xad: {  	v31 =	vld [tilespmem:s28+$0xFFFFFFF0];
	v36 =	vadd.s32 v1, v58;
	_, v23, vm7 =	vpop (xrf1);
	v58 =	vxor.u32 $0x80000000, v55;
	v39 =	vcvt.s32.f32 v39  }
0xae: {  	v44 =	vcvt.s32.f32 v44;
	v25 =	vmul.f32 $8.544325820e-04, v25;
	v29 =	vadd.s32 v1, v23;
	_, v19, vm8 =	vpop (xrf1)  }
0xaf: {  	v23 =	vcvt.f32.s32 v43;
	v43 =	vxor.u32 $0x80000000, v53;
	v30 =	vadd.s32 v1, v19  }
0xb0: {  	v19 =	vcvt.f32.s32 v46;
	v43 =	vsel vm13, v38, v43;
	v38 =	vxor.u32 $0x80000000, v57  }
0xb1: {  	[tilespmem:v8+s12+$0x0] =	vst.idx.add.s32.msk vm3, v21;
	vm13 =	vlt.s32 v40, $0x0;
	v21 =	vmul.f32 $8.544325820e-04, v44;
	v47 =	vtrunc.f32 v25  }
0xb2: {  	v25 =	vcvt.f32.s32 v59;
	v43 =	vshrl.u32 v43, $0x8;
	v49 =	vsub.f32 v31, v40  }
0xb3: {  	(xrf1) =	vunique.msk.u32 $0xffff, v11;
	v54 =	vand.u32 $0x7FFFFFFF, v31;
	vm12 =	vlt.s32 v31, $0x0;
	v31 =	vxor.u32 $0xFFFFFFFF, v31  }
0xb4: {  	(xrf1) =	vunique.msk.u32 $0xffff, v9;
	v40 =	vxor.u32 $0xFFFFFFFF, v40;
	v43 =	vcvt.s32.f32 v43;
	v56 =	vxor.u32 $0x80000000, v54  }
0xb5: {  	(xrf1) =	vunique.msk.u32 $0xffff, v27;
	v40 =	vsel vm13, v40, v58;
	v54 =	vand.u32 $0x7FFFFFFF, v50;
	v61 =	vmul.f32 v49, v49  }
0xb6: {  	(xrf1) =	vunique.msk.u32 $0xffff, v25;
	v59 =	vsel vm12, v31, v56;
	v31 =	vand.u32 $0x7FFFFFFF, v45;
	vm12 =	vlt.s32 v42, $0x0  }
0xb7: {  	[tilespmem:v13+s11+$0x0] =	vst.idx.add.s32.msk vm11, v36;
	v42 =	vxor.u32 $0xFFFFFFFF, v42;
	v40 =	vshrl.u32 v40, $0x8;
	v20 =	vxor.u32 $0x80000000, v54  }
0xb8: {  	v56 =	vmul.f32 $8.544325820e-04, v43;
	[tilespmem:v12+s12+$0x0] =	vst.idx.add.s32.msk vm7, v29;
	v29 =	vtrunc.f32 v32;
	v42 =	vsel vm12, v42, v38  }
0xb9: {  	(xrf1) =	vunique.msk.u32 $0xffff, v23;
	v31 =	vxor.u32 $0x80000000, v31;
	vm12 =	vlt.s32 v45, $0x0;
	v45 =	vxor.u32 $0xFFFFFFFF, v45  }
0xba: {  	s30 =	simm.s32 $0x120;
	(xrf1) =	vunique.msk.u32 $0xffff, v18;
	v53 =	vshrl.u32 v59, $0x8;
	v7 =	vcvt.s32.f32 v40;
	v28 =	vadd.f32 v61, v28  }
0xbb: {  	v54 =	vld [tilespmem:s30+$0x10];
	v45 =	vsel vm12, v45, v31;
	v31 =	vcvt.f32.s32 v47;
	(xrf1) =	vunique.msk.u32 $0xffff, v19;
	v42 =	vshrl.u32 v42, $0x8  }
0xbc: {  	v47 =	vcvt.s32.f32 v53;
	v55 =	vcvt.s32.f32 v42;
	v41 =	vadd.f32 v52, v28;
	v28 =	vld [tilespmem:s28+$0x10]  }
0xbd: {  	[tilespmem:v5+s12+$0x0] =	vst.idx.add.s32.msk vm5, v24;
	v45 =	vshrl.u32 v45, $0x8;
	v7 =	vmul.f32 $8.544325820e-04, v7;
	v42 =	vtrunc.f32 v56  }
0xbe: {  	[tilespmem:v4+s11+$0x0] =	vst.idx.add.s32.msk vm6, v26;
	v20 =	vsel vm2, v22, v20;
	v8 =	vcvt.s32.f32 v45;
	v5 =	vmul.f32 $8.544325820e-04, v47  }
0xbf: {  	[tilespmem:v3+s12+$0x0] =	vst.idx.add.s32.msk vm0, v16;
	v24 =	vshrl.u32 v20, $0x8;
	v42 =	vcvt.f32.s32 v42;
	v22 =	vmul.f32 $8.544325820e-04, v55  }
0xc0: {  	[tilespmem:v10+s11+$0x0] =	vst.idx.add.s32.msk vm8, v30;
	v7 =	vtrunc.f32 v7;
	v10 =	vand.u32 $0x7FFFFFFF, v54;
	v8 =	vmul.f32 $8.544325820e-04, v8  }
0xc1: {  	[tilespmem:v2+s11+$0x0] =	vst.idx.add.s32.msk vm1, v17;
	v5 =	vtrunc.f32 v5;
	v22 =	vtrunc.f32 v22;
	v60 =	vand.u32 $0x7FFFFFFF, v28  }
0xc2: {  	[tilespmem:v14+s11+$0x0] =	vst.idx.add.s32.msk vm9, v34;
	vm13 =	vlt.s32 v28, $0x0;
	v62 =	vxor.u32 $0xFFFFFFFF, v28;
	v37 =	vxor.u32 $0x80000000, v60  }
0xc3: {  	[tilespmem:v15+s12+$0x0] =	vst.idx.add.s32.msk vm10, v35;
	_, v51, vm12 =	vpop (xrf1);
	v5 =	vcvt.f32.s32 v5;
	v61 =	vsub.f32 v28, v50;
	v46 =	vsel vm13, v62, v37  }
0xc4: {  	s31 =	simm.s32 $0x8120;
	v8 =	vtrunc.f32 v8;
	v28 =	vcvt.f32.s32 v48;
	_, v63, vm13 =	vpop (xrf1);
	v62 =	vld [tilespmem:s30+$0xFFFFFFF0];
	v46 =	vshrl.u32 v46, $0x8  }
0xc5: {  	v52 =	vmul.f32 v61, v61;
	v38 =	vadd.s32 v1, v63;
	_, v4, vm6 =	vpop (xrf1);
	v63 =	vld [tilespmem:s31+$0xFFFFFFF0];
	v6 =	vcvt.s32.f32 v46  }
0xc6: {  	v37 =	vadd.s32 v1, v51;
	_, v20, vm2 =	vpop (xrf1);
	v26 =	vadd.s32 v1, v4;
	v4 =	vtrunc.f32 v21;
	v21 =	vld [tilespmem:s30+$0xFFFFFFE0]  }
0xc7: {  	v53 =	vld [tilespmem:s31+$0x0];
	v41 =	vadd.f32 v52, v41;
	_, v57, vm3 =	vpop (xrf1);
	v58 =	vadd.s32 v1, v20;
	v6 =	vmul.f32 $8.544325820e-04, v6  }
0xc8: {  	v20 =	vld [tilespmem:s31+$0xFFFFFFE0];
	v61 =	vcvt.f32.s32 v4;
	v4 =	vcvt.f32.s32 v7;
	_, v59, vm5 =	vpop (xrf1);
	v40 =	vadd.s32 v1, v57  }
0xc9: {  	(xrf1) =	vunique.msk.u32 $0xffff, v31;
	v7 =	vld [tilespmem:s30+$0x0];
	_, v60, vm4 =	vpop (xrf1);
	v44 =	vadd.s32 v1, v59;
	vm1 =	vlt.s32 v62, $0x0;
	v6 =	vtrunc.f32 v6  }
0xca: {  	(xrf1) =	vunique.msk.u32 $0xffff, v28;
	v45 =	vadd.s32 v1, v60;
	v15 =	vand.u32 $0x7FFFFFFF, v63;
	vm15 =	vlt.s32 v63, $0x0  }
0xcb: {  	[tilespmem:v9+s11+$0x0] =	vst.idx.add.s32.msk vm13, v38;
	v9 =	vxor.u32 $0x80000000, v10;
	vm14 =	vlt.s32 v21, $0x0;
	v3 =	vxor.u32 $0xFFFFFFFF, v21  }
0xcc: {  	v16 =	vand.u32 $0x7FFFFFFF, v21;
	v13 =	vxor.u32 $0x80000000, v15;
	[tilespmem:v27+s11+$0x0] =	vst.idx.add.s32.msk vm6, v26;
	vm6 =	vlt.s32 v53, $0x0  }
0xcd: {  	v21 =	vsub.f32 v21, v20;
	v2 =	vxor.u32 $0x80000000, v16;
	v16 =	vand.u32 $0x7FFFFFFF, v20  }
0xce: {  	vm0 =	vlt.s32 v20, $0x0;
	v15 =	vand.u32 $0x7FFFFFFF, v7;
	v14 =	vxor.u32 $0x80000000, v16  }
0xcf: {  	v16 =	vand.u32 $0x7FFFFFFF, v62;
	v15 =	vxor.u32 $0x80000000, v15;
	v3 =	vsel vm14, v3, v2  }
0xd0: {  	v55 =	vld [tilespmem:s31+$0x10];
	v2 =	vxor.u32 $0xFFFFFFFF, v62;
	v17 =	vmul.f32 v21, v21;
	v16 =	vxor.u32 $0x80000000, v16  }
0xd1: {  	(xrf1) =	vunique.msk.u32 $0xffff, v61;
	v21 =	vsub.f32 v62, v63;
	v3 =	vshrl.u32 v3, $0x8;
	v47 =	vsel vm1, v2, v16  }
0xd2: {  	(xrf1) =	vunique.msk.u32 $0xffff, v42;
	vm1 =	vlt.s32 v7, $0x0;
	v16 =	vxor.u32 $0xFFFFFFFF, v7;
	v7 =	vsub.f32 v7, v53  }
0xd3: {  	(xrf1) =	vunique.msk.u32 $0xffff, v5;
	v3 =	vcvt.s32.f32 v3;
	v52 =	vadd.f32 v17, v41;
	v17 =	vxor.u32 $0xFFFFFFFF, v20  }
0xd4: {  	v15 =	vsel vm1, v16, v15;
	v16 =	vcvt.f32.s32 v8;
	v8 =	vmul.f32 v21, v21  }
0xd5: {  	(xrf1) =	vunique.msk.u32 $0xffff, v4;
	v20 =	vcvt.f32.s32 v6;
	v21 =	vxor.u32 $0xFFFFFFFF, v55;
	v14 =	vsel vm0, v17, v14  }
0xd6: {  	v17 =	vxor.u32 $0xFFFFFFFF, v63;
	v6 =	vmul.f32 v7, v7;
	v7 =	vsub.f32 v54, v55  }
0xd7: {  	[tilespmem:v11+s12+$0x0] =	vst.idx.add.s32.msk vm12, v37;
	v11 =	vshrl.u32 v15, $0x8;
	v15 =	vand.u32 $0x7FFFFFFF, v55;
	v3 =	vmul.f32 $8.544325820e-04, v3  }
0xd8: {  	v13 =	vsel vm15, v17, v13;
	v17 =	vcvt.f32.s32 v22;
	v22 =	vcvt.s32.f32 v24  }
0xd9: {  	_, v2, vm0 =	vpop (xrf1);
	v24 =	vmul.f32 $8.544325820e-04, v39;
	v11 =	vcvt.s32.f32 v11;
	v10 =	vshrl.u32 v13, $0x8  }
0xda: {  	v56 =	vadd.s32 v1, v2;
	v7 =	vmul.f32 v7, v7;
	v10 =	vcvt.s32.f32 v10;
	_, v2, vm1 =	vpop (xrf1)  }
0xdb: {  	v3 =	vtrunc.f32 v3;
	(xrf1) =	vunique.msk.u32 $0xffff, v17;
	v12 =	vadd.s32 v1, v2;
	v2 =	vadd.f32 v8, v52  }
0xdc: {  	s18 =	simm.s32 $0x8160;
	v15 =	vxor.u32 $0x80000000, v15;
	v11 =	vmul.f32 $8.544325820e-04, v11;
	(xrf1) =	vunique.msk.u32 $0xffff, v16;
	v10 =	vmul.f32 $8.544325820e-04, v10  }
0xdd: {  	v57 =	vld [tilespmem:s18+$0xFFFFFFE0];
	v8 =	vand.u32 $0x7FFFFFFF, v53;
	(xrf1) =	vunique.msk.u32 $0xffff, v20;
	v6 =	vadd.f32 v6, v2;
	v2 =	vcvt.f32.s32 v33  }
0xde: {  	s17 =	simm.s32 $0x160;
	[tilespmem:v25+s12+$0x0] =	vst.idx.add.s32.msk vm2, v58;
	v11 =	vtrunc.f32 v11;
	v8 =	vxor.u32 $0x80000000, v8;
	v10 =	vtrunc.f32 v10  }
0xdf: {  	v26 =	vld [tilespmem:s17+$0x10];
	_, v13, vm2 =	vpop (xrf1);
	v30 =	vadd.f32 v7, v6;
	v6 =	vxor.u32 $0xFFFFFFFF, v53;
	v7 =	vxor.u32 $0xFFFFFFFF, v54;
	(xrf1) =	vunique.msk.u32 $0xffff, v2  }
0xe0: {  	[tilespmem:v23+s11+$0x0] =	vst.idx.add.s32.msk vm3, v40;
	v6 =	vsel vm6, v6, v8;
	vm6 =	vlt.s32 v54, $0x0;
	v8 =	vshrl.u32 v14, $0x8;
	_, v14, vm3 =	vpop (xrf1)  }
0xe1: {  	[tilespmem:v18+s12+$0x0] =	vst.idx.add.s32.msk vm5, v44;
	v7 =	vsel vm6, v7, v9;
	v9 =	vshrl.u32 v47, $0x8;
	v6 =	vshrl.u32 v6, $0x8;
	_, v18, vm5 =	vpop (xrf1)  }
0xe2: {  	[tilespmem:v19+s11+$0x0] =	vst.idx.add.s32.msk vm4, v45;
	v8 =	vcvt.s32.f32 v8;
	v7 =	vshrl.u32 v7, $0x8;
	v9 =	vcvt.s32.f32 v9  }
0xe3: {  	[tilespmem:v28+s11+$0x0] =	vst.idx.add.s32.msk vm1, v12;
	v12 =	vadd.s32 v1, v13;
	v6 =	vcvt.s32.f32 v6;
	_, v19, vm4 =	vpop (xrf1);
	v7 =	vcvt.s32.f32 v7  }
0xe4: {  	[tilespmem:v31+s12+$0x0] =	vst.idx.add.s32.msk vm0, v56;
	vm6 =	vlt.s32 v55, $0x0;
	v8 =	vmul.f32 $8.544325820e-04, v8;
	v9 =	vmul.f32 $8.544325820e-04, v9  }
0xe5: {  	[tilespmem:v61+s11+$0x0] =	vst.idx.add.s32.msk vm2, v12;
	v12 =	vadd.s32 v1, v14;
	v6 =	vmul.f32 $8.544325820e-04, v6;
	v7 =	vmul.f32 $8.544325820e-04, v7  }
0xe6: {  	v8 =	vtrunc.f32 v8;
	v13 =	vtrunc.f32 v9;
	[tilespmem:v42+s12+$0x0] =	vst.idx.add.s32.msk vm3, v12;
	v9 =	vadd.s32 v1, v18  }
0xe7: {  	v12 =	vtrunc.f32 v6;
	v6 =	vcvt.f32.s32 v3;
	[tilespmem:v5+s11+$0x0] =	vst.idx.add.s32.msk vm5, v9;
	v5 =	vadd.s32 v1, v19  }
0xe8: {  	v18 =	vld [tilespmem:s17+$0xFFFFFFE0];
	v9 =	vsel vm6, v21, v15;
	v14 =	vtrunc.f32 v7;
	v7 =	vcvt.f32.s32 v13  }
0xe9: {  	[tilespmem:v4+s12+$0x0] =	vst.idx.add.s32.msk vm4, v5;
	_, v3, vm4 =	vpop (xrf1);
	v15 =	vshrl.u32 v9, $0x8;
	v9 =	vcvt.f32.s32 v8;
	v8 =	vcvt.f32.s32 v10  }
0xea: {  	v63 =	vand.u32 $0x7FFFFFFF, v26;
	v19 =	vld [tilespmem:s17+$0xFFFFFFF0];
	v5 =	vcvt.f32.s32 v12;
	(xrf1) =	vunique.msk.u32 $0xffff, v6;
	v12 =	vmul.f32 $8.544325820e-04, v22;
	_, v4, vm2 =	vpop (xrf1)  }
0xeb: {  	v21 =	vld [tilespmem:s18+$0xFFFFFFF0];
	v31 =	vadd.s32 v1, v3;
	v3 =	vcvt.f32.s32 v11;
	_, v10, vm1 =	vpop (xrf1);
	v58 =	vadd.s32 v1, v4;
	(xrf1) =	vunique.msk.u32 $0xffff, v9  }
0xec: {  	v4 =	vcvt.f32.s32 v14;
	v59 =	vadd.s32 v1, v10;
	v10 =	vcvt.s32.f32 v15;
	(xrf1) =	vunique.msk.u32 $0xffff, v7  }
0xed: {  	v23 =	vld [tilespmem:s17+$0x0];
	vm3 =	vlt.s32 v18, $0x0;
	v22 =	vxor.u32 $0xFFFFFFFF, v18;
	v15 =	vand.u32 $0x7FFFFFFF, v18;
	(xrf1) =	vunique.msk.u32 $0xffff, v8;
	_, v11, vm0 =	vpop (xrf1)  }
0xee: {  	v18 =	vsub.f32 v18, v57;
	(xrf1) =	vunique.msk.u32 $0xffff, v3;
	v14 =	vadd.s32 v1, v11;
	v11 =	vtrunc.f32 v24;
	v24 =	vld [tilespmem:s18+$0x0]  }
0xef: {  	v13 =	vcvt.f32.s32 v29;
	v25 =	vxor.u32 $0x80000000, v15;
	v15 =	vand.u32 $0x7FFFFFFF, v57;
	(xrf1) =	vunique.msk.u32 $0xffff, v5  }
0xf0: {  	v60 =	vsub.f32 v19, v21;
	v27 =	vxor.u32 $0x80000000, v15;
	v15 =	vld [tilespmem:s18+$0x10];
	v18 =	vmul.f32 v18, v18;
	(xrf1) =	vunique.msk.u32 $0xffff, v4  }
0xf1: {  	v32 =	vxor.u32 $0x80000000, v63;
	v33 =	vxor.u32 $0xFFFFFFFF, v57;
	(xrf1) =	vunique.msk.u32 $0xffff, v13  }
0xf2: {  	v61 =	vand.u32 $0x7FFFFFFF, v23;
	[tilespmem:v17+s11+$0x0] =	vst.idx.add.s32.msk vm4, v31;
	v17 =	vadd.f32 v18, v30;
	v18 =	vmul.f32 v60, v60  }
0xf3: {  	vm5 =	vlt.s32 v57, $0x0;
	v28 =	vand.u32 $0x7FFFFFFF, v19;
	v31 =	vsub.f32 v23, v24  }
0xf4: {  	v29 =	vand.u32 $0x7FFFFFFF, v21;
	v28 =	vxor.u32 $0x80000000, v28;
	[tilespmem:v16+s12+$0x0] =	vst.idx.add.s32.msk vm2, v58;
	v16 =	vadd.f32 v18, v17  }
0xf5: {  	v17 =	vsub.f32 v26, v15;
	v62 =	vand.u32 $0x7FFFFFFF, v24;
	v18 =	vmul.f32 v31, v31  }
0xf6: {  	s19 =	simm.s32 $0x14;
	v29 =	vxor.u32 $0x80000000, v29;
	v30 =	vxor.u32 $0x80000000, v61;
	[tilespmem:v20+s11+$0x0] =	vst.idx.add.s32.msk vm1, v59;
	v31 =	vxor.u32 $0x80000000, v62  }
.LBB2_4:
0xf7: {  	s19 =	sadd.s32 $0x4, s19;
	vm1 =	vlt.s32 v19, $0x0;
	v16 =	vadd.f32 v18, v16;
	v20 =	vmul.f32 v17, v17;
	[tilespmem:v2+s12+$0x0] =	vst.idx.add.s32.msk vm0, v14  }
0xf8: {  	v2 =	vxor.u32 $0xFFFFFFFF, v19;
	vm0 =	vlt.s32 v21, $0x0;
	v14 =	vxor.u32 $0xFFFFFFFF, v21;
	p0 =	slt.u32 s19, $0x7FC;
	_, v18, vm6 =	vpop (xrf1)  }
0xf9: {  	vm2 =	vlt.s32 v23, $0x0;
	v19 =	vxor.u32 $0xFFFFFFFF, v23;
	v16 =	vadd.f32 v20, v16;
	_, v17, vm7 =	vpop (xrf1)  }
0xfa: {  	vm9 =	vlt.s32 v24, $0x0;
	vm10 =	vlt.s32 v26, $0x0;
	v20 =	vxor.u32 $0xFFFFFFFF, v24;
	_, v21, vm8 =	vpop (xrf1)  }
0xfb: {  	v22 =	vsel vm3, v22, v25;
	v23 =	vsel vm5, v33, v27;
	v24 =	vxor.u32 $0xFFFFFFFF, v26;
	_, v25, vm3 =	vpop (xrf1)  }
0xfc: {  	v2 =	vsel vm1, v2, v28;
	v14 =	vsel vm0, v14, v29;
	v19 =	vsel vm2, v19, v30;
	_, v26, vm4 =	vpop (xrf1)  }
0xfd: {  	v22 =	vshrl.u32 v22, $0x8;
	v20 =	vsel vm9, v20, v31;
	v24 =	vsel vm10, v24, v32;
	_, v27, vm2 =	vpop (xrf1)  }
0xfe: {  	v23 =	vshrl.u32 v23, $0x8;
	v28 =	vshrl.u32 v2, $0x8;
	v14 =	vshrl.u32 v14, $0x8;
	_, v29, vm1 =	vpop (xrf1)  }
0xff: {  	v19 =	vshrl.u32 v19, $0x8;
	v20 =	vshrl.u32 v20, $0x8;
	v24 =	vshrl.u32 v24, $0x8;
	_, v30, vm0 =	vpop (xrf1)  }
0x100: {  	v22 =	vcvt.s32.f32 v22;
	v23 =	vcvt.s32.f32 v23;
	v31 =	vand.u32 $0x7FFFFFFF, v15;
	v2 =	vmovc v13  }
0x101: {  	v14 =	vcvt.s32.f32 v14;
	v13 =	vcvt.s32.f32 v28;
	v28 =	vxor.u32 $0x80000000, v31  }
0x102: {  	vm5 =	vlt.s32 v15, $0x0;
	v19 =	vcvt.s32.f32 v19;
	v20 =	vcvt.s32.f32 v20  }
0x103: {  	v15 =	vxor.u32 $0xFFFFFFFF, v15;
	v22 =	vmul.f32 $8.544325820e-04, v22;
	v24 =	vcvt.s32.f32 v24  }
0x104: {  	v23 =	vmul.f32 $8.544325820e-04, v23;
	v15 =	vsel vm5, v15, v28;
	v13 =	vmul.f32 $8.544325820e-04, v13  }
0x105: {  	v14 =	vmul.f32 $8.544325820e-04, v14;
	v19 =	vmul.f32 $8.544325820e-04, v19;
	v15 =	vshrl.u32 v15, $0x8  }
0x106: {  	v18 =	vadd.s32 v1, v18;
	v20 =	vmul.f32 $8.544325820e-04, v20;
	v24 =	vmul.f32 $8.544325820e-04, v24  }
0x107: {  	v22 =	vtrunc.f32 v22;
	v23 =	vtrunc.f32 v23;
	[tilespmem:v6+s11+$0x0] =	vst.idx.add.s32.msk vm6, v18;
	v6 =	vadd.s32 v1, v17  }
0x108: {  	v14 =	vtrunc.f32 v14;
	v13 =	vtrunc.f32 v13;
	[tilespmem:v9+s12+$0x0] =	vst.idx.add.s32.msk vm7, v6;
	v6 =	vadd.s32 v1, v21  }
0x109: {  	v17 =	vtrunc.f32 v19;
	v18 =	vtrunc.f32 v20;
	[tilespmem:v7+s11+$0x0] =	vst.idx.add.s32.msk vm8, v6;
	v7 =	vadd.s32 v1, v25  }
0x10a: {  	s17 =	sadd.s32 $0x40, s17;
	v31 =	vadd.s32 v1, v26;
	v20 =	vtrunc.f32 v24;
	v6 =	vcvt.f32.s32 v22;
	[tilespmem:v8+s12+$0x0] =	vst.idx.add.s32.msk vm3, v7  }
0x10b: {  	s18 =	sadd.s32 $0x40, s18;
	v32 =	vadd.s32 v1, v27;
	v9 =	vcvt.f32.s32 v23;
	v7 =	vcvt.f32.s32 v13;
	v26 =	vld [tilespmem:s17+$0xFFFFFFE0]  }
0x10c: {  	v34 =	vadd.s32 v1, v29;
	v17 =	vcvt.f32.s32 v17;
	v8 =	vcvt.f32.s32 v14;
	v33 =	vld [tilespmem:s18+$0xFFFFFFE0];
	(xrf1) =	vunique.msk.u32 $0xffff, v6  }
0x10d: {  	v18 =	vcvt.f32.s32 v18;
	v20 =	vcvt.f32.s32 v20;
	v14 =	vadd.s32 v1, v30;
	v19 =	vld [tilespmem:s17+$0xFFFFFFF0];
	(xrf1) =	vunique.msk.u32 $0xffff, v9  }
0x10e: {  	v25 =	vmul.f32 $8.544325820e-04, v10;
	v10 =	vcvt.s32.f32 v15;
	v21 =	vld [tilespmem:s18+$0xFFFFFFF0];
	(xrf1) =	vunique.msk.u32 $0xffff, v7  }
0x10f: {  	v13 =	vcvt.f32.s32 v11;
	v11 =	vtrunc.f32 v12;
	v23 =	vld [tilespmem:s17+$0x0];
	(xrf1) =	vunique.msk.u32 $0xffff, v8  }
0x110: {  	v12 =	vmovc v25;
	vm3 =	vlt.s32 v26, $0x0;
	v22 =	vxor.u32 $0xFFFFFFFF, v26;
	v15 =	vand.u32 $0x7FFFFFFF, v26;
	v24 =	vld [tilespmem:s18+$0x0];
	(xrf1) =	vunique.msk.u32 $0xffff, v17  }
0x111: {  	v25 =	vxor.u32 $0x80000000, v15;
	v15 =	vand.u32 $0x7FFFFFFF, v33;
	v28 =	vsub.f32 v26, v33;
	v26 =	vld [tilespmem:s17+$0x10];
	(xrf1) =	vunique.msk.u32 $0xffff, v18  }
0x112: {  	vm5 =	vlt.s32 v33, $0x0;
	v27 =	vxor.u32 $0x80000000, v15;
	v29 =	vand.u32 $0x7FFFFFFF, v19;
	v15 =	vld [tilespmem:s18+$0x10];
	(xrf1) =	vunique.msk.u32 $0xffff, v20  }
0x113: {  	v30 =	vmul.f32 v28, v28;
	v35 =	vand.u32 $0x7FFFFFFF, v21;
	v36 =	vsub.f32 v19, v21;
	(xrf1) =	vunique.msk.u32 $0xffff, v13  }
.Ltmp1:
0x114: {  	v28 =	vxor.u32 $0x80000000, v29;
	v29 =	vxor.u32 $0x80000000, v35;
	v35 =	vand.u32 $0x7FFFFFFF, v23;
	[tilespmem:v3+s11+$0x0] =	vst.idx.add.s32.msk vm4, v31;
	v3 =	vmovc v17;
	(pc) =	sbr.rel @p0 .LBB2_4-.Ltmp1, $4  }
0x115: {  	v16 =	vadd.f32 v30, v16;
	v17 =	vmul.f32 v36, v36;
	v31 =	vsub.f32 v23, v24  }
0x116: {  	v30 =	vxor.u32 $0x80000000, v35;
	v35 =	vand.u32 $0x7FFFFFFF, v24;
	v36 =	vand.u32 $0x7FFFFFFF, v26;
	[tilespmem:v5+s12+$0x0] =	vst.idx.add.s32.msk vm2, v32;
	v5 =	vmovc v18  }
0x117: {  	v16 =	vadd.f32 v17, v16;
	v18 =	vmul.f32 v31, v31;
	v17 =	vsub.f32 v26, v15  }
0x118: {  	v33 =	vxor.u32 $0xFFFFFFFF, v33;
	v31 =	vxor.u32 $0x80000000, v35;
	v32 =	vxor.u32 $0x80000000, v36;
	[tilespmem:v4+s11+$0x0] =	vst.idx.add.s32.msk vm1, v34;
	v4 =	vmovc v20  }
0x119: {  	vm1 =	vlt.s32 v19, $0x0;
	v42 =	vxor.u32 $0xFFFFFFFF, v19;
	vm2 =	vlt.s32 v21, $0x0  }
0x11a: {  	v20 =	vxor.u32 $0xFFFFFFFF, v21;
	vm4 =	vlt.s32 v23, $0x0;
	v43 =	vxor.u32 $0xFFFFFFFF, v23  }
0x11b: {  	vm6 =	vlt.s32 v24, $0x0;
	v44 =	vxor.u32 $0xFFFFFFFF, v24;
	vm7 =	vlt.s32 v26, $0x0  }
0x11c: {  	v22 =	vsel vm3, v22, v25;
	v45 =	vsel vm5, v33, v27;
	v46 =	vxor.u32 $0xFFFFFFFF, v26  }
0x11d: {  	v47 =	vand.u32 $0x7FFFFFFF, v15;
	vm13 =	vlt.s32 v15, $0x0;
	v48 =	vxor.u32 $0xFFFFFFFF, v15  }
0x11e: {  	v10 =	vmul.f32 $8.544325820e-04, v10;
	v19 =	vsel vm1, v42, v28;
	v20 =	vsel vm2, v20, v29  }
0x11f: {  	v21 =	vsel vm4, v43, v30;
	v22 =	vshrl.u32 v22, $0x8;
	v23 =	vsel vm6, v44, v31  }
0x120: {  	v25 =	vsel vm7, v46, v32;
	v24 =	vshrl.u32 v45, $0x8;
	v26 =	vxor.u32 $0x80000000, v47  }
0x121: {  	v19 =	vshrl.u32 v19, $0x8;
	v20 =	vshrl.u32 v20, $0x8;
	v22 =	vcvt.s32.f32 v22  }
0x122: {  	v21 =	vshrl.u32 v21, $0x8;
	v24 =	vcvt.s32.f32 v24;
	v23 =	vshrl.u32 v23, $0x8  }
0x123: {  	v25 =	vshrl.u32 v25, $0x8;
	v19 =	vcvt.s32.f32 v19;
	v20 =	vcvt.s32.f32 v20  }
0x124: {  	v15 =	vsel vm13, v48, v26;
	v21 =	vcvt.s32.f32 v21;
	v23 =	vcvt.s32.f32 v23  }
0x125: {  	v25 =	vcvt.s32.f32 v25;
	v15 =	vshrl.u32 v15, $0x8;
	v22 =	vmul.f32 $8.544325820e-04, v22  }
0x126: {  	v24 =	vmul.f32 $8.544325820e-04, v24;
	v15 =	vcvt.s32.f32 v15  }
0x127: {  	v19 =	vmul.f32 $8.544325820e-04, v19;
	v20 =	vmul.f32 $8.544325820e-04, v20  }
0x128: {  	v21 =	vmul.f32 $8.544325820e-04, v21;
	v23 =	vmul.f32 $8.544325820e-04, v23  }
0x129: {  	v25 =	vmul.f32 $8.544325820e-04, v25;
	v22 =	vtrunc.f32 v22  }
0x12a: {  	v24 =	vtrunc.f32 v24;
	v22 =	vcvt.f32.s32 v22  }
0x12b: {  	v19 =	vtrunc.f32 v19;
	v24 =	vcvt.f32.s32 v24  }
0x12c: {  	v20 =	vtrunc.f32 v20;
	v19 =	vcvt.f32.s32 v19;
	(xrf1) =	vunique.msk.u32 $0xffff, v22  }
0x12d: {  	v21 =	vtrunc.f32 v21;
	v20 =	vcvt.f32.s32 v20;
	(xrf1) =	vunique.msk.u32 $0xffff, v24  }
0x12e: {  	v23 =	vtrunc.f32 v23;
	v21 =	vcvt.f32.s32 v21;
	(xrf1) =	vunique.msk.u32 $0xffff, v19  }
0x12f: {  	v25 =	vtrunc.f32 v25;
	v23 =	vcvt.f32.s32 v23;
	(xrf1) =	vunique.msk.u32 $0xffff, v20  }
0x130: {  	v12 =	vtrunc.f32 v12;
	_, v26, vm1 =	vpop (xrf1);
	v25 =	vcvt.f32.s32 v25;
	(xrf1) =	vunique.msk.u32 $0xffff, v21  }
0x131: {  	v11 =	vcvt.f32.s32 v11;
	v15 =	vmul.f32 $8.544325820e-04, v15;
	_, v49, vm14 =	vpop (xrf1);
	(xrf1) =	vunique.msk.u32 $0xffff, v23  }
0x132: {  	v12 =	vcvt.f32.s32 v12;
	v10 =	vtrunc.f32 v10;
	_, v50, vm15 =	vpop (xrf1);
	(xrf1) =	vunique.msk.u32 $0xffff, v25  }
0x133: {  	v10 =	vcvt.f32.s32 v10;
	v15 =	vtrunc.f32 v15;
	_, v51, vm9 =	vpop (xrf1);
	(xrf1) =	vunique.msk.u32 $0xffff, v11  }
0x134: {  	v15 =	vcvt.f32.s32 v15;
	_, v52, vm10 =	vpop (xrf1);
	(xrf1) =	vunique.msk.u32 $0xffff, v12  }
0x135: {  	[tilespmem:v2+s12+$0x0] =	vst.idx.add.s32.msk vm0, v14;
	v2 =	vadd.s32 v1, v26;
	(xrf1) =	vunique.msk.u32 $0xffff, v10  }
0x136: {  	[tilespmem:v6+s11+$0x0] =	vst.idx.add.s32.msk vm1, v2;
	v2 =	vadd.s32 v1, v49;
	(xrf1) =	vunique.msk.u32 $0xffff, v15  }
0x137: {  	_, v31, vm6 =	vpop (xrf1);
	[tilespmem:v9+s12+$0x0] =	vst.idx.add.s32.msk vm14, v2;
	v2 =	vadd.s32 v1, v50  }
0x138: {  	_, v14, vm0 =	vpop (xrf1);
	[tilespmem:v7+s11+$0x0] =	vst.idx.add.s32.msk vm15, v2;
	v2 =	vadd.s32 v1, v51  }
0x139: {  	_, v6, vm1 =	vpop (xrf1);
	[tilespmem:v8+s12+$0x0] =	vst.idx.add.s32.msk vm9, v2;
	v2 =	vadd.s32 v1, v52  }
0x13a: {  	[tilespmem:v3+s11+$0x0] =	vst.idx.add.s32.msk vm10, v2;
	v2 =	vadd.s32 v1, v14;
	_, v9, vm2 =	vpop (xrf1)  }
0x13b: {  	_, v7, vm3 =	vpop (xrf1)  }
0x13c: {  	v53 =	vadd.s32 v1, v31;
	_, v8, vm4 =	vpop (xrf1)  }
0x13d: {  	[tilespmem:v5+s12+$0x0] =	vst.idx.add.s32.msk vm6, v53;
	_, v3, vm5 =	vpop (xrf1)  }
0x13e: {  	v54 =	vadd.s32 v1, v6;
	[tilespmem:v4+s11+$0x0] =	vst.idx.add.s32.msk vm0, v2;
	_, v2, vm0 =	vpop (xrf1)  }
0x13f: {  	[tilespmem:v13+s12+$0x0] =	vst.idx.add.s32.msk vm1, v54;
	v56 =	vadd.s32 v1, v9;
	v3 =	vadd.s32 v1, v3;
	_, v55, vm11 =	vpop (xrf1)  }
0x140: {  	v58 =	vadd.s32 v1, v7;
	v2 =	vadd.s32 v1, v2;
	_, v57, vm12 =	vpop (xrf1);
	[tilespmem:v22+s11+$0x0] =	vst.idx.add.s32.msk vm2, v56  }
0x141: {  	v60 =	vadd.s32 v1, v8;
	_, v59, vm13 =	vpop (xrf1);
	[tilespmem:v24+s12+$0x0] =	vst.idx.add.s32.msk vm3, v58  }
0x142: {  	[tilespmem:v19+s11+$0x0] =	vst.idx.add.s32.msk vm4, v60;
	_, v61, vm14 =	vpop (xrf1)  }
0x143: {  	[tilespmem:v20+s12+$0x0] =	vst.idx.add.s32.msk vm5, v3;
	_, v3, vm15 =	vpop (xrf1)  }
0x144: {  	v4 =	vadd.s32 v1, v55;
	[tilespmem:v21+s11+$0x0] =	vst.idx.add.s32.msk vm0, v2;
	_, v2, vm0 =	vpop (xrf1)  }
0x145: {  	v6 =	vadd.s32 v1, v57;
	[tilespmem:v23+s12+$0x0] =	vst.idx.add.s32.msk vm11, v4  }
0x146: {  	v62 =	vadd.f32 v18, v16;
	v7 =	vadd.s32 v1, v59;
	[tilespmem:v25+s11+$0x0] =	vst.idx.add.s32.msk vm12, v6  }
0x147: {  	v63 =	vmul.f32 v17, v17;
	v5 =	vadd.s32 v1, v61;
	[tilespmem:v11+s12+$0x0] =	vst.idx.add.s32.msk vm13, v7  }
0x148: {  	v3 =	vadd.s32 v1, v3;
	[tilespmem:v12+s12+$0x0] =	vst.idx.add.s32.msk vm14, v5  }
0x149: {  	v4 =	vadd.f32 v63, v62;
	v2 =	vadd.s32 v1, v2;
	[tilespmem:v10+s12+$0x0] =	vst.idx.add.s32.msk vm15, v3  }
0x14a: {  	[tilespmem:v15+s12+$0x0] =	vst.idx.add.s32.msk vm0, v2  }
0x14b: {  	[tilespmem:$0x17000] =	vst v4  }
0x14c: {  	[hbm4b:s6+s13] =	stream.strided.scatter [tilespmem:s11], [sflag:$0x1], $0x3800, s14, s13, $0x38;
	[tilespmem:$0x17080] =	vst v63  }
0x14d: {  	_ =	swait.ge [sflag:s5], $0x3800  }
0x14e: {  	[sflag:s5] =	ssyncset.done $0x0  }
0x14f: {  	[sflag:s5] =	ssyncadd.s32 $0xFFFFC800  }
0x150: {  	[hbm4b:s7+s13] =	stream.strided.scatter [tilespmem:s12], [sflag:$0x1], $0x3800, s14, s13, $0x38;
	[tilespmem:$0x17080] =	vst v63  }
0x151: {  	s16 =	sadd.s32 $0x1, s16;
	_ =	swait.ge [sflag:s5], $0x3800  }
0x152: {  	p0 =	sne.s32 s16, s9;
	[sflag:s5] =	ssyncset.done $0x0  }
.Ltmp2:
0x153: {  	[sflag:s5] =	ssyncadd.s32 $0xFFFFC800;
	(pc) =	sbr.rel @p0 .LBB2_1-.Ltmp2, $4  }
0x154: {  	[hbm4b:s8+s1] =	stream.linear.scatter [tilespmem:s15], [sflag:$0x1], $0x80, $0x38;
	[tilespmem:$0x17080] =	vst v63  }
0x155: {  	_ =	swait.ge [sflag:s5], $0x80  }
0x156: {  	[sflag:s5] =	ssyncset.done $0x0  }
0x157: {  	[sflag:s5] =	ssyncadd.s32 $0xFFFFFF80  }
0x158: {  	_ =	sfence.sel $0x180000  }
0x159: {  	[bflag:$0x0] =	sbarrier.arrive $0xFFFF  }
0x15a: {  	p0 =	sne.s32 s2, $0x0;
	_ =	strace $0x90000047  }
0x15b: {  	s0 =	sadd.s32 @!p0 $0x100000, s0;
	[bflag:$0x2] =	sbarrier.arrive $0xFFFF  }
0x15c: {  	[sflag:s0] =	ssyncadd.tile.s32 @!p0 $0x1;
	_ =	shalt  }
.Lfunc_end2:
_tile_overlayer_lowered:
.L_overlay_start_2:
0x15d: {  	(tag) =	ssettag $0x2  }
0x15e: {  	s0 =	rddreg [dreg:$0x0];
	s2 =	stileid.u32  }
0x15f: {  	s1 =	rddreg [dreg:$0x1];
	p0 =	sne.s32 s2, $0x0  }
0x160: {  	s3 =	rddreg [dreg:$0x2];
	[bflag:$0x3] =	sbarrier.arrive $0xFFFF;
	s2 =	simm.s32 @!p0 $0x1C01  }
0x161: {  	[timem:s3], [sflag:s2] =	dma.local @!p0 [hbm:s0], s1  }
0x162: {  	s0 =	simm.s32 @!p0 $0x1  }
0x163: {  	_ =	swait.ge @!p0 [sflag:s0], s1  }
0x164: {  	s1 =	ssub.s32 @!p0 $0x0, s1;
	[sflag:s0] =	ssyncset.done @!p0 $0x0  }
0x165: {  	[sflag:s0] =	ssyncadd.s32 @!p0 s1  }
0x166: {  	[bflag:$0x3] =	sbarrier.arrive $0xFFFF  }
0x167: {  	_ =	shalt  }

// kernel: kernel.9.cloned.1.call-start
scs
__scs_entry_jumppad:
0x0: {  	(pc) =	sbr.rel $0x88, $3  }
0x1: {  	(tag) =	ssettag $0x0;
	lr =	simm.s32 $0x1  }
0x2: {  	[smem:$0x3F9F] =	sst lr;
	_ =	strace $0xD0000000  }
0x3: {  	_ = 	snop  }
0x4: {  	_ = 	snop  }
0x5: {  	_ = 	snop  }
0x6: {  	_ = 	snop  }
0x7: {  	_ = 	snop  }
__scs_overlays_trampoline_lowered:
0x8: {  	[smem:$0x3FAE] =	sst s0  }
0x9: {  	[smem:$0x3FAF] =	sst s1  }
0xa: {  	[smem:$0x3FB0] =	sst s2  }
0xb: {  	[smem:$0x3FB1] =	sst s3  }
0xc: {  	[smem:$0x3FB2] =	sst s4  }
0xd: {  	[smem:$0x3FB3] =	sst s5  }
0xe: {  	[smem:$0x3FB4] =	sst s6  }
0xf: {  	[smem:$0x3FB5] =	sst s7  }
0x10: {  	[smem:$0x3FB6] =	sst s8  }
0x11: {  	[smem:$0x3FB7] =	sst s9;
	s0 =	simm.s32 @!p0 $0x0  }
0x12: {  	s1 =	sld [smem:$0x3F9D];
	s0 =	simm.s32 @p0 $0x1  }
0x13: {  	[smem:$0x3FB8] =	sst s0;
	s0 =	simm.s32 @!p1 $0x0  }
0x14: {  	s2 =	sld [smem:$0x3F9C];
	s0 =	simm.s32 @p1 $0x1  }
0x15: {  	[smem:$0x3FB9] =	sst s0;
	s0 =	simm.s32 @!p2 $0x0  }
0x16: {  	s3 =	sld [smem:$0x3FDB];
	s0 =	simm.s32 @p2 $0x1  }
0x17: {  	s4 =	simm.s32 $0x1BF5;
	[smem:$0x3FBB] =	sst s0  }
0x18: {  	s0 =	sld [smem:$0x3F9E];
	_ =	swait.ge [sflag:s4], $0x0  }
0x19: {  	s7 =	sld [smem:$0x3F9F]  }
0x1a: {  	s8 =	sadd.s32 $0xFFFFE003, lr  }
0x1b: {  	s9 =	sadd.s32 $0xFFFFFEF7, lr;
	s5 =	simm.s32 $0xFFFFFFFF;
	p2 =	slt.u32 s8, $0xFFFFF086  }
0x1c: {  	p1 =	slt.u32 s9, $0xF7A;
	s5 =	simm.s32 @!p2 $0x0  }
0x1d: {  	s5 =	simm.s32 @p1 $0x1;
	p0 =	seq.s32 s7, s2  }
0x1e: {  	s7 =	smul.u32 @!p0 $0xF7A, s2;
	p2 =	seq.s32 @!p0 s5, $0x0  }
0x1f: {  	s9 =	smul.u32 $0xF7A, s1;
	s8 =	simm.s32 @!p0 $0x1BF5;
	p2 =	por !p2, p0  }
0x20: {  	[sflag:s8] =	ssyncset.s32 @!p0 $0xFFFFF086;
	s6 =	sadd.s32 @!p0 s3, s7;
	s7 =	simm.s32 @!p0 $0x108  }
0x21: {  	s3 =	sadd.s32 s3, s9;
	s6 =	sadd.s32 @!p0 $0x88, s6;
	s7 =	simm.s32 @p2 $0x1082  }
0x22: {  	[simem:s7], [sflag:s8] =	dma.local @!p0 [hbm:s6], $0xF7A  }
0x23: {  	s9 =	sor.u32 $0xD0000000, s2;
	s6 =	simm.s32 $0x108;
	_ =	swait.ge @!p0 [sflag:s8], $0x0  }
0x24: {  	s3 =	sadd.s32 $0x88, s3;
	s6 =	simm.s32 @!p1 $0x1082;
	[sflag:s4] =	ssyncset.s32 $0xFFFFF086  }
0x25: {  	[simem:s6], [sflag:s4] =	dma.local [hbm:s3], $0xF7A  }
0x26: {  	[smem:$0x3F9F] =	sst s1;
	(tag) =	ssettag s2;
	_ =	strace s9  }
0x27: {  	s1 =	sld [smem:$0x3FAF]  }
0x28: {  	s2 =	sld [smem:$0x3FB0]  }
0x29: {  	s4 =	sld [smem:$0x3FB2]  }
0x2a: {  	p0 =	seq.s32 s5, $0x0;
	s5 =	sld [smem:$0x3FB3]  }
0x2b: {  	s6 =	sld [smem:$0x3FB4]  }
0x2c: {  	s7 =	sld [smem:$0x3FB5]  }
0x2d: {  	s3 =	simm.s32 $0x108;
	s8 =	sld [smem:$0x3FB6]  }
0x2e: {  	s3 =	simm.s32 @!p0 $0x1082;
	s9 =	sld [smem:$0x3FB7]  }
0x2f: {  	lr =	sadd.s32 s0, s3;
	s0 =	sld [smem:$0x3FAE]  }
0x30: {  	s3 =	sld [smem:$0x3FB1]  }
0x31: {  	[smem:$0x3FBA] =	sst s10  }
0x32: {  	s10 =	sld [smem:$0x3FB8];
	_ =	sdelay $0x3  }
0x33: {  	p0 =	seq.s32 s10, $0x1;
	s10 =	sld [smem:$0x3FBA];
	_ =	sdelay $0x3  }
0x34: {  	[smem:$0x3FBA] =	sst s10  }
0x35: {  	s10 =	sld [smem:$0x3FB9];
	_ =	sdelay $0x3  }
0x36: {  	p1 =	seq.s32 s10, $0x1;
	s10 =	sld [smem:$0x3FBA];
	_ =	sdelay $0x3  }
0x37: {  	[smem:$0x3FBA] =	sst s10  }
0x38: {  	s10 =	sld [smem:$0x3FBB]  }
0x39: {  	_ = 	snop;
	(pc) =	sbr.ind lr, $3  }
0x3a: {  	_ = 	snop  }
0x3b: {  	_ = 	snop  }
0x3c: {  	p2 =	seq.s32 s10, $0x1;
	s10 =	sld [smem:$0x3FBA]  }
0x3d: {  	_ =	shalt  }
0x3e: {  	_ =	shalt  }
0x3f: {  	_ =	shalt  }
0x40: {  	_ =	shalt  }
0x41: {  	_ =	shalt  }
0x42: {  	_ =	shalt  }
0x43: {  	_ =	shalt  }
0x44: {  	_ =	shalt  }
0x45: {  	_ =	shalt  }
0x46: {  	_ =	shalt  }
0x47: {  	_ =	shalt  }
0x48: {  	_ =	shalt  }
0x49: {  	_ =	shalt  }
0x4a: {  	_ =	shalt  }
0x4b: {  	_ =	shalt  }
0x4c: {  	_ =	shalt  }
0x4d: {  	_ =	shalt  }
0x4e: {  	_ =	shalt  }
0x4f: {  	_ =	shalt  }
0x50: {  	_ =	shalt  }
0x51: {  	_ =	shalt  }
0x52: {  	_ =	shalt  }
0x53: {  	_ =	shalt  }
0x54: {  	_ =	shalt  }
0x55: {  	_ =	shalt  }
0x56: {  	_ =	shalt  }
0x57: {  	_ =	shalt  }
0x58: {  	_ =	shalt  }
0x59: {  	_ =	shalt  }
0x5a: {  	_ =	shalt  }
0x5b: {  	_ =	shalt  }
0x5c: {  	_ =	shalt  }
0x5d: {  	_ =	shalt  }
0x5e: {  	_ =	shalt  }
0x5f: {  	_ =	shalt  }
0x60: {  	_ =	shalt  }
0x61: {  	_ =	shalt  }
0x62: {  	_ =	shalt  }
0x63: {  	_ =	shalt  }
0x64: {  	_ =	shalt  }
0x65: {  	_ =	shalt  }
0x66: {  	_ =	shalt  }
0x67: {  	_ =	shalt  }
0x68: {  	_ =	shalt  }
0x69: {  	_ =	shalt  }
0x6a: {  	_ =	shalt  }
0x6b: {  	_ =	shalt  }
0x6c: {  	_ =	shalt  }
0x6d: {  	_ =	shalt  }
0x6e: {  	_ =	shalt  }
0x6f: {  	_ =	shalt  }
0x70: {  	_ =	shalt  }
0x71: {  	_ =	shalt  }
0x72: {  	_ =	shalt  }
0x73: {  	_ =	shalt  }
0x74: {  	_ =	shalt  }
0x75: {  	_ =	shalt  }
0x76: {  	_ =	shalt  }
0x77: {  	_ =	shalt  }
0x78: {  	_ =	shalt  }
0x79: {  	_ =	shalt  }
0x7a: {  	_ =	shalt  }
0x7b: {  	_ =	shalt  }
0x7c: {  	_ =	shalt  }
0x7d: {  	_ =	shalt  }
0x7e: {  	_ =	shalt  }
0x7f: {  	_ =	shalt  }
0x80: {  	_ =	shalt  }
0x81: {  	_ =	shalt  }
0x82: {  	_ =	shalt  }
0x83: {  	_ =	shalt  }
0x84: {  	_ =	shalt  }
0x85: {  	_ =	shalt  }
0x86: {  	_ =	shalt  }
0x87: {  	_ =	shalt  }
.Lfunc_end0:
.L_simem_size_0:
called_computation.1_lowered:
.L_overlay_start_0:
0x88: {  	s2 =	sld [smem:$0x3FD9]  }
0x89: {  	s3 =	sld [smem:$0x3FFE];
	_ =	sdelay $0x1  }
0x8a: {  	s1 =	srdreg.scid  }
0x8b: {  	s0 =	sand.u32 $0x1, s1  }
0x8c: {  	s16 =	sshll.u32 s0, $0xA;
	s2 =	sadd.s32 s3, s2  }
0x8d: {  	s2 =	sadd.s32 s2, s16  }
0x8e: {  	[smem:$0x3FC6] =	sst s2  }
0x8f: {  	_ = 	snop  }
0x90: {  	(tm) =	ssettm $0x1  }
0x91: {  	s17 =	sld [smem:$0x3FFB];
	_ =	sdelay $0x3  }
0x92: {  	_ =	strace s17  }
0x93: {  	s2 =	sld [smem:$0x3FFC];
	_ =	sdelay $0x3  }
0x94: {  	_ =	strace s2  }
0x95: {  	s2 =	sld [smem:$0x3FFD];
	_ =	sdelay $0x3  }
0x96: {  	_ =	strace s2  }
0x97: {  	_ =	strace $0x8FFFFFFF  }
0x98: {  	s18 =	sld [smem:$0x3FDB];
	_ =	sdelay $0x1  }
0x99: {  	s19 =	simm.s32 $_scs_section_size  }
0x9a: {  	s4 =	simm.s32 $_size__tile_overlayer_lowered;
	s5 =	simm.s32 $_tile_overlayer_lowered  }
0x9b: {  	s22 =	simm.s32 $0x1BFF;
	s21 =	sshll.u32 s5, $0x1;
	s2 =	sadd.s32 s19, s18  }
0x9c: {  	s6 =	simm.s32 $0x0;
	s20 =	sshll.u32 s4, $0x1;
	s4 =	sadd.s32 s21, s2  }
0x9d: {  	[timem:s6], [sflag:s22] =	dma.local [hbm:s4], s20  }
0x9e: {  	_ =	swait.ge [sflag:s22], s20  }
0x9f: {  	s3 =	ssub.s32 $0x0, s20;
	[sflag:s22] =	ssyncset.done $0x0  }
0xa0: {  	[sflag:s22] =	ssyncadd.s32 s3;
	_ =	sdelay $0x1  }
0xa1: {  	s23 =	simm.s32 $0x1B8B  }
0xa2: {  	_ =	swait.ge [sflag:s23], $0x1  }
0xa3: {  	[sflag:s23] =	ssyncset.done $0x0  }
0xa4: {  	s25 =	simm.s32 $0x1B8E;
	s24 =	sld [smem:$0x3FFE];
	[sflag:s23] =	ssyncadd.s32 $0xFFFFFFFF  }
0xa5: {  	s26 =	simm.s32 $execute0_lowered;
	[smem:$0x3FD2] =	sst s25  }
0xa6: {  	s4 =	sshll.u32 s26, $0x1;
	_ =	strace $0x80000049;
	[dreg:$0x1] =	wrdreg $0xFFFFFFFF  }
0xa7: {  	s28 =	simm.s32 $_size_execute0_lowered;
	s2 =	sadd.s32 s2, s4;
	[dreg:$0x0] =	wrdreg $0x0  }
0xa8: {  	s4 =	sshll.u32 s28, $0x1;
	[dreg:$0x2] =	wrdreg s2  }
0xa9: {  	[dreg:$0x3] =	wrdreg s4  }
0xaa: {  	[dreg:$0x4] =	wrdreg $0xC0  }
0xab: {  	_ =	task [dreg:s6], $0x5FFFF  }
0xac: {  	[dreg:$0x1] =	wrdreg $0xFFFFFFFF  }
0xad: {  	[dreg:$0x0] =	wrdreg $0x60  }
0xae: {  	[dreg:$0x2] =	wrdreg s24  }
0xaf: {  	[dreg:$0x3] =	wrdreg $0x9  }
0xb0: {  	_ =	task.clear_ibuf [dreg:s6], $0x4FFFF;
	_ =	strace $0x90000049  }
0xb1: {  	s29 =	simm.s32 $0x9;
	_ =	strace $0x8000004B  }
0xb2: {  	_ =	swait.ge [sflag:s29], $0x1  }
0xb3: {  	[sflag:s29] =	ssyncadd.s32 $0xFFFFFFFF  }
0xb4: {  	_ =	strace $0x9000004B  }
0xb5: {  	_ =	sfence  }
0xb6: {  	s30 =	sld [smem:$0x0];
	_ =	sdelay $0x2  }
0xb7: {  	s31 =	sshll.u32 s1, $0xD;
	s1 =	sshrl.u32 s1, $0x2  }
0xb8: {  	s3 =	sand.u32 $0x4000, s31;
	s1 =	sadd.s32 s1, s30  }
0xb9: {  	s0 =	sor.u32 s3, s0;
	s1 =	sshll.u32 s1, $0x11  }
0xba: {  	s0 =	sor.u32 s1, s0  }
0xbb: {  	s0 =	sadd.s32 $0x8F2B, s0  }
0xbc: {  	[sflag:s0] =	ssyncadd.remote.s32 $0x1  }
0xbd: {  	_ =	sfence.sel $0xFFFF  }
0xbe: {  	[dreg:$0x0] =	wrdreg $0xFFFFFFFF;
	(pc) =	sbr.abs _section_cstart, $3  }
0xbf: {  	[dreg:$0x1] =	wrdreg $0xFFFFFFFF  }
0xc0: {  	_ =	task.clear_ibuf [dreg:s6], $0x2FFFF;
	_ =	strace $0x9FFFFFFF  }
0xc1: {  	(tm) =	ssettm $0x7FFFFFFF  }
tec
execute0_lowered:
.L_overlay_start_1:
0x0: {  	(tag) =	ssettag $0x1  }
0x1: {  	s1 =	srdreg.scid  }
0x2: {  	s0 =	stileid.u32;
	s3 =	rddreg [dreg:$0x0];
	s2 =	simm.s32 $0x0  }
0x3: {  	s10 =	simm.s32 $0x1000;
	s11 =	simm.s32 $0x1C000;
	s12 =	simm.s32 $0x1  }
0x4: {  	s13 =	simm.s32 $0x4000;
	s14 =	simm.s32 $0x8400;
	s15 =	simm.s32 $0x0  }
0x5: {  	s4 =	sand.u32 $0x1, s1;
	s5 =	sshll.u32 s0, $0x1;
	[smem:$0x7FF] =	sst s2  }
0x6: {  	s1 =	rddreg [dreg:$0x1];
	s5 =	sor.u32 s4, s5;
	_ =	strace $0x8000004A  }
0x7: {  	s4 =	ssub.s32 $0x2, s4;
	s6 =	smin.u32 s5, $0x1B;
	s5 =	sshll.u32 s5, $0x4  }
0x8: {  	s31 =	sshrl.u32 s4, $0x1;
	s6 =	sshll.u32 s6, $0x9;
	s8 =	sadd.s32 s5, s3  }
0x9: {  	s9 =	ssub.s32 s4, s31;
	s7 =	sadd.s32 s6, s3;
	s5 =	sadd.s32 $0x2BA00, s8  }
0xa: {  	s8 =	sadd.s32 $0x39C00, s8;
	s9 =	smax.u32 s9, $0x1;
	s3 =	sadd.s32 $0x1800, s7  }
0xb: {  	v0 =	vimm.s32 $0x0;
	s4 =	sadd.s32 $0x1DA00, s7;
	s6 =	sadd.s32 $0xF800, s7;
	s7 =	sadd.s32 $0x2BC00, s7  }
.LBB2_1:
0xc: {  	[tilespmem:s2], [sflag:$0x1] =	stream.strided.gather [hbm4b:s3+s10], $0x4000, s11, s10, $0x38;
	[tilespmem:$0x8480] =	vst v63  }
0xd: {  	_ =	swait.ge [sflag:s12], $0x4000  }
0xe: {  	s16 =	sand.u32 $0xC00, s2;
	s17 =	sand.u32 $0x70, s2;
	[sflag:s12] =	ssyncset.done $0x0  }
0xf: {  	s16 =	sor.u32 s17, s16;
	[sflag:s12] =	ssyncadd.s32 $0xFFFFC000  }
0x10: {  	v1 =	vld [tilespmem:s16+$0x80]  }
0x11: {  	v2 =	vld [tilespmem:s16+$0x0]  }
0x12: {  	v3 =	vld [tilespmem:s16+$0x100];
	_ =	sdelay $0x2  }
0x13: {  	s25 =	sand.u32 $0xFFFFFC00, s2;
	[tilespmem:s16+$0x4000] =	vst v0  }
0x14: {  	s17 =	sadd.s32 $0x0, s25;
	[tilespmem:s16+$0x4080] =	vst v2;
	v1 =	vadd.s32 v2, v1  }
0x15: {  	s18 =	sor.u32 $0x180, s17;
	[tilespmem:s16+$0x4100] =	vst v1;
	v1 =	vadd.s32 v1, v3  }
0x16: {  	[tilespmem:s18+$0x4000] =	vst v1;
	v2 =	vld [tilespmem:s18+$0x0]  }
0x17: {  	v3 =	vld [tilespmem:s16+$0x200]  }
0x18: {  	v4 =	vld [tilespmem:s16+$0x280]  }
0x19: {  	v5 =	vld [tilespmem:s16+$0x300];
	_ =	sdelay $0x1  }
0x1a: {  	v1 =	vadd.s32 v1, v2  }
0x1b: {  	[tilespmem:s16+$0x4200] =	vst v1;
	v1 =	vadd.s32 v1, v3  }
0x1c: {  	s22 =	sor.u32 s2, s2;
	[tilespmem:s16+$0x4280] =	vst v1;
	v1 =	vadd.s32 v1, v4  }
0x1d: {  	s26 =	sor.u32 $0x380, s22;
	[tilespmem:s16+$0x4300] =	vst v1;
	v1 =	vadd.s32 v1, v5  }
0x1e: {  	[tilespmem:s26+$0x4000] =	vst v1;
	v2 =	vld [tilespmem:s26+$0x0]  }
0x1f: {  	v3 =	vld [tilespmem:s16+$0x1000]  }
0x20: {  	v54 =	vld [tilespmem:s16+$0x1080]  }
0x21: {  	v55 =	vld [tilespmem:s16+$0x1100];
	_ =	sdelay $0x1  }
0x22: {  	v1 =	vadd.s32 v1, v2  }
0x23: {  	[tilespmem:s16+$0x5000] =	vst v1;
	v1 =	vadd.s32 v1, v3  }
0x24: {  	[tilespmem:s16+$0x5080] =	vst v1;
	v1 =	vadd.s32 v1, v54  }
0x25: {  	s28 =	sor.u32 $0x1180, s17;
	[tilespmem:s16+$0x5100] =	vst v1;
	v1 =	vadd.s32 v1, v55  }
0x26: {  	[tilespmem:s28+$0x4000] =	vst v1;
	v2 =	vld [tilespmem:s28+$0x0]  }
0x27: {  	v3 =	vld [tilespmem:s16+$0x1200]  }
0x28: {  	v56 =	vld [tilespmem:s16+$0x1280]  }
0x29: {  	v57 =	vld [tilespmem:s16+$0x1300];
	_ =	sdelay $0x1  }
0x2a: {  	v1 =	vadd.s32 v1, v2  }
0x2b: {  	[tilespmem:s16+$0x5200] =	vst v1;
	v1 =	vadd.s32 v1, v3  }
0x2c: {  	[tilespmem:s16+$0x5280] =	vst v1;
	v1 =	vadd.s32 v1, v56  }
0x2d: {  	s29 =	sor.u32 $0x1380, s22;
	[tilespmem:s16+$0x5300] =	vst v1;
	v1 =	vadd.s32 v1, v57  }
0x2e: {  	[tilespmem:s29+$0x4000] =	vst v1;
	v2 =	vld [tilespmem:s29+$0x0]  }
0x2f: {  	v3 =	vld [tilespmem:s16+$0x2000]  }
0x30: {  	v58 =	vld [tilespmem:s16+$0x2080]  }
0x31: {  	v59 =	vld [tilespmem:s16+$0x2100];
	_ =	sdelay $0x1  }
0x32: {  	v1 =	vadd.s32 v1, v2  }
0x33: {  	[tilespmem:s16+$0x6000] =	vst v1;
	v1 =	vadd.s32 v1, v3  }
0x34: {  	[tilespmem:s16+$0x6080] =	vst v1;
	v1 =	vadd.s32 v1, v58  }
0x35: {  	s30 =	sor.u32 $0x2180, s17;
	[tilespmem:s16+$0x6100] =	vst v1;
	v1 =	vadd.s32 v1, v59  }
0x36: {  	[tilespmem:s30+$0x4000] =	vst v1;
	v2 =	vld [tilespmem:s30+$0x0]  }
0x37: {  	v3 =	vld [tilespmem:s16+$0x2200]  }
0x38: {  	v60 =	vld [tilespmem:s16+$0x2280]  }
0x39: {  	v61 =	vld [tilespmem:s16+$0x2300];
	_ =	sdelay $0x1  }
0x3a: {  	v1 =	vadd.s32 v1, v2  }
0x3b: {  	[tilespmem:s16+$0x6200] =	vst v1;
	v1 =	vadd.s32 v1, v3  }
0x3c: {  	[tilespmem:s16+$0x6280] =	vst v1;
	v1 =	vadd.s32 v1, v60  }
0x3d: {  	s31 =	sor.u32 $0x2380, s22;
	[tilespmem:s16+$0x6300] =	vst v1;
	v2 =	vadd.s32 v1, v61  }
0x3e: {  	[tilespmem:s31+$0x4000] =	vst v2;
	v3 =	vld [tilespmem:s31+$0x0]  }
0x3f: {  	v62 =	vld [tilespmem:s16+$0x3000]  }
0x40: {  	v63 =	vld [tilespmem:s16+$0x3080];
	_ =	sdelay $0x1  }
0x41: {  	s19 =	simm.s32 $0x80;
	v1 =	vld [tilespmem:s16+$0x3100]  }
0x42: {  	s20 =	simm.s32 $0x8000;
	s21 =	sand.u32 $0xC00, s19;
	v2 =	vadd.s32 v2, v3  }
0x43: {  	s25 =	sor.u32 $0x3380, s22;
	s22 =	simm.s32 $0x100;
	s24 =	sor.u32 $0x3180, s17;
	[tilespmem:s16+$0x7000] =	vst v2;
	v2 =	vadd.s32 v2, v62  }
0x44: {  	s17 =	simm.s32 $0x8010;
	s18 =	simm.s32 $0x10;
	s26 =	simm.s32 $0x20;
	[tilespmem:s16+$0x7080] =	vst v2;
	v2 =	vadd.s32 v2, v63  }
.LBB2_2:
0x45: {  	s29 =	sand.u32 $0xC00, s22  }
0x46: {  	s30 =	sand.u32 $0x70, s18;
	[tilespmem:s16+$0x7100] =	vst v2;
	v1 =	vadd.s32 v2, v1;
	s28 =	smov.u32 s26;
	s23 =	sadd.s32 $0x10, s26  }
0x47: {  	p0 =	sne.s32 s26, $0x1F0;
	s26 =	sor.u32 s30, s21;
	[tilespmem:s24+$0x4000] =	vst v1;
	v2 =	vld [tilespmem:s24+$0x0];
	s21 =	smov.u32 s29  }
0x48: {  	v3 =	vld [tilespmem:s16+$0x3200]  }
0x49: {  	v4 =	vld [tilespmem:s16+$0x3280]  }
0x4a: {  	v5 =	vld [tilespmem:s16+$0x3300];
	_ =	sdelay $0x1  }
0x4b: {  	v1 =	vadd.s32 v1, v2  }
0x4c: {  	[tilespmem:s16+$0x7200] =	vst v1;
	v1 =	vadd.s32 v1, v3  }
0x4d: {  	[tilespmem:s16+$0x7280] =	vst v1;
	v1 =	vadd.s32 v1, v4  }
0x4e: {  	[tilespmem:s16+$0x7300] =	vst v1;
	v1 =	vadd.s32 v1, v5;
	s16 =	smov.u32 s26  }
0x4f: {  	[tilespmem:s25+$0x4000] =	vst v1;
	v2 =	vld [tilespmem:s25+$0x0];
	_ =	sdelay $0x4  }
0x50: {  	v1 =	vadd.s32 v1, v2  }
0x51: {  	[tilespmem:s20+$0x0] =	vst v1;
	s20 =	smov.u32 s17  }
0x52: {  	v1 =	vld [tilespmem:s16+$0x80]  }
0x53: {  	v2 =	vld [tilespmem:s16+$0x0]  }
0x54: {  	v3 =	vld [tilespmem:s16+$0x100];
	_ =	sdelay $0x2  }
0x55: {  	s24 =	sand.u32 $0xFFFFFC00, s19;
	[tilespmem:s16+$0x4000] =	vst v0  }
0x56: {  	s26 =	sadd.s32 s24, s18;
	[tilespmem:s16+$0x4080] =	vst v2;
	v1 =	vadd.s32 v2, v1  }
0x57: {  	s25 =	sor.u32 $0x180, s26;
	s24 =	sor.u32 $0x3180, s26;
	[tilespmem:s16+$0x4100] =	vst v1;
	v1 =	vadd.s32 v1, v3  }
0x58: {  	[tilespmem:s25+$0x4000] =	vst v1;
	v2 =	vld [tilespmem:s25+$0x0]  }
0x59: {  	v3 =	vld [tilespmem:s16+$0x200]  }
0x5a: {  	v4 =	vld [tilespmem:s16+$0x280]  }
0x5b: {  	v5 =	vld [tilespmem:s16+$0x300];
	_ =	sdelay $0x1  }
0x5c: {  	v1 =	vadd.s32 v1, v2  }
0x5d: {  	[tilespmem:s16+$0x4200] =	vst v1;
	v1 =	vadd.s32 v1, v3  }
0x5e: {  	s25 =	sor.u32 s18, s19;
	s18 =	smov.u32 s28;
	s19 =	smov.u32 s22;
	[tilespmem:s16+$0x4280] =	vst v1;
	v1 =	vadd.s32 v1, v4  }
0x5f: {  	s28 =	sor.u32 $0x380, s25;
	[tilespmem:s16+$0x4300] =	vst v1;
	v1 =	vadd.s32 v1, v5  }
0x60: {  	[tilespmem:s28+$0x4000] =	vst v1;
	v2 =	vld [tilespmem:s28+$0x0]  }
0x61: {  	v3 =	vld [tilespmem:s16+$0x1000]  }
0x62: {  	v4 =	vld [tilespmem:s16+$0x1080]  }
0x63: {  	v5 =	vld [tilespmem:s16+$0x1100];
	_ =	sdelay $0x1  }
0x64: {  	v1 =	vadd.s32 v1, v2  }
0x65: {  	[tilespmem:s16+$0x5000] =	vst v1;
	v1 =	vadd.s32 v1, v3  }
0x66: {  	[tilespmem:s16+$0x5080] =	vst v1;
	v1 =	vadd.s32 v1, v4  }
0x67: {  	s28 =	sor.u32 $0x1180, s26;
	[tilespmem:s16+$0x5100] =	vst v1;
	v1 =	vadd.s32 v1, v5  }
0x68: {  	[tilespmem:s28+$0x4000] =	vst v1;
	v2 =	vld [tilespmem:s28+$0x0]  }
0x69: {  	v3 =	vld [tilespmem:s16+$0x1200]  }
0x6a: {  	v4 =	vld [tilespmem:s16+$0x1280]  }
0x6b: {  	v5 =	vld [tilespmem:s16+$0x1300];
	_ =	sdelay $0x1  }
0x6c: {  	v1 =	vadd.s32 v1, v2  }
0x6d: {  	[tilespmem:s16+$0x5200] =	vst v1;
	v1 =	vadd.s32 v1, v3  }
0x6e: {  	[tilespmem:s16+$0x5280] =	vst v1;
	v1 =	vadd.s32 v1, v4  }
0x6f: {  	s28 =	sor.u32 $0x1380, s25;
	[tilespmem:s16+$0x5300] =	vst v1;
	v1 =	vadd.s32 v1, v5  }
0x70: {  	[tilespmem:s28+$0x4000] =	vst v1;
	v2 =	vld [tilespmem:s28+$0x0]  }
0x71: {  	v3 =	vld [tilespmem:s16+$0x2000]  }
0x72: {  	v4 =	vld [tilespmem:s16+$0x2080]  }
0x73: {  	v5 =	vld [tilespmem:s16+$0x2100];
	_ =	sdelay $0x1  }
0x74: {  	v1 =	vadd.s32 v1, v2  }
0x75: {  	[tilespmem:s16+$0x6000] =	vst v1;
	v1 =	vadd.s32 v1, v3  }
0x76: {  	[tilespmem:s16+$0x6080] =	vst v1;
	v1 =	vadd.s32 v1, v4  }
0x77: {  	s26 =	sor.u32 $0x2180, s26;
	[tilespmem:s16+$0x6100] =	vst v1;
	v1 =	vadd.s32 v1, v5  }
0x78: {  	[tilespmem:s26+$0x4000] =	vst v1;
	v2 =	vld [tilespmem:s26+$0x0]  }
0x79: {  	v3 =	vld [tilespmem:s16+$0x2200]  }
0x7a: {  	v4 =	vld [tilespmem:s16+$0x2280]  }
0x7b: {  	v5 =	vld [tilespmem:s16+$0x2300];
	_ =	sdelay $0x1  }
0x7c: {  	v1 =	vadd.s32 v1, v2  }
0x7d: {  	[tilespmem:s16+$0x6200] =	vst v1;
	v1 =	vadd.s32 v1, v3  }
0x7e: {  	[tilespmem:s16+$0x6280] =	vst v1;
	v1 =	vadd.s32 v1, v4  }
0x7f: {  	s26 =	sor.u32 $0x2380, s25;
	[tilespmem:s16+$0x6300] =	vst v1;
	v2 =	vadd.s32 v1, v5  }
0x80: {  	[tilespmem:s26+$0x4000] =	vst v2;
	v3 =	vld [tilespmem:s26+$0x0]  }
0x81: {  	v4 =	vld [tilespmem:s16+$0x3000]  }
0x82: {  	v5 =	vld [tilespmem:s16+$0x3080]  }
.Ltmp0:
0x83: {  	s25 =	sor.u32 $0x3380, s25;
	v1 =	vld [tilespmem:s16+$0x3100];
	(pc) =	sbr.rel @p0 .LBB2_2-.Ltmp0, $4  }
0x84: {  	_ = 	snop  }
0x85: {  	v2 =	vadd.s32 v2, v3  }
0x86: {  	[tilespmem:s16+$0x7000] =	vst v2;
	v2 =	vadd.s32 v2, v4  }
0x87: {  	s17 =	sadd.s32 $0x10, s17;
	s22 =	sadd.s32 $0x80, s22;
	s26 =	smov.u32 s23;
	[tilespmem:s16+$0x7080] =	vst v2;
	v2 =	vadd.s32 v2, v5  }
0x88: {  	[tilespmem:s16+$0x7100] =	vst v2;
	v1 =	vadd.s32 v2, v1  }
0x89: {  	[tilespmem:s24+$0x4000] =	vst v1;
	v2 =	vld [tilespmem:s24+$0x0]  }
0x8a: {  	v3 =	vld [tilespmem:s16+$0x3200]  }
0x8b: {  	v4 =	vld [tilespmem:s16+$0x3280];
	_ =	sdelay $0x2  }
0x8c: {  	v1 =	vadd.s32 v1, v2  }
0x8d: {  	[tilespmem:s16+$0x7200] =	vst v1;
	v1 =	vadd.s32 v1, v3  }
0x8e: {  	[tilespmem:s16+$0x7280] =	vst v1;
	v1 =	vadd.s32 v1, v4  }
0x8f: {  	v5 =	vld [tilespmem:s16+$0x3300];
	[tilespmem:s16+$0x7300] =	vst v1  }
0x90: {  	v2 =	vld [tilespmem:s25+$0x0];
	_ =	sdelay $0x3  }
0x91: {  	v1 =	vadd.s32 v1, v5  }
0x92: {  	s22 =	sand.u32 $0x70, s18;
	[tilespmem:s25+$0x4000] =	vst v1;
	v1 =	vadd.s32 v1, v2  }
0x93: {  	s16 =	sor.u32 s22, s21;
	[tilespmem:s20+$0x0] =	vst v1  }
0x94: {  	v1 =	vld [tilespmem:s16+$0x80]  }
0x95: {  	v2 =	vld [tilespmem:s16+$0x0]  }
0x96: {  	v3 =	vld [tilespmem:s16+$0x100];
	_ =	sdelay $0x2  }
0x97: {  	s23 =	sand.u32 $0xFFFFFC00, s19;
	[tilespmem:s16+$0x4000] =	vst v0  }
0x98: {  	s20 =	sadd.s32 s23, s18;
	[tilespmem:s16+$0x4080] =	vst v2;
	v1 =	vadd.s32 v2, v1  }
0x99: {  	s24 =	sor.u32 $0x180, s20;
	[tilespmem:s16+$0x4100] =	vst v1;
	v1 =	vadd.s32 v1, v3  }
0x9a: {  	[tilespmem:s24+$0x4000] =	vst v1;
	v2 =	vld [tilespmem:s24+$0x0]  }
0x9b: {  	v3 =	vld [tilespmem:s16+$0x200]  }
0x9c: {  	v51 =	vld [tilespmem:s16+$0x280]  }
0x9d: {  	v52 =	vld [tilespmem:s16+$0x300];
	_ =	sdelay $0x1  }
0x9e: {  	v1 =	vadd.s32 v1, v2  }
0x9f: {  	[tilespmem:s16+$0x4200] =	vst v1;
	v1 =	vadd.s32 v1, v3  }
0xa0: {  	s25 =	sor.u32 s18, s19;
	[tilespmem:s16+$0x4280] =	vst v1;
	v1 =	vadd.s32 v1, v51  }
0xa1: {  	s19 =	sor.u32 $0x380, s25;
	[tilespmem:s16+$0x4300] =	vst v1;
	v1 =	vadd.s32 v1, v52  }
0xa2: {  	[tilespmem:s19+$0x4000] =	vst v1;
	v2 =	vld [tilespmem:s19+$0x0]  }
0xa3: {  	v3 =	vld [tilespmem:s16+$0x1000]  }
0xa4: {  	v53 =	vld [tilespmem:s16+$0x1080]  }
0xa5: {  	v54 =	vld [tilespmem:s16+$0x1100];
	_ =	sdelay $0x1  }
0xa6: {  	v1 =	vadd.s32 v1, v2  }
0xa7: {  	[tilespmem:s16+$0x5000] =	vst v1;
	v1 =	vadd.s32 v1, v3  }
0xa8: {  	[tilespmem:s16+$0x5080] =	vst v1;
	v1 =	vadd.s32 v1, v53  }
0xa9: {  	s26 =	sor.u32 $0x1180, s20;
	[tilespmem:s16+$0x5100] =	vst v1;
	v1 =	vadd.s32 v1, v54  }
0xaa: {  	[tilespmem:s26+$0x4000] =	vst v1;
	v2 =	vld [tilespmem:s26+$0x0]  }
0xab: {  	v3 =	vld [tilespmem:s16+$0x1200]  }
0xac: {  	v55 =	vld [tilespmem:s16+$0x1280]  }
0xad: {  	v56 =	vld [tilespmem:s16+$0x1300];
	_ =	sdelay $0x1  }
0xae: {  	v1 =	vadd.s32 v1, v2  }
0xaf: {  	[tilespmem:s16+$0x5200] =	vst v1;
	v1 =	vadd.s32 v1, v3  }
0xb0: {  	[tilespmem:s16+$0x5280] =	vst v1;
	v1 =	vadd.s32 v1, v55  }
0xb1: {  	s28 =	sor.u32 $0x1380, s25;
	[tilespmem:s16+$0x5300] =	vst v1;
	v1 =	vadd.s32 v1, v56  }
0xb2: {  	[tilespmem:s28+$0x4000] =	vst v1;
	v2 =	vld [tilespmem:s28+$0x0]  }
0xb3: {  	v3 =	vld [tilespmem:s16+$0x2000]  }
0xb4: {  	v57 =	vld [tilespmem:s16+$0x2080]  }
0xb5: {  	v58 =	vld [tilespmem:s16+$0x2100];
	_ =	sdelay $0x1  }
0xb6: {  	v1 =	vadd.s32 v1, v2  }
0xb7: {  	[tilespmem:s16+$0x6000] =	vst v1;
	v1 =	vadd.s32 v1, v3  }
0xb8: {  	[tilespmem:s16+$0x6080] =	vst v1;
	v1 =	vadd.s32 v1, v57  }
0xb9: {  	s29 =	sor.u32 $0x2180, s20;
	[tilespmem:s16+$0x6100] =	vst v1;
	v1 =	vadd.s32 v1, v58  }
0xba: {  	[tilespmem:s29+$0x4000] =	vst v1;
	v2 =	vld [tilespmem:s29+$0x0]  }
0xbb: {  	v3 =	vld [tilespmem:s16+$0x2200]  }
0xbc: {  	v59 =	vld [tilespmem:s16+$0x2280]  }
0xbd: {  	v60 =	vld [tilespmem:s16+$0x2300];
	_ =	sdelay $0x1  }
0xbe: {  	v1 =	vadd.s32 v1, v2  }
0xbf: {  	[tilespmem:s16+$0x6200] =	vst v1;
	v1 =	vadd.s32 v1, v3  }
0xc0: {  	[tilespmem:s16+$0x6280] =	vst v1;
	v1 =	vadd.s32 v1, v59  }
0xc1: {  	s30 =	sor.u32 $0x2380, s25;
	[tilespmem:s16+$0x6300] =	vst v1;
	v1 =	vadd.s32 v1, v60  }
0xc2: {  	[tilespmem:s30+$0x4000] =	vst v1;
	v2 =	vld [tilespmem:s30+$0x0]  }
0xc3: {  	v3 =	vld [tilespmem:s16+$0x3000]  }
0xc4: {  	v61 =	vld [tilespmem:s16+$0x3080]  }
0xc5: {  	v62 =	vld [tilespmem:s16+$0x3100];
	_ =	sdelay $0x1  }
0xc6: {  	v1 =	vadd.s32 v1, v2  }
0xc7: {  	[tilespmem:s16+$0x7000] =	vst v1;
	v1 =	vadd.s32 v1, v3  }
0xc8: {  	[tilespmem:s16+$0x7080] =	vst v1;
	v1 =	vadd.s32 v1, v61  }
0xc9: {  	s31 =	sor.u32 $0x3180, s20;
	[tilespmem:s16+$0x7100] =	vst v1;
	v1 =	vadd.s32 v1, v62  }
0xca: {  	[tilespmem:s31+$0x4000] =	vst v1;
	v2 =	vld [tilespmem:s31+$0x0]  }
0xcb: {  	v3 =	vld [tilespmem:s16+$0x3200]  }
0xcc: {  	v63 =	vld [tilespmem:s16+$0x3280];
	_ =	sdelay $0x2  }
0xcd: {  	v1 =	vadd.s32 v1, v2  }
0xce: {  	[tilespmem:s16+$0x7200] =	vst v1;
	v1 =	vadd.s32 v1, v3  }
0xcf: {  	[tilespmem:s16+$0x7280] =	vst v1;
	v1 =	vadd.s32 v1, v63  }
0xd0: {  	s18 =	sor.u32 $0x3380, s25;
	v2 =	vld [tilespmem:s16+$0x3300];
	[tilespmem:s16+$0x7300] =	vst v1  }
0xd1: {  	v3 =	vld [tilespmem:s18+$0x0];
	_ =	sdelay $0x1  }
0xd2: {  	p3 =	por $0x1, $0x1  }
.Ltmp1:
0xd3: {  	_ = 	snop;
	(pc) =	sbr.rel @!p3 .LBB2_4-.Ltmp1, $4  }
0xd4: {  	v1 =	vadd.s32 v1, v2  }
0xd5: {  	[tilespmem:s18+$0x4000] =	vst v1;
	v1 =	vadd.s32 v1, v3  }
0xd6: {  	p0 =	por $0x0, $0x0;
	s18 =	simm.s32 $0x0;
	[tilespmem:s17+$0x0] =	vst v1  }
0xd7: {  	p1 =	por $0x0, $0x0;
	p2 =	por $0x0, $0x0;
	s16 =	simm.s32 $0x0;
	v2 =	vld [tilespmem:s18+$0x8000]  }
0xd8: {  	s17 =	simm.s32 $0x10;
	p3 =	por $0x1, $0x1  }
.Ltmp2:
0xd9: {  	v3 =	vld [tilespmem:s17+$0x8000];
	(pc) =	sbr.rel @!p3 .LBB2_6-.Ltmp2, $2  }
0xda: {  	_ =	sdelay $0x2  }
0xdb: {  	p0 =	por $0x1, $0x1;
	(xrf0) =	vadd.scan.msk.s32 $0xffff, v2  }
0xdc: {  	_ =	sdelay $0x4  }
0xdd: {  	v4, _, _ =	vpop (xrf0)  }
0xde: {  	(v2sf) =	vpush v4, $0xF;
	_ =	sdelay $0x4  }
0xdf: {  	s21 =	simm.s32 $0x20;
	p3 =	por $0x1, $0x1  }
.Ltmp3:
0xe0: {  	v9 =	vld [tilespmem:s21+$0x8000];
	(pc) =	sbr.rel @!p3 .LBB2_8-.Ltmp3, $2  }
0xe1: {  	_ =	sdelay $0x2  }
0xe2: {  	p1 =	por $0x1, $0x1;
	(xrf0) =	vadd.scan.msk.s32 $0xffff, v3  }
0xe3: {  	_ =	sdelay $0x4  }
0xe4: {  	v5, _, _ =	vpop (xrf0)  }
0xe5: {  	(v2sf) =	vpush v5, $0xF;
	_ =	sdelay $0x3  }
0xe6: {  	s23 =	simm.s32 $0x30;
	p3 =	por $0x1, $0x1;
	(xrf0) =	vadd.scan.msk.s32 $0xffff, v9  }
.Ltmp4:
0xe7: {  	v1 =	vld [tilespmem:s23+$0x8000];
	(pc) =	sbr.rel @!p3 .LBB2_10-.Ltmp4, $3  }
0xe8: {  	_ =	sdelay $0x1  }
0xe9: {  	s22 =	simm.s32 $0x100  }
0xea: {  	p2 =	por $0x1, $0x1;
	s19 =	simm.s32 $0x0;
	v6 =	vmov v2;
	v7 =	vmov v4;
	s20 =	simm.s32 $0x0  }
.LBB2_11:
0xeb: {  	s24 =	sshra.s32 s22, $0x2;
	p3 =	sne.s32 s22, $0x7C0;
	s22 =	sadd.s32 $0x40, s22;
	(xrf0) =	vadd.scan.msk.s32 $0xffff, v1;
	v8, _, _ =	vpop (xrf0);
	v10 =	vsub.s32 s19, v6;
	v6 =	vmov v3;
	v3 =	vmov v9  }
.Ltmp5:
0xec: {  	v9 =	vmovc v1;
	(v2sf) =	vpush v8, $0xF;
	v10 =	vadd.s32 v7, v10;
	v7 =	vmovc v5;
	v5 =	vmov v8;
	v1 =	vld [tilespmem:s24+$0x8000];
	(pc) =	sbr.rel @p3 .LBB2_11-.Ltmp5, $4  }
0xed: {  	[tilespmem:s20+$0x8200] =	vst v10;
	s20 =	smov.u32 s17;
	s17 =	smov.u32 s21;
	s21 =	smov.u32 s23  }
0xee: {  	s23 =	smov.u32 s24  }
0xef: {  	s24 =	spop (v2sf)  }
0xf0: {  	s19 =	sadd.s32 s19, s24  }
0xf1: {  	v8 =	vmov v3;
	s22 =	smov.u32 s17;
	v3 =	vmov v9;
	s17 =	smov.u32 s23  }
.LBB2_13:
0xf2: {  	v9, _, _ =	vpop @p0 (xrf0)  }
0xf3: {  	(v2sf) =	vpush @p0 v9, $0xF;
	_ =	sdelay $0xa  }
0xf4: {  	s23 =	spop @p2 (v2sf)  }
0xf5: {  	(xrf0) =	vadd.scan.msk.s32 $0xffff, v1;
	s24 =	simm.s32 $0x0;
	s23 =	sadd.s32 @p2 s19, s23  }
0xf6: {  	v6 =	vsub.s32 @p2 s19, v6;
	s19 =	smov.u32 @p0 s21;
	s24 =	smov.u32 @p2 s23;
	s21 =	spop @p1 (v2sf)  }
0xf7: {  	v2 =	vpsel p0, v3, v2;
	v3 =	vmov @p1 v5;
	s18 =	smov.u32 @p0 s19;
	s19 =	sadd.s32 @p1 s24, s21;
	s21 =	simm.s32 $0x0  }
0xf8: {  	v5 =	vpsel p1, v8, v0;
	v6 =	vadd.s32 @p2 v7, v6;
	v7 =	vmovc @p0 v9;
	v3 =	vpsel p1, v3, v0;
	s21 =	smov.u32 @p1 s19;
	s19 =	spop @p0 (v2sf)  }
0xf9: {  	v2 =	vpsel p0, v2, v0;
	v4 =	vpsel p0, v7, v4;
	s23 =	simm.s32 $0x0;
	v5 =	vsub.s32 @p1 s24, v5;
	s19 =	sadd.s32 @p0 s21, s19  }
0xfa: {  	[tilespmem:s20+$0x8200] =	vst @p2 v6;
	s20 =	smov.u32 @p1 s22;
	v4 =	vpsel p0, v4, v0;
	v3 =	vadd.s32 @p1 v3, v5;
	v2 =	vsub.s32 @p0 s21, v2;
	s23 =	smov.u32 @p0 s19  }
0xfb: {  	s18 =	smov.u32 @p0 s18;
	[tilespmem:s20+$0x8200] =	vst @p1 v3;
	v59, _, _ =	vpop (xrf0);
	v2 =	vadd.s32 @p0 v4, v2;
	v1 =	vsub.s32 s23, v1  }
0xfc: {  	s28 =	sand.u32 $0x70, s16;
	s29 =	sand.u32 $0xC00, s16;
	(v2sf) =	vpush v59, $0xF;
	[tilespmem:s18+$0x8200] =	vst @p0 v2;
	v1 =	vadd.s32 v59, v1  }
0xfd: {  	[tilespmem:s17+$0x8200] =	vst v1;
	s17 =	sor.u32 s28, s29  }
0xfe: {  	s19 =	simm.s32 $0x8200;
	v2 =	vld [tilespmem:s17+$0x4180]  }
0xff: {  	v1 =	vld [tilespmem:s19+$0x0]  }
0x100: {  	v3 =	vld [tilespmem:s17+$0x4280]  }
0x101: {  	v60 =	vld [tilespmem:s17+$0x4100]  }
0x102: {  	v61 =	vld [tilespmem:s17+$0x4080]  }
0x103: {  	v6 =	vld [tilespmem:s17+$0x4000]  }
0x104: {  	v62 =	vld [tilespmem:s17+$0x4200];
	v2 =	vadd.s32 v1, v2  }
0x105: {  	v63 =	vld [tilespmem:s17+$0x4300];
	[tilespmem:s17+$0x4180] =	vst v2;
	v2 =	vadd.s32 v1, v3  }
0x106: {  	v3 =	vadd.s32 v1, v60;
	[tilespmem:s17+$0x4280] =	vst v2  }
0x107: {  	p0 =	por $0x1, $0x1;
	v2 =	vadd.s32 v1, v61;
	[tilespmem:s17+$0x4100] =	vst v3  }
.Ltmp6:
0x108: {  	v3 =	vadd.s32 v1, v6;
	[tilespmem:s17+$0x4080] =	vst v2;
	(pc) =	sbr.rel @!p0 .LBB2_15-.Ltmp6, $4  }
0x109: {  	[tilespmem:s17+$0x4000] =	vst v3;
	v2 =	vadd.s32 v1, v62  }
0x10a: {  	s30 =	sor.u32 s16, s16;
	v3 =	vadd.s32 v1, v63;
	[tilespmem:s17+$0x4200] =	vst v2  }
0x10b: {  	s21 =	sor.u32 $0x380, s30;
	s31 =	spop (v2sf);
	[tilespmem:s17+$0x4300] =	vst v3  }
0x10c: {  	s20 =	simm.s32 $0x10;
	s18 =	sadd.s32 s23, s31;
	v2 =	vld [tilespmem:s21+$0x4000]  }
.LBB2_14:
0x10d: {  	_ =	sdelay $0x3  }
0x10e: {  	p0 =	sne.s32 s20, $0x1F0;
	s16 =	sadd.s32 $0x80, s16;
	s19 =	sadd.s32 $0x10, s19;
	v2 =	vadd.s32 v1, v2  }
0x10f: {  	[tilespmem:s21+$0x4000] =	vst v2;
	s21 =	smov.u32 s20;
	s20 =	sadd.s32 $0x10, s20  }
0x110: {  	v2 =	vld [tilespmem:s17+$0x5000]  }
0x111: {  	v3 =	vld [tilespmem:s17+$0x7380]  }
0x112: {  	v4 =	vld [tilespmem:s17+$0x5100]  }
0x113: {  	v5 =	vld [tilespmem:s17+$0x5180]  }
0x114: {  	v6 =	vld [tilespmem:s17+$0x5080]  }
0x115: {  	v2 =	vadd.s32 v1, v2;
	v7 =	vld [tilespmem:s17+$0x5200]  }
0x116: {  	[tilespmem:s17+$0x5000] =	vst v2;
	v2 =	vld [tilespmem:s17+$0x5280];
	v3 =	vadd.s32 v1, v3  }
0x117: {  	v4 =	vadd.s32 v1, v4;
	v8 =	vld [tilespmem:s17+$0x5300];
	[tilespmem:s17+$0x7380] =	vst v3  }
0x118: {  	[tilespmem:s17+$0x5100] =	vst v4;
	v3 =	vadd.s32 v1, v5;
	v4 =	vld [tilespmem:s17+$0x5380]  }
0x119: {  	v5 =	vadd.s32 v1, v6;
	[tilespmem:s17+$0x5180] =	vst v3;
	v3 =	vld [tilespmem:s17+$0x6000]  }
0x11a: {  	[tilespmem:s17+$0x5080] =	vst v5;
	v5 =	vadd.s32 v1, v7;
	v6 =	vld [tilespmem:s17+$0x6080]  }
0x11b: {  	[tilespmem:s17+$0x5200] =	vst v5;
	v2 =	vadd.s32 v1, v2;
	v5 =	vld [tilespmem:s17+$0x6100]  }
0x11c: {  	[tilespmem:s17+$0x5280] =	vst v2;
	v2 =	vadd.s32 v1, v8;
	v7 =	vld [tilespmem:s17+$0x6180]  }
0x11d: {  	[tilespmem:s17+$0x5300] =	vst v2;
	v2 =	vadd.s32 v1, v4;
	v4 =	vld [tilespmem:s17+$0x6200]  }
0x11e: {  	[tilespmem:s17+$0x5380] =	vst v2;
	v2 =	vadd.s32 v1, v3;
	v3 =	vld [tilespmem:s17+$0x6280]  }
0x11f: {  	[tilespmem:s17+$0x6000] =	vst v2;
	v2 =	vadd.s32 v1, v6;
	v6 =	vld [tilespmem:s17+$0x6300]  }
0x120: {  	[tilespmem:s17+$0x6080] =	vst v2;
	v2 =	vadd.s32 v1, v5;
	v5 =	vld [tilespmem:s17+$0x6380]  }
0x121: {  	[tilespmem:s17+$0x6100] =	vst v2;
	v2 =	vadd.s32 v1, v7;
	v7 =	vld [tilespmem:s17+$0x7000]  }
0x122: {  	[tilespmem:s17+$0x6180] =	vst v2;
	v2 =	vadd.s32 v1, v4;
	v4 =	vld [tilespmem:s17+$0x7080]  }
0x123: {  	[tilespmem:s17+$0x6200] =	vst v2;
	v2 =	vadd.s32 v1, v3;
	v3 =	vld [tilespmem:s17+$0x7100]  }
0x124: {  	[tilespmem:s17+$0x6280] =	vst v2;
	v2 =	vadd.s32 v1, v6;
	v6 =	vld [tilespmem:s17+$0x7180]  }
0x125: {  	[tilespmem:s17+$0x6300] =	vst v2;
	v2 =	vadd.s32 v1, v5;
	v5 =	vld [tilespmem:s17+$0x7200]  }
0x126: {  	[tilespmem:s17+$0x6380] =	vst v2;
	v2 =	vadd.s32 v1, v7;
	v7 =	vld [tilespmem:s17+$0x7280]  }
0x127: {  	[tilespmem:s17+$0x7000] =	vst v2;
	v2 =	vadd.s32 v1, v4;
	v4 =	vld [tilespmem:s17+$0x7300]  }
0x128: {  	[tilespmem:s17+$0x7080] =	vst v2;
	v2 =	vadd.s32 v1, v3  }
0x129: {  	[tilespmem:s17+$0x7100] =	vst v2;
	v2 =	vadd.s32 v1, v6  }
0x12a: {  	s23 =	sand.u32 $0xC00, s16;
	s22 =	sand.u32 $0x70, s21;
	[tilespmem:s17+$0x7180] =	vst v2;
	v2 =	vadd.s32 v1, v5  }
0x12b: {  	s22 =	sor.u32 s22, s23;
	[tilespmem:s17+$0x7200] =	vst v2;
	v2 =	vadd.s32 v1, v7  }
0x12c: {  	v3 =	vld [tilespmem:s22+$0x4300];
	[tilespmem:s17+$0x7280] =	vst v2;
	v1 =	vadd.s32 v1, v4  }
0x12d: {  	v2 =	vld [tilespmem:s22+$0x4180];
	[tilespmem:s17+$0x7300] =	vst v1;
	s17 =	smov.u32 s22  }
0x12e: {  	v1 =	vld [tilespmem:s19+$0x0]  }
0x12f: {  	v4 =	vld [tilespmem:s17+$0x4280]  }
0x130: {  	v5 =	vld [tilespmem:s17+$0x4100]  }
0x131: {  	v6 =	vld [tilespmem:s17+$0x4080]  }
0x132: {  	v7 =	vld [tilespmem:s17+$0x4000]  }
0x133: {  	v2 =	vadd.s32 v1, v2;
	v8 =	vld [tilespmem:s17+$0x4200];
	v3 =	vadd.s32 v1, v3  }
0x134: {  	[tilespmem:s17+$0x4180] =	vst v2;
	v2 =	vadd.s32 v1, v4  }
0x135: {  	v4 =	vadd.s32 v1, v5;
	[tilespmem:s17+$0x4280] =	vst v2  }
0x136: {  	v2 =	vadd.s32 v1, v6;
	[tilespmem:s17+$0x4100] =	vst v4  }
.Ltmp7:
0x137: {  	v4 =	vadd.s32 v1, v7;
	[tilespmem:s17+$0x4080] =	vst v2;
	(pc) =	sbr.rel @p0 .LBB2_14-.Ltmp7, $4  }
0x138: {  	[tilespmem:s17+$0x4000] =	vst v4;
	v2 =	vadd.s32 v1, v8  }
0x139: {  	s21 =	sor.u32 s16, s21;
	[tilespmem:s17+$0x4200] =	vst v2  }
0x13a: {  	s21 =	sor.u32 $0x380, s21;
	[tilespmem:s17+$0x4300] =	vst v3  }
0x13b: {  	v2 =	vld [tilespmem:s21+$0x4000]  }
.LBB2_15:
0x13c: {  	_ =	sdelay $0x3  }
0x13d: {  	v2 =	vadd.s32 v1, v2  }
0x13e: {  	[tilespmem:s21+$0x4000] =	vst v2  }
0x13f: {  	v2 =	vld [tilespmem:s17+$0x5000]  }
0x140: {  	v3 =	vld [tilespmem:s17+$0x7380]  }
0x141: {  	v4 =	vld [tilespmem:s17+$0x5100]  }
0x142: {  	v5 =	vld [tilespmem:s17+$0x5180]  }
0x143: {  	v6 =	vld [tilespmem:s17+$0x5080]  }
0x144: {  	v7 =	vld [tilespmem:s17+$0x5200];
	v2 =	vadd.s32 v1, v2  }
0x145: {  	v3 =	vadd.s32 v1, v3;
	[tilespmem:s17+$0x5000] =	vst v2;
	v2 =	vld [tilespmem:s17+$0x5280]  }
0x146: {  	v8 =	vld [tilespmem:s17+$0x5300];
	v4 =	vadd.s32 v1, v4;
	[tilespmem:s17+$0x7380] =	vst v3  }
0x147: {  	v39 =	vld [tilespmem:s17+$0x5380];
	[tilespmem:s17+$0x5100] =	vst v4;
	v3 =	vadd.s32 v1, v5  }
0x148: {  	v40 =	vld [tilespmem:s17+$0x6000];
	[tilespmem:s17+$0x5180] =	vst v3;
	v3 =	vadd.s32 v1, v6  }
0x149: {  	v41 =	vld [tilespmem:s17+$0x6080];
	[tilespmem:s17+$0x5080] =	vst v3;
	v3 =	vadd.s32 v1, v7  }
0x14a: {  	[tilespmem:s17+$0x5200] =	vst v3;
	v3 =	vld [tilespmem:s17+$0x6100];
	v2 =	vadd.s32 v1, v2  }
0x14b: {  	v42 =	vld [tilespmem:s17+$0x6180];
	[tilespmem:s17+$0x5280] =	vst v2;
	v2 =	vadd.s32 v1, v8  }
0x14c: {  	v43 =	vld [tilespmem:s17+$0x6200];
	[tilespmem:s17+$0x5300] =	vst v2;
	v2 =	vadd.s32 v1, v39  }
0x14d: {  	v44 =	vld [tilespmem:s17+$0x6280];
	[tilespmem:s17+$0x5380] =	vst v2;
	v2 =	vadd.s32 v1, v40  }
0x14e: {  	v45 =	vld [tilespmem:s17+$0x6300];
	[tilespmem:s17+$0x6000] =	vst v2;
	v2 =	vadd.s32 v1, v41  }
0x14f: {  	[tilespmem:s17+$0x6080] =	vst v2;
	v2 =	vadd.s32 v1, v3;
	v3 =	vld [tilespmem:s17+$0x6380]  }
0x150: {  	v46 =	vld [tilespmem:s17+$0x7000];
	[tilespmem:s17+$0x6100] =	vst v2;
	v2 =	vadd.s32 v1, v42  }
0x151: {  	v47 =	vld [tilespmem:s17+$0x7080];
	[tilespmem:s17+$0x6180] =	vst v2;
	v2 =	vadd.s32 v1, v43  }
0x152: {  	v48 =	vld [tilespmem:s17+$0x7100];
	[tilespmem:s17+$0x6200] =	vst v2;
	v2 =	vadd.s32 v1, v44  }
0x153: {  	v49 =	vld [tilespmem:s17+$0x7180];
	[tilespmem:s17+$0x6280] =	vst v2;
	v2 =	vadd.s32 v1, v45  }
0x154: {  	[tilespmem:s17+$0x6300] =	vst v2;
	v2 =	vadd.s32 v1, v3;
	v3 =	vld [tilespmem:s17+$0x7200]  }
0x155: {  	v50 =	vld [tilespmem:s17+$0x7280];
	[tilespmem:s17+$0x6380] =	vst v2;
	v2 =	vadd.s32 v1, v46  }
0x156: {  	v51 =	vld [tilespmem:s17+$0x7300];
	[tilespmem:s17+$0x7000] =	vst v2;
	v2 =	vadd.s32 v1, v47  }
0x157: {  	[tilespmem:s17+$0x7080] =	vst v2;
	v2 =	vadd.s32 v1, v48  }
0x158: {  	[tilespmem:s17+$0x7100] =	vst v2;
	v2 =	vadd.s32 v1, v49  }
0x159: {  	[tilespmem:s17+$0x7180] =	vst v2;
	v2 =	vadd.s32 v1, v3  }
0x15a: {  	[tilespmem:s17+$0x7200] =	vst v2;
	v2 =	vadd.s32 v1, v50  }
0x15b: {  	v1 =	vadd.s32 v1, v51;
	[tilespmem:s17+$0x7280] =	vst v2  }
0x15c: {  	[tilespmem:s17+$0x7300] =	vst v1;
	v1 =	vmov s18  }
0x15d: {  	[tilespmem:$0x8400] =	vst v1  }
0x15e: {  	[tilespmem:$0x8410] =	vst v1  }
0x15f: {  	[tilespmem:$0x8420] =	vst v1  }
0x160: {  	[tilespmem:$0x8430] =	vst v1  }
0x161: {  	[tilespmem:$0x8440] =	vst v1  }
0x162: {  	[tilespmem:$0x8450] =	vst v1  }
0x163: {  	[tilespmem:$0x8460] =	vst v1  }
0x164: {  	[tilespmem:$0x8470] =	vst v1  }
0x165: {  	[hbm4b:s4+s10] =	stream.strided.scatter [tilespmem:s13], [sflag:$0x1], $0x4000, s11, s10, $0x38;
	[tilespmem:$0x8480] =	vst v63  }
0x166: {  	_ =	swait.ge [sflag:s12], $0x4000  }
0x167: {  	[sflag:s12] =	ssyncset.done $0x0  }
0x168: {  	s16 =	simm.s32 $0x0;
	[sflag:s12] =	ssyncadd.s32 $0xFFFFC000  }
0x169: {  	[hbm4b:s5+s16] =	stream.linear.scatter [tilespmem:s14], [sflag:$0x1], $0x80, $0x38;
	[tilespmem:$0x8480] =	vst v63  }
0x16a: {  	_ =	swait.ge [sflag:s12], $0x80  }
0x16b: {  	[sflag:s12] =	ssyncset.done $0x0  }
0x16c: {  	[sflag:s12] =	ssyncadd.s32 $0xFFFFFF80  }
0x16d: {  	[tilespmem:s16], [sflag:$0x1] =	stream.strided.gather [hbm4b:s6+s10], $0x4000, s11, s10, $0x38;
	[tilespmem:$0x8480] =	vst v63  }
0x16e: {  	_ =	swait.ge [sflag:s12], $0x4000  }
0x16f: {  	s22 =	sand.u32 $0xC00, s16;
	s23 =	sand.u32 $0x70, s16;
	[sflag:s12] =	ssyncset.done $0x0  }
0x170: {  	s18 =	sor.u32 s23, s22;
	[sflag:s12] =	ssyncadd.s32 $0xFFFFC000  }
0x171: {  	v1 =	vld [tilespmem:s18+$0x80]  }
0x172: {  	v2 =	vld [tilespmem:s18+$0x0]  }
0x173: {  	v3 =	vld [tilespmem:s18+$0x100];
	_ =	sdelay $0x2  }
0x174: {  	s24 =	sand.u32 $0xFFFFFC00, s16;
	[tilespmem:s18+$0x4000] =	vst v0  }
0x175: {  	s17 =	sadd.s32 $0x0, s24;
	[tilespmem:s18+$0x4080] =	vst v2;
	v1 =	vadd.s32 v2, v1  }
0x176: {  	s19 =	sor.u32 $0x180, s17;
	[tilespmem:s18+$0x4100] =	vst v1;
	v1 =	vadd.s32 v1, v3  }
0x177: {  	[tilespmem:s19+$0x4000] =	vst v1;
	v2 =	vld [tilespmem:s19+$0x0]  }
0x178: {  	v3 =	vld [tilespmem:s18+$0x200]  }
0x179: {  	v52 =	vld [tilespmem:s18+$0x280]  }
0x17a: {  	v53 =	vld [tilespmem:s18+$0x300];
	_ =	sdelay $0x1  }
0x17b: {  	v1 =	vadd.s32 v1, v2  }
0x17c: {  	[tilespmem:s18+$0x4200] =	vst v1;
	v1 =	vadd.s32 v1, v3  }
0x17d: {  	s23 =	sor.u32 s16, s16;
	[tilespmem:s18+$0x4280] =	vst v1;
	v1 =	vadd.s32 v1, v52  }
0x17e: {  	s25 =	sor.u32 $0x380, s23;
	[tilespmem:s18+$0x4300] =	vst v1;
	v1 =	vadd.s32 v1, v53  }
0x17f: {  	[tilespmem:s25+$0x4000] =	vst v1;
	v2 =	vld [tilespmem:s25+$0x0]  }
0x180: {  	v3 =	vld [tilespmem:s18+$0x1000]  }
0x181: {  	v54 =	vld [tilespmem:s18+$0x1080]  }
0x182: {  	v55 =	vld [tilespmem:s18+$0x1100];
	_ =	sdelay $0x1  }
0x183: {  	v1 =	vadd.s32 v1, v2  }
0x184: {  	[tilespmem:s18+$0x5000] =	vst v1;
	v1 =	vadd.s32 v1, v3  }
0x185: {  	[tilespmem:s18+$0x5080] =	vst v1;
	v1 =	vadd.s32 v1, v54  }
0x186: {  	s26 =	sor.u32 $0x1180, s17;
	[tilespmem:s18+$0x5100] =	vst v1;
	v1 =	vadd.s32 v1, v55  }
0x187: {  	[tilespmem:s26+$0x4000] =	vst v1;
	v2 =	vld [tilespmem:s26+$0x0]  }
0x188: {  	v3 =	vld [tilespmem:s18+$0x1200]  }
0x189: {  	v56 =	vld [tilespmem:s18+$0x1280]  }
0x18a: {  	v57 =	vld [tilespmem:s18+$0x1300];
	_ =	sdelay $0x1  }
0x18b: {  	v1 =	vadd.s32 v1, v2  }
0x18c: {  	[tilespmem:s18+$0x5200] =	vst v1;
	v1 =	vadd.s32 v1, v3  }
0x18d: {  	[tilespmem:s18+$0x5280] =	vst v1;
	v1 =	vadd.s32 v1, v56  }
0x18e: {  	s29 =	sor.u32 $0x1380, s23;
	[tilespmem:s18+$0x5300] =	vst v1;
	v1 =	vadd.s32 v1, v57  }
0x18f: {  	[tilespmem:s29+$0x4000] =	vst v1;
	v2 =	vld [tilespmem:s29+$0x0]  }
0x190: {  	v3 =	vld [tilespmem:s18+$0x2000]  }
0x191: {  	v58 =	vld [tilespmem:s18+$0x2080]  }
0x192: {  	v59 =	vld [tilespmem:s18+$0x2100];
	_ =	sdelay $0x1  }
0x193: {  	v1 =	vadd.s32 v1, v2  }
0x194: {  	[tilespmem:s18+$0x6000] =	vst v1;
	v1 =	vadd.s32 v1, v3  }
0x195: {  	[tilespmem:s18+$0x6080] =	vst v1;
	v1 =	vadd.s32 v1, v58  }
0x196: {  	s30 =	sor.u32 $0x2180, s17;
	[tilespmem:s18+$0x6100] =	vst v1;
	v1 =	vadd.s32 v1, v59  }
0x197: {  	[tilespmem:s30+$0x4000] =	vst v1;
	v2 =	vld [tilespmem:s30+$0x0]  }
0x198: {  	v3 =	vld [tilespmem:s18+$0x2200]  }
0x199: {  	v60 =	vld [tilespmem:s18+$0x2280]  }
0x19a: {  	v61 =	vld [tilespmem:s18+$0x2300];
	_ =	sdelay $0x1  }
0x19b: {  	v1 =	vadd.s32 v1, v2  }
0x19c: {  	[tilespmem:s18+$0x6200] =	vst v1;
	v1 =	vadd.s32 v1, v3  }
0x19d: {  	[tilespmem:s18+$0x6280] =	vst v1;
	v1 =	vadd.s32 v1, v60  }
0x19e: {  	s31 =	sor.u32 $0x2380, s23;
	[tilespmem:s18+$0x6300] =	vst v1;
	v2 =	vadd.s32 v1, v61  }
0x19f: {  	[tilespmem:s31+$0x4000] =	vst v2;
	v3 =	vld [tilespmem:s31+$0x0]  }
0x1a0: {  	v62 =	vld [tilespmem:s18+$0x3000]  }
0x1a1: {  	v63 =	vld [tilespmem:s18+$0x3080];
	_ =	sdelay $0x1  }
0x1a2: {  	v1 =	vld [tilespmem:s18+$0x3100]  }
0x1a3: {  	s20 =	simm.s32 $0x80;
	s28 =	simm.s32 $0x20;
	s21 =	simm.s32 $0x8000;
	v2 =	vadd.s32 v2, v3  }
0x1a4: {  	s22 =	sand.u32 $0xC00, s20;
	s19 =	simm.s32 $0x10;
	s25 =	sor.u32 $0x3180, s17;
	[tilespmem:s18+$0x7000] =	vst v2;
	v2 =	vadd.s32 v2, v62  }
0x1a5: {  	s17 =	simm.s32 $0x8010;
	s26 =	sor.u32 $0x3380, s23;
	s23 =	simm.s32 $0x100;
	[tilespmem:s18+$0x7080] =	vst v2;
	v2 =	vadd.s32 v2, v63  }
.LBB2_16:
0x1a6: {  	s30 =	sand.u32 $0xC00, s23  }
0x1a7: {  	s31 =	sand.u32 $0x70, s19;
	[tilespmem:s18+$0x7100] =	vst v2;
	v1 =	vadd.s32 v2, v1;
	s29 =	smov.u32 s28;
	s24 =	sadd.s32 $0x10, s28  }
0x1a8: {  	p0 =	sne.s32 s28, $0x1F0;
	s28 =	sor.u32 s31, s22;
	[tilespmem:s25+$0x4000] =	vst v1;
	v2 =	vld [tilespmem:s25+$0x0];
	s22 =	smov.u32 s30  }
0x1a9: {  	v3 =	vld [tilespmem:s18+$0x3200]  }
0x1aa: {  	v4 =	vld [tilespmem:s18+$0x3280]  }
0x1ab: {  	v5 =	vld [tilespmem:s18+$0x3300];
	_ =	sdelay $0x1  }
0x1ac: {  	v1 =	vadd.s32 v1, v2  }
0x1ad: {  	[tilespmem:s18+$0x7200] =	vst v1;
	v1 =	vadd.s32 v1, v3  }
0x1ae: {  	[tilespmem:s18+$0x7280] =	vst v1;
	v1 =	vadd.s32 v1, v4  }
0x1af: {  	[tilespmem:s18+$0x7300] =	vst v1;
	v1 =	vadd.s32 v1, v5;
	s18 =	smov.u32 s28  }
0x1b0: {  	[tilespmem:s26+$0x4000] =	vst v1;
	v2 =	vld [tilespmem:s26+$0x0];
	_ =	sdelay $0x4  }
0x1b1: {  	v1 =	vadd.s32 v1, v2  }
0x1b2: {  	[tilespmem:s21+$0x0] =	vst v1;
	s21 =	smov.u32 s17  }
0x1b3: {  	v1 =	vld [tilespmem:s18+$0x80]  }
0x1b4: {  	v2 =	vld [tilespmem:s18+$0x0]  }
0x1b5: {  	v3 =	vld [tilespmem:s18+$0x100];
	_ =	sdelay $0x2  }
0x1b6: {  	s25 =	sand.u32 $0xFFFFFC00, s20;
	[tilespmem:s18+$0x4000] =	vst v0  }
0x1b7: {  	s28 =	sadd.s32 s25, s19;
	[tilespmem:s18+$0x4080] =	vst v2;
	v1 =	vadd.s32 v2, v1  }
0x1b8: {  	s26 =	sor.u32 $0x180, s28;
	s25 =	sor.u32 $0x3180, s28;
	[tilespmem:s18+$0x4100] =	vst v1;
	v1 =	vadd.s32 v1, v3  }
0x1b9: {  	[tilespmem:s26+$0x4000] =	vst v1;
	v2 =	vld [tilespmem:s26+$0x0]  }
0x1ba: {  	v3 =	vld [tilespmem:s18+$0x200]  }
0x1bb: {  	v4 =	vld [tilespmem:s18+$0x280]  }
0x1bc: {  	v5 =	vld [tilespmem:s18+$0x300];
	_ =	sdelay $0x1  }
0x1bd: {  	v1 =	vadd.s32 v1, v2  }
0x1be: {  	[tilespmem:s18+$0x4200] =	vst v1;
	v1 =	vadd.s32 v1, v3  }
0x1bf: {  	s26 =	sor.u32 s19, s20;
	s19 =	smov.u32 s29;
	s20 =	smov.u32 s23;
	[tilespmem:s18+$0x4280] =	vst v1;
	v1 =	vadd.s32 v1, v4  }
0x1c0: {  	s29 =	sor.u32 $0x380, s26;
	[tilespmem:s18+$0x4300] =	vst v1;
	v1 =	vadd.s32 v1, v5  }
0x1c1: {  	[tilespmem:s29+$0x4000] =	vst v1;
	v2 =	vld [tilespmem:s29+$0x0]  }
0x1c2: {  	v3 =	vld [tilespmem:s18+$0x1000]  }
0x1c3: {  	v4 =	vld [tilespmem:s18+$0x1080]  }
0x1c4: {  	v5 =	vld [tilespmem:s18+$0x1100];
	_ =	sdelay $0x1  }
0x1c5: {  	v1 =	vadd.s32 v1, v2  }
0x1c6: {  	[tilespmem:s18+$0x5000] =	vst v1;
	v1 =	vadd.s32 v1, v3  }
0x1c7: {  	[tilespmem:s18+$0x5080] =	vst v1;
	v1 =	vadd.s32 v1, v4  }
0x1c8: {  	s29 =	sor.u32 $0x1180, s28;
	[tilespmem:s18+$0x5100] =	vst v1;
	v1 =	vadd.s32 v1, v5  }
0x1c9: {  	[tilespmem:s29+$0x4000] =	vst v1;
	v2 =	vld [tilespmem:s29+$0x0]  }
0x1ca: {  	v3 =	vld [tilespmem:s18+$0x1200]  }
0x1cb: {  	v4 =	vld [tilespmem:s18+$0x1280]  }
0x1cc: {  	v5 =	vld [tilespmem:s18+$0x1300];
	_ =	sdelay $0x1  }
0x1cd: {  	v1 =	vadd.s32 v1, v2  }
0x1ce: {  	[tilespmem:s18+$0x5200] =	vst v1;
	v1 =	vadd.s32 v1, v3  }
0x1cf: {  	[tilespmem:s18+$0x5280] =	vst v1;
	v1 =	vadd.s32 v1, v4  }
0x1d0: {  	s29 =	sor.u32 $0x1380, s26;
	[tilespmem:s18+$0x5300] =	vst v1;
	v1 =	vadd.s32 v1, v5  }
0x1d1: {  	[tilespmem:s29+$0x4000] =	vst v1;
	v2 =	vld [tilespmem:s29+$0x0]  }
0x1d2: {  	v3 =	vld [tilespmem:s18+$0x2000]  }
0x1d3: {  	v4 =	vld [tilespmem:s18+$0x2080]  }
0x1d4: {  	v5 =	vld [tilespmem:s18+$0x2100];
	_ =	sdelay $0x1  }
0x1d5: {  	v1 =	vadd.s32 v1, v2  }
0x1d6: {  	[tilespmem:s18+$0x6000] =	vst v1;
	v1 =	vadd.s32 v1, v3  }
0x1d7: {  	[tilespmem:s18+$0x6080] =	vst v1;
	v1 =	vadd.s32 v1, v4  }
0x1d8: {  	s28 =	sor.u32 $0x2180, s28;
	[tilespmem:s18+$0x6100] =	vst v1;
	v1 =	vadd.s32 v1, v5  }
0x1d9: {  	[tilespmem:s28+$0x4000] =	vst v1;
	v2 =	vld [tilespmem:s28+$0x0]  }
0x1da: {  	v3 =	vld [tilespmem:s18+$0x2200]  }
0x1db: {  	v4 =	vld [tilespmem:s18+$0x2280]  }
0x1dc: {  	v5 =	vld [tilespmem:s18+$0x2300];
	_ =	sdelay $0x1  }
0x1dd: {  	v1 =	vadd.s32 v1, v2  }
0x1de: {  	[tilespmem:s18+$0x6200] =	vst v1;
	v1 =	vadd.s32 v1, v3  }
0x1df: {  	[tilespmem:s18+$0x6280] =	vst v1;
	v1 =	vadd.s32 v1, v4  }
0x1e0: {  	s28 =	sor.u32 $0x2380, s26;
	[tilespmem:s18+$0x6300] =	vst v1;
	v2 =	vadd.s32 v1, v5  }
0x1e1: {  	[tilespmem:s28+$0x4000] =	vst v2;
	v3 =	vld [tilespmem:s28+$0x0]  }
0x1e2: {  	v4 =	vld [tilespmem:s18+$0x3000]  }
0x1e3: {  	v5 =	vld [tilespmem:s18+$0x3080]  }
.Ltmp8:
0x1e4: {  	s26 =	sor.u32 $0x3380, s26;
	v1 =	vld [tilespmem:s18+$0x3100];
	(pc) =	sbr.rel @p0 .LBB2_16-.Ltmp8, $4  }
0x1e5: {  	_ = 	snop  }
0x1e6: {  	v2 =	vadd.s32 v2, v3  }
0x1e7: {  	[tilespmem:s18+$0x7000] =	vst v2;
	v2 =	vadd.s32 v2, v4  }
0x1e8: {  	s17 =	sadd.s32 $0x10, s17;
	s23 =	sadd.s32 $0x80, s23;
	s28 =	smov.u32 s24;
	[tilespmem:s18+$0x7080] =	vst v2;
	v2 =	vadd.s32 v2, v5  }
0x1e9: {  	[tilespmem:s18+$0x7100] =	vst v2;
	v1 =	vadd.s32 v2, v1  }
0x1ea: {  	[tilespmem:s25+$0x4000] =	vst v1;
	v2 =	vld [tilespmem:s25+$0x0]  }
0x1eb: {  	v3 =	vld [tilespmem:s18+$0x3200]  }
0x1ec: {  	v4 =	vld [tilespmem:s18+$0x3280];
	_ =	sdelay $0x2  }
0x1ed: {  	v1 =	vadd.s32 v1, v2  }
0x1ee: {  	[tilespmem:s18+$0x7200] =	vst v1;
	v1 =	vadd.s32 v1, v3  }
0x1ef: {  	[tilespmem:s18+$0x7280] =	vst v1;
	v1 =	vadd.s32 v1, v4  }
0x1f0: {  	v5 =	vld [tilespmem:s18+$0x3300];
	[tilespmem:s18+$0x7300] =	vst v1  }
0x1f1: {  	v2 =	vld [tilespmem:s26+$0x0];
	_ =	sdelay $0x3  }
0x1f2: {  	v1 =	vadd.s32 v1, v5  }
0x1f3: {  	s31 =	sand.u32 $0x70, s19;
	[tilespmem:s26+$0x4000] =	vst v1;
	v1 =	vadd.s32 v1, v2  }
0x1f4: {  	s18 =	sor.u32 s31, s22;
	[tilespmem:s21+$0x0] =	vst v1  }
0x1f5: {  	v1 =	vld [tilespmem:s18+$0x80]  }
0x1f6: {  	v2 =	vld [tilespmem:s18+$0x0]  }
0x1f7: {  	v3 =	vld [tilespmem:s18+$0x100];
	_ =	sdelay $0x2  }
0x1f8: {  	s23 =	sand.u32 $0xFFFFFC00, s20;
	[tilespmem:s18+$0x4000] =	vst v0  }
0x1f9: {  	s21 =	sadd.s32 s23, s19;
	[tilespmem:s18+$0x4080] =	vst v2;
	v1 =	vadd.s32 v2, v1  }
0x1fa: {  	s24 =	sor.u32 $0x180, s21;
	[tilespmem:s18+$0x4100] =	vst v1;
	v1 =	vadd.s32 v1, v3  }
0x1fb: {  	[tilespmem:s24+$0x4000] =	vst v1;
	v2 =	vld [tilespmem:s24+$0x0]  }
0x1fc: {  	v3 =	vld [tilespmem:s18+$0x200]  }
0x1fd: {  	v4 =	vld [tilespmem:s18+$0x280]  }
0x1fe: {  	v5 =	vld [tilespmem:s18+$0x300];
	_ =	sdelay $0x1  }
0x1ff: {  	v1 =	vadd.s32 v1, v2  }
0x200: {  	[tilespmem:s18+$0x4200] =	vst v1;
	v1 =	vadd.s32 v1, v3  }
0x201: {  	s25 =	sor.u32 s19, s20;
	[tilespmem:s18+$0x4280] =	vst v1;
	v1 =	vadd.s32 v1, v4  }
0x202: {  	s20 =	sor.u32 $0x380, s25;
	[tilespmem:s18+$0x4300] =	vst v1;
	v1 =	vadd.s32 v1, v5  }
0x203: {  	[tilespmem:s20+$0x4000] =	vst v1;
	v2 =	vld [tilespmem:s20+$0x0]  }
0x204: {  	v3 =	vld [tilespmem:s18+$0x1000]  }
0x205: {  	v4 =	vld [tilespmem:s18+$0x1080]  }
0x206: {  	v5 =	vld [tilespmem:s18+$0x1100];
	_ =	sdelay $0x1  }
0x207: {  	v1 =	vadd.s32 v1, v2  }
0x208: {  	[tilespmem:s18+$0x5000] =	vst v1;
	v1 =	vadd.s32 v1, v3  }
0x209: {  	[tilespmem:s18+$0x5080] =	vst v1;
	v1 =	vadd.s32 v1, v4  }
0x20a: {  	s26 =	sor.u32 $0x1180, s21;
	[tilespmem:s18+$0x5100] =	vst v1;
	v1 =	vadd.s32 v1, v5  }
0x20b: {  	[tilespmem:s26+$0x4000] =	vst v1;
	v2 =	vld [tilespmem:s26+$0x0]  }
0x20c: {  	v3 =	vld [tilespmem:s18+$0x1200]  }
0x20d: {  	v4 =	vld [tilespmem:s18+$0x1280]  }
0x20e: {  	v5 =	vld [tilespmem:s18+$0x1300];
	_ =	sdelay $0x1  }
0x20f: {  	v1 =	vadd.s32 v1, v2  }
0x210: {  	[tilespmem:s18+$0x5200] =	vst v1;
	v1 =	vadd.s32 v1, v3  }
0x211: {  	[tilespmem:s18+$0x5280] =	vst v1;
	v1 =	vadd.s32 v1, v4  }
0x212: {  	s28 =	sor.u32 $0x1380, s25;
	[tilespmem:s18+$0x5300] =	vst v1;
	v1 =	vadd.s32 v1, v5  }
0x213: {  	[tilespmem:s28+$0x4000] =	vst v1;
	v2 =	vld [tilespmem:s28+$0x0]  }
0x214: {  	v3 =	vld [tilespmem:s18+$0x2000]  }
0x215: {  	v4 =	vld [tilespmem:s18+$0x2080]  }
0x216: {  	v5 =	vld [tilespmem:s18+$0x2100];
	_ =	sdelay $0x1  }
0x217: {  	v1 =	vadd.s32 v1, v2  }
0x218: {  	[tilespmem:s18+$0x6000] =	vst v1;
	v1 =	vadd.s32 v1, v3  }
0x219: {  	[tilespmem:s18+$0x6080] =	vst v1;
	v1 =	vadd.s32 v1, v4  }
0x21a: {  	s29 =	sor.u32 $0x2180, s21;
	[tilespmem:s18+$0x6100] =	vst v1;
	v1 =	vadd.s32 v1, v5  }
0x21b: {  	[tilespmem:s29+$0x4000] =	vst v1;
	v2 =	vld [tilespmem:s29+$0x0]  }
0x21c: {  	v3 =	vld [tilespmem:s18+$0x2200]  }
0x21d: {  	v4 =	vld [tilespmem:s18+$0x2280]  }
0x21e: {  	v5 =	vld [tilespmem:s18+$0x2300];
	_ =	sdelay $0x1  }
0x21f: {  	v1 =	vadd.s32 v1, v2  }
0x220: {  	[tilespmem:s18+$0x6200] =	vst v1;
	v1 =	vadd.s32 v1, v3  }
0x221: {  	[tilespmem:s18+$0x6280] =	vst v1;
	v1 =	vadd.s32 v1, v4  }
0x222: {  	s30 =	sor.u32 $0x2380, s25;
	[tilespmem:s18+$0x6300] =	vst v1;
	v1 =	vadd.s32 v1, v5  }
0x223: {  	[tilespmem:s30+$0x4000] =	vst v1;
	v2 =	vld [tilespmem:s30+$0x0]  }
0x224: {  	v3 =	vld [tilespmem:s18+$0x3000]  }
0x225: {  	v4 =	vld [tilespmem:s18+$0x3080]  }
0x226: {  	v5 =	vld [tilespmem:s18+$0x3100];
	_ =	sdelay $0x1  }
0x227: {  	v1 =	vadd.s32 v1, v2  }
0x228: {  	[tilespmem:s18+$0x7000] =	vst v1;
	v1 =	vadd.s32 v1, v3  }
0x229: {  	[tilespmem:s18+$0x7080] =	vst v1;
	v1 =	vadd.s32 v1, v4  }
0x22a: {  	s31 =	sor.u32 $0x3180, s21;
	[tilespmem:s18+$0x7100] =	vst v1;
	v1 =	vadd.s32 v1, v5  }
0x22b: {  	[tilespmem:s31+$0x4000] =	vst v1;
	v2 =	vld [tilespmem:s31+$0x0]  }
0x22c: {  	v3 =	vld [tilespmem:s18+$0x3200]  }
0x22d: {  	v4 =	vld [tilespmem:s18+$0x3280];
	_ =	sdelay $0x2  }
0x22e: {  	v1 =	vadd.s32 v1, v2  }
0x22f: {  	[tilespmem:s18+$0x7200] =	vst v1;
	v1 =	vadd.s32 v1, v3  }
0x230: {  	[tilespmem:s18+$0x7280] =	vst v1;
	v1 =	vadd.s32 v1, v4  }
0x231: {  	s19 =	sor.u32 $0x3380, s25;
	v2 =	vld [tilespmem:s18+$0x3300];
	[tilespmem:s18+$0x7300] =	vst v1  }
0x232: {  	v3 =	vld [tilespmem:s19+$0x0];
	_ =	sdelay $0x3  }
0x233: {  	v1 =	vadd.s32 v1, v2  }
0x234: {  	[tilespmem:s19+$0x4000] =	vst v1;
	v1 =	vadd.s32 v1, v3  }
0x235: {  	s20 =	simm.s32 $0x0;
	[tilespmem:s17+$0x0] =	vst v1  }
0x236: {  	s18 =	simm.s32 $0x10;
	v3 =	vld [tilespmem:s20+$0x8000]  }
0x237: {  	v1 =	vld [tilespmem:s18+$0x8000];
	_ =	sdelay $0x3  }
0x238: {  	(xrf0) =	vadd.scan.msk.s32 $0xffff, v3  }
0x239: {  	(xrf0) =	vadd.scan.msk.s32 $0xffff, v1;
	_ =	sdelay $0x4  }
0x23a: {  	s17 =	simm.s32 $0x20;
	v6, _, _ =	vpop (xrf0)  }
0x23b: {  	v4 =	vld [tilespmem:s17+$0x8000];
	(v2sf) =	vpush v6, $0xF;
	v5, _, _ =	vpop (xrf0)  }
0x23c: {  	(v2sf) =	vpush v5, $0xF;
	_ =	sdelay $0x3  }
0x23d: {  	s19 =	simm.s32 $0x30;
	(xrf0) =	vadd.scan.msk.s32 $0xffff, v4  }
0x23e: {  	v2 =	vld [tilespmem:s19+$0x8000];
	_ =	sdelay $0x3  }
0x23f: {  	s21 =	simm.s32 $0x100  }
.LBB2_18:
0x240: {  	s22 =	sshra.s32 s21, $0x2;
	p0 =	sne.s32 s21, $0x7C0;
	s21 =	sadd.s32 $0x40, s21;
	(xrf0) =	vadd.scan.msk.s32 $0xffff, v2;
	v7, _, _ =	vpop (xrf0);
	v8 =	vsub.s32 s16, v3;
	v3 =	vmov v1;
	v1 =	vmov v4  }
.Ltmp9:
0x241: {  	v4 =	vmovc v2;
	(v2sf) =	vpush v7, $0xF;
	v8 =	vadd.s32 v6, v8;
	v6 =	vmovc v5;
	v5 =	vmov v7;
	v2 =	vld [tilespmem:s22+$0x8000];
	(pc) =	sbr.rel @p0 .LBB2_18-.Ltmp9, $4  }
0x242: {  	[tilespmem:s20+$0x8200] =	vst v8;
	s20 =	smov.u32 s18;
	s18 =	smov.u32 s17;
	s17 =	smov.u32 s19  }
0x243: {  	s19 =	smov.u32 s22  }
0x244: {  	s22 =	spop (v2sf)  }
0x245: {  	s16 =	sadd.s32 s16, s22  }
0x246: {  	v7, _, _ =	vpop (xrf0)  }
0x247: {  	(v2sf) =	vpush v7, $0xF;
	_ =	sdelay $0xa  }
0x248: {  	(xrf0) =	vadd.scan.msk.s32 $0xffff, v2;
	_ =	sdelay $0x1  }
0x249: {  	s21 =	spop (v2sf)  }
0x24a: {  	v3 =	vsub.s32 s16, v3;
	s24 =	sadd.s32 s16, s21;
	s25 =	spop (v2sf)  }
0x24b: {  	v3 =	vadd.s32 v6, v3;
	v1 =	vsub.s32 s24, v1;
	s16 =	sadd.s32 s24, s25;
	s26 =	spop (v2sf)  }
0x24c: {  	[tilespmem:s20+$0x8200] =	vst v3;
	v1 =	vadd.s32 v5, v1;
	v3 =	vsub.s32 s16, v4;
	s28 =	sadd.s32 s16, s26  }
0x24d: {  	[tilespmem:s18+$0x8200] =	vst v1;
	s18 =	simm.s32 $0x0;
	v59, _, _ =	vpop (xrf0);
	v1 =	vadd.s32 v7, v3;
	v2 =	vsub.s32 s28, v2  }
0x24e: {  	s29 =	sand.u32 $0x70, s18;
	s30 =	sand.u32 $0xC00, s18;
	(v2sf) =	vpush v59, $0xF;
	[tilespmem:s17+$0x8200] =	vst v1;
	v1 =	vadd.s32 v59, v2  }
0x24f: {  	s16 =	sor.u32 s29, s30;
	[tilespmem:s19+$0x8200] =	vst v1  }
0x250: {  	s19 =	simm.s32 $0x8200;
	v2 =	vld [tilespmem:s16+$0x4180]  }
0x251: {  	v1 =	vld [tilespmem:s19+$0x0]  }
0x252: {  	v3 =	vld [tilespmem:s16+$0x4280]  }
0x253: {  	v60 =	vld [tilespmem:s16+$0x4100]  }
0x254: {  	v61 =	vld [tilespmem:s16+$0x4080]  }
0x255: {  	v62 =	vld [tilespmem:s16+$0x4000]  }
0x256: {  	v63 =	vld [tilespmem:s16+$0x4200];
	v2 =	vadd.s32 v1, v2  }
0x257: {  	v8 =	vld [tilespmem:s16+$0x4300];
	[tilespmem:s16+$0x4180] =	vst v2;
	v2 =	vadd.s32 v1, v3  }
0x258: {  	v3 =	vadd.s32 v1, v60;
	[tilespmem:s16+$0x4280] =	vst v2  }
0x259: {  	v2 =	vadd.s32 v1, v61;
	[tilespmem:s16+$0x4100] =	vst v3  }
0x25a: {  	v3 =	vadd.s32 v1, v62;
	[tilespmem:s16+$0x4080] =	vst v2  }
0x25b: {  	[tilespmem:s16+$0x4000] =	vst v3;
	v2 =	vadd.s32 v1, v63  }
0x25c: {  	s31 =	sor.u32 s18, s18;
	v3 =	vadd.s32 v1, v8;
	[tilespmem:s16+$0x4200] =	vst v2  }
0x25d: {  	s21 =	sor.u32 $0x380, s31;
	s22 =	spop (v2sf);
	[tilespmem:s16+$0x4300] =	vst v3  }
0x25e: {  	s20 =	simm.s32 $0x10;
	s17 =	sadd.s32 s28, s22;
	v2 =	vld [tilespmem:s21+$0x4000]  }
.LBB2_20:
0x25f: {  	_ =	sdelay $0x3  }
0x260: {  	p0 =	sne.s32 s20, $0x1F0;
	s18 =	sadd.s32 $0x80, s18;
	s19 =	sadd.s32 $0x10, s19;
	v2 =	vadd.s32 v1, v2  }
0x261: {  	[tilespmem:s21+$0x4000] =	vst v2;
	s21 =	smov.u32 s20;
	s20 =	sadd.s32 $0x10, s20  }
0x262: {  	v2 =	vld [tilespmem:s16+$0x5000]  }
0x263: {  	v3 =	vld [tilespmem:s16+$0x7380]  }
0x264: {  	v4 =	vld [tilespmem:s16+$0x5100]  }
0x265: {  	v5 =	vld [tilespmem:s16+$0x5180]  }
0x266: {  	v6 =	vld [tilespmem:s16+$0x5080]  }
0x267: {  	v2 =	vadd.s32 v1, v2;
	v7 =	vld [tilespmem:s16+$0x5200]  }
0x268: {  	[tilespmem:s16+$0x5000] =	vst v2;
	v2 =	vld [tilespmem:s16+$0x5280];
	v3 =	vadd.s32 v1, v3  }
0x269: {  	v4 =	vadd.s32 v1, v4;
	v8 =	vld [tilespmem:s16+$0x5300];
	[tilespmem:s16+$0x7380] =	vst v3  }
0x26a: {  	[tilespmem:s16+$0x5100] =	vst v4;
	v3 =	vadd.s32 v1, v5;
	v4 =	vld [tilespmem:s16+$0x5380]  }
0x26b: {  	v5 =	vadd.s32 v1, v6;
	[tilespmem:s16+$0x5180] =	vst v3;
	v3 =	vld [tilespmem:s16+$0x6000]  }
0x26c: {  	[tilespmem:s16+$0x5080] =	vst v5;
	v5 =	vadd.s32 v1, v7;
	v6 =	vld [tilespmem:s16+$0x6080]  }
0x26d: {  	[tilespmem:s16+$0x5200] =	vst v5;
	v2 =	vadd.s32 v1, v2;
	v5 =	vld [tilespmem:s16+$0x6100]  }
0x26e: {  	[tilespmem:s16+$0x5280] =	vst v2;
	v2 =	vadd.s32 v1, v8;
	v7 =	vld [tilespmem:s16+$0x6180]  }
0x26f: {  	[tilespmem:s16+$0x5300] =	vst v2;
	v2 =	vadd.s32 v1, v4;
	v4 =	vld [tilespmem:s16+$0x6200]  }
0x270: {  	[tilespmem:s16+$0x5380] =	vst v2;
	v2 =	vadd.s32 v1, v3;
	v3 =	vld [tilespmem:s16+$0x6280]  }
0x271: {  	[tilespmem:s16+$0x6000] =	vst v2;
	v2 =	vadd.s32 v1, v6;
	v6 =	vld [tilespmem:s16+$0x6300]  }
0x272: {  	[tilespmem:s16+$0x6080] =	vst v2;
	v2 =	vadd.s32 v1, v5;
	v5 =	vld [tilespmem:s16+$0x6380]  }
0x273: {  	[tilespmem:s16+$0x6100] =	vst v2;
	v2 =	vadd.s32 v1, v7;
	v7 =	vld [tilespmem:s16+$0x7000]  }
0x274: {  	[tilespmem:s16+$0x6180] =	vst v2;
	v2 =	vadd.s32 v1, v4;
	v4 =	vld [tilespmem:s16+$0x7080]  }
0x275: {  	[tilespmem:s16+$0x6200] =	vst v2;
	v2 =	vadd.s32 v1, v3;
	v3 =	vld [tilespmem:s16+$0x7100]  }
0x276: {  	[tilespmem:s16+$0x6280] =	vst v2;
	v2 =	vadd.s32 v1, v6;
	v6 =	vld [tilespmem:s16+$0x7180]  }
0x277: {  	[tilespmem:s16+$0x6300] =	vst v2;
	v2 =	vadd.s32 v1, v5;
	v5 =	vld [tilespmem:s16+$0x7200]  }
0x278: {  	[tilespmem:s16+$0x6380] =	vst v2;
	v2 =	vadd.s32 v1, v7;
	v7 =	vld [tilespmem:s16+$0x7280]  }
0x279: {  	[tilespmem:s16+$0x7000] =	vst v2;
	v2 =	vadd.s32 v1, v4;
	v4 =	vld [tilespmem:s16+$0x7300]  }
0x27a: {  	[tilespmem:s16+$0x7080] =	vst v2;
	v2 =	vadd.s32 v1, v3  }
0x27b: {  	[tilespmem:s16+$0x7100] =	vst v2;
	v2 =	vadd.s32 v1, v6  }
0x27c: {  	s23 =	sand.u32 $0xC00, s18;
	s22 =	sand.u32 $0x70, s21;
	[tilespmem:s16+$0x7180] =	vst v2;
	v2 =	vadd.s32 v1, v5  }
0x27d: {  	s22 =	sor.u32 s22, s23;
	[tilespmem:s16+$0x7200] =	vst v2;
	v2 =	vadd.s32 v1, v7  }
0x27e: {  	v3 =	vld [tilespmem:s22+$0x4300];
	[tilespmem:s16+$0x7280] =	vst v2;
	v1 =	vadd.s32 v1, v4  }
0x27f: {  	v2 =	vld [tilespmem:s22+$0x4180];
	[tilespmem:s16+$0x7300] =	vst v1;
	s16 =	smov.u32 s22  }
0x280: {  	v1 =	vld [tilespmem:s19+$0x0]  }
0x281: {  	v4 =	vld [tilespmem:s16+$0x4280]  }
0x282: {  	v5 =	vld [tilespmem:s16+$0x4100]  }
0x283: {  	v6 =	vld [tilespmem:s16+$0x4080]  }
0x284: {  	v7 =	vld [tilespmem:s16+$0x4000]  }
0x285: {  	v2 =	vadd.s32 v1, v2;
	v8 =	vld [tilespmem:s16+$0x4200];
	v3 =	vadd.s32 v1, v3  }
0x286: {  	[tilespmem:s16+$0x4180] =	vst v2;
	v2 =	vadd.s32 v1, v4  }
0x287: {  	v4 =	vadd.s32 v1, v5;
	[tilespmem:s16+$0x4280] =	vst v2  }
0x288: {  	v2 =	vadd.s32 v1, v6;
	[tilespmem:s16+$0x4100] =	vst v4  }
.Ltmp10:
0x289: {  	v4 =	vadd.s32 v1, v7;
	[tilespmem:s16+$0x4080] =	vst v2;
	(pc) =	sbr.rel @p0 .LBB2_20-.Ltmp10, $4  }
0x28a: {  	[tilespmem:s16+$0x4000] =	vst v4;
	v2 =	vadd.s32 v1, v8  }
0x28b: {  	s21 =	sor.u32 s18, s21;
	[tilespmem:s16+$0x4200] =	vst v2  }
0x28c: {  	s21 =	sor.u32 $0x380, s21;
	[tilespmem:s16+$0x4300] =	vst v3  }
0x28d: {  	v2 =	vld [tilespmem:s21+$0x4000]  }
0x28e: {  	_ =	sdelay $0x3  }
0x28f: {  	v2 =	vadd.s32 v1, v2  }
0x290: {  	[tilespmem:s21+$0x4000] =	vst v2  }
0x291: {  	v2 =	vld [tilespmem:s16+$0x5000]  }
0x292: {  	v3 =	vld [tilespmem:s16+$0x7380]  }
0x293: {  	v4 =	vld [tilespmem:s16+$0x5100]  }
0x294: {  	v5 =	vld [tilespmem:s16+$0x5180]  }
0x295: {  	v6 =	vld [tilespmem:s16+$0x5080]  }
0x296: {  	v7 =	vld [tilespmem:s16+$0x5200];
	v2 =	vadd.s32 v1, v2  }
0x297: {  	v3 =	vadd.s32 v1, v3;
	[tilespmem:s16+$0x5000] =	vst v2;
	v2 =	vld [tilespmem:s16+$0x5280]  }
0x298: {  	v8 =	vld [tilespmem:s16+$0x5300];
	v4 =	vadd.s32 v1, v4;
	[tilespmem:s16+$0x7380] =	vst v3  }
0x299: {  	v51 =	vld [tilespmem:s16+$0x5380];
	[tilespmem:s16+$0x5100] =	vst v4;
	v3 =	vadd.s32 v1, v5  }
0x29a: {  	v52 =	vld [tilespmem:s16+$0x6000];
	[tilespmem:s16+$0x5180] =	vst v3;
	v3 =	vadd.s32 v1, v6  }
0x29b: {  	v53 =	vld [tilespmem:s16+$0x6080];
	[tilespmem:s16+$0x5080] =	vst v3;
	v3 =	vadd.s32 v1, v7  }
0x29c: {  	[tilespmem:s16+$0x5200] =	vst v3;
	v3 =	vld [tilespmem:s16+$0x6100];
	v2 =	vadd.s32 v1, v2  }
0x29d: {  	v54 =	vld [tilespmem:s16+$0x6180];
	[tilespmem:s16+$0x5280] =	vst v2;
	v2 =	vadd.s32 v1, v8  }
0x29e: {  	v55 =	vld [tilespmem:s16+$0x6200];
	[tilespmem:s16+$0x5300] =	vst v2;
	v2 =	vadd.s32 v1, v51  }
0x29f: {  	v56 =	vld [tilespmem:s16+$0x6280];
	[tilespmem:s16+$0x5380] =	vst v2;
	v2 =	vadd.s32 v1, v52  }
0x2a0: {  	v57 =	vld [tilespmem:s16+$0x6300];
	[tilespmem:s16+$0x6000] =	vst v2;
	v2 =	vadd.s32 v1, v53  }
0x2a1: {  	[tilespmem:s16+$0x6080] =	vst v2;
	v2 =	vadd.s32 v1, v3;
	v3 =	vld [tilespmem:s16+$0x6380]  }
0x2a2: {  	v58 =	vld [tilespmem:s16+$0x7000];
	[tilespmem:s16+$0x6100] =	vst v2;
	v2 =	vadd.s32 v1, v54  }
0x2a3: {  	v59 =	vld [tilespmem:s16+$0x7080];
	[tilespmem:s16+$0x6180] =	vst v2;
	v2 =	vadd.s32 v1, v55  }
0x2a4: {  	v60 =	vld [tilespmem:s16+$0x7100];
	[tilespmem:s16+$0x6200] =	vst v2;
	v2 =	vadd.s32 v1, v56  }
0x2a5: {  	v61 =	vld [tilespmem:s16+$0x7180];
	[tilespmem:s16+$0x6280] =	vst v2;
	v2 =	vadd.s32 v1, v57  }
0x2a6: {  	[tilespmem:s16+$0x6300] =	vst v2;
	v2 =	vadd.s32 v1, v3;
	v3 =	vld [tilespmem:s16+$0x7200]  }
0x2a7: {  	v62 =	vld [tilespmem:s16+$0x7280];
	[tilespmem:s16+$0x6380] =	vst v2;
	v2 =	vadd.s32 v1, v58  }
0x2a8: {  	v63 =	vld [tilespmem:s16+$0x7300];
	[tilespmem:s16+$0x7000] =	vst v2;
	v2 =	vadd.s32 v1, v59  }
0x2a9: {  	[tilespmem:s16+$0x7080] =	vst v2;
	v2 =	vadd.s32 v1, v60  }
0x2aa: {  	[tilespmem:s16+$0x7100] =	vst v2;
	v2 =	vadd.s32 v1, v61  }
0x2ab: {  	[tilespmem:s16+$0x7180] =	vst v2;
	v2 =	vadd.s32 v1, v3  }
0x2ac: {  	[tilespmem:s16+$0x7200] =	vst v2;
	v2 =	vadd.s32 v1, v62  }
0x2ad: {  	v1 =	vadd.s32 v1, v63;
	[tilespmem:s16+$0x7280] =	vst v2  }
0x2ae: {  	[tilespmem:s16+$0x7300] =	vst v1;
	v1 =	vmov s17  }
0x2af: {  	[tilespmem:$0x8400] =	vst v1  }
0x2b0: {  	[tilespmem:$0x8410] =	vst v1  }
0x2b1: {  	[tilespmem:$0x8420] =	vst v1  }
0x2b2: {  	[tilespmem:$0x8430] =	vst v1  }
0x2b3: {  	[tilespmem:$0x8440] =	vst v1  }
0x2b4: {  	[tilespmem:$0x8450] =	vst v1  }
0x2b5: {  	[tilespmem:$0x8460] =	vst v1  }
0x2b6: {  	[tilespmem:$0x8470] =	vst v1  }
0x2b7: {  	[hbm4b:s7+s10] =	stream.strided.scatter [tilespmem:s13], [sflag:$0x1], $0x4000, s11, s10, $0x38;
	[tilespmem:$0x8480] =	vst v63  }
0x2b8: {  	_ =	swait.ge [sflag:s12], $0x4000  }
0x2b9: {  	s15 =	sadd.s32 $0x1, s15;
	[sflag:s12] =	ssyncset.done $0x0  }
0x2ba: {  	p0 =	sne.s32 s15, s9;
	[sflag:s12] =	ssyncadd.s32 $0xFFFFC000  }
0x2bb: {  	[hbm4b:s8+s2] =	stream.linear.scatter [tilespmem:s14], [sflag:$0x1], $0x80, $0x38;
	[tilespmem:$0x8480] =	vst v63  }
.Ltmp11:
0x2bc: {  	_ = 	snop;
	(pc) =	sbr.rel @p0 .LBB2_1-.Ltmp11, $4  }
.Ltmp12:
0x2bd: {  	_ = 	snop;
	(pc) =	sbr.rel @!p0 .LBB2_22-.Ltmp12, $4  }
0x2be: {  	_ =	swait.ge [sflag:s12], $0x80  }
0x2bf: {  	[sflag:s12] =	ssyncset.done $0x0  }
0x2c0: {  	[sflag:s12] =	ssyncadd.s32 $0xFFFFFF80  }
0x2c1: {  	_ = 	snop  }
.LBB2_4:
.Ltmp13:
0x2c2: {  	_ = 	snop;
	(pc) =	sbr.rel .LBB2_13-.Ltmp13, $2  }
0x2c3: {  	_ =	sdelay $0x2  }
0x2c4: {  	s19 =	simm.s32 $0x0;
	s17 =	simm.s32 $0x0;
	v1 =	vmov v2  }
.LBB2_6:
.Ltmp14:
0x2c5: {  	(pc) =	sbr.rel .LBB2_13-.Ltmp14, $2  }
0x2c6: {  	_ =	sdelay $0x2  }
0x2c7: {  	v1 =	vmov v3;
	v3 =	vmov v2;
	s19 =	simm.s32 $0x0;
	s21 =	simm.s32 $0x0  }
.LBB2_8:
.Ltmp15:
0x2c8: {  	(pc) =	sbr.rel .LBB2_13-.Ltmp15, $3  }
0x2c9: {  	_ =	sdelay $0x1  }
0x2ca: {  	s19 =	simm.s32 $0x0  }
0x2cb: {  	v1 =	vmov v9;
	v8 =	vmov v2;
	v5 =	vmov v4;
	s22 =	simm.s32 $0x0;
	s21 =	simm.s32 $0x10;
	s17 =	simm.s32 $0x20  }
.LBB2_10:
.Ltmp16:
0x2cc: {  	(pc) =	sbr.rel .LBB2_13-.Ltmp16, $3  }
0x2cd: {  	_ =	sdelay $0x1  }
0x2ce: {  	s19 =	simm.s32 $0x0  }
0x2cf: {  	v8 =	vmovc v3;
	v6 =	vmov v2;
	v3 =	vmov v9;
	v7 =	vmov v4;
	s20 =	simm.s32 $0x0;
	s22 =	simm.s32 $0x10;
	s17 =	simm.s32 $0x30  }
.LBB2_22:
0x2d0: {  	_ =	sfence.sel $0x180000  }
0x2d1: {  	[bflag:$0x0] =	sbarrier.arrive $0xFFFF  }
0x2d2: {  	p0 =	sne.s32 s0, $0x0;
	_ =	strace $0x9000004A  }
0x2d3: {  	s0 =	sadd.s32 @!p0 $0x100000, s1;
	[bflag:$0x2] =	sbarrier.arrive $0xFFFF  }
0x2d4: {  	[sflag:s0] =	ssyncadd.tile.s32 @!p0 $0x1;
	_ =	shalt  }
.Lfunc_end2:
_tile_overlayer_lowered:
.L_overlay_start_2:
0x2d5: {  	(tag) =	ssettag $0x2  }
0x2d6: {  	s0 =	rddreg [dreg:$0x0];
	s2 =	stileid.u32  }
0x2d7: {  	s1 =	rddreg [dreg:$0x1];
	p0 =	sne.s32 s2, $0x0  }
0x2d8: {  	s3 =	rddreg [dreg:$0x2];
	[bflag:$0x3] =	sbarrier.arrive $0xFFFF;
	s2 =	simm.s32 @!p0 $0x1C01  }
0x2d9: {  	[timem:s3], [sflag:s2] =	dma.local @!p0 [hbm:s0], s1  }
0x2da: {  	s0 =	simm.s32 @!p0 $0x1  }
0x2db: {  	_ =	swait.ge @!p0 [sflag:s0], s1  }
0x2dc: {  	s1 =	ssub.s32 @!p0 $0x0, s1;
	[sflag:s0] =	ssyncset.done @!p0 $0x0  }
0x2dd: {  	[sflag:s0] =	ssyncadd.s32 @!p0 s1  }
0x2de: {  	[bflag:$0x3] =	sbarrier.arrive $0xFFFF  }
0x2df: {  	_ =	shalt  }

</sc_bundles>
